<compile_context>
chip_gen: v7x
topology: tpu7x:2x2x1
jax: 0.10.2.dev20260603
libtpu: 0.0.44.dev20260713+nightly
codegen_flags: <defaults>
</compile_context>

<pallas_src>
import functools

import jax
import jax.numpy as jnp
from jax import lax
from jax.experimental import pallas as pl
from jax.experimental.pallas import tpu as pltpu
from jax.experimental.pallas import tpu_sc as plsc

N = 10000
E = 160000
D = 256
DH = 128
NG = 16
NCORE = 2
NSUB = 16
CH = 192
EPC = 163840
NP = 2 * N + 16
NA = N + 16
R_SMALL = 624
R_LAST = N - (NSUB - 1) * R_SMALL

@functools.lru_cache(maxsize=None)
def _mesh():
    return plsc.VectorSubcoreMesh(
        core_axis_name="c", subcore_axis_name="s",
        num_cores=NCORE, num_subcores=NSUB)


def _sc_agg_body(u_hbm, src_hbm, dst_hbm, y_hbm,
                 srcv, dstv, rows, srcv2, dstv2, rows2, acc_sh, sem_a, sem_b):
    c = lax.axis_index("c")
    s = lax.axis_index("s")
    r0 = s * R_SMALL

    def _init(nrows):
        pltpu.sync_copy(u_hbm.at[pl.ds(c * N + r0, nrows)],
                        acc_sh.at[pl.ds(r0, nrows)])

    @pl.when(s < NSUB - 1)
    def _():
        _init(R_SMALL)

    @pl.when(s == NSUB - 1)
    def _():
        _init(R_LAST)

    plsc.subcore_barrier()
    nchunk = (E + CH - 1) // CH

    def _issue(g, sv, dv, rw, sem):
        @pl.when(g * NSUB + s < nchunk)
        def _():
            off = pl.multiple_of((g * NSUB + s) * CH, CH)
            pltpu.sync_copy(src_hbm.at[pl.ds(c * EPC + off, CH)], sv)
            pltpu.sync_copy(dst_hbm.at[pl.ds(off, CH)], dv)
            pltpu.async_copy(u_hbm.at[sv], rw, sem)

    def _drain(g, dv, rw, sem):
        @pl.when(g * NSUB + s < nchunk)
        def _():
            pltpu.make_async_copy(u_hbm.at[dv], rw, sem).wait()
            pltpu.sync_copy(rw, acc_sh.at[dv], add=True)

    ngrp = (nchunk + NSUB - 1) // NSUB
    _issue(0, srcv, dstv, rows, sem_a)

    def pipe_step(j, carry):
        ga, gb = 2 * j, 2 * j + 1
        _issue(gb, srcv2, dstv2, rows2, sem_b)
        _drain(ga, dstv, rows, sem_a)
        _issue(gb + 1, srcv, dstv, rows, sem_a)
        _drain(gb, dstv2, rows2, sem_b)
        return carry

    lax.fori_loop(0, (ngrp + 1) // 2, pipe_step, 0)
    plsc.subcore_barrier()

    def _wb(nrows):
        pltpu.sync_copy(acc_sh.at[pl.ds(r0, nrows)],
                        y_hbm.at[pl.ds(c * N + r0, nrows)])

    @pl.when(s < NSUB - 1)
    def _():
        _wb(R_SMALL)

    @pl.when(s == NSUB - 1)
    def _():
        _wb(R_LAST)


@functools.lru_cache(maxsize=None)
def _sc_agg():
    return pl.kernel(
        _sc_agg_body,
        out_type=jax.ShapeDtypeStruct((NCORE * N, DH), jnp.float32),
        mesh=_mesh(),
        scratch_types=[
            pltpu.VMEM((CH,), jnp.int32),
            pltpu.VMEM((CH,), jnp.int32),
            pltpu.VMEM((CH, DH), jnp.float32),
            pltpu.VMEM((CH,), jnp.int32),
            pltpu.VMEM((CH,), jnp.int32),
            pltpu.VMEM((CH, DH), jnp.float32),
            pltpu.VMEM_SHARED((NA, DH), jnp.float32),
            pltpu.SemaphoreType.DMA,
            pltpu.SemaphoreType.DMA,
        ],
    )


def _sc_deg_body(dst_hbm, ones_hbm, zeros_hbm, y_hbm, dstv, ones_v, acc_sh):
    c = lax.axis_index("c")
    s = lax.axis_index("s")
    r0 = s * R_SMALL

    def _init(nrows):
        pltpu.sync_copy(zeros_hbm.at[pl.ds(0, nrows)],
                        acc_sh.at[pl.ds(r0, nrows)])

    @pl.when(s < NSUB - 1)
    def _():
        _init(R_SMALL)

    @pl.when(s == NSUB - 1)
    def _():
        _init(R_LAST)

    pltpu.sync_copy(ones_hbm, ones_v)
    plsc.subcore_barrier()
    nchunk = (E + CH - 1) // CH
    nhalf = (nchunk + 1) // 2

    def chunk_step(j, carry):
        rel = j * NSUB + s
        chunk = c * nhalf + rel

        @pl.when((rel < nhalf) & (chunk < nchunk))
        def _():
            off = pl.multiple_of(chunk * CH, CH)
            pltpu.sync_copy(dst_hbm.at[pl.ds(off, CH)], dstv)
            pltpu.sync_copy(ones_v, acc_sh.at[dstv], add=True)
        return carry

    lax.fori_loop(0, (nhalf + NSUB - 1) // NSUB, chunk_step, 0)
    plsc.subcore_barrier()

    def _wb(nrows):
        pltpu.sync_copy(acc_sh.at[pl.ds(r0, nrows)],
                        y_hbm.at[pl.ds(c * N + r0, nrows)])

    @pl.when(s < NSUB - 1)
    def _():
        _wb(R_SMALL)

    @pl.when(s == NSUB - 1)
    def _():
        _wb(R_LAST)


@functools.lru_cache(maxsize=None)
def _sc_deg():
    return pl.kernel(
        _sc_deg_body,
        out_type=jax.ShapeDtypeStruct((NCORE * N, DH), jnp.float32),
        mesh=_mesh(),
        scratch_types=[
            pltpu.VMEM((CH,), jnp.int32),
            pltpu.VMEM((CH, DH), jnp.float32),
            pltpu.VMEM_SHARED((NA, DH), jnp.float32),
        ],
    )


def _split_halves(u_ref, u):
    u_ref[0:N, :] = u[:, 0:DH]
    u_ref[N:2 * N, :] = u[:, DH:D]
    u_ref[2 * N:NP, :] = jnp.zeros((NP - 2 * N, DH), jnp.float32)


def _tc_enc_body(x_ref, w_ref, degp_ref, u_ref, dis_ref):
    deg = degp_ref[0:N, 0:1] + degp_ref[N:2 * N, 0:1] + 1.0
    dis = lax.rsqrt(deg)
    dis_ref[...] = dis
    h = jnp.dot(x_ref[...], w_ref[...], preferred_element_type=jnp.float32)
    _split_halves(u_ref, h * dis)


_tc_enc = pl.pallas_call(
    _tc_enc_body,
    out_shape=[jax.ShapeDtypeStruct((NP, DH), jnp.float32),
               jax.ShapeDtypeStruct((N, 1), jnp.float32)],
)


def _tc_mid_body(has_bn, y_ref, dis_ref, b_ref, w_ref, g_ref, be_ref, u_ref):
    dis = dis_ref[...]
    h = jnp.concatenate([y_ref[0:N, :], y_ref[N:2 * N, :]], axis=1)
    h = h * dis + b_ref[...]
    if has_bn:
        m = jnp.mean(h, axis=0, keepdims=True)
        v = jnp.mean((h - m) ** 2, axis=0, keepdims=True)
        h = (h - m) * lax.rsqrt(v + 1e-5) * g_ref[...] + be_ref[...]
        h = jnp.maximum(h, 0.0)
    h2 = jnp.dot(h, w_ref[...], preferred_element_type=jnp.float32)
    _split_halves(u_ref, h2 * dis)


_tc_mid_bn = pl.pallas_call(
    functools.partial(_tc_mid_body, True),
    out_shape=jax.ShapeDtypeStruct((NP, DH), jnp.float32),
)
_tc_mid_plain = pl.pallas_call(
    functools.partial(_tc_mid_body, False),
    out_shape=jax.ShapeDtypeStruct((NP, DH), jnp.float32),
)


def _tc_fin_body(y_ref, dis_ref, b_ref, batch_ref, wc_ref, bc_ref, out_ref):
    dis = dis_ref[...]
    h = jnp.concatenate([y_ref[0:N, :], y_ref[N:2 * N, :]], axis=1)
    h = h * dis + b_ref[...]
    onehot = (batch_ref[...] == lax.broadcasted_iota(jnp.int32, (N, NG), 1)
              ).astype(jnp.float32)
    ssum = lax.dot_general(onehot, h, (((0,), (0,)), ((), ())),
                           preferred_element_type=jnp.float32)
    cnt = jnp.sum(onehot, axis=0, keepdims=True)
    pooled = ssum / jnp.maximum(cnt.T, 1.0)
    out_ref[...] = jnp.dot(pooled, wc_ref[...],
                           preferred_element_type=jnp.float32) + bc_ref[...]


_tc_fin = pl.pallas_call(
    _tc_fin_body,
    out_shape=jax.ShapeDtypeStruct((NG, 64), jnp.float32),
)


def kernel(x, edge_index, batch, edge_attr, W_enc, b_enc, W_convs, b_convs,
           gamma, beta, W_clf, b_clf):
    src = edge_index[0].astype(jnp.int32)
    dst = edge_index[1].astype(jnp.int32)
    npad = EPC - E
    pad_src = jnp.full((npad,), 2 * N, jnp.int32)
    pad_dst = jnp.full((npad,), N, jnp.int32)
    src2 = jnp.concatenate([src, pad_src, src + N, pad_src])
    dst2 = jnp.concatenate([dst, pad_dst])

    sc_agg, sc_deg = _sc_agg(), _sc_deg()
    degp = sc_deg(dst2, jnp.ones((CH, DH), jnp.float32),
                  jnp.zeros((R_LAST, DH), jnp.float32))
    u, dis = _tc_enc(x, W_enc, degp)

    y = sc_agg(u, src2, dst2)
    u = _tc_mid_plain(y, dis, b_enc.reshape(1, D), W_convs[0],
                      gamma[0].reshape(1, D), beta[0].reshape(1, D))
    y = sc_agg(u, src2, dst2)
    u = _tc_mid_bn(y, dis, b_convs[0].reshape(1, D), W_convs[2],
                   gamma[0].reshape(1, D), beta[0].reshape(1, D))
    y = sc_agg(u, src2, dst2)
    u = _tc_mid_plain(y, dis, b_convs[2].reshape(1, D), W_convs[1],
                      gamma[0].reshape(1, D), beta[0].reshape(1, D))
    y = sc_agg(u, src2, dst2)
    u = _tc_mid_bn(y, dis, b_convs[1].reshape(1, D), W_convs[2],
                   gamma[1].reshape(1, D), beta[1].reshape(1, D))
    y = sc_agg(u, src2, dst2)
    out = _tc_fin(y, dis, b_convs[2].reshape(1, D),
                  batch.astype(jnp.int32).reshape(N, 1), W_clf,
                  b_clf.reshape(1, 64))
    return out

# --- scband reference (transcript-rebuilt; emitter-appended) ---
"""Pipeline reference for scband-gcn-62972810494184 (READ-ONLY COPY).

The authoritative reference and input builder live on the scoring server;
editing this copy changes nothing except your own understanding.
"""

import jax, jax.numpy as jnp
import numpy as np

N = 10000
E = 160000
D_IN = 256
D_H = 256
D_OUT = 64
NUM_LAYERS = 3
NUM_GRAPHS = 16


def setup_inputs(seed: int = 0) -> dict:
    key = jax.random.key(seed)
    ks = jax.random.split(key, 14)
    x = jax.random.normal(ks[0], (N, D_IN), dtype=jnp.float32)
    edge_index = jax.random.randint(ks[1], (2, E), 0, N)
    batch = jnp.sort(jax.random.randint(ks[2], (N,), 0, NUM_GRAPHS))
    edge_attr = jax.random.normal(ks[3], (E, 4), dtype=jnp.float32)
    W_enc = jax.random.normal(ks[4], (D_IN, D_H), dtype=jnp.float32) / np.sqrt(D_IN)
    b_enc = jnp.zeros((D_H,), dtype=jnp.float32)
    W_convs = jax.random.normal(ks[5], (NUM_LAYERS, D_H, D_H), dtype=jnp.float32) / np.sqrt(D_H)
    b_convs = jnp.zeros((NUM_LAYERS, D_H), dtype=jnp.float32)
    gamma = jnp.ones((NUM_LAYERS - 1, D_H), dtype=jnp.float32)
    beta = jnp.zeros((NUM_LAYERS - 1, D_H), dtype=jnp.float32)
    W_clf = jax.random.normal(ks[6], (D_H, D_OUT), dtype=jnp.float32) / np.sqrt(D_H)
    b_clf = jnp.zeros((D_OUT,), dtype=jnp.float32)
    return {"x": x, "edge_index": edge_index, "batch": batch, "edge_attr": edge_attr,
            "W_enc": W_enc, "b_enc": b_enc, "W_convs": W_convs, "b_convs": b_convs,
            "gamma": gamma, "beta": beta, "W_clf": W_clf, "b_clf": b_clf}


def _gcn_conv(h, src, dst, W, b):
    # GCNConv: linear transform, then symmetric-normalized aggregation with self-loops
    n = h.shape[0]
    h = h @ W
    loop = jnp.arange(n)
    s = jnp.concatenate([src, loop])
    d = jnp.concatenate([dst, loop])
    deg = jnp.zeros((n,), dtype=h.dtype).at[d].add(1.0)
    dis = jnp.where(deg > 0, 1.0 / jnp.sqrt(deg), 0.0)
    norm = dis[s] * dis[d]
    msg = h[s] * norm[:, None]
    out = jnp.zeros_like(h).at[d].add(msg)
    return out + b


def _batch_norm(h, g, b):
    m = jnp.mean(h, axis=0)
    v = jnp.var(h, axis=0)
    return (h - m) / jnp.sqrt(v + 1e-5) * g + b


def reference(x, edge_index, batch, edge_attr, W_enc, b_enc, W_convs, b_convs, gamma, beta, W_clf, b_clf):
    src, dst = edge_index[0], edge_index[1]
    h = _gcn_conv(x, src, dst, W_enc, b_enc)
    for i in range(NUM_LAYERS - 1):
        h = _gcn_conv(h, src, dst, W_convs[i], b_convs[i])
        h = _batch_norm(h, gamma[i], beta[i])
        h = jax.nn.relu(h)
        # dropout treated as identity (deterministic eval reference)
        h = _gcn_conv(h, src, dst, W_convs[NUM_LAYERS - 1], b_convs[NUM_LAYERS - 1])
    ssum = jax.ops.segment_sum(h, batch, num_segments=NUM_GRAPHS)
    cnt = jax.ops.segment_sum(jnp.ones((h.shape[0],), dtype=h.dtype), batch, num_segments=NUM_GRAPHS)
    pooled = ssum / jnp.maximum(cnt, 1.0)[:, None]
    return pooled @ W_clf + b_clf

if __name__ == "__main__":
    import jax
    _d = setup_inputs()
    print(jax.jit(kernel)(*tuple(_d.values())))

</pallas_src>

<mosaic_0001>
#map = affine_map<(d0, d1) -> (0, 0)>
#map1 = affine_map<(d0, d1) -> (0)>
module attributes {stable_mosaic.version = 14 : i64} {
  func.func @_sc_agg_body(%arg0: i32, %arg1: i32, %arg2: memref<20016x128xf32, #tpu.memory_space<hbm>>, %arg3: memref<327680xi32, #tpu.memory_space<hbm>>, %arg4: memref<163840xi32, #tpu.memory_space<hbm>>, %arg5: memref<20000x128xf32, #tpu.memory_space<hbm>>, %arg6: memref<192xi32, #tpu.memory_space<vmem>>, %arg7: memref<192xi32, #tpu.memory_space<vmem>>, %arg8: memref<192x128xf32, #tpu.memory_space<vmem>>, %arg9: memref<192xi32, #tpu.memory_space<vmem>>, %arg10: memref<192xi32, #tpu.memory_space<vmem>>, %arg11: memref<192x128xf32, #tpu.memory_space<vmem>>, %arg12: memref<10016x128xf32, #tpu.memory_space<vmem_shared>>, %arg13: memref<!tpu.dma_semaphore, #tpu.memory_space<semaphore_mem>>, %arg14: memref<!tpu.dma_semaphore, #tpu.memory_space<semaphore_mem>>) attributes {dimension_semantics = [#tpu.dimension_semantics<core_parallel>, #tpu.dimension_semantics<subcore_parallel>], iteration_bounds = array<i64: 2, 16>, scalar_prefetch = 0 : i64, scratch_operands = 9 : i64, tpu.core_type = #tpu.core_type<sc_vector_subcore>, window_params = [{transform_indices = #map}, {transform_indices = #map1}, {transform_indices = #map1}, {transform_indices = #map}]} {
    %mul3A = arith.constant 624 : i32
    %mul3A_0 = arith.muli %arg1, %mul3A : i32
    %lt3A = arith.constant 15 : i32
    %lt3A_1 = arith.cmpi slt, %arg1, %lt3A : i32
    %convert_element_type3A = arith.extui %lt3A_1 : i1 to i32
    %cond3A = arith.constant 0 : i32
    %cond3A_2 = arith.cmpi ne, %convert_element_type3A, %cond3A : i32
    scf.if %cond3A_2 {
      %mul3A_29 = arith.constant 10000 : i32
      %mul3A_30 = arith.muli %arg0, %mul3A_29 : i32
      %add3A_31 = arith.addi %mul3A_30, %mul3A_0 : i32
      "tpu.region"() ({
        %run_scoped3A = tpu.sem_alloc : memref<!tpu.dma_semaphore, #tpu.memory_space<semaphore_mem>>
        %dma_start3A = arith.constant 0 : i32
        %dma_start3A_32 = tpu.memref_slice %arg12[%mul3A_0, %dma_start3A] : memref<10016x128xf32, #tpu.memory_space<vmem_shared>> -> memref<624x128xf32, #tpu.memory_space<vmem_shared>>
        %dma_start3A_33 = arith.constant 0 : i32
        %dma_start3A_34 = tpu.memref_slice %arg2[%add3A_31, %dma_start3A_33] : memref<20016x128xf32, #tpu.memory_space<hbm>> -> memref<624x128xf32, #tpu.memory_space<hbm>>
        tpu.enqueue_dma source(%dma_start3A_34 : memref<624x128xf32, #tpu.memory_space<hbm>>) target(%dma_start3A_32 : memref<624x128xf32, #tpu.memory_space<vmem_shared>>) target_semaphore(%run_scoped3A : memref<!tpu.dma_semaphore, #tpu.memory_space<semaphore_mem>>)
        %dma_wait3A = arith.constant 0 : i32
        %dma_wait3A_35 = tpu.memref_slice %arg12[%mul3A_0, %dma_wait3A] : memref<10016x128xf32, #tpu.memory_space<vmem_shared>> -> memref<624x128xf32, #tpu.memory_space<vmem_shared>>
        %dma_wait3A_36 = arith.constant 0 : i32
        %dma_wait3A_37 = tpu.memref_slice %arg2[%add3A_31, %dma_wait3A_36] : memref<20016x128xf32, #tpu.memory_space<hbm>> -> memref<624x128xf32, #tpu.memory_space<hbm>>
        tpu.wait_dma2 semaphore(%run_scoped3A : memref<!tpu.dma_semaphore, #tpu.memory_space<semaphore_mem>>) src(%dma_wait3A_37 : memref<624x128xf32, #tpu.memory_space<hbm>>) dst(%dma_wait3A_35 : memref<624x128xf32, #tpu.memory_space<vmem_shared>>)
        tpu.yield
      }) : () -> ()
    } else {
    }
    %eq3A = arith.constant 15 : i32
    %eq3A_3 = arith.cmpi eq, %arg1, %eq3A : i32
    %convert_element_type3A_4 = arith.extui %eq3A_3 : i1 to i32
    %cond3A_5 = arith.constant 0 : i32
    %cond3A_6 = arith.cmpi ne, %convert_element_type3A_4, %cond3A_5 : i32
    scf.if %cond3A_6 {
      %mul3A_29 = arith.constant 10000 : i32
      %mul3A_30 = arith.muli %arg0, %mul3A_29 : i32
      %add3A_31 = arith.addi %mul3A_30, %mul3A_0 : i32
      "tpu.region"() ({
        %run_scoped3A = tpu.sem_alloc : memref<!tpu.dma_semaphore, #tpu.memory_space<semaphore_mem>>
        %dma_start3A = arith.constant 0 : i32
        %dma_start3A_32 = tpu.memref_slice %arg12[%mul3A_0, %dma_start3A] : memref<10016x128xf32, #tpu.memory_space<vmem_shared>> -> memref<640x128xf32, #tpu.memory_space<vmem_shared>>
        %dma_start3A_33 = arith.constant 0 : i32
        %dma_start3A_34 = tpu.memref_slice %arg2[%add3A_31, %dma_start3A_33] : memref<20016x128xf32, #tpu.memory_space<hbm>> -> memref<640x128xf32, #tpu.memory_space<hbm>>
        tpu.enqueue_dma source(%dma_start3A_34 : memref<640x128xf32, #tpu.memory_space<hbm>>) target(%dma_start3A_32 : memref<640x128xf32, #tpu.memory_space<vmem_shared>>) target_semaphore(%run_scoped3A : memref<!tpu.dma_semaphore, #tpu.memory_space<semaphore_mem>>)
        %dma_wait3A = arith.constant 0 : i32
        %dma_wait3A_35 = tpu.memref_slice %arg12[%mul3A_0, %dma_wait3A] : memref<10016x128xf32, #tpu.memory_space<vmem_shared>> -> memref<640x128xf32, #tpu.memory_space<vmem_shared>>
        %dma_wait3A_36 = arith.constant 0 : i32
        %dma_wait3A_37 = tpu.memref_slice %arg2[%add3A_31, %dma_wait3A_36] : memref<20016x128xf32, #tpu.memory_space<hbm>> -> memref<640x128xf32, #tpu.memory_space<hbm>>
        tpu.wait_dma2 semaphore(%run_scoped3A : memref<!tpu.dma_semaphore, #tpu.memory_space<semaphore_mem>>) src(%dma_wait3A_37 : memref<640x128xf32, #tpu.memory_space<hbm>>) dst(%dma_wait3A_35 : memref<640x128xf32, #tpu.memory_space<vmem_shared>>)
        tpu.yield
      }) : () -> ()
    } else {
    }
    %barrier3A = arith.constant 0 : index
    tpu.barrier barrier_id(%barrier3A)
    %add3A = arith.constant 0 : i32
    %add3A_7 = arith.addi %add3A, %arg1 : i32
    %lt3A_8 = arith.constant 834 : i32
    %lt3A_9 = arith.cmpi slt, %add3A_7, %lt3A_8 : i32
    %convert_element_type3A_10 = arith.extui %lt3A_9 : i1 to i32
    %cond3A_11 = arith.constant 0 : i32
    %cond3A_12 = arith.cmpi ne, %convert_element_type3A_10, %cond3A_11 : i32
    scf.if %cond3A_12 {
      %add3A_29 = arith.constant 0 : i32
      %add3A_30 = arith.addi %add3A_29, %arg1 : i32
      %mul3A_31 = arith.constant 192 : i32
      %mul3A_32 = arith.muli %add3A_30, %mul3A_31 : i32
      %multiple_of3A = tpu.assume_multiple %mul3A_32, 192 : i32
      %mul3A_33 = arith.constant 163840 : i32
      %mul3A_34 = arith.muli %arg0, %mul3A_33 : i32
      %add3A_35 = arith.addi %mul3A_34, %multiple_of3A : i32
      "tpu.region"() ({
        %run_scoped3A = tpu.sem_alloc : memref<!tpu.dma_semaphore, #tpu.memory_space<semaphore_mem>>
        %dma_start3A_38 = tpu.memref_slice %arg3[%add3A_35] : memref<327680xi32, #tpu.memory_space<hbm>> -> memref<192xi32, #tpu.memory_space<hbm>>
        %dma_start3A_39 = tpu.memref_slice %arg3[%add3A_35] : memref<327680xi32, #tpu.memory_space<hbm>> -> memref<192xi32, #tpu.memory_space<hbm>>
        tpu.enqueue_dma source(%dma_start3A_39 : memref<192xi32, #tpu.memory_space<hbm>>) target(%arg6 : memref<192xi32, #tpu.memory_space<vmem>>) target_semaphore(%run_scoped3A : memref<!tpu.dma_semaphore, #tpu.memory_space<semaphore_mem>>)
        %dma_wait3A = tpu.memref_slice %arg3[%add3A_35] : memref<327680xi32, #tpu.memory_space<hbm>> -> memref<192xi32, #tpu.memory_space<hbm>>
        %dma_wait3A_40 = tpu.memref_slice %arg3[%add3A_35] : memref<327680xi32, #tpu.memory_space<hbm>> -> memref<192xi32, #tpu.memory_space<hbm>>
        tpu.wait_dma2 semaphore(%run_scoped3A : memref<!tpu.dma_semaphore, #tpu.memory_space<semaphore_mem>>) src(%dma_wait3A_40 : memref<192xi32, #tpu.memory_space<hbm>>) dst(%arg6 : memref<192xi32, #tpu.memory_space<vmem>>)
        tpu.yield
      }) : () -> ()
      "tpu.region"() ({
        %run_scoped3A = tpu.sem_alloc : memref<!tpu.dma_semaphore, #tpu.memory_space<semaphore_mem>>
        %dma_start3A_38 = tpu.memref_slice %arg4[%multiple_of3A] : memref<163840xi32, #tpu.memory_space<hbm>> -> memref<192xi32, #tpu.memory_space<hbm>>
        %dma_start3A_39 = tpu.memref_slice %arg4[%multiple_of3A] : memref<163840xi32, #tpu.memory_space<hbm>> -> memref<192xi32, #tpu.memory_space<hbm>>
        tpu.enqueue_dma source(%dma_start3A_39 : memref<192xi32, #tpu.memory_space<hbm>>) target(%arg7 : memref<192xi32, #tpu.memory_space<vmem>>) target_semaphore(%run_scoped3A : memref<!tpu.dma_semaphore, #tpu.memory_space<semaphore_mem>>)
        %dma_wait3A = tpu.memref_slice %arg4[%multiple_of3A] : memref<163840xi32, #tpu.memory_space<hbm>> -> memref<192xi32, #tpu.memory_space<hbm>>
        %dma_wait3A_40 = tpu.memref_slice %arg4[%multiple_of3A] : memref<163840xi32, #tpu.memory_space<hbm>> -> memref<192xi32, #tpu.memory_space<hbm>>
        tpu.wait_dma2 semaphore(%run_scoped3A : memref<!tpu.dma_semaphore, #tpu.memory_space<semaphore_mem>>) src(%dma_wait3A_40 : memref<192xi32, #tpu.memory_space<hbm>>) dst(%arg7 : memref<192xi32, #tpu.memory_space<vmem>>)
        tpu.yield
      }) : () -> ()
      %dma_start3A = arith.constant 0 : i32
      %dma_start3A_36 = arith.constant 0 : i32
      %dma_start3A_37 = tpu.memref_slice %arg2[%dma_start3A, %dma_start3A_36] : memref<20016x128xf32, #tpu.memory_space<hbm>> -> memref<20016x128xf32, #tpu.memory_space<hbm>>
      tpu.enqueue_indirect_dma source(%dma_start3A_37 : memref<20016x128xf32, #tpu.memory_space<hbm>>) target(%arg8 : memref<192x128xf32, #tpu.memory_space<vmem>>) offsets(%arg6 : memref<192xi32, #tpu.memory_space<vmem>>) semaphore(%arg13 : memref<!tpu.dma_semaphore, #tpu.memory_space<semaphore_mem>>)
    } else {
    }
    %scan3A = arith.constant 0 : i32
    %scan3A_13 = arith.constant 0 : i32
    %scan3A_14 = arith.constant 27 : i32
    %scan3A_15 = arith.addi %scan3A_13, %scan3A_14 : i32
    %scan3A_16 = arith.constant 1 : i32
    scf.for %scan3A_29 = %scan3A_13 to %scan3A_15 step %scan3A_16  : i32 {
      %mul3A_30 = arith.constant 2 : i32
      %mul3A_31 = arith.muli %mul3A_30, %scan3A_29 : i32
      %mul3A_32 = arith.constant 2 : i32
      %mul3A_33 = arith.muli %mul3A_32, %scan3A_29 : i32
      %add3A_34 = arith.constant 1 : i32
      %add3A_35 = arith.addi %mul3A_33, %add3A_34 : i32
      %mul3A_36 = arith.constant 16 : i32
      %mul3A_37 = arith.muli %add3A_35, %mul3A_36 : i32
      %add3A_38 = arith.addi %mul3A_37, %arg1 : i32
      %lt3A_39 = arith.constant 834 : i32
      %lt3A_40 = arith.cmpi slt, %add3A_38, %lt3A_39 : i32
      %convert_element_type3A_41 = arith.extui %lt3A_40 : i1 to i32
      %cond3A_42 = arith.constant 0 : i32
      %cond3A_43 = arith.cmpi ne, %convert_element_type3A_41, %cond3A_42 : i32
      scf.if %cond3A_43 {
        %mul3A_70 = arith.constant 16 : i32
        %mul3A_71 = arith.muli %add3A_35, %mul3A_70 : i32
        %add3A_72 = arith.addi %mul3A_71, %arg1 : i32
        %mul3A_73 = arith.constant 192 : i32
        %mul3A_74 = arith.muli %add3A_72, %mul3A_73 : i32
        %multiple_of3A = tpu.assume_multiple %mul3A_74, 192 : i32
        %mul3A_75 = arith.constant 163840 : i32
        %mul3A_76 = arith.muli %arg0, %mul3A_75 : i32
        %add3A_77 = arith.addi %mul3A_76, %multiple_of3A : i32
        "tpu.region"() ({
          %run_scoped3A = tpu.sem_alloc : memref<!tpu.dma_semaphore, #tpu.memory_space<semaphore_mem>>
          %dma_start3A_80 = tpu.memref_slice %arg3[%add3A_77] : memref<327680xi32, #tpu.memory_space<hbm>> -> memref<192xi32, #tpu.memory_space<hbm>>
          %dma_start3A_81 = tpu.memref_slice %arg3[%add3A_77] : memref<327680xi32, #tpu.memory_space<hbm>> -> memref<192xi32, #tpu.memory_space<hbm>>
          tpu.enqueue_dma source(%dma_start3A_81 : memref<192xi32, #tpu.memory_space<hbm>>) target(%arg9 : memref<192xi32, #tpu.memory_space<vmem>>) target_semaphore(%run_scoped3A : memref<!tpu.dma_semaphore, #tpu.memory_space<semaphore_mem>>)
          %dma_wait3A = tpu.memref_slice %arg3[%add3A_77] : memref<327680xi32, #tpu.memory_space<hbm>> -> memref<192xi32, #tpu.memory_space<hbm>>
          %dma_wait3A_82 = tpu.memref_slice %arg3[%add3A_77] : memref<327680xi32, #tpu.memory_space<hbm>> -> memref<192xi32, #tpu.memory_space<hbm>>
          tpu.wait_dma2 semaphore(%run_scoped3A : memref<!tpu.dma_semaphore, #tpu.memory_space<semaphore_mem>>) src(%dma_wait3A_82 : memref<192xi32, #tpu.memory_space<hbm>>) dst(%arg9 : memref<192xi32, #tpu.memory_space<vmem>>)
          tpu.yield
        }) : () -> ()
        "tpu.region"() ({
          %run_scoped3A = tpu.sem_alloc : memref<!tpu.dma_semaphore, #tpu.memory_space<semaphore_mem>>
          %dma_start3A_80 = tpu.memref_slice %arg4[%multiple_of3A] : memref<163840xi32, #tpu.memory_space<hbm>> -> memref<192xi32, #tpu.memory_space<hbm>>
          %dma_start3A_81 = tpu.memref_slice %arg4[%multiple_of3A] : memref<163840xi32, #tpu.memory_space<hbm>> -> memref<192xi32, #tpu.memory_space<hbm>>
          tpu.enqueue_dma source(%dma_start3A_81 : memref<192xi32, #tpu.memory_space<hbm>>) target(%arg10 : memref<192xi32, #tpu.memory_space<vmem>>) target_semaphore(%run_scoped3A : memref<!tpu.dma_semaphore, #tpu.memory_space<semaphore_mem>>)
          %dma_wait3A = tpu.memref_slice %arg4[%multiple_of3A] : memref<163840xi32, #tpu.memory_space<hbm>> -> memref<192xi32, #tpu.memory_space<hbm>>
          %dma_wait3A_82 = tpu.memref_slice %arg4[%multiple_of3A] : memref<163840xi32, #tpu.memory_space<hbm>> -> memref<192xi32, #tpu.memory_space<hbm>>
          tpu.wait_dma2 semaphore(%run_scoped3A : memref<!tpu.dma_semaphore, #tpu.memory_space<semaphore_mem>>) src(%dma_wait3A_82 : memref<192xi32, #tpu.memory_space<hbm>>) dst(%arg10 : memref<192xi32, #tpu.memory_space<vmem>>)
          tpu.yield
        }) : () -> ()
        %dma_start3A = arith.constant 0 : i32
        %dma_start3A_78 = arith.constant 0 : i32
        %dma_start3A_79 = tpu.memref_slice %arg2[%dma_start3A, %dma_start3A_78] : memref<20016x128xf32, #tpu.memory_space<hbm>> -> memref<20016x128xf32, #tpu.memory_space<hbm>>
        tpu.enqueue_indirect_dma source(%dma_start3A_79 : memref<20016x128xf32, #tpu.memory_space<hbm>>) target(%arg11 : memref<192x128xf32, #tpu.memory_space<vmem>>) offsets(%arg9 : memref<192xi32, #tpu.memory_space<vmem>>) semaphore(%arg14 : memref<!tpu.dma_semaphore, #tpu.memory_space<semaphore_mem>>)
      } else {
      }
      %mul3A_44 = arith.constant 16 : i32
      %mul3A_45 = arith.muli %mul3A_31, %mul3A_44 : i32
      %add3A_46 = arith.addi %mul3A_45, %arg1 : i32
      %lt3A_47 = arith.constant 834 : i32
      %lt3A_48 = arith.cmpi slt, %add3A_46, %lt3A_47 : i32
      %convert_element_type3A_49 = arith.extui %lt3A_48 : i1 to i32
      %cond3A_50 = arith.constant 0 : i32
      %cond3A_51 = arith.cmpi ne, %convert_element_type3A_49, %cond3A_50 : i32
      scf.if %cond3A_51 {
        %dma_wait3A = arith.constant 0 : i32
        %dma_wait3A_70 = arith.constant 0 : i32
        %dma_wait3A_71 = tpu.memref_slice %arg2[%dma_wait3A, %dma_wait3A_70] : memref<20016x128xf32, #tpu.memory_space<hbm>> -> memref<20016x128xf32, #tpu.memory_space<hbm>>
        tpu.wait_indirect_dma semaphore(%arg13 : memref<!tpu.dma_semaphore, #tpu.memory_space<semaphore_mem>>) src(%dma_wait3A_71 : memref<20016x128xf32, #tpu.memory_space<hbm>>) dst(%arg8 : memref<192x128xf32, #tpu.memory_space<vmem>>)
        "tpu.region"() ({
          %run_scoped3A = tpu.sem_alloc : memref<!tpu.dma_semaphore, #tpu.memory_space<semaphore_mem>>
          %dma_start3A = arith.constant 0 : i32
          %dma_start3A_72 = arith.constant 0 : i32
          %dma_start3A_73 = tpu.memref_slice %arg12[%dma_start3A, %dma_start3A_72] : memref<10016x128xf32, #tpu.memory_space<vmem_shared>> -> memref<10016x128xf32, #tpu.memory_space<vmem_shared>>
          tpu.enqueue_indirect_dma source(%arg8 : memref<192x128xf32, #tpu.memory_space<vmem>>) target(%dma_start3A_73 : memref<10016x128xf32, #tpu.memory_space<vmem_shared>>) offsets(%arg7 : memref<192xi32, #tpu.memory_space<vmem>>) semaphore(%run_scoped3A : memref<!tpu.dma_semaphore, #tpu.memory_space<semaphore_mem>>) {add = true}
          %dma_wait3A_74 = arith.constant 0 : i32
          %dma_wait3A_75 = arith.constant 0 : i32
          %dma_wait3A_76 = tpu.memref_slice %arg12[%dma_wait3A_74, %dma_wait3A_75] : memref<10016x128xf32, #tpu.memory_space<vmem_shared>> -> memref<10016x128xf32, #tpu.memory_space<vmem_shared>>
          tpu.wait_indirect_dma semaphore(%run_scoped3A : memref<!tpu.dma_semaphore, #tpu.memory_space<semaphore_mem>>) src(%arg8 : memref<192x128xf32, #tpu.memory_space<vmem>>) dst(%dma_wait3A_76 : memref<10016x128xf32, #tpu.memory_space<vmem_shared>>)
          tpu.yield
        }) : () -> ()
      } else {
      }
      %add3A_52 = arith.constant 1 : i32
      %add3A_53 = arith.addi %add3A_35, %add3A_52 : i32
      %mul3A_54 = arith.constant 16 : i32
      %mul3A_55 = arith.muli %add3A_53, %mul3A_54 : i32
      %add3A_56 = arith.addi %mul3A_55, %arg1 : i32
      %lt3A_57 = arith.constant 834 : i32
      %lt3A_58 = arith.cmpi slt, %add3A_56, %lt3A_57 : i32
      %convert_element_type3A_59 = arith.extui %lt3A_58 : i1 to i32
      %cond3A_60 = arith.constant 0 : i32
      %cond3A_61 = arith.cmpi ne, %convert_element_type3A_59, %cond3A_60 : i32
      scf.if %cond3A_61 {
        %mul3A_70 = arith.constant 16 : i32
        %mul3A_71 = arith.muli %add3A_53, %mul3A_70 : i32
        %add3A_72 = arith.addi %mul3A_71, %arg1 : i32
        %mul3A_73 = arith.constant 192 : i32
        %mul3A_74 = arith.muli %add3A_72, %mul3A_73 : i32
        %multiple_of3A = tpu.assume_multiple %mul3A_74, 192 : i32
        %mul3A_75 = arith.constant 163840 : i32
        %mul3A_76 = arith.muli %arg0, %mul3A_75 : i32
        %add3A_77 = arith.addi %mul3A_76, %multiple_of3A : i32
        "tpu.region"() ({
          %run_scoped3A = tpu.sem_alloc : memref<!tpu.dma_semaphore, #tpu.memory_space<semaphore_mem>>
          %dma_start3A_80 = tpu.memref_slice %arg3[%add3A_77] : memref<327680xi32, #tpu.memory_space<hbm>> -> memref<192xi32, #tpu.memory_space<hbm>>
          %dma_start3A_81 = tpu.memref_slice %arg3[%add3A_77] : memref<327680xi32, #tpu.memory_space<hbm>> -> memref<192xi32, #tpu.memory_space<hbm>>
          tpu.enqueue_dma source(%dma_start3A_81 : memref<192xi32, #tpu.memory_space<hbm>>) target(%arg6 : memref<192xi32, #tpu.memory_space<vmem>>) target_semaphore(%run_scoped3A : memref<!tpu.dma_semaphore, #tpu.memory_space<semaphore_mem>>)
          %dma_wait3A = tpu.memref_slice %arg3[%add3A_77] : memref<327680xi32, #tpu.memory_space<hbm>> -> memref<192xi32, #tpu.memory_space<hbm>>
          %dma_wait3A_82 = tpu.memref_slice %arg3[%add3A_77] : memref<327680xi32, #tpu.memory_space<hbm>> -> memref<192xi32, #tpu.memory_space<hbm>>
          tpu.wait_dma2 semaphore(%run_scoped3A : memref<!tpu.dma_semaphore, #tpu.memory_space<semaphore_mem>>) src(%dma_wait3A_82 : memref<192xi32, #tpu.memory_space<hbm>>) dst(%arg6 : memref<192xi32, #tpu.memory_space<vmem>>)
          tpu.yield
        }) : () -> ()
        "tpu.region"() ({
          %run_scoped3A = tpu.sem_alloc : memref<!tpu.dma_semaphore, #tpu.memory_space<semaphore_mem>>
          %dma_start3A_80 = tpu.memref_slice %arg4[%multiple_of3A] : memref<163840xi32, #tpu.memory_space<hbm>> -> memref<192xi32, #tpu.memory_space<hbm>>
          %dma_start3A_81 = tpu.memref_slice %arg4[%multiple_of3A] : memref<163840xi32, #tpu.memory_space<hbm>> -> memref<192xi32, #tpu.memory_space<hbm>>
          tpu.enqueue_dma source(%dma_start3A_81 : memref<192xi32, #tpu.memory_space<hbm>>) target(%arg7 : memref<192xi32, #tpu.memory_space<vmem>>) target_semaphore(%run_scoped3A : memref<!tpu.dma_semaphore, #tpu.memory_space<semaphore_mem>>)
          %dma_wait3A = tpu.memref_slice %arg4[%multiple_of3A] : memref<163840xi32, #tpu.memory_space<hbm>> -> memref<192xi32, #tpu.memory_space<hbm>>
          %dma_wait3A_82 = tpu.memref_slice %arg4[%multiple_of3A] : memref<163840xi32, #tpu.memory_space<hbm>> -> memref<192xi32, #tpu.memory_space<hbm>>
          tpu.wait_dma2 semaphore(%run_scoped3A : memref<!tpu.dma_semaphore, #tpu.memory_space<semaphore_mem>>) src(%dma_wait3A_82 : memref<192xi32, #tpu.memory_space<hbm>>) dst(%arg7 : memref<192xi32, #tpu.memory_space<vmem>>)
          tpu.yield
        }) : () -> ()
        %dma_start3A = arith.constant 0 : i32
        %dma_start3A_78 = arith.constant 0 : i32
        %dma_start3A_79 = tpu.memref_slice %arg2[%dma_start3A, %dma_start3A_78] : memref<20016x128xf32, #tpu.memory_space<hbm>> -> memref<20016x128xf32, #tpu.memory_space<hbm>>
        tpu.enqueue_indirect_dma source(%dma_start3A_79 : memref<20016x128xf32, #tpu.memory_space<hbm>>) target(%arg8 : memref<192x128xf32, #tpu.memory_space<vmem>>) offsets(%arg6 : memref<192xi32, #tpu.memory_space<vmem>>) semaphore(%arg13 : memref<!tpu.dma_semaphore, #tpu.memory_space<semaphore_mem>>)
      } else {
      }
      %mul3A_62 = arith.constant 16 : i32
      %mul3A_63 = arith.muli %add3A_35, %mul3A_62 : i32
      %add3A_64 = arith.addi %mul3A_63, %arg1 : i32
      %lt3A_65 = arith.constant 834 : i32
      %lt3A_66 = arith.cmpi slt, %add3A_64, %lt3A_65 : i32
      %convert_element_type3A_67 = arith.extui %lt3A_66 : i1 to i32
      %cond3A_68 = arith.constant 0 : i32
      %cond3A_69 = arith.cmpi ne, %convert_element_type3A_67, %cond3A_68 : i32
      scf.if %cond3A_69 {
        %dma_wait3A = arith.constant 0 : i32
        %dma_wait3A_70 = arith.constant 0 : i32
        %dma_wait3A_71 = tpu.memref_slice %arg2[%dma_wait3A, %dma_wait3A_70] : memref<20016x128xf32, #tpu.memory_space<hbm>> -> memref<20016x128xf32, #tpu.memory_space<hbm>>
        tpu.wait_indirect_dma semaphore(%arg14 : memref<!tpu.dma_semaphore, #tpu.memory_space<semaphore_mem>>) src(%dma_wait3A_71 : memref<20016x128xf32, #tpu.memory_space<hbm>>) dst(%arg11 : memref<192x128xf32, #tpu.memory_space<vmem>>)
        "tpu.region"() ({
          %run_scoped3A = tpu.sem_alloc : memref<!tpu.dma_semaphore, #tpu.memory_space<semaphore_mem>>
          %dma_start3A = arith.constant 0 : i32
          %dma_start3A_72 = arith.constant 0 : i32
          %dma_start3A_73 = tpu.memref_slice %arg12[%dma_start3A, %dma_start3A_72] : memref<10016x128xf32, #tpu.memory_space<vmem_shared>> -> memref<10016x128xf32, #tpu.memory_space<vmem_shared>>
          tpu.enqueue_indirect_dma source(%arg11 : memref<192x128xf32, #tpu.memory_space<vmem>>) target(%dma_start3A_73 : memref<10016x128xf32, #tpu.memory_space<vmem_shared>>) offsets(%arg10 : memref<192xi32, #tpu.memory_space<vmem>>) semaphore(%run_scoped3A : memref<!tpu.dma_semaphore, #tpu.memory_space<semaphore_mem>>) {add = true}
          %dma_wait3A_74 = arith.constant 0 : i32
          %dma_wait3A_75 = arith.constant 0 : i32
          %dma_wait3A_76 = tpu.memref_slice %arg12[%dma_wait3A_74, %dma_wait3A_75] : memref<10016x128xf32, #tpu.memory_space<vmem_shared>> -> memref<10016x128xf32, #tpu.memory_space<vmem_shared>>
          tpu.wait_indirect_dma semaphore(%run_scoped3A : memref<!tpu.dma_semaphore, #tpu.memory_space<semaphore_mem>>) src(%arg11 : memref<192x128xf32, #tpu.memory_space<vmem>>) dst(%dma_wait3A_76 : memref<10016x128xf32, #tpu.memory_space<vmem_shared>>)
          tpu.yield
        }) : () -> ()
      } else {
      }
    }
    %scan3A_17 = arith.constant 27 : i32
    %barrier3A_18 = arith.constant 0 : index
    tpu.barrier barrier_id(%barrier3A_18)
    %lt3A_19 = arith.constant 15 : i32
    %lt3A_20 = arith.cmpi slt, %arg1, %lt3A_19 : i32
    %convert_element_type3A_21 = arith.extui %lt3A_20 : i1 to i32
    %cond3A_22 = arith.constant 0 : i32
    %cond3A_23 = arith.cmpi ne, %convert_element_type3A_21, %cond3A_22 : i32
    scf.if %cond3A_23 {
      %mul3A_29 = arith.constant 10000 : i32
      %mul3A_30 = arith.muli %arg0, %mul3A_29 : i32
      %add3A_31 = arith.addi %mul3A_30, %mul3A_0 : i32
      "tpu.region"() ({
        %run_scoped3A = tpu.sem_alloc : memref<!tpu.dma_semaphore, #tpu.memory_space<semaphore_mem>>
        %dma_start3A = arith.constant 0 : i32
        %dma_start3A_32 = tpu.memref_slice %arg5[%add3A_31, %dma_start3A] : memref<20000x128xf32, #tpu.memory_space<hbm>> -> memref<624x128xf32, #tpu.memory_space<hbm>>
        %dma_start3A_33 = arith.constant 0 : i32
        %dma_start3A_34 = tpu.memref_slice %arg12[%mul3A_0, %dma_start3A_33] : memref<10016x128xf32, #tpu.memory_space<vmem_shared>> -> memref<624x128xf32, #tpu.memory_space<vmem_shared>>
        tpu.enqueue_dma source(%dma_start3A_34 : memref<624x128xf32, #tpu.memory_space<vmem_shared>>) target(%dma_start3A_32 : memref<624x128xf32, #tpu.memory_space<hbm>>) target_semaphore(%run_scoped3A : memref<!tpu.dma_semaphore, #tpu.memory_space<semaphore_mem>>)
        %dma_wait3A = arith.constant 0 : i32
        %dma_wait3A_35 = tpu.memref_slice %arg5[%add3A_31, %dma_wait3A] : memref<20000x128xf32, #tpu.memory_space<hbm>> -> memref<624x128xf32, #tpu.memory_space<hbm>>
        %dma_wait3A_36 = arith.constant 0 : i32
        %dma_wait3A_37 = tpu.memref_slice %arg12[%mul3A_0, %dma_wait3A_36] : memref<10016x128xf32, #tpu.memory_space<vmem_shared>> -> memref<624x128xf32, #tpu.memory_space<vmem_shared>>
        tpu.wait_dma2 semaphore(%run_scoped3A : memref<!tpu.dma_semaphore, #tpu.memory_space<semaphore_mem>>) src(%dma_wait3A_37 : memref<624x128xf32, #tpu.memory_space<vmem_shared>>) dst(%dma_wait3A_35 : memref<624x128xf32, #tpu.memory_space<hbm>>)
        tpu.yield
      }) : () -> ()
    } else {
    }
    %eq3A_24 = arith.constant 15 : i32
    %eq3A_25 = arith.cmpi eq, %arg1, %eq3A_24 : i32
    %convert_element_type3A_26 = arith.extui %eq3A_25 : i1 to i32
    %cond3A_27 = arith.constant 0 : i32
    %cond3A_28 = arith.cmpi ne, %convert_element_type3A_26, %cond3A_27 : i32
    scf.if %cond3A_28 {
      %mul3A_29 = arith.constant 10000 : i32
      %mul3A_30 = arith.muli %arg0, %mul3A_29 : i32
      %add3A_31 = arith.addi %mul3A_30, %mul3A_0 : i32
      "tpu.region"() ({
        %run_scoped3A = tpu.sem_alloc : memref<!tpu.dma_semaphore, #tpu.memory_space<semaphore_mem>>
        %dma_start3A = arith.constant 0 : i32
        %dma_start3A_32 = tpu.memref_slice %arg5[%add3A_31, %dma_start3A] : memref<20000x128xf32, #tpu.memory_space<hbm>> -> memref<640x128xf32, #tpu.memory_space<hbm>>
        %dma_start3A_33 = arith.constant 0 : i32
        %dma_start3A_34 = tpu.memref_slice %arg12[%mul3A_0, %dma_start3A_33] : memref<10016x128xf32, #tpu.memory_space<vmem_shared>> -> memref<640x128xf32, #tpu.memory_space<vmem_shared>>
        tpu.enqueue_dma source(%dma_start3A_34 : memref<640x128xf32, #tpu.memory_space<vmem_shared>>) target(%dma_start3A_32 : memref<640x128xf32, #tpu.memory_space<hbm>>) target_semaphore(%run_scoped3A : memref<!tpu.dma_semaphore, #tpu.memory_space<semaphore_mem>>)
        %dma_wait3A = arith.constant 0 : i32
        %dma_wait3A_35 = tpu.memref_slice %arg5[%add3A_31, %dma_wait3A] : memref<20000x128xf32, #tpu.memory_space<hbm>> -> memref<640x128xf32, #tpu.memory_space<hbm>>
        %dma_wait3A_36 = arith.constant 0 : i32
        %dma_wait3A_37 = tpu.memref_slice %arg12[%mul3A_0, %dma_wait3A_36] : memref<10016x128xf32, #tpu.memory_space<vmem_shared>> -> memref<640x128xf32, #tpu.memory_space<vmem_shared>>
        tpu.wait_dma2 semaphore(%run_scoped3A : memref<!tpu.dma_semaphore, #tpu.memory_space<semaphore_mem>>) src(%dma_wait3A_37 : memref<640x128xf32, #tpu.memory_space<vmem_shared>>) dst(%dma_wait3A_35 : memref<640x128xf32, #tpu.memory_space<hbm>>)
        tpu.yield
      }) : () -> ()
    } else {
    }
    return
  }
}

#map = affine_map<(d0, d1) -> (0)>
#map1 = affine_map<(d0, d1) -> (0, 0)>
module attributes {stable_mosaic.version = 14 : i64} {
  func.func @_sc_deg_body(%arg0: i32, %arg1: i32, %arg2: memref<163840xi32, #tpu.memory_space<hbm>>, %arg3: memref<192x128xf32, #tpu.memory_space<hbm>>, %arg4: memref<640x128xf32, #tpu.memory_space<hbm>>, %arg5: memref<20000x128xf32, #tpu.memory_space<hbm>>, %arg6: memref<192xi32, #tpu.memory_space<vmem>>, %arg7: memref<192x128xf32, #tpu.memory_space<vmem>>, %arg8: memref<10016x128xf32, #tpu.memory_space<vmem_shared>>) attributes {dimension_semantics = [#tpu.dimension_semantics<core_parallel>, #tpu.dimension_semantics<subcore_parallel>], iteration_bounds = array<i64: 2, 16>, scalar_prefetch = 0 : i64, scratch_operands = 3 : i64, tpu.core_type = #tpu.core_type<sc_vector_subcore>, window_params = [{transform_indices = #map}, {transform_indices = #map1}, {transform_indices = #map1}, {transform_indices = #map1}]} {
    %mul3A = arith.constant 624 : i32
    %mul3A_0 = arith.muli %arg1, %mul3A : i32
    %lt3A = arith.constant 15 : i32
    %lt3A_1 = arith.cmpi slt, %arg1, %lt3A : i32
    %convert_element_type3A = arith.extui %lt3A_1 : i1 to i32
    %cond3A = arith.constant 0 : i32
    %cond3A_2 = arith.cmpi ne, %convert_element_type3A, %cond3A : i32
    scf.if %cond3A_2 {
      "tpu.region"() ({
        %run_scoped3A = tpu.sem_alloc : memref<!tpu.dma_semaphore, #tpu.memory_space<semaphore_mem>>
        %dma_start3A = arith.constant 0 : i32
        %dma_start3A_23 = tpu.memref_slice %arg8[%mul3A_0, %dma_start3A] : memref<10016x128xf32, #tpu.memory_space<vmem_shared>> -> memref<624x128xf32, #tpu.memory_space<vmem_shared>>
        %dma_start3A_24 = arith.constant 0 : i32
        %dma_start3A_25 = arith.constant 0 : i32
        %dma_start3A_26 = tpu.memref_slice %arg4[%dma_start3A_24, %dma_start3A_25] : memref<640x128xf32, #tpu.memory_space<hbm>> -> memref<624x128xf32, #tpu.memory_space<hbm>>
        tpu.enqueue_dma source(%dma_start3A_26 : memref<624x128xf32, #tpu.memory_space<hbm>>) target(%dma_start3A_23 : memref<624x128xf32, #tpu.memory_space<vmem_shared>>) target_semaphore(%run_scoped3A : memref<!tpu.dma_semaphore, #tpu.memory_space<semaphore_mem>>)
        %dma_wait3A = arith.constant 0 : i32
        %dma_wait3A_27 = tpu.memref_slice %arg8[%mul3A_0, %dma_wait3A] : memref<10016x128xf32, #tpu.memory_space<vmem_shared>> -> memref<624x128xf32, #tpu.memory_space<vmem_shared>>
        %dma_wait3A_28 = arith.constant 0 : i32
        %dma_wait3A_29 = arith.constant 0 : i32
        %dma_wait3A_30 = tpu.memref_slice %arg4[%dma_wait3A_28, %dma_wait3A_29] : memref<640x128xf32, #tpu.memory_space<hbm>> -> memref<624x128xf32, #tpu.memory_space<hbm>>
        tpu.wait_dma2 semaphore(%run_scoped3A : memref<!tpu.dma_semaphore, #tpu.memory_space<semaphore_mem>>) src(%dma_wait3A_30 : memref<624x128xf32, #tpu.memory_space<hbm>>) dst(%dma_wait3A_27 : memref<624x128xf32, #tpu.memory_space<vmem_shared>>)
        tpu.yield
      }) : () -> ()
    } else {
    }
    %eq3A = arith.constant 15 : i32
    %eq3A_3 = arith.cmpi eq, %arg1, %eq3A : i32
    %convert_element_type3A_4 = arith.extui %eq3A_3 : i1 to i32
    %cond3A_5 = arith.constant 0 : i32
    %cond3A_6 = arith.cmpi ne, %convert_element_type3A_4, %cond3A_5 : i32
    scf.if %cond3A_6 {
      "tpu.region"() ({
        %run_scoped3A = tpu.sem_alloc : memref<!tpu.dma_semaphore, #tpu.memory_space<semaphore_mem>>
        %dma_start3A = arith.constant 0 : i32
        %dma_start3A_23 = tpu.memref_slice %arg8[%mul3A_0, %dma_start3A] : memref<10016x128xf32, #tpu.memory_space<vmem_shared>> -> memref<640x128xf32, #tpu.memory_space<vmem_shared>>
        %dma_start3A_24 = arith.constant 0 : i32
        %dma_start3A_25 = arith.constant 0 : i32
        %dma_start3A_26 = tpu.memref_slice %arg4[%dma_start3A_24, %dma_start3A_25] : memref<640x128xf32, #tpu.memory_space<hbm>> -> memref<640x128xf32, #tpu.memory_space<hbm>>
        tpu.enqueue_dma source(%dma_start3A_26 : memref<640x128xf32, #tpu.memory_space<hbm>>) target(%dma_start3A_23 : memref<640x128xf32, #tpu.memory_space<vmem_shared>>) target_semaphore(%run_scoped3A : memref<!tpu.dma_semaphore, #tpu.memory_space<semaphore_mem>>)
        %dma_wait3A = arith.constant 0 : i32
        %dma_wait3A_27 = tpu.memref_slice %arg8[%mul3A_0, %dma_wait3A] : memref<10016x128xf32, #tpu.memory_space<vmem_shared>> -> memref<640x128xf32, #tpu.memory_space<vmem_shared>>
        %dma_wait3A_28 = arith.constant 0 : i32
        %dma_wait3A_29 = arith.constant 0 : i32
        %dma_wait3A_30 = tpu.memref_slice %arg4[%dma_wait3A_28, %dma_wait3A_29] : memref<640x128xf32, #tpu.memory_space<hbm>> -> memref<640x128xf32, #tpu.memory_space<hbm>>
        tpu.wait_dma2 semaphore(%run_scoped3A : memref<!tpu.dma_semaphore, #tpu.memory_space<semaphore_mem>>) src(%dma_wait3A_30 : memref<640x128xf32, #tpu.memory_space<hbm>>) dst(%dma_wait3A_27 : memref<640x128xf32, #tpu.memory_space<vmem_shared>>)
        tpu.yield
      }) : () -> ()
    } else {
    }
    "tpu.region"() ({
      %run_scoped3A = tpu.sem_alloc : memref<!tpu.dma_semaphore, #tpu.memory_space<semaphore_mem>>
      tpu.enqueue_dma source(%arg3 : memref<192x128xf32, #tpu.memory_space<hbm>>) target(%arg7 : memref<192x128xf32, #tpu.memory_space<vmem>>) target_semaphore(%run_scoped3A : memref<!tpu.dma_semaphore, #tpu.memory_space<semaphore_mem>>)
      tpu.wait_dma2 semaphore(%run_scoped3A : memref<!tpu.dma_semaphore, #tpu.memory_space<semaphore_mem>>) src(%arg3 : memref<192x128xf32, #tpu.memory_space<hbm>>) dst(%arg7 : memref<192x128xf32, #tpu.memory_space<vmem>>)
      tpu.yield
    }) : () -> ()
    %barrier3A = arith.constant 0 : index
    tpu.barrier barrier_id(%barrier3A)
    %scan3A = arith.constant 0 : i32
    %scan3A_7 = arith.constant 0 : i32
    %scan3A_8 = arith.constant 27 : i32
    %scan3A_9 = arith.addi %scan3A_7, %scan3A_8 : i32
    %scan3A_10 = arith.constant 1 : i32
    scf.for %scan3A_23 = %scan3A_7 to %scan3A_9 step %scan3A_10  : i32 {
      %mul3A_24 = arith.constant 16 : i32
      %mul3A_25 = arith.muli %scan3A_23, %mul3A_24 : i32
      %add3A = arith.addi %mul3A_25, %arg1 : i32
      %mul3A_26 = arith.constant 417 : i32
      %mul3A_27 = arith.muli %arg0, %mul3A_26 : i32
      %add3A_28 = arith.addi %mul3A_27, %add3A : i32
      %lt3A_29 = arith.constant 417 : i32
      %lt3A_30 = arith.cmpi slt, %add3A, %lt3A_29 : i32
      %lt3A_31 = arith.constant 834 : i32
      %lt3A_32 = arith.cmpi slt, %add3A_28, %lt3A_31 : i32
      %and3A = arith.andi %lt3A_30, %lt3A_32 : i1
      %convert_element_type3A_33 = arith.extui %and3A : i1 to i32
      %cond3A_34 = arith.constant 0 : i32
      %cond3A_35 = arith.cmpi ne, %convert_element_type3A_33, %cond3A_34 : i32
      scf.if %cond3A_35 {
        %mul3A_36 = arith.constant 192 : i32
        %mul3A_37 = arith.muli %add3A_28, %mul3A_36 : i32
        %multiple_of3A = tpu.assume_multiple %mul3A_37, 192 : i32
        "tpu.region"() ({
          %run_scoped3A = tpu.sem_alloc : memref<!tpu.dma_semaphore, #tpu.memory_space<semaphore_mem>>
          %dma_start3A = tpu.memref_slice %arg2[%multiple_of3A] : memref<163840xi32, #tpu.memory_space<hbm>> -> memref<192xi32, #tpu.memory_space<hbm>>
          %dma_start3A_38 = tpu.memref_slice %arg2[%multiple_of3A] : memref<163840xi32, #tpu.memory_space<hbm>> -> memref<192xi32, #tpu.memory_space<hbm>>
          tpu.enqueue_dma source(%dma_start3A_38 : memref<192xi32, #tpu.memory_space<hbm>>) target(%arg6 : memref<192xi32, #tpu.memory_space<vmem>>) target_semaphore(%run_scoped3A : memref<!tpu.dma_semaphore, #tpu.memory_space<semaphore_mem>>)
          %dma_wait3A = tpu.memref_slice %arg2[%multiple_of3A] : memref<163840xi32, #tpu.memory_space<hbm>> -> memref<192xi32, #tpu.memory_space<hbm>>
          %dma_wait3A_39 = tpu.memref_slice %arg2[%multiple_of3A] : memref<163840xi32, #tpu.memory_space<hbm>> -> memref<192xi32, #tpu.memory_space<hbm>>
          tpu.wait_dma2 semaphore(%run_scoped3A : memref<!tpu.dma_semaphore, #tpu.memory_space<semaphore_mem>>) src(%dma_wait3A_39 : memref<192xi32, #tpu.memory_space<hbm>>) dst(%arg6 : memref<192xi32, #tpu.memory_space<vmem>>)
          tpu.yield
        }) : () -> ()
        "tpu.region"() ({
          %run_scoped3A = tpu.sem_alloc : memref<!tpu.dma_semaphore, #tpu.memory_space<semaphore_mem>>
          %dma_start3A = arith.constant 0 : i32
          %dma_start3A_38 = arith.constant 0 : i32
          %dma_start3A_39 = tpu.memref_slice %arg8[%dma_start3A, %dma_start3A_38] : memref<10016x128xf32, #tpu.memory_space<vmem_shared>> -> memref<10016x128xf32, #tpu.memory_space<vmem_shared>>
          tpu.enqueue_indirect_dma source(%arg7 : memref<192x128xf32, #tpu.memory_space<vmem>>) target(%dma_start3A_39 : memref<10016x128xf32, #tpu.memory_space<vmem_shared>>) offsets(%arg6 : memref<192xi32, #tpu.memory_space<vmem>>) semaphore(%run_scoped3A : memref<!tpu.dma_semaphore, #tpu.memory_space<semaphore_mem>>) {add = true}
          %dma_wait3A = arith.constant 0 : i32
          %dma_wait3A_40 = arith.constant 0 : i32
          %dma_wait3A_41 = tpu.memref_slice %arg8[%dma_wait3A, %dma_wait3A_40] : memref<10016x128xf32, #tpu.memory_space<vmem_shared>> -> memref<10016x128xf32, #tpu.memory_space<vmem_shared>>
          tpu.wait_indirect_dma semaphore(%run_scoped3A : memref<!tpu.dma_semaphore, #tpu.memory_space<semaphore_mem>>) src(%arg7 : memref<192x128xf32, #tpu.memory_space<vmem>>) dst(%dma_wait3A_41 : memref<10016x128xf32, #tpu.memory_space<vmem_shared>>)
          tpu.yield
        }) : () -> ()
      } else {
      }
    }
    %scan3A_11 = arith.constant 27 : i32
    %barrier3A_12 = arith.constant 0 : index
    tpu.barrier barrier_id(%barrier3A_12)
    %lt3A_13 = arith.constant 15 : i32
    %lt3A_14 = arith.cmpi slt, %arg1, %lt3A_13 : i32
    %convert_element_type3A_15 = arith.extui %lt3A_14 : i1 to i32
    %cond3A_16 = arith.constant 0 : i32
    %cond3A_17 = arith.cmpi ne, %convert_element_type3A_15, %cond3A_16 : i32
    scf.if %cond3A_17 {
      %mul3A_23 = arith.constant 10000 : i32
      %mul3A_24 = arith.muli %arg0, %mul3A_23 : i32
      %add3A = arith.addi %mul3A_24, %mul3A_0 : i32
      "tpu.region"() ({
        %run_scoped3A = tpu.sem_alloc : memref<!tpu.dma_semaphore, #tpu.memory_space<semaphore_mem>>
        %dma_start3A = arith.constant 0 : i32
        %dma_start3A_25 = tpu.memref_slice %arg5[%add3A, %dma_start3A] : memref<20000x128xf32, #tpu.memory_space<hbm>> -> memref<624x128xf32, #tpu.memory_space<hbm>>
        %dma_start3A_26 = arith.constant 0 : i32
        %dma_start3A_27 = tpu.memref_slice %arg8[%mul3A_0, %dma_start3A_26] : memref<10016x128xf32, #tpu.memory_space<vmem_shared>> -> memref<624x128xf32, #tpu.memory_space<vmem_shared>>
        tpu.enqueue_dma source(%dma_start3A_27 : memref<624x128xf32, #tpu.memory_space<vmem_shared>>) target(%dma_start3A_25 : memref<624x128xf32, #tpu.memory_space<hbm>>) target_semaphore(%run_scoped3A : memref<!tpu.dma_semaphore, #tpu.memory_space<semaphore_mem>>)
        %dma_wait3A = arith.constant 0 : i32
        %dma_wait3A_28 = tpu.memref_slice %arg5[%add3A, %dma_wait3A] : memref<20000x128xf32, #tpu.memory_space<hbm>> -> memref<624x128xf32, #tpu.memory_space<hbm>>
        %dma_wait3A_29 = arith.constant 0 : i32
        %dma_wait3A_30 = tpu.memref_slice %arg8[%mul3A_0, %dma_wait3A_29] : memref<10016x128xf32, #tpu.memory_space<vmem_shared>> -> memref<624x128xf32, #tpu.memory_space<vmem_shared>>
        tpu.wait_dma2 semaphore(%run_scoped3A : memref<!tpu.dma_semaphore, #tpu.memory_space<semaphore_mem>>) src(%dma_wait3A_30 : memref<624x128xf32, #tpu.memory_space<vmem_shared>>) dst(%dma_wait3A_28 : memref<624x128xf32, #tpu.memory_space<hbm>>)
        tpu.yield
      }) : () -> ()
    } else {
    }
    %eq3A_18 = arith.constant 15 : i32
    %eq3A_19 = arith.cmpi eq, %arg1, %eq3A_18 : i32
    %convert_element_type3A_20 = arith.extui %eq3A_19 : i1 to i32
    %cond3A_21 = arith.constant 0 : i32
    %cond3A_22 = arith.cmpi ne, %convert_element_type3A_20, %cond3A_21 : i32
    scf.if %cond3A_22 {
      %mul3A_23 = arith.constant 10000 : i32
      %mul3A_24 = arith.muli %arg0, %mul3A_23 : i32
      %add3A = arith.addi %mul3A_24, %mul3A_0 : i32
      "tpu.region"() ({
        %run_scoped3A = tpu.sem_alloc : memref<!tpu.dma_semaphore, #tpu.memory_space<semaphore_mem>>
        %dma_start3A = arith.constant 0 : i32
        %dma_start3A_25 = tpu.memref_slice %arg5[%add3A, %dma_start3A] : memref<20000x128xf32, #tpu.memory_space<hbm>> -> memref<640x128xf32, #tpu.memory_space<hbm>>
        %dma_start3A_26 = arith.constant 0 : i32
        %dma_start3A_27 = tpu.memref_slice %arg8[%mul3A_0, %dma_start3A_26] : memref<10016x128xf32, #tpu.memory_space<vmem_shared>> -> memref<640x128xf32, #tpu.memory_space<vmem_shared>>
        tpu.enqueue_dma source(%dma_start3A_27 : memref<640x128xf32, #tpu.memory_space<vmem_shared>>) target(%dma_start3A_25 : memref<640x128xf32, #tpu.memory_space<hbm>>) target_semaphore(%run_scoped3A : memref<!tpu.dma_semaphore, #tpu.memory_space<semaphore_mem>>)
        %dma_wait3A = arith.constant 0 : i32
        %dma_wait3A_28 = tpu.memref_slice %arg5[%add3A, %dma_wait3A] : memref<20000x128xf32, #tpu.memory_space<hbm>> -> memref<640x128xf32, #tpu.memory_space<hbm>>
        %dma_wait3A_29 = arith.constant 0 : i32
        %dma_wait3A_30 = tpu.memref_slice %arg8[%mul3A_0, %dma_wait3A_29] : memref<10016x128xf32, #tpu.memory_space<vmem_shared>> -> memref<640x128xf32, #tpu.memory_space<vmem_shared>>
        tpu.wait_dma2 semaphore(%run_scoped3A : memref<!tpu.dma_semaphore, #tpu.memory_space<semaphore_mem>>) src(%dma_wait3A_30 : memref<640x128xf32, #tpu.memory_space<vmem_shared>>) dst(%dma_wait3A_28 : memref<640x128xf32, #tpu.memory_space<hbm>>)
        tpu.yield
      }) : () -> ()
    } else {
    }
    return
  }
}

#map = affine_map<(d0, d1) -> (0, 0)>
#map1 = affine_map<(d0, d1) -> (0)>
module attributes {stable_mosaic.version = 14 : i64} {
  func.func @_sc_agg_body(%arg0: i32, %arg1: i32, %arg2: memref<20016x128xf32, #tpu.memory_space<hbm>>, %arg3: memref<327680xi32, #tpu.memory_space<hbm>>, %arg4: memref<163840xi32, #tpu.memory_space<hbm>>, %arg5: memref<20000x128xf32, #tpu.memory_space<hbm>>, %arg6: memref<192xi32, #tpu.memory_space<vmem>>, %arg7: memref<192xi32, #tpu.memory_space<vmem>>, %arg8: memref<192x128xf32, #tpu.memory_space<vmem>>, %arg9: memref<192xi32, #tpu.memory_space<vmem>>, %arg10: memref<192xi32, #tpu.memory_space<vmem>>, %arg11: memref<192x128xf32, #tpu.memory_space<vmem>>, %arg12: memref<10016x128xf32, #tpu.memory_space<vmem_shared>>, %arg13: memref<!tpu.dma_semaphore, #tpu.memory_space<semaphore_mem>>, %arg14: memref<!tpu.dma_semaphore, #tpu.memory_space<semaphore_mem>>) attributes {dimension_semantics = [#tpu.dimension_semantics<core_parallel>, #tpu.dimension_semantics<subcore_parallel>], iteration_bounds = array<i64: 2, 16>, scalar_prefetch = 0 : i64, scratch_operands = 9 : i64, tpu.core_type = #tpu.core_type<sc_vector_subcore>, window_params = [{transform_indices = #map}, {transform_indices = #map1}, {transform_indices = #map1}, {transform_indices = #map}]} {
    %mul3A = arith.constant 624 : i32
    %mul3A_0 = arith.muli %arg1, %mul3A : i32
    %lt3A = arith.constant 15 : i32
    %lt3A_1 = arith.cmpi slt, %arg1, %lt3A : i32
    %convert_element_type3A = arith.extui %lt3A_1 : i1 to i32
    %cond3A = arith.constant 0 : i32
    %cond3A_2 = arith.cmpi ne, %convert_element_type3A, %cond3A : i32
    scf.if %cond3A_2 {
      %mul3A_29 = arith.constant 10000 : i32
      %mul3A_30 = arith.muli %arg0, %mul3A_29 : i32
      %add3A_31 = arith.addi %mul3A_30, %mul3A_0 : i32
      "tpu.region"() ({
        %run_scoped3A = tpu.sem_alloc : memref<!tpu.dma_semaphore, #tpu.memory_space<semaphore_mem>>
        %dma_start3A = arith.constant 0 : i32
        %dma_start3A_32 = tpu.memref_slice %arg12[%mul3A_0, %dma_start3A] : memref<10016x128xf32, #tpu.memory_space<vmem_shared>> -> memref<624x128xf32, #tpu.memory_space<vmem_shared>>
        %dma_start3A_33 = arith.constant 0 : i32
        %dma_start3A_34 = tpu.memref_slice %arg2[%add3A_31, %dma_start3A_33] : memref<20016x128xf32, #tpu.memory_space<hbm>> -> memref<624x128xf32, #tpu.memory_space<hbm>>
        tpu.enqueue_dma source(%dma_start3A_34 : memref<624x128xf32, #tpu.memory_space<hbm>>) target(%dma_start3A_32 : memref<624x128xf32, #tpu.memory_space<vmem_shared>>) target_semaphore(%run_scoped3A : memref<!tpu.dma_semaphore, #tpu.memory_space<semaphore_mem>>)
        %dma_wait3A = arith.constant 0 : i32
        %dma_wait3A_35 = tpu.memref_slice %arg12[%mul3A_0, %dma_wait3A] : memref<10016x128xf32, #tpu.memory_space<vmem_shared>> -> memref<624x128xf32, #tpu.memory_space<vmem_shared>>
        %dma_wait3A_36 = arith.constant 0 : i32
        %dma_wait3A_37 = tpu.memref_slice %arg2[%add3A_31, %dma_wait3A_36] : memref<20016x128xf32, #tpu.memory_space<hbm>> -> memref<624x128xf32, #tpu.memory_space<hbm>>
        tpu.wait_dma2 semaphore(%run_scoped3A : memref<!tpu.dma_semaphore, #tpu.memory_space<semaphore_mem>>) src(%dma_wait3A_37 : memref<624x128xf32, #tpu.memory_space<hbm>>) dst(%dma_wait3A_35 : memref<624x128xf32, #tpu.memory_space<vmem_shared>>)
        tpu.yield
      }) : () -> ()
    } else {
    }
    %eq3A = arith.constant 15 : i32
    %eq3A_3 = arith.cmpi eq, %arg1, %eq3A : i32
    %convert_element_type3A_4 = arith.extui %eq3A_3 : i1 to i32
    %cond3A_5 = arith.constant 0 : i32
    %cond3A_6 = arith.cmpi ne, %convert_element_type3A_4, %cond3A_5 : i32
    scf.if %cond3A_6 {
      %mul3A_29 = arith.constant 10000 : i32
      %mul3A_30 = arith.muli %arg0, %mul3A_29 : i32
      %add3A_31 = arith.addi %mul3A_30, %mul3A_0 : i32
      "tpu.region"() ({
        %run_scoped3A = tpu.sem_alloc : memref<!tpu.dma_semaphore, #tpu.memory_space<semaphore_mem>>
        %dma_start3A = arith.constant 0 : i32
        %dma_start3A_32 = tpu.memref_slice %arg12[%mul3A_0, %dma_start3A] : memref<10016x128xf32, #tpu.memory_space<vmem_shared>> -> memref<640x128xf32, #tpu.memory_space<vmem_shared>>
        %dma_start3A_33 = arith.constant 0 : i32
        %dma_start3A_34 = tpu.memref_slice %arg2[%add3A_31, %dma_start3A_33] : memref<20016x128xf32, #tpu.memory_space<hbm>> -> memref<640x128xf32, #tpu.memory_space<hbm>>
        tpu.enqueue_dma source(%dma_start3A_34 : memref<640x128xf32, #tpu.memory_space<hbm>>) target(%dma_start3A_32 : memref<640x128xf32, #tpu.memory_space<vmem_shared>>) target_semaphore(%run_scoped3A : memref<!tpu.dma_semaphore, #tpu.memory_space<semaphore_mem>>)
        %dma_wait3A = arith.constant 0 : i32
        %dma_wait3A_35 = tpu.memref_slice %arg12[%mul3A_0, %dma_wait3A] : memref<10016x128xf32, #tpu.memory_space<vmem_shared>> -> memref<640x128xf32, #tpu.memory_space<vmem_shared>>
        %dma_wait3A_36 = arith.constant 0 : i32
        %dma_wait3A_37 = tpu.memref_slice %arg2[%add3A_31, %dma_wait3A_36] : memref<20016x128xf32, #tpu.memory_space<hbm>> -> memref<640x128xf32, #tpu.memory_space<hbm>>
        tpu.wait_dma2 semaphore(%run_scoped3A : memref<!tpu.dma_semaphore, #tpu.memory_space<semaphore_mem>>) src(%dma_wait3A_37 : memref<640x128xf32, #tpu.memory_space<hbm>>) dst(%dma_wait3A_35 : memref<640x128xf32, #tpu.memory_space<vmem_shared>>)
        tpu.yield
      }) : () -> ()
    } else {
    }
    %barrier3A = arith.constant 0 : index
    tpu.barrier barrier_id(%barrier3A)
    %add3A = arith.constant 0 : i32
    %add3A_7 = arith.addi %add3A, %arg1 : i32
    %lt3A_8 = arith.constant 834 : i32
    %lt3A_9 = arith.cmpi slt, %add3A_7, %lt3A_8 : i32
    %convert_element_type3A_10 = arith.extui %lt3A_9 : i1 to i32
    %cond3A_11 = arith.constant 0 : i32
    %cond3A_12 = arith.cmpi ne, %convert_element_type3A_10, %cond3A_11 : i32
    scf.if %cond3A_12 {
      %add3A_29 = arith.constant 0 : i32
      %add3A_30 = arith.addi %add3A_29, %arg1 : i32
      %mul3A_31 = arith.constant 192 : i32
      %mul3A_32 = arith.muli %add3A_30, %mul3A_31 : i32
      %multiple_of3A = tpu.assume_multiple %mul3A_32, 192 : i32
      %mul3A_33 = arith.constant 163840 : i32
      %mul3A_34 = arith.muli %arg0, %mul3A_33 : i32
      %add3A_35 = arith.addi %mul3A_34, %multiple_of3A : i32
      "tpu.region"() ({
        %run_scoped3A = tpu.sem_alloc : memref<!tpu.dma_semaphore, #tpu.memory_space<semaphore_mem>>
        %dma_start3A_38 = tpu.memref_slice %arg3[%add3A_35] : memref<327680xi32, #tpu.memory_space<hbm>> -> memref<192xi32, #tpu.memory_space<hbm>>
        %dma_start3A_39 = tpu.memref_slice %arg3[%add3A_35] : memref<327680xi32, #tpu.memory_space<hbm>> -> memref<192xi32, #tpu.memory_space<hbm>>
        tpu.enqueue_dma source(%dma_start3A_39 : memref<192xi32, #tpu.memory_space<hbm>>) target(%arg6 : memref<192xi32, #tpu.memory_space<vmem>>) target_semaphore(%run_scoped3A : memref<!tpu.dma_semaphore, #tpu.memory_space<semaphore_mem>>)
        %dma_wait3A = tpu.memref_slice %arg3[%add3A_35] : memref<327680xi32, #tpu.memory_space<hbm>> -> memref<192xi32, #tpu.memory_space<hbm>>
        %dma_wait3A_40 = tpu.memref_slice %arg3[%add3A_35] : memref<327680xi32, #tpu.memory_space<hbm>> -> memref<192xi32, #tpu.memory_space<hbm>>
        tpu.wait_dma2 semaphore(%run_scoped3A : memref<!tpu.dma_semaphore, #tpu.memory_space<semaphore_mem>>) src(%dma_wait3A_40 : memref<192xi32, #tpu.memory_space<hbm>>) dst(%arg6 : memref<192xi32, #tpu.memory_space<vmem>>)
        tpu.yield
      }) : () -> ()
      "tpu.region"() ({
        %run_scoped3A = tpu.sem_alloc : memref<!tpu.dma_semaphore, #tpu.memory_space<semaphore_mem>>
        %dma_start3A_38 = tpu.memref_slice %arg4[%multiple_of3A] : memref<163840xi32, #tpu.memory_space<hbm>> -> memref<192xi32, #tpu.memory_space<hbm>>
        %dma_start3A_39 = tpu.memref_slice %arg4[%multiple_of3A] : memref<163840xi32, #tpu.memory_space<hbm>> -> memref<192xi32, #tpu.memory_space<hbm>>
        tpu.enqueue_dma source(%dma_start3A_39 : memref<192xi32, #tpu.memory_space<hbm>>) target(%arg7 : memref<192xi32, #tpu.memory_space<vmem>>) target_semaphore(%run_scoped3A : memref<!tpu.dma_semaphore, #tpu.memory_space<semaphore_mem>>)
        %dma_wait3A = tpu.memref_slice %arg4[%multiple_of3A] : memref<163840xi32, #tpu.memory_space<hbm>> -> memref<192xi32, #tpu.memory_space<hbm>>
        %dma_wait3A_40 = tpu.memref_slice %arg4[%multiple_of3A] : memref<163840xi32, #tpu.memory_space<hbm>> -> memref<192xi32, #tpu.memory_space<hbm>>
        tpu.wait_dma2 semaphore(%run_scoped3A : memref<!tpu.dma_semaphore, #tpu.memory_space<semaphore_mem>>) src(%dma_wait3A_40 : memref<192xi32, #tpu.memory_space<hbm>>) dst(%arg7 : memref<192xi32, #tpu.memory_space<vmem>>)
        tpu.yield
      }) : () -> ()
      %dma_start3A = arith.constant 0 : i32
      %dma_start3A_36 = arith.constant 0 : i32
      %dma_start3A_37 = tpu.memref_slice %arg2[%dma_start3A, %dma_start3A_36] : memref<20016x128xf32, #tpu.memory_space<hbm>> -> memref<20016x128xf32, #tpu.memory_space<hbm>>
      tpu.enqueue_indirect_dma source(%dma_start3A_37 : memref<20016x128xf32, #tpu.memory_space<hbm>>) target(%arg8 : memref<192x128xf32, #tpu.memory_space<vmem>>) offsets(%arg6 : memref<192xi32, #tpu.memory_space<vmem>>) semaphore(%arg13 : memref<!tpu.dma_semaphore, #tpu.memory_space<semaphore_mem>>)
    } else {
    }
    %scan3A = arith.constant 0 : i32
    %scan3A_13 = arith.constant 0 : i32
    %scan3A_14 = arith.constant 27 : i32
    %scan3A_15 = arith.addi %scan3A_13, %scan3A_14 : i32
    %scan3A_16 = arith.constant 1 : i32
    scf.for %scan3A_29 = %scan3A_13 to %scan3A_15 step %scan3A_16  : i32 {
      %mul3A_30 = arith.constant 2 : i32
      %mul3A_31 = arith.muli %mul3A_30, %scan3A_29 : i32
      %mul3A_32 = arith.constant 2 : i32
      %mul3A_33 = arith.muli %mul3A_32, %scan3A_29 : i32
      %add3A_34 = arith.constant 1 : i32
      %add3A_35 = arith.addi %mul3A_33, %add3A_34 : i32
      %mul3A_36 = arith.constant 16 : i32
      %mul3A_37 = arith.muli %add3A_35, %mul3A_36 : i32
      %add3A_38 = arith.addi %mul3A_37, %arg1 : i32
      %lt3A_39 = arith.constant 834 : i32
      %lt3A_40 = arith.cmpi slt, %add3A_38, %lt3A_39 : i32
      %convert_element_type3A_41 = arith.extui %lt3A_40 : i1 to i32
      %cond3A_42 = arith.constant 0 : i32
      %cond3A_43 = arith.cmpi ne, %convert_element_type3A_41, %cond3A_42 : i32
      scf.if %cond3A_43 {
        %mul3A_70 = arith.constant 16 : i32
        %mul3A_71 = arith.muli %add3A_35, %mul3A_70 : i32
        %add3A_72 = arith.addi %mul3A_71, %arg1 : i32
        %mul3A_73 = arith.constant 192 : i32
        %mul3A_74 = arith.muli %add3A_72, %mul3A_73 : i32
        %multiple_of3A = tpu.assume_multiple %mul3A_74, 192 : i32
        %mul3A_75 = arith.constant 163840 : i32
        %mul3A_76 = arith.muli %arg0, %mul3A_75 : i32
        %add3A_77 = arith.addi %mul3A_76, %multiple_of3A : i32
        "tpu.region"() ({
          %run_scoped3A = tpu.sem_alloc : memref<!tpu.dma_semaphore, #tpu.memory_space<semaphore_mem>>
          %dma_start3A_80 = tpu.memref_slice %arg3[%add3A_77] : memref<327680xi32, #tpu.memory_space<hbm>> -> memref<192xi32, #tpu.memory_space<hbm>>
          %dma_start3A_81 = tpu.memref_slice %arg3[%add3A_77] : memref<327680xi32, #tpu.memory_space<hbm>> -> memref<192xi32, #tpu.memory_space<hbm>>
          tpu.enqueue_dma source(%dma_start3A_81 : memref<192xi32, #tpu.memory_space<hbm>>) target(%arg9 : memref<192xi32, #tpu.memory_space<vmem>>) target_semaphore(%run_scoped3A : memref<!tpu.dma_semaphore, #tpu.memory_space<semaphore_mem>>)
          %dma_wait3A = tpu.memref_slice %arg3[%add3A_77] : memref<327680xi32, #tpu.memory_space<hbm>> -> memref<192xi32, #tpu.memory_space<hbm>>
          %dma_wait3A_82 = tpu.memref_slice %arg3[%add3A_77] : memref<327680xi32, #tpu.memory_space<hbm>> -> memref<192xi32, #tpu.memory_space<hbm>>
          tpu.wait_dma2 semaphore(%run_scoped3A : memref<!tpu.dma_semaphore, #tpu.memory_space<semaphore_mem>>) src(%dma_wait3A_82 : memref<192xi32, #tpu.memory_space<hbm>>) dst(%arg9 : memref<192xi32, #tpu.memory_space<vmem>>)
          tpu.yield
        }) : () -> ()
        "tpu.region"() ({
          %run_scoped3A = tpu.sem_alloc : memref<!tpu.dma_semaphore, #tpu.memory_space<semaphore_mem>>
          %dma_start3A_80 = tpu.memref_slice %arg4[%multiple_of3A] : memref<163840xi32, #tpu.memory_space<hbm>> -> memref<192xi32, #tpu.memory_space<hbm>>
          %dma_start3A_81 = tpu.memref_slice %arg4[%multiple_of3A] : memref<163840xi32, #tpu.memory_space<hbm>> -> memref<192xi32, #tpu.memory_space<hbm>>
          tpu.enqueue_dma source(%dma_start3A_81 : memref<192xi32, #tpu.memory_space<hbm>>) target(%arg10 : memref<192xi32, #tpu.memory_space<vmem>>) target_semaphore(%run_scoped3A : memref<!tpu.dma_semaphore, #tpu.memory_space<semaphore_mem>>)
          %dma_wait3A = tpu.memref_slice %arg4[%multiple_of3A] : memref<163840xi32, #tpu.memory_space<hbm>> -> memref<192xi32, #tpu.memory_space<hbm>>
          %dma_wait3A_82 = tpu.memref_slice %arg4[%multiple_of3A] : memref<163840xi32, #tpu.memory_space<hbm>> -> memref<192xi32, #tpu.memory_space<hbm>>
          tpu.wait_dma2 semaphore(%run_scoped3A : memref<!tpu.dma_semaphore, #tpu.memory_space<semaphore_mem>>) src(%dma_wait3A_82 : memref<192xi32, #tpu.memory_space<hbm>>) dst(%arg10 : memref<192xi32, #tpu.memory_space<vmem>>)
          tpu.yield
        }) : () -> ()
        %dma_start3A = arith.constant 0 : i32
        %dma_start3A_78 = arith.constant 0 : i32
        %dma_start3A_79 = tpu.memref_slice %arg2[%dma_start3A, %dma_start3A_78] : memref<20016x128xf32, #tpu.memory_space<hbm>> -> memref<20016x128xf32, #tpu.memory_space<hbm>>
        tpu.enqueue_indirect_dma source(%dma_start3A_79 : memref<20016x128xf32, #tpu.memory_space<hbm>>) target(%arg11 : memref<192x128xf32, #tpu.memory_space<vmem>>) offsets(%arg9 : memref<192xi32, #tpu.memory_space<vmem>>) semaphore(%arg14 : memref<!tpu.dma_semaphore, #tpu.memory_space<semaphore_mem>>)
      } else {
      }
      %mul3A_44 = arith.constant 16 : i32
      %mul3A_45 = arith.muli %mul3A_31, %mul3A_44 : i32
      %add3A_46 = arith.addi %mul3A_45, %arg1 : i32
      %lt3A_47 = arith.constant 834 : i32
      %lt3A_48 = arith.cmpi slt, %add3A_46, %lt3A_47 : i32
      %convert_element_type3A_49 = arith.extui %lt3A_48 : i1 to i32
      %cond3A_50 = arith.constant 0 : i32
      %cond3A_51 = arith.cmpi ne, %convert_element_type3A_49, %cond3A_50 : i32
      scf.if %cond3A_51 {
        %dma_wait3A = arith.constant 0 : i32
        %dma_wait3A_70 = arith.constant 0 : i32
        %dma_wait3A_71 = tpu.memref_slice %arg2[%dma_wait3A, %dma_wait3A_70] : memref<20016x128xf32, #tpu.memory_space<hbm>> -> memref<20016x128xf32, #tpu.memory_space<hbm>>
        tpu.wait_indirect_dma semaphore(%arg13 : memref<!tpu.dma_semaphore, #tpu.memory_space<semaphore_mem>>) src(%dma_wait3A_71 : memref<20016x128xf32, #tpu.memory_space<hbm>>) dst(%arg8 : memref<192x128xf32, #tpu.memory_space<vmem>>)
        "tpu.region"() ({
          %run_scoped3A = tpu.sem_alloc : memref<!tpu.dma_semaphore, #tpu.memory_space<semaphore_mem>>
          %dma_start3A = arith.constant 0 : i32
          %dma_start3A_72 = arith.constant 0 : i32
          %dma_start3A_73 = tpu.memref_slice %arg12[%dma_start3A, %dma_start3A_72] : memref<10016x128xf32, #tpu.memory_space<vmem_shared>> -> memref<10016x128xf32, #tpu.memory_space<vmem_shared>>
          tpu.enqueue_indirect_dma source(%arg8 : memref<192x128xf32, #tpu.memory_space<vmem>>) target(%dma_start3A_73 : memref<10016x128xf32, #tpu.memory_space<vmem_shared>>) offsets(%arg7 : memref<192xi32, #tpu.memory_space<vmem>>) semaphore(%run_scoped3A : memref<!tpu.dma_semaphore, #tpu.memory_space<semaphore_mem>>) {add = true}
          %dma_wait3A_74 = arith.constant 0 : i32
          %dma_wait3A_75 = arith.constant 0 : i32
          %dma_wait3A_76 = tpu.memref_slice %arg12[%dma_wait3A_74, %dma_wait3A_75] : memref<10016x128xf32, #tpu.memory_space<vmem_shared>> -> memref<10016x128xf32, #tpu.memory_space<vmem_shared>>
          tpu.wait_indirect_dma semaphore(%run_scoped3A : memref<!tpu.dma_semaphore, #tpu.memory_space<semaphore_mem>>) src(%arg8 : memref<192x128xf32, #tpu.memory_space<vmem>>) dst(%dma_wait3A_76 : memref<10016x128xf32, #tpu.memory_space<vmem_shared>>)
          tpu.yield
        }) : () -> ()
      } else {
      }
      %add3A_52 = arith.constant 1 : i32
      %add3A_53 = arith.addi %add3A_35, %add3A_52 : i32
      %mul3A_54 = arith.constant 16 : i32
      %mul3A_55 = arith.muli %add3A_53, %mul3A_54 : i32
      %add3A_56 = arith.addi %mul3A_55, %arg1 : i32
      %lt3A_57 = arith.constant 834 : i32
      %lt3A_58 = arith.cmpi slt, %add3A_56, %lt3A_57 : i32
      %convert_element_type3A_59 = arith.extui %lt3A_58 : i1 to i32
      %cond3A_60 = arith.constant 0 : i32
      %cond3A_61 = arith.cmpi ne, %convert_element_type3A_59, %cond3A_60 : i32
      scf.if %cond3A_61 {
        %mul3A_70 = arith.constant 16 : i32
        %mul3A_71 = arith.muli %add3A_53, %mul3A_70 : i32
        %add3A_72 = arith.addi %mul3A_71, %arg1 : i32
        %mul3A_73 = arith.constant 192 : i32
        %mul3A_74 = arith.muli %add3A_72, %mul3A_73 : i32
        %multiple_of3A = tpu.assume_multiple %mul3A_74, 192 : i32
        %mul3A_75 = arith.constant 163840 : i32
        %mul3A_76 = arith.muli %arg0, %mul3A_75 : i32
        %add3A_77 = arith.addi %mul3A_76, %multiple_of3A : i32
        "tpu.region"() ({
          %run_scoped3A = tpu.sem_alloc : memref<!tpu.dma_semaphore, #tpu.memory_space<semaphore_mem>>
          %dma_start3A_80 = tpu.memref_slice %arg3[%add3A_77] : memref<327680xi32, #tpu.memory_space<hbm>> -> memref<192xi32, #tpu.memory_space<hbm>>
          %dma_start3A_81 = tpu.memref_slice %arg3[%add3A_77] : memref<327680xi32, #tpu.memory_space<hbm>> -> memref<192xi32, #tpu.memory_space<hbm>>
          tpu.enqueue_dma source(%dma_start3A_81 : memref<192xi32, #tpu.memory_space<hbm>>) target(%arg6 : memref<192xi32, #tpu.memory_space<vmem>>) target_semaphore(%run_scoped3A : memref<!tpu.dma_semaphore, #tpu.memory_space<semaphore_mem>>)
          %dma_wait3A = tpu.memref_slice %arg3[%add3A_77] : memref<327680xi32, #tpu.memory_space<hbm>> -> memref<192xi32, #tpu.memory_space<hbm>>
          %dma_wait3A_82 = tpu.memref_slice %arg3[%add3A_77] : memref<327680xi32, #tpu.memory_space<hbm>> -> memref<192xi32, #tpu.memory_space<hbm>>
          tpu.wait_dma2 semaphore(%run_scoped3A : memref<!tpu.dma_semaphore, #tpu.memory_space<semaphore_mem>>) src(%dma_wait3A_82 : memref<192xi32, #tpu.memory_space<hbm>>) dst(%arg6 : memref<192xi32, #tpu.memory_space<vmem>>)
          tpu.yield
        }) : () -> ()
        "tpu.region"() ({
          %run_scoped3A = tpu.sem_alloc : memref<!tpu.dma_semaphore, #tpu.memory_space<semaphore_mem>>
          %dma_start3A_80 = tpu.memref_slice %arg4[%multiple_of3A] : memref<163840xi32, #tpu.memory_space<hbm>> -> memref<192xi32, #tpu.memory_space<hbm>>
          %dma_start3A_81 = tpu.memref_slice %arg4[%multiple_of3A] : memref<163840xi32, #tpu.memory_space<hbm>> -> memref<192xi32, #tpu.memory_space<hbm>>
          tpu.enqueue_dma source(%dma_start3A_81 : memref<192xi32, #tpu.memory_space<hbm>>) target(%arg7 : memref<192xi32, #tpu.memory_space<vmem>>) target_semaphore(%run_scoped3A : memref<!tpu.dma_semaphore, #tpu.memory_space<semaphore_mem>>)
          %dma_wait3A = tpu.memref_slice %arg4[%multiple_of3A] : memref<163840xi32, #tpu.memory_space<hbm>> -> memref<192xi32, #tpu.memory_space<hbm>>
          %dma_wait3A_82 = tpu.memref_slice %arg4[%multiple_of3A] : memref<163840xi32, #tpu.memory_space<hbm>> -> memref<192xi32, #tpu.memory_space<hbm>>
          tpu.wait_dma2 semaphore(%run_scoped3A : memref<!tpu.dma_semaphore, #tpu.memory_space<semaphore_mem>>) src(%dma_wait3A_82 : memref<192xi32, #tpu.memory_space<hbm>>) dst(%arg7 : memref<192xi32, #tpu.memory_space<vmem>>)
          tpu.yield
        }) : () -> ()
        %dma_start3A = arith.constant 0 : i32
        %dma_start3A_78 = arith.constant 0 : i32
        %dma_start3A_79 = tpu.memref_slice %arg2[%dma_start3A, %dma_start3A_78] : memref<20016x128xf32, #tpu.memory_space<hbm>> -> memref<20016x128xf32, #tpu.memory_space<hbm>>
        tpu.enqueue_indirect_dma source(%dma_start3A_79 : memref<20016x128xf32, #tpu.memory_space<hbm>>) target(%arg8 : memref<192x128xf32, #tpu.memory_space<vmem>>) offsets(%arg6 : memref<192xi32, #tpu.memory_space<vmem>>) semaphore(%arg13 : memref<!tpu.dma_semaphore, #tpu.memory_space<semaphore_mem>>)
      } else {
      }
      %mul3A_62 = arith.constant 16 : i32
      %mul3A_63 = arith.muli %add3A_35, %mul3A_62 : i32
      %add3A_64 = arith.addi %mul3A_63, %arg1 : i32
      %lt3A_65 = arith.constant 834 : i32
      %lt3A_66 = arith.cmpi slt, %add3A_64, %lt3A_65 : i32
      %convert_element_type3A_67 = arith.extui %lt3A_66 : i1 to i32
      %cond3A_68 = arith.constant 0 : i32
      %cond3A_69 = arith.cmpi ne, %convert_element_type3A_67, %cond3A_68 : i32
      scf.if %cond3A_69 {
        %dma_wait3A = arith.constant 0 : i32
        %dma_wait3A_70 = arith.constant 0 : i32
        %dma_wait3A_71 = tpu.memref_slice %arg2[%dma_wait3A, %dma_wait3A_70] : memref<20016x128xf32, #tpu.memory_space<hbm>> -> memref<20016x128xf32, #tpu.memory_space<hbm>>
        tpu.wait_indirect_dma semaphore(%arg14 : memref<!tpu.dma_semaphore, #tpu.memory_space<semaphore_mem>>) src(%dma_wait3A_71 : memref<20016x128xf32, #tpu.memory_space<hbm>>) dst(%arg11 : memref<192x128xf32, #tpu.memory_space<vmem>>)
        "tpu.region"() ({
          %run_scoped3A = tpu.sem_alloc : memref<!tpu.dma_semaphore, #tpu.memory_space<semaphore_mem>>
          %dma_start3A = arith.constant 0 : i32
          %dma_start3A_72 = arith.constant 0 : i32
          %dma_start3A_73 = tpu.memref_slice %arg12[%dma_start3A, %dma_start3A_72] : memref<10016x128xf32, #tpu.memory_space<vmem_shared>> -> memref<10016x128xf32, #tpu.memory_space<vmem_shared>>
          tpu.enqueue_indirect_dma source(%arg11 : memref<192x128xf32, #tpu.memory_space<vmem>>) target(%dma_start3A_73 : memref<10016x128xf32, #tpu.memory_space<vmem_shared>>) offsets(%arg10 : memref<192xi32, #tpu.memory_space<vmem>>) semaphore(%run_scoped3A : memref<!tpu.dma_semaphore, #tpu.memory_space<semaphore_mem>>) {add = true}
          %dma_wait3A_74 = arith.constant 0 : i32
          %dma_wait3A_75 = arith.constant 0 : i32
          %dma_wait3A_76 = tpu.memref_slice %arg12[%dma_wait3A_74, %dma_wait3A_75] : memref<10016x128xf32, #tpu.memory_space<vmem_shared>> -> memref<10016x128xf32, #tpu.memory_space<vmem_shared>>
          tpu.wait_indirect_dma semaphore(%run_scoped3A : memref<!tpu.dma_semaphore, #tpu.memory_space<semaphore_mem>>) src(%arg11 : memref<192x128xf32, #tpu.memory_space<vmem>>) dst(%dma_wait3A_76 : memref<10016x128xf32, #tpu.memory_space<vmem_shared>>)
          tpu.yield
        }) : () -> ()
      } else {
      }
    }
    %scan3A_17 = arith.constant 27 : i32
    %barrier3A_18 = arith.constant 0 : index
    tpu.barrier barrier_id(%barrier3A_18)
    %lt3A_19 = arith.constant 15 : i32
    %lt3A_20 = arith.cmpi slt, %arg1, %lt3A_19 : i32
    %convert_element_type3A_21 = arith.extui %lt3A_20 : i1 to i32
    %cond3A_22 = arith.constant 0 : i32
    %cond3A_23 = arith.cmpi ne, %convert_element_type3A_21, %cond3A_22 : i32
    scf.if %cond3A_23 {
      %mul3A_29 = arith.constant 10000 : i32
      %mul3A_30 = arith.muli %arg0, %mul3A_29 : i32
      %add3A_31 = arith.addi %mul3A_30, %mul3A_0 : i32
      "tpu.region"() ({
        %run_scoped3A = tpu.sem_alloc : memref<!tpu.dma_semaphore, #tpu.memory_space<semaphore_mem>>
        %dma_start3A = arith.constant 0 : i32
        %dma_start3A_32 = tpu.memref_slice %arg5[%add3A_31, %dma_start3A] : memref<20000x128xf32, #tpu.memory_space<hbm>> -> memref<624x128xf32, #tpu.memory_space<hbm>>
        %dma_start3A_33 = arith.constant 0 : i32
        %dma_start3A_34 = tpu.memref_slice %arg12[%mul3A_0, %dma_start3A_33] : memref<10016x128xf32, #tpu.memory_space<vmem_shared>> -> memref<624x128xf32, #tpu.memory_space<vmem_shared>>
        tpu.enqueue_dma source(%dma_start3A_34 : memref<624x128xf32, #tpu.memory_space<vmem_shared>>) target(%dma_start3A_32 : memref<624x128xf32, #tpu.memory_space<hbm>>) target_semaphore(%run_scoped3A : memref<!tpu.dma_semaphore, #tpu.memory_space<semaphore_mem>>)
        %dma_wait3A = arith.constant 0 : i32
        %dma_wait3A_35 = tpu.memref_slice %arg5[%add3A_31, %dma_wait3A] : memref<20000x128xf32, #tpu.memory_space<hbm>> -> memref<624x128xf32, #tpu.memory_space<hbm>>
        %dma_wait3A_36 = arith.constant 0 : i32
        %dma_wait3A_37 = tpu.memref_slice %arg12[%mul3A_0, %dma_wait3A_36] : memref<10016x128xf32, #tpu.memory_space<vmem_shared>> -> memref<624x128xf32, #tpu.memory_space<vmem_shared>>
        tpu.wait_dma2 semaphore(%run_scoped3A : memref<!tpu.dma_semaphore, #tpu.memory_space<semaphore_mem>>) src(%dma_wait3A_37 : memref<624x128xf32, #tpu.memory_space<vmem_shared>>) dst(%dma_wait3A_35 : memref<624x128xf32, #tpu.memory_space<hbm>>)
        tpu.yield
      }) : () -> ()
    } else {
    }
    %eq3A_24 = arith.constant 15 : i32
    %eq3A_25 = arith.cmpi eq, %arg1, %eq3A_24 : i32
    %convert_element_type3A_26 = arith.extui %eq3A_25 : i1 to i32
    %cond3A_27 = arith.constant 0 : i32
    %cond3A_28 = arith.cmpi ne, %convert_element_type3A_26, %cond3A_27 : i32
    scf.if %cond3A_28 {
      %mul3A_29 = arith.constant 10000 : i32
      %mul3A_30 = arith.muli %arg0, %mul3A_29 : i32
      %add3A_31 = arith.addi %mul3A_30, %mul3A_0 : i32
      "tpu.region"() ({
        %run_scoped3A = tpu.sem_alloc : memref<!tpu.dma_semaphore, #tpu.memory_space<semaphore_mem>>
        %dma_start3A = arith.constant 0 : i32
        %dma_start3A_32 = tpu.memref_slice %arg5[%add3A_31, %dma_start3A] : memref<20000x128xf32, #tpu.memory_space<hbm>> -> memref<640x128xf32, #tpu.memory_space<hbm>>
        %dma_start3A_33 = arith.constant 0 : i32
        %dma_start3A_34 = tpu.memref_slice %arg12[%mul3A_0, %dma_start3A_33] : memref<10016x128xf32, #tpu.memory_space<vmem_shared>> -> memref<640x128xf32, #tpu.memory_space<vmem_shared>>
        tpu.enqueue_dma source(%dma_start3A_34 : memref<640x128xf32, #tpu.memory_space<vmem_shared>>) target(%dma_start3A_32 : memref<640x128xf32, #tpu.memory_space<hbm>>) target_semaphore(%run_scoped3A : memref<!tpu.dma_semaphore, #tpu.memory_space<semaphore_mem>>)
        %dma_wait3A = arith.constant 0 : i32
        %dma_wait3A_35 = tpu.memref_slice %arg5[%add3A_31, %dma_wait3A] : memref<20000x128xf32, #tpu.memory_space<hbm>> -> memref<640x128xf32, #tpu.memory_space<hbm>>
        %dma_wait3A_36 = arith.constant 0 : i32
        %dma_wait3A_37 = tpu.memref_slice %arg12[%mul3A_0, %dma_wait3A_36] : memref<10016x128xf32, #tpu.memory_space<vmem_shared>> -> memref<640x128xf32, #tpu.memory_space<vmem_shared>>
        tpu.wait_dma2 semaphore(%run_scoped3A : memref<!tpu.dma_semaphore, #tpu.memory_space<semaphore_mem>>) src(%dma_wait3A_37 : memref<640x128xf32, #tpu.memory_space<vmem_shared>>) dst(%dma_wait3A_35 : memref<640x128xf32, #tpu.memory_space<hbm>>)
        tpu.yield
      }) : () -> ()
    } else {
    }
    return
  }
}

#map = affine_map<(d0, d1) -> (0, 0)>
#map1 = affine_map<(d0, d1) -> (0)>
module attributes {stable_mosaic.version = 14 : i64} {
  func.func @_sc_agg_body(%arg0: i32, %arg1: i32, %arg2: memref<20016x128xf32, #tpu.memory_space<hbm>>, %arg3: memref<327680xi32, #tpu.memory_space<hbm>>, %arg4: memref<163840xi32, #tpu.memory_space<hbm>>, %arg5: memref<20000x128xf32, #tpu.memory_space<hbm>>, %arg6: memref<192xi32, #tpu.memory_space<vmem>>, %arg7: memref<192xi32, #tpu.memory_space<vmem>>, %arg8: memref<192x128xf32, #tpu.memory_space<vmem>>, %arg9: memref<192xi32, #tpu.memory_space<vmem>>, %arg10: memref<192xi32, #tpu.memory_space<vmem>>, %arg11: memref<192x128xf32, #tpu.memory_space<vmem>>, %arg12: memref<10016x128xf32, #tpu.memory_space<vmem_shared>>, %arg13: memref<!tpu.dma_semaphore, #tpu.memory_space<semaphore_mem>>, %arg14: memref<!tpu.dma_semaphore, #tpu.memory_space<semaphore_mem>>) attributes {dimension_semantics = [#tpu.dimension_semantics<core_parallel>, #tpu.dimension_semantics<subcore_parallel>], iteration_bounds = array<i64: 2, 16>, scalar_prefetch = 0 : i64, scratch_operands = 9 : i64, tpu.core_type = #tpu.core_type<sc_vector_subcore>, window_params = [{transform_indices = #map}, {transform_indices = #map1}, {transform_indices = #map1}, {transform_indices = #map}]} {
    %mul3A = arith.constant 624 : i32
    %mul3A_0 = arith.muli %arg1, %mul3A : i32
    %lt3A = arith.constant 15 : i32
    %lt3A_1 = arith.cmpi slt, %arg1, %lt3A : i32
    %convert_element_type3A = arith.extui %lt3A_1 : i1 to i32
    %cond3A = arith.constant 0 : i32
    %cond3A_2 = arith.cmpi ne, %convert_element_type3A, %cond3A : i32
    scf.if %cond3A_2 {
      %mul3A_29 = arith.constant 10000 : i32
      %mul3A_30 = arith.muli %arg0, %mul3A_29 : i32
      %add3A_31 = arith.addi %mul3A_30, %mul3A_0 : i32
      "tpu.region"() ({
        %run_scoped3A = tpu.sem_alloc : memref<!tpu.dma_semaphore, #tpu.memory_space<semaphore_mem>>
        %dma_start3A = arith.constant 0 : i32
        %dma_start3A_32 = tpu.memref_slice %arg12[%mul3A_0, %dma_start3A] : memref<10016x128xf32, #tpu.memory_space<vmem_shared>> -> memref<624x128xf32, #tpu.memory_space<vmem_shared>>
        %dma_start3A_33 = arith.constant 0 : i32
        %dma_start3A_34 = tpu.memref_slice %arg2[%add3A_31, %dma_start3A_33] : memref<20016x128xf32, #tpu.memory_space<hbm>> -> memref<624x128xf32, #tpu.memory_space<hbm>>
        tpu.enqueue_dma source(%dma_start3A_34 : memref<624x128xf32, #tpu.memory_space<hbm>>) target(%dma_start3A_32 : memref<624x128xf32, #tpu.memory_space<vmem_shared>>) target_semaphore(%run_scoped3A : memref<!tpu.dma_semaphore, #tpu.memory_space<semaphore_mem>>)
        %dma_wait3A = arith.constant 0 : i32
        %dma_wait3A_35 = tpu.memref_slice %arg12[%mul3A_0, %dma_wait3A] : memref<10016x128xf32, #tpu.memory_space<vmem_shared>> -> memref<624x128xf32, #tpu.memory_space<vmem_shared>>
        %dma_wait3A_36 = arith.constant 0 : i32
        %dma_wait3A_37 = tpu.memref_slice %arg2[%add3A_31, %dma_wait3A_36] : memref<20016x128xf32, #tpu.memory_space<hbm>> -> memref<624x128xf32, #tpu.memory_space<hbm>>
        tpu.wait_dma2 semaphore(%run_scoped3A : memref<!tpu.dma_semaphore, #tpu.memory_space<semaphore_mem>>) src(%dma_wait3A_37 : memref<624x128xf32, #tpu.memory_space<hbm>>) dst(%dma_wait3A_35 : memref<624x128xf32, #tpu.memory_space<vmem_shared>>)
        tpu.yield
      }) : () -> ()
    } else {
    }
    %eq3A = arith.constant 15 : i32
    %eq3A_3 = arith.cmpi eq, %arg1, %eq3A : i32
    %convert_element_type3A_4 = arith.extui %eq3A_3 : i1 to i32
    %cond3A_5 = arith.constant 0 : i32
    %cond3A_6 = arith.cmpi ne, %convert_element_type3A_4, %cond3A_5 : i32
    scf.if %cond3A_6 {
      %mul3A_29 = arith.constant 10000 : i32
      %mul3A_30 = arith.muli %arg0, %mul3A_29 : i32
      %add3A_31 = arith.addi %mul3A_30, %mul3A_0 : i32
      "tpu.region"() ({
        %run_scoped3A = tpu.sem_alloc : memref<!tpu.dma_semaphore, #tpu.memory_space<semaphore_mem>>
        %dma_start3A = arith.constant 0 : i32
        %dma_start3A_32 = tpu.memref_slice %arg12[%mul3A_0, %dma_start3A] : memref<10016x128xf32, #tpu.memory_space<vmem_shared>> -> memref<640x128xf32, #tpu.memory_space<vmem_shared>>
        %dma_start3A_33 = arith.constant 0 : i32
        %dma_start3A_34 = tpu.memref_slice %arg2[%add3A_31, %dma_start3A_33] : memref<20016x128xf32, #tpu.memory_space<hbm>> -> memref<640x128xf32, #tpu.memory_space<hbm>>
        tpu.enqueue_dma source(%dma_start3A_34 : memref<640x128xf32, #tpu.memory_space<hbm>>) target(%dma_start3A_32 : memref<640x128xf32, #tpu.memory_space<vmem_shared>>) target_semaphore(%run_scoped3A : memref<!tpu.dma_semaphore, #tpu.memory_space<semaphore_mem>>)
        %dma_wait3A = arith.constant 0 : i32
        %dma_wait3A_35 = tpu.memref_slice %arg12[%mul3A_0, %dma_wait3A] : memref<10016x128xf32, #tpu.memory_space<vmem_shared>> -> memref<640x128xf32, #tpu.memory_space<vmem_shared>>
        %dma_wait3A_36 = arith.constant 0 : i32
        %dma_wait3A_37 = tpu.memref_slice %arg2[%add3A_31, %dma_wait3A_36] : memref<20016x128xf32, #tpu.memory_space<hbm>> -> memref<640x128xf32, #tpu.memory_space<hbm>>
        tpu.wait_dma2 semaphore(%run_scoped3A : memref<!tpu.dma_semaphore, #tpu.memory_space<semaphore_mem>>) src(%dma_wait3A_37 : memref<640x128xf32, #tpu.memory_space<hbm>>) dst(%dma_wait3A_35 : memref<640x128xf32, #tpu.memory_space<vmem_shared>>)
        tpu.yield
      }) : () -> ()
    } else {
    }
    %barrier3A = arith.constant 0 : index
    tpu.barrier barrier_id(%barrier3A)
    %add3A = arith.constant 0 : i32
    %add3A_7 = arith.addi %add3A, %arg1 : i32
    %lt3A_8 = arith.constant 834 : i32
    %lt3A_9 = arith.cmpi slt, %add3A_7, %lt3A_8 : i32
    %convert_element_type3A_10 = arith.extui %lt3A_9 : i1 to i32
    %cond3A_11 = arith.constant 0 : i32
    %cond3A_12 = arith.cmpi ne, %convert_element_type3A_10, %cond3A_11 : i32
    scf.if %cond3A_12 {
      %add3A_29 = arith.constant 0 : i32
      %add3A_30 = arith.addi %add3A_29, %arg1 : i32
      %mul3A_31 = arith.constant 192 : i32
      %mul3A_32 = arith.muli %add3A_30, %mul3A_31 : i32
      %multiple_of3A = tpu.assume_multiple %mul3A_32, 192 : i32
      %mul3A_33 = arith.constant 163840 : i32
      %mul3A_34 = arith.muli %arg0, %mul3A_33 : i32
      %add3A_35 = arith.addi %mul3A_34, %multiple_of3A : i32
      "tpu.region"() ({
        %run_scoped3A = tpu.sem_alloc : memref<!tpu.dma_semaphore, #tpu.memory_space<semaphore_mem>>
        %dma_start3A_38 = tpu.memref_slice %arg3[%add3A_35] : memref<327680xi32, #tpu.memory_space<hbm>> -> memref<192xi32, #tpu.memory_space<hbm>>
        %dma_start3A_39 = tpu.memref_slice %arg3[%add3A_35] : memref<327680xi32, #tpu.memory_space<hbm>> -> memref<192xi32, #tpu.memory_space<hbm>>
        tpu.enqueue_dma source(%dma_start3A_39 : memref<192xi32, #tpu.memory_space<hbm>>) target(%arg6 : memref<192xi32, #tpu.memory_space<vmem>>) target_semaphore(%run_scoped3A : memref<!tpu.dma_semaphore, #tpu.memory_space<semaphore_mem>>)
        %dma_wait3A = tpu.memref_slice %arg3[%add3A_35] : memref<327680xi32, #tpu.memory_space<hbm>> -> memref<192xi32, #tpu.memory_space<hbm>>
        %dma_wait3A_40 = tpu.memref_slice %arg3[%add3A_35] : memref<327680xi32, #tpu.memory_space<hbm>> -> memref<192xi32, #tpu.memory_space<hbm>>
        tpu.wait_dma2 semaphore(%run_scoped3A : memref<!tpu.dma_semaphore, #tpu.memory_space<semaphore_mem>>) src(%dma_wait3A_40 : memref<192xi32, #tpu.memory_space<hbm>>) dst(%arg6 : memref<192xi32, #tpu.memory_space<vmem>>)
        tpu.yield
      }) : () -> ()
      "tpu.region"() ({
        %run_scoped3A = tpu.sem_alloc : memref<!tpu.dma_semaphore, #tpu.memory_space<semaphore_mem>>
        %dma_start3A_38 = tpu.memref_slice %arg4[%multiple_of3A] : memref<163840xi32, #tpu.memory_space<hbm>> -> memref<192xi32, #tpu.memory_space<hbm>>
        %dma_start3A_39 = tpu.memref_slice %arg4[%multiple_of3A] : memref<163840xi32, #tpu.memory_space<hbm>> -> memref<192xi32, #tpu.memory_space<hbm>>
        tpu.enqueue_dma source(%dma_start3A_39 : memref<192xi32, #tpu.memory_space<hbm>>) target(%arg7 : memref<192xi32, #tpu.memory_space<vmem>>) target_semaphore(%run_scoped3A : memref<!tpu.dma_semaphore, #tpu.memory_space<semaphore_mem>>)
        %dma_wait3A = tpu.memref_slice %arg4[%multiple_of3A] : memref<163840xi32, #tpu.memory_space<hbm>> -> memref<192xi32, #tpu.memory_space<hbm>>
        %dma_wait3A_40 = tpu.memref_slice %arg4[%multiple_of3A] : memref<163840xi32, #tpu.memory_space<hbm>> -> memref<192xi32, #tpu.memory_space<hbm>>
        tpu.wait_dma2 semaphore(%run_scoped3A : memref<!tpu.dma_semaphore, #tpu.memory_space<semaphore_mem>>) src(%dma_wait3A_40 : memref<192xi32, #tpu.memory_space<hbm>>) dst(%arg7 : memref<192xi32, #tpu.memory_space<vmem>>)
        tpu.yield
      }) : () -> ()
      %dma_start3A = arith.constant 0 : i32
      %dma_start3A_36 = arith.constant 0 : i32
      %dma_start3A_37 = tpu.memref_slice %arg2[%dma_start3A, %dma_start3A_36] : memref<20016x128xf32, #tpu.memory_space<hbm>> -> memref<20016x128xf32, #tpu.memory_space<hbm>>
      tpu.enqueue_indirect_dma source(%dma_start3A_37 : memref<20016x128xf32, #tpu.memory_space<hbm>>) target(%arg8 : memref<192x128xf32, #tpu.memory_space<vmem>>) offsets(%arg6 : memref<192xi32, #tpu.memory_space<vmem>>) semaphore(%arg13 : memref<!tpu.dma_semaphore, #tpu.memory_space<semaphore_mem>>)
    } else {
    }
    %scan3A = arith.constant 0 : i32
    %scan3A_13 = arith.constant 0 : i32
    %scan3A_14 = arith.constant 27 : i32
    %scan3A_15 = arith.addi %scan3A_13, %scan3A_14 : i32
    %scan3A_16 = arith.constant 1 : i32
    scf.for %scan3A_29 = %scan3A_13 to %scan3A_15 step %scan3A_16  : i32 {
      %mul3A_30 = arith.constant 2 : i32
      %mul3A_31 = arith.muli %mul3A_30, %scan3A_29 : i32
      %mul3A_32 = arith.constant 2 : i32
      %mul3A_33 = arith.muli %mul3A_32, %scan3A_29 : i32
      %add3A_34 = arith.constant 1 : i32
      %add3A_35 = arith.addi %mul3A_33, %add3A_34 : i32
      %mul3A_36 = arith.constant 16 : i32
      %mul3A_37 = arith.muli %add3A_35, %mul3A_36 : i32
      %add3A_38 = arith.addi %mul3A_37, %arg1 : i32
      %lt3A_39 = arith.constant 834 : i32
      %lt3A_40 = arith.cmpi slt, %add3A_38, %lt3A_39 : i32
      %convert_element_type3A_41 = arith.extui %lt3A_40 : i1 to i32
      %cond3A_42 = arith.constant 0 : i32
      %cond3A_43 = arith.cmpi ne, %convert_element_type3A_41, %cond3A_42 : i32
      scf.if %cond3A_43 {
        %mul3A_70 = arith.constant 16 : i32
        %mul3A_71 = arith.muli %add3A_35, %mul3A_70 : i32
        %add3A_72 = arith.addi %mul3A_71, %arg1 : i32
        %mul3A_73 = arith.constant 192 : i32
        %mul3A_74 = arith.muli %add3A_72, %mul3A_73 : i32
        %multiple_of3A = tpu.assume_multiple %mul3A_74, 192 : i32
        %mul3A_75 = arith.constant 163840 : i32
        %mul3A_76 = arith.muli %arg0, %mul3A_75 : i32
        %add3A_77 = arith.addi %mul3A_76, %multiple_of3A : i32
        "tpu.region"() ({
          %run_scoped3A = tpu.sem_alloc : memref<!tpu.dma_semaphore, #tpu.memory_space<semaphore_mem>>
          %dma_start3A_80 = tpu.memref_slice %arg3[%add3A_77] : memref<327680xi32, #tpu.memory_space<hbm>> -> memref<192xi32, #tpu.memory_space<hbm>>
          %dma_start3A_81 = tpu.memref_slice %arg3[%add3A_77] : memref<327680xi32, #tpu.memory_space<hbm>> -> memref<192xi32, #tpu.memory_space<hbm>>
          tpu.enqueue_dma source(%dma_start3A_81 : memref<192xi32, #tpu.memory_space<hbm>>) target(%arg9 : memref<192xi32, #tpu.memory_space<vmem>>) target_semaphore(%run_scoped3A : memref<!tpu.dma_semaphore, #tpu.memory_space<semaphore_mem>>)
          %dma_wait3A = tpu.memref_slice %arg3[%add3A_77] : memref<327680xi32, #tpu.memory_space<hbm>> -> memref<192xi32, #tpu.memory_space<hbm>>
          %dma_wait3A_82 = tpu.memref_slice %arg3[%add3A_77] : memref<327680xi32, #tpu.memory_space<hbm>> -> memref<192xi32, #tpu.memory_space<hbm>>
          tpu.wait_dma2 semaphore(%run_scoped3A : memref<!tpu.dma_semaphore, #tpu.memory_space<semaphore_mem>>) src(%dma_wait3A_82 : memref<192xi32, #tpu.memory_space<hbm>>) dst(%arg9 : memref<192xi32, #tpu.memory_space<vmem>>)
          tpu.yield
        }) : () -> ()
        "tpu.region"() ({
          %run_scoped3A = tpu.sem_alloc : memref<!tpu.dma_semaphore, #tpu.memory_space<semaphore_mem>>
          %dma_start3A_80 = tpu.memref_slice %arg4[%multiple_of3A] : memref<163840xi32, #tpu.memory_space<hbm>> -> memref<192xi32, #tpu.memory_space<hbm>>
          %dma_start3A_81 = tpu.memref_slice %arg4[%multiple_of3A] : memref<163840xi32, #tpu.memory_space<hbm>> -> memref<192xi32, #tpu.memory_space<hbm>>
          tpu.enqueue_dma source(%dma_start3A_81 : memref<192xi32, #tpu.memory_space<hbm>>) target(%arg10 : memref<192xi32, #tpu.memory_space<vmem>>) target_semaphore(%run_scoped3A : memref<!tpu.dma_semaphore, #tpu.memory_space<semaphore_mem>>)
          %dma_wait3A = tpu.memref_slice %arg4[%multiple_of3A] : memref<163840xi32, #tpu.memory_space<hbm>> -> memref<192xi32, #tpu.memory_space<hbm>>
          %dma_wait3A_82 = tpu.memref_slice %arg4[%multiple_of3A] : memref<163840xi32, #tpu.memory_space<hbm>> -> memref<192xi32, #tpu.memory_space<hbm>>
          tpu.wait_dma2 semaphore(%run_scoped3A : memref<!tpu.dma_semaphore, #tpu.memory_space<semaphore_mem>>) src(%dma_wait3A_82 : memref<192xi32, #tpu.memory_space<hbm>>) dst(%arg10 : memref<192xi32, #tpu.memory_space<vmem>>)
          tpu.yield
        }) : () -> ()
        %dma_start3A = arith.constant 0 : i32
        %dma_start3A_78 = arith.constant 0 : i32
        %dma_start3A_79 = tpu.memref_slice %arg2[%dma_start3A, %dma_start3A_78] : memref<20016x128xf32, #tpu.memory_space<hbm>> -> memref<20016x128xf32, #tpu.memory_space<hbm>>
        tpu.enqueue_indirect_dma source(%dma_start3A_79 : memref<20016x128xf32, #tpu.memory_space<hbm>>) target(%arg11 : memref<192x128xf32, #tpu.memory_space<vmem>>) offsets(%arg9 : memref<192xi32, #tpu.memory_space<vmem>>) semaphore(%arg14 : memref<!tpu.dma_semaphore, #tpu.memory_space<semaphore_mem>>)
      } else {
      }
      %mul3A_44 = arith.constant 16 : i32
      %mul3A_45 = arith.muli %mul3A_31, %mul3A_44 : i32
      %add3A_46 = arith.addi %mul3A_45, %arg1 : i32
      %lt3A_47 = arith.constant 834 : i32
      %lt3A_48 = arith.cmpi slt, %add3A_46, %lt3A_47 : i32
      %convert_element_type3A_49 = arith.extui %lt3A_48 : i1 to i32
      %cond3A_50 = arith.constant 0 : i32
      %cond3A_51 = arith.cmpi ne, %convert_element_type3A_49, %cond3A_50 : i32
      scf.if %cond3A_51 {
        %dma_wait3A = arith.constant 0 : i32
        %dma_wait3A_70 = arith.constant 0 : i32
        %dma_wait3A_71 = tpu.memref_slice %arg2[%dma_wait3A, %dma_wait3A_70] : memref<20016x128xf32, #tpu.memory_space<hbm>> -> memref<20016x128xf32, #tpu.memory_space<hbm>>
        tpu.wait_indirect_dma semaphore(%arg13 : memref<!tpu.dma_semaphore, #tpu.memory_space<semaphore_mem>>) src(%dma_wait3A_71 : memref<20016x128xf32, #tpu.memory_space<hbm>>) dst(%arg8 : memref<192x128xf32, #tpu.memory_space<vmem>>)
        "tpu.region"() ({
          %run_scoped3A = tpu.sem_alloc : memref<!tpu.dma_semaphore, #tpu.memory_space<semaphore_mem>>
          %dma_start3A = arith.constant 0 : i32
          %dma_start3A_72 = arith.constant 0 : i32
          %dma_start3A_73 = tpu.memref_slice %arg12[%dma_start3A, %dma_start3A_72] : memref<10016x128xf32, #tpu.memory_space<vmem_shared>> -> memref<10016x128xf32, #tpu.memory_space<vmem_shared>>
          tpu.enqueue_indirect_dma source(%arg8 : memref<192x128xf32, #tpu.memory_space<vmem>>) target(%dma_start3A_73 : memref<10016x128xf32, #tpu.memory_space<vmem_shared>>) offsets(%arg7 : memref<192xi32, #tpu.memory_space<vmem>>) semaphore(%run_scoped3A : memref<!tpu.dma_semaphore, #tpu.memory_space<semaphore_mem>>) {add = true}
          %dma_wait3A_74 = arith.constant 0 : i32
          %dma_wait3A_75 = arith.constant 0 : i32
          %dma_wait3A_76 = tpu.memref_slice %arg12[%dma_wait3A_74, %dma_wait3A_75] : memref<10016x128xf32, #tpu.memory_space<vmem_shared>> -> memref<10016x128xf32, #tpu.memory_space<vmem_shared>>
          tpu.wait_indirect_dma semaphore(%run_scoped3A : memref<!tpu.dma_semaphore, #tpu.memory_space<semaphore_mem>>) src(%arg8 : memref<192x128xf32, #tpu.memory_space<vmem>>) dst(%dma_wait3A_76 : memref<10016x128xf32, #tpu.memory_space<vmem_shared>>)
          tpu.yield
        }) : () -> ()
      } else {
      }
      %add3A_52 = arith.constant 1 : i32
      %add3A_53 = arith.addi %add3A_35, %add3A_52 : i32
      %mul3A_54 = arith.constant 16 : i32
      %mul3A_55 = arith.muli %add3A_53, %mul3A_54 : i32
      %add3A_56 = arith.addi %mul3A_55, %arg1 : i32
      %lt3A_57 = arith.constant 834 : i32
      %lt3A_58 = arith.cmpi slt, %add3A_56, %lt3A_57 : i32
      %convert_element_type3A_59 = arith.extui %lt3A_58 : i1 to i32
      %cond3A_60 = arith.constant 0 : i32
      %cond3A_61 = arith.cmpi ne, %convert_element_type3A_59, %cond3A_60 : i32
      scf.if %cond3A_61 {
        %mul3A_70 = arith.constant 16 : i32
        %mul3A_71 = arith.muli %add3A_53, %mul3A_70 : i32
        %add3A_72 = arith.addi %mul3A_71, %arg1 : i32
        %mul3A_73 = arith.constant 192 : i32
        %mul3A_74 = arith.muli %add3A_72, %mul3A_73 : i32
        %multiple_of3A = tpu.assume_multiple %mul3A_74, 192 : i32
        %mul3A_75 = arith.constant 163840 : i32
        %mul3A_76 = arith.muli %arg0, %mul3A_75 : i32
        %add3A_77 = arith.addi %mul3A_76, %multiple_of3A : i32
        "tpu.region"() ({
          %run_scoped3A = tpu.sem_alloc : memref<!tpu.dma_semaphore, #tpu.memory_space<semaphore_mem>>
          %dma_start3A_80 = tpu.memref_slice %arg3[%add3A_77] : memref<327680xi32, #tpu.memory_space<hbm>> -> memref<192xi32, #tpu.memory_space<hbm>>
          %dma_start3A_81 = tpu.memref_slice %arg3[%add3A_77] : memref<327680xi32, #tpu.memory_space<hbm>> -> memref<192xi32, #tpu.memory_space<hbm>>
          tpu.enqueue_dma source(%dma_start3A_81 : memref<192xi32, #tpu.memory_space<hbm>>) target(%arg6 : memref<192xi32, #tpu.memory_space<vmem>>) target_semaphore(%run_scoped3A : memref<!tpu.dma_semaphore, #tpu.memory_space<semaphore_mem>>)
          %dma_wait3A = tpu.memref_slice %arg3[%add3A_77] : memref<327680xi32, #tpu.memory_space<hbm>> -> memref<192xi32, #tpu.memory_space<hbm>>
          %dma_wait3A_82 = tpu.memref_slice %arg3[%add3A_77] : memref<327680xi32, #tpu.memory_space<hbm>> -> memref<192xi32, #tpu.memory_space<hbm>>
          tpu.wait_dma2 semaphore(%run_scoped3A : memref<!tpu.dma_semaphore, #tpu.memory_space<semaphore_mem>>) src(%dma_wait3A_82 : memref<192xi32, #tpu.memory_space<hbm>>) dst(%arg6 : memref<192xi32, #tpu.memory_space<vmem>>)
          tpu.yield
        }) : () -> ()
        "tpu.region"() ({
          %run_scoped3A = tpu.sem_alloc : memref<!tpu.dma_semaphore, #tpu.memory_space<semaphore_mem>>
          %dma_start3A_80 = tpu.memref_slice %arg4[%multiple_of3A] : memref<163840xi32, #tpu.memory_space<hbm>> -> memref<192xi32, #tpu.memory_space<hbm>>
          %dma_start3A_81 = tpu.memref_slice %arg4[%multiple_of3A] : memref<163840xi32, #tpu.memory_space<hbm>> -> memref<192xi32, #tpu.memory_space<hbm>>
          tpu.enqueue_dma source(%dma_start3A_81 : memref<192xi32, #tpu.memory_space<hbm>>) target(%arg7 : memref<192xi32, #tpu.memory_space<vmem>>) target_semaphore(%run_scoped3A : memref<!tpu.dma_semaphore, #tpu.memory_space<semaphore_mem>>)
          %dma_wait3A = tpu.memref_slice %arg4[%multiple_of3A] : memref<163840xi32, #tpu.memory_space<hbm>> -> memref<192xi32, #tpu.memory_space<hbm>>
          %dma_wait3A_82 = tpu.memref_slice %arg4[%multiple_of3A] : memref<163840xi32, #tpu.memory_space<hbm>> -> memref<192xi32, #tpu.memory_space<hbm>>
          tpu.wait_dma2 semaphore(%run_scoped3A : memref<!tpu.dma_semaphore, #tpu.memory_space<semaphore_mem>>) src(%dma_wait3A_82 : memref<192xi32, #tpu.memory_space<hbm>>) dst(%arg7 : memref<192xi32, #tpu.memory_space<vmem>>)
          tpu.yield
        }) : () -> ()
        %dma_start3A = arith.constant 0 : i32
        %dma_start3A_78 = arith.constant 0 : i32
        %dma_start3A_79 = tpu.memref_slice %arg2[%dma_start3A, %dma_start3A_78] : memref<20016x128xf32, #tpu.memory_space<hbm>> -> memref<20016x128xf32, #tpu.memory_space<hbm>>
        tpu.enqueue_indirect_dma source(%dma_start3A_79 : memref<20016x128xf32, #tpu.memory_space<hbm>>) target(%arg8 : memref<192x128xf32, #tpu.memory_space<vmem>>) offsets(%arg6 : memref<192xi32, #tpu.memory_space<vmem>>) semaphore(%arg13 : memref<!tpu.dma_semaphore, #tpu.memory_space<semaphore_mem>>)
      } else {
      }
      %mul3A_62 = arith.constant 16 : i32
      %mul3A_63 = arith.muli %add3A_35, %mul3A_62 : i32
      %add3A_64 = arith.addi %mul3A_63, %arg1 : i32
      %lt3A_65 = arith.constant 834 : i32
      %lt3A_66 = arith.cmpi slt, %add3A_64, %lt3A_65 : i32
      %convert_element_type3A_67 = arith.extui %lt3A_66 : i1 to i32
      %cond3A_68 = arith.constant 0 : i32
      %cond3A_69 = arith.cmpi ne, %convert_element_type3A_67, %cond3A_68 : i32
      scf.if %cond3A_69 {
        %dma_wait3A = arith.constant 0 : i32
        %dma_wait3A_70 = arith.constant 0 : i32
        %dma_wait3A_71 = tpu.memref_slice %arg2[%dma_wait3A, %dma_wait3A_70] : memref<20016x128xf32, #tpu.memory_space<hbm>> -> memref<20016x128xf32, #tpu.memory_space<hbm>>
        tpu.wait_indirect_dma semaphore(%arg14 : memref<!tpu.dma_semaphore, #tpu.memory_space<semaphore_mem>>) src(%dma_wait3A_71 : memref<20016x128xf32, #tpu.memory_space<hbm>>) dst(%arg11 : memref<192x128xf32, #tpu.memory_space<vmem>>)
        "tpu.region"() ({
          %run_scoped3A = tpu.sem_alloc : memref<!tpu.dma_semaphore, #tpu.memory_space<semaphore_mem>>
          %dma_start3A = arith.constant 0 : i32
          %dma_start3A_72 = arith.constant 0 : i32
          %dma_start3A_73 = tpu.memref_slice %arg12[%dma_start3A, %dma_start3A_72] : memref<10016x128xf32, #tpu.memory_space<vmem_shared>> -> memref<10016x128xf32, #tpu.memory_space<vmem_shared>>
          tpu.enqueue_indirect_dma source(%arg11 : memref<192x128xf32, #tpu.memory_space<vmem>>) target(%dma_start3A_73 : memref<10016x128xf32, #tpu.memory_space<vmem_shared>>) offsets(%arg10 : memref<192xi32, #tpu.memory_space<vmem>>) semaphore(%run_scoped3A : memref<!tpu.dma_semaphore, #tpu.memory_space<semaphore_mem>>) {add = true}
          %dma_wait3A_74 = arith.constant 0 : i32
          %dma_wait3A_75 = arith.constant 0 : i32
          %dma_wait3A_76 = tpu.memref_slice %arg12[%dma_wait3A_74, %dma_wait3A_75] : memref<10016x128xf32, #tpu.memory_space<vmem_shared>> -> memref<10016x128xf32, #tpu.memory_space<vmem_shared>>
          tpu.wait_indirect_dma semaphore(%run_scoped3A : memref<!tpu.dma_semaphore, #tpu.memory_space<semaphore_mem>>) src(%arg11 : memref<192x128xf32, #tpu.memory_space<vmem>>) dst(%dma_wait3A_76 : memref<10016x128xf32, #tpu.memory_space<vmem_shared>>)
          tpu.yield
        }) : () -> ()
      } else {
      }
    }
    %scan3A_17 = arith.constant 27 : i32
    %barrier3A_18 = arith.constant 0 : index
    tpu.barrier barrier_id(%barrier3A_18)
    %lt3A_19 = arith.constant 15 : i32
    %lt3A_20 = arith.cmpi slt, %arg1, %lt3A_19 : i32
    %convert_element_type3A_21 = arith.extui %lt3A_20 : i1 to i32
    %cond3A_22 = arith.constant 0 : i32
    %cond3A_23 = arith.cmpi ne, %convert_element_type3A_21, %cond3A_22 : i32
    scf.if %cond3A_23 {
      %mul3A_29 = arith.constant 10000 : i32
      %mul3A_30 = arith.muli %arg0, %mul3A_29 : i32
      %add3A_31 = arith.addi %mul3A_30, %mul3A_0 : i32
      "tpu.region"() ({
        %run_scoped3A = tpu.sem_alloc : memref<!tpu.dma_semaphore, #tpu.memory_space<semaphore_mem>>
        %dma_start3A = arith.constant 0 : i32
        %dma_start3A_32 = tpu.memref_slice %arg5[%add3A_31, %dma_start3A] : memref<20000x128xf32, #tpu.memory_space<hbm>> -> memref<624x128xf32, #tpu.memory_space<hbm>>
        %dma_start3A_33 = arith.constant 0 : i32
        %dma_start3A_34 = tpu.memref_slice %arg12[%mul3A_0, %dma_start3A_33] : memref<10016x128xf32, #tpu.memory_space<vmem_shared>> -> memref<624x128xf32, #tpu.memory_space<vmem_shared>>
        tpu.enqueue_dma source(%dma_start3A_34 : memref<624x128xf32, #tpu.memory_space<vmem_shared>>) target(%dma_start3A_32 : memref<624x128xf32, #tpu.memory_space<hbm>>) target_semaphore(%run_scoped3A : memref<!tpu.dma_semaphore, #tpu.memory_space<semaphore_mem>>)
        %dma_wait3A = arith.constant 0 : i32
        %dma_wait3A_35 = tpu.memref_slice %arg5[%add3A_31, %dma_wait3A] : memref<20000x128xf32, #tpu.memory_space<hbm>> -> memref<624x128xf32, #tpu.memory_space<hbm>>
        %dma_wait3A_36 = arith.constant 0 : i32
        %dma_wait3A_37 = tpu.memref_slice %arg12[%mul3A_0, %dma_wait3A_36] : memref<10016x128xf32, #tpu.memory_space<vmem_shared>> -> memref<624x128xf32, #tpu.memory_space<vmem_shared>>
        tpu.wait_dma2 semaphore(%run_scoped3A : memref<!tpu.dma_semaphore, #tpu.memory_space<semaphore_mem>>) src(%dma_wait3A_37 : memref<624x128xf32, #tpu.memory_space<vmem_shared>>) dst(%dma_wait3A_35 : memref<624x128xf32, #tpu.memory_space<hbm>>)
        tpu.yield
      }) : () -> ()
    } else {
    }
    %eq3A_24 = arith.constant 15 : i32
    %eq3A_25 = arith.cmpi eq, %arg1, %eq3A_24 : i32
    %convert_element_type3A_26 = arith.extui %eq3A_25 : i1 to i32
    %cond3A_27 = arith.constant 0 : i32
    %cond3A_28 = arith.cmpi ne, %convert_element_type3A_26, %cond3A_27 : i32
    scf.if %cond3A_28 {
      %mul3A_29 = arith.constant 10000 : i32
      %mul3A_30 = arith.muli %arg0, %mul3A_29 : i32
      %add3A_31 = arith.addi %mul3A_30, %mul3A_0 : i32
      "tpu.region"() ({
        %run_scoped3A = tpu.sem_alloc : memref<!tpu.dma_semaphore, #tpu.memory_space<semaphore_mem>>
        %dma_start3A = arith.constant 0 : i32
        %dma_start3A_32 = tpu.memref_slice %arg5[%add3A_31, %dma_start3A] : memref<20000x128xf32, #tpu.memory_space<hbm>> -> memref<640x128xf32, #tpu.memory_space<hbm>>
        %dma_start3A_33 = arith.constant 0 : i32
        %dma_start3A_34 = tpu.memref_slice %arg12[%mul3A_0, %dma_start3A_33] : memref<10016x128xf32, #tpu.memory_space<vmem_shared>> -> memref<640x128xf32, #tpu.memory_space<vmem_shared>>
        tpu.enqueue_dma source(%dma_start3A_34 : memref<640x128xf32, #tpu.memory_space<vmem_shared>>) target(%dma_start3A_32 : memref<640x128xf32, #tpu.memory_space<hbm>>) target_semaphore(%run_scoped3A : memref<!tpu.dma_semaphore, #tpu.memory_space<semaphore_mem>>)
        %dma_wait3A = arith.constant 0 : i32
        %dma_wait3A_35 = tpu.memref_slice %arg5[%add3A_31, %dma_wait3A] : memref<20000x128xf32, #tpu.memory_space<hbm>> -> memref<640x128xf32, #tpu.memory_space<hbm>>
        %dma_wait3A_36 = arith.constant 0 : i32
        %dma_wait3A_37 = tpu.memref_slice %arg12[%mul3A_0, %dma_wait3A_36] : memref<10016x128xf32, #tpu.memory_space<vmem_shared>> -> memref<640x128xf32, #tpu.memory_space<vmem_shared>>
        tpu.wait_dma2 semaphore(%run_scoped3A : memref<!tpu.dma_semaphore, #tpu.memory_space<semaphore_mem>>) src(%dma_wait3A_37 : memref<640x128xf32, #tpu.memory_space<vmem_shared>>) dst(%dma_wait3A_35 : memref<640x128xf32, #tpu.memory_space<hbm>>)
        tpu.yield
      }) : () -> ()
    } else {
    }
    return
  }
}

#map = affine_map<(d0, d1) -> (0, 0)>
#map1 = affine_map<(d0, d1) -> (0)>
module attributes {stable_mosaic.version = 14 : i64} {
  func.func @_sc_agg_body(%arg0: i32, %arg1: i32, %arg2: memref<20016x128xf32, #tpu.memory_space<hbm>>, %arg3: memref<327680xi32, #tpu.memory_space<hbm>>, %arg4: memref<163840xi32, #tpu.memory_space<hbm>>, %arg5: memref<20000x128xf32, #tpu.memory_space<hbm>>, %arg6: memref<192xi32, #tpu.memory_space<vmem>>, %arg7: memref<192xi32, #tpu.memory_space<vmem>>, %arg8: memref<192x128xf32, #tpu.memory_space<vmem>>, %arg9: memref<192xi32, #tpu.memory_space<vmem>>, %arg10: memref<192xi32, #tpu.memory_space<vmem>>, %arg11: memref<192x128xf32, #tpu.memory_space<vmem>>, %arg12: memref<10016x128xf32, #tpu.memory_space<vmem_shared>>, %arg13: memref<!tpu.dma_semaphore, #tpu.memory_space<semaphore_mem>>, %arg14: memref<!tpu.dma_semaphore, #tpu.memory_space<semaphore_mem>>) attributes {dimension_semantics = [#tpu.dimension_semantics<core_parallel>, #tpu.dimension_semantics<subcore_parallel>], iteration_bounds = array<i64: 2, 16>, scalar_prefetch = 0 : i64, scratch_operands = 9 : i64, tpu.core_type = #tpu.core_type<sc_vector_subcore>, window_params = [{transform_indices = #map}, {transform_indices = #map1}, {transform_indices = #map1}, {transform_indices = #map}]} {
    %mul3A = arith.constant 624 : i32
    %mul3A_0 = arith.muli %arg1, %mul3A : i32
    %lt3A = arith.constant 15 : i32
    %lt3A_1 = arith.cmpi slt, %arg1, %lt3A : i32
    %convert_element_type3A = arith.extui %lt3A_1 : i1 to i32
    %cond3A = arith.constant 0 : i32
    %cond3A_2 = arith.cmpi ne, %convert_element_type3A, %cond3A : i32
    scf.if %cond3A_2 {
      %mul3A_29 = arith.constant 10000 : i32
      %mul3A_30 = arith.muli %arg0, %mul3A_29 : i32
      %add3A_31 = arith.addi %mul3A_30, %mul3A_0 : i32
      "tpu.region"() ({
        %run_scoped3A = tpu.sem_alloc : memref<!tpu.dma_semaphore, #tpu.memory_space<semaphore_mem>>
        %dma_start3A = arith.constant 0 : i32
        %dma_start3A_32 = tpu.memref_slice %arg12[%mul3A_0, %dma_start3A] : memref<10016x128xf32, #tpu.memory_space<vmem_shared>> -> memref<624x128xf32, #tpu.memory_space<vmem_shared>>
        %dma_start3A_33 = arith.constant 0 : i32
        %dma_start3A_34 = tpu.memref_slice %arg2[%add3A_31, %dma_start3A_33] : memref<20016x128xf32, #tpu.memory_space<hbm>> -> memref<624x128xf32, #tpu.memory_space<hbm>>
        tpu.enqueue_dma source(%dma_start3A_34 : memref<624x128xf32, #tpu.memory_space<hbm>>) target(%dma_start3A_32 : memref<624x128xf32, #tpu.memory_space<vmem_shared>>) target_semaphore(%run_scoped3A : memref<!tpu.dma_semaphore, #tpu.memory_space<semaphore_mem>>)
        %dma_wait3A = arith.constant 0 : i32
        %dma_wait3A_35 = tpu.memref_slice %arg12[%mul3A_0, %dma_wait3A] : memref<10016x128xf32, #tpu.memory_space<vmem_shared>> -> memref<624x128xf32, #tpu.memory_space<vmem_shared>>
        %dma_wait3A_36 = arith.constant 0 : i32
        %dma_wait3A_37 = tpu.memref_slice %arg2[%add3A_31, %dma_wait3A_36] : memref<20016x128xf32, #tpu.memory_space<hbm>> -> memref<624x128xf32, #tpu.memory_space<hbm>>
        tpu.wait_dma2 semaphore(%run_scoped3A : memref<!tpu.dma_semaphore, #tpu.memory_space<semaphore_mem>>) src(%dma_wait3A_37 : memref<624x128xf32, #tpu.memory_space<hbm>>) dst(%dma_wait3A_35 : memref<624x128xf32, #tpu.memory_space<vmem_shared>>)
        tpu.yield
      }) : () -> ()
    } else {
    }
    %eq3A = arith.constant 15 : i32
    %eq3A_3 = arith.cmpi eq, %arg1, %eq3A : i32
    %convert_element_type3A_4 = arith.extui %eq3A_3 : i1 to i32
    %cond3A_5 = arith.constant 0 : i32
    %cond3A_6 = arith.cmpi ne, %convert_element_type3A_4, %cond3A_5 : i32
    scf.if %cond3A_6 {
      %mul3A_29 = arith.constant 10000 : i32
      %mul3A_30 = arith.muli %arg0, %mul3A_29 : i32
      %add3A_31 = arith.addi %mul3A_30, %mul3A_0 : i32
      "tpu.region"() ({
        %run_scoped3A = tpu.sem_alloc : memref<!tpu.dma_semaphore, #tpu.memory_space<semaphore_mem>>
        %dma_start3A = arith.constant 0 : i32
        %dma_start3A_32 = tpu.memref_slice %arg12[%mul3A_0, %dma_start3A] : memref<10016x128xf32, #tpu.memory_space<vmem_shared>> -> memref<640x128xf32, #tpu.memory_space<vmem_shared>>
        %dma_start3A_33 = arith.constant 0 : i32
        %dma_start3A_34 = tpu.memref_slice %arg2[%add3A_31, %dma_start3A_33] : memref<20016x128xf32, #tpu.memory_space<hbm>> -> memref<640x128xf32, #tpu.memory_space<hbm>>
        tpu.enqueue_dma source(%dma_start3A_34 : memref<640x128xf32, #tpu.memory_space<hbm>>) target(%dma_start3A_32 : memref<640x128xf32, #tpu.memory_space<vmem_shared>>) target_semaphore(%run_scoped3A : memref<!tpu.dma_semaphore, #tpu.memory_space<semaphore_mem>>)
        %dma_wait3A = arith.constant 0 : i32
        %dma_wait3A_35 = tpu.memref_slice %arg12[%mul3A_0, %dma_wait3A] : memref<10016x128xf32, #tpu.memory_space<vmem_shared>> -> memref<640x128xf32, #tpu.memory_space<vmem_shared>>
        %dma_wait3A_36 = arith.constant 0 : i32
        %dma_wait3A_37 = tpu.memref_slice %arg2[%add3A_31, %dma_wait3A_36] : memref<20016x128xf32, #tpu.memory_space<hbm>> -> memref<640x128xf32, #tpu.memory_space<hbm>>
        tpu.wait_dma2 semaphore(%run_scoped3A : memref<!tpu.dma_semaphore, #tpu.memory_space<semaphore_mem>>) src(%dma_wait3A_37 : memref<640x128xf32, #tpu.memory_space<hbm>>) dst(%dma_wait3A_35 : memref<640x128xf32, #tpu.memory_space<vmem_shared>>)
        tpu.yield
      }) : () -> ()
    } else {
    }
    %barrier3A = arith.constant 0 : index
    tpu.barrier barrier_id(%barrier3A)
    %add3A = arith.constant 0 : i32
    %add3A_7 = arith.addi %add3A, %arg1 : i32
    %lt3A_8 = arith.constant 834 : i32
    %lt3A_9 = arith.cmpi slt, %add3A_7, %lt3A_8 : i32
    %convert_element_type3A_10 = arith.extui %lt3A_9 : i1 to i32
    %cond3A_11 = arith.constant 0 : i32
    %cond3A_12 = arith.cmpi ne, %convert_element_type3A_10, %cond3A_11 : i32
    scf.if %cond3A_12 {
      %add3A_29 = arith.constant 0 : i32
      %add3A_30 = arith.addi %add3A_29, %arg1 : i32
      %mul3A_31 = arith.constant 192 : i32
      %mul3A_32 = arith.muli %add3A_30, %mul3A_31 : i32
      %multiple_of3A = tpu.assume_multiple %mul3A_32, 192 : i32
      %mul3A_33 = arith.constant 163840 : i32
      %mul3A_34 = arith.muli %arg0, %mul3A_33 : i32
      %add3A_35 = arith.addi %mul3A_34, %multiple_of3A : i32
      "tpu.region"() ({
        %run_scoped3A = tpu.sem_alloc : memref<!tpu.dma_semaphore, #tpu.memory_space<semaphore_mem>>
        %dma_start3A_38 = tpu.memref_slice %arg3[%add3A_35] : memref<327680xi32, #tpu.memory_space<hbm>> -> memref<192xi32, #tpu.memory_space<hbm>>
        %dma_start3A_39 = tpu.memref_slice %arg3[%add3A_35] : memref<327680xi32, #tpu.memory_space<hbm>> -> memref<192xi32, #tpu.memory_space<hbm>>
        tpu.enqueue_dma source(%dma_start3A_39 : memref<192xi32, #tpu.memory_space<hbm>>) target(%arg6 : memref<192xi32, #tpu.memory_space<vmem>>) target_semaphore(%run_scoped3A : memref<!tpu.dma_semaphore, #tpu.memory_space<semaphore_mem>>)
        %dma_wait3A = tpu.memref_slice %arg3[%add3A_35] : memref<327680xi32, #tpu.memory_space<hbm>> -> memref<192xi32, #tpu.memory_space<hbm>>
        %dma_wait3A_40 = tpu.memref_slice %arg3[%add3A_35] : memref<327680xi32, #tpu.memory_space<hbm>> -> memref<192xi32, #tpu.memory_space<hbm>>
        tpu.wait_dma2 semaphore(%run_scoped3A : memref<!tpu.dma_semaphore, #tpu.memory_space<semaphore_mem>>) src(%dma_wait3A_40 : memref<192xi32, #tpu.memory_space<hbm>>) dst(%arg6 : memref<192xi32, #tpu.memory_space<vmem>>)
        tpu.yield
      }) : () -> ()
      "tpu.region"() ({
        %run_scoped3A = tpu.sem_alloc : memref<!tpu.dma_semaphore, #tpu.memory_space<semaphore_mem>>
        %dma_start3A_38 = tpu.memref_slice %arg4[%multiple_of3A] : memref<163840xi32, #tpu.memory_space<hbm>> -> memref<192xi32, #tpu.memory_space<hbm>>
        %dma_start3A_39 = tpu.memref_slice %arg4[%multiple_of3A] : memref<163840xi32, #tpu.memory_space<hbm>> -> memref<192xi32, #tpu.memory_space<hbm>>
        tpu.enqueue_dma source(%dma_start3A_39 : memref<192xi32, #tpu.memory_space<hbm>>) target(%arg7 : memref<192xi32, #tpu.memory_space<vmem>>) target_semaphore(%run_scoped3A : memref<!tpu.dma_semaphore, #tpu.memory_space<semaphore_mem>>)
        %dma_wait3A = tpu.memref_slice %arg4[%multiple_of3A] : memref<163840xi32, #tpu.memory_space<hbm>> -> memref<192xi32, #tpu.memory_space<hbm>>
        %dma_wait3A_40 = tpu.memref_slice %arg4[%multiple_of3A] : memref<163840xi32, #tpu.memory_space<hbm>> -> memref<192xi32, #tpu.memory_space<hbm>>
        tpu.wait_dma2 semaphore(%run_scoped3A : memref<!tpu.dma_semaphore, #tpu.memory_space<semaphore_mem>>) src(%dma_wait3A_40 : memref<192xi32, #tpu.memory_space<hbm>>) dst(%arg7 : memref<192xi32, #tpu.memory_space<vmem>>)
        tpu.yield
      }) : () -> ()
      %dma_start3A = arith.constant 0 : i32
      %dma_start3A_36 = arith.constant 0 : i32
      %dma_start3A_37 = tpu.memref_slice %arg2[%dma_start3A, %dma_start3A_36] : memref<20016x128xf32, #tpu.memory_space<hbm>> -> memref<20016x128xf32, #tpu.memory_space<hbm>>
      tpu.enqueue_indirect_dma source(%dma_start3A_37 : memref<20016x128xf32, #tpu.memory_space<hbm>>) target(%arg8 : memref<192x128xf32, #tpu.memory_space<vmem>>) offsets(%arg6 : memref<192xi32, #tpu.memory_space<vmem>>) semaphore(%arg13 : memref<!tpu.dma_semaphore, #tpu.memory_space<semaphore_mem>>)
    } else {
    }
    %scan3A = arith.constant 0 : i32
    %scan3A_13 = arith.constant 0 : i32
    %scan3A_14 = arith.constant 27 : i32
    %scan3A_15 = arith.addi %scan3A_13, %scan3A_14 : i32
    %scan3A_16 = arith.constant 1 : i32
    scf.for %scan3A_29 = %scan3A_13 to %scan3A_15 step %scan3A_16  : i32 {
      %mul3A_30 = arith.constant 2 : i32
      %mul3A_31 = arith.muli %mul3A_30, %scan3A_29 : i32
      %mul3A_32 = arith.constant 2 : i32
      %mul3A_33 = arith.muli %mul3A_32, %scan3A_29 : i32
      %add3A_34 = arith.constant 1 : i32
      %add3A_35 = arith.addi %mul3A_33, %add3A_34 : i32
      %mul3A_36 = arith.constant 16 : i32
      %mul3A_37 = arith.muli %add3A_35, %mul3A_36 : i32
      %add3A_38 = arith.addi %mul3A_37, %arg1 : i32
      %lt3A_39 = arith.constant 834 : i32
      %lt3A_40 = arith.cmpi slt, %add3A_38, %lt3A_39 : i32
      %convert_element_type3A_41 = arith.extui %lt3A_40 : i1 to i32
      %cond3A_42 = arith.constant 0 : i32
      %cond3A_43 = arith.cmpi ne, %convert_element_type3A_41, %cond3A_42 : i32
      scf.if %cond3A_43 {
        %mul3A_70 = arith.constant 16 : i32
        %mul3A_71 = arith.muli %add3A_35, %mul3A_70 : i32
        %add3A_72 = arith.addi %mul3A_71, %arg1 : i32
        %mul3A_73 = arith.constant 192 : i32
        %mul3A_74 = arith.muli %add3A_72, %mul3A_73 : i32
        %multiple_of3A = tpu.assume_multiple %mul3A_74, 192 : i32
        %mul3A_75 = arith.constant 163840 : i32
        %mul3A_76 = arith.muli %arg0, %mul3A_75 : i32
        %add3A_77 = arith.addi %mul3A_76, %multiple_of3A : i32
        "tpu.region"() ({
          %run_scoped3A = tpu.sem_alloc : memref<!tpu.dma_semaphore, #tpu.memory_space<semaphore_mem>>
          %dma_start3A_80 = tpu.memref_slice %arg3[%add3A_77] : memref<327680xi32, #tpu.memory_space<hbm>> -> memref<192xi32, #tpu.memory_space<hbm>>
          %dma_start3A_81 = tpu.memref_slice %arg3[%add3A_77] : memref<327680xi32, #tpu.memory_space<hbm>> -> memref<192xi32, #tpu.memory_space<hbm>>
          tpu.enqueue_dma source(%dma_start3A_81 : memref<192xi32, #tpu.memory_space<hbm>>) target(%arg9 : memref<192xi32, #tpu.memory_space<vmem>>) target_semaphore(%run_scoped3A : memref<!tpu.dma_semaphore, #tpu.memory_space<semaphore_mem>>)
          %dma_wait3A = tpu.memref_slice %arg3[%add3A_77] : memref<327680xi32, #tpu.memory_space<hbm>> -> memref<192xi32, #tpu.memory_space<hbm>>
          %dma_wait3A_82 = tpu.memref_slice %arg3[%add3A_77] : memref<327680xi32, #tpu.memory_space<hbm>> -> memref<192xi32, #tpu.memory_space<hbm>>
          tpu.wait_dma2 semaphore(%run_scoped3A : memref<!tpu.dma_semaphore, #tpu.memory_space<semaphore_mem>>) src(%dma_wait3A_82 : memref<192xi32, #tpu.memory_space<hbm>>) dst(%arg9 : memref<192xi32, #tpu.memory_space<vmem>>)
          tpu.yield
        }) : () -> ()
        "tpu.region"() ({
          %run_scoped3A = tpu.sem_alloc : memref<!tpu.dma_semaphore, #tpu.memory_space<semaphore_mem>>
          %dma_start3A_80 = tpu.memref_slice %arg4[%multiple_of3A] : memref<163840xi32, #tpu.memory_space<hbm>> -> memref<192xi32, #tpu.memory_space<hbm>>
          %dma_start3A_81 = tpu.memref_slice %arg4[%multiple_of3A] : memref<163840xi32, #tpu.memory_space<hbm>> -> memref<192xi32, #tpu.memory_space<hbm>>
          tpu.enqueue_dma source(%dma_start3A_81 : memref<192xi32, #tpu.memory_space<hbm>>) target(%arg10 : memref<192xi32, #tpu.memory_space<vmem>>) target_semaphore(%run_scoped3A : memref<!tpu.dma_semaphore, #tpu.memory_space<semaphore_mem>>)
          %dma_wait3A = tpu.memref_slice %arg4[%multiple_of3A] : memref<163840xi32, #tpu.memory_space<hbm>> -> memref<192xi32, #tpu.memory_space<hbm>>
          %dma_wait3A_82 = tpu.memref_slice %arg4[%multiple_of3A] : memref<163840xi32, #tpu.memory_space<hbm>> -> memref<192xi32, #tpu.memory_space<hbm>>
          tpu.wait_dma2 semaphore(%run_scoped3A : memref<!tpu.dma_semaphore, #tpu.memory_space<semaphore_mem>>) src(%dma_wait3A_82 : memref<192xi32, #tpu.memory_space<hbm>>) dst(%arg10 : memref<192xi32, #tpu.memory_space<vmem>>)
          tpu.yield
        }) : () -> ()
        %dma_start3A = arith.constant 0 : i32
        %dma_start3A_78 = arith.constant 0 : i32
        %dma_start3A_79 = tpu.memref_slice %arg2[%dma_start3A, %dma_start3A_78] : memref<20016x128xf32, #tpu.memory_space<hbm>> -> memref<20016x128xf32, #tpu.memory_space<hbm>>
        tpu.enqueue_indirect_dma source(%dma_start3A_79 : memref<20016x128xf32, #tpu.memory_space<hbm>>) target(%arg11 : memref<192x128xf32, #tpu.memory_space<vmem>>) offsets(%arg9 : memref<192xi32, #tpu.memory_space<vmem>>) semaphore(%arg14 : memref<!tpu.dma_semaphore, #tpu.memory_space<semaphore_mem>>)
      } else {
      }
      %mul3A_44 = arith.constant 16 : i32
      %mul3A_45 = arith.muli %mul3A_31, %mul3A_44 : i32
      %add3A_46 = arith.addi %mul3A_45, %arg1 : i32
      %lt3A_47 = arith.constant 834 : i32
      %lt3A_48 = arith.cmpi slt, %add3A_46, %lt3A_47 : i32
      %convert_element_type3A_49 = arith.extui %lt3A_48 : i1 to i32
      %cond3A_50 = arith.constant 0 : i32
      %cond3A_51 = arith.cmpi ne, %convert_element_type3A_49, %cond3A_50 : i32
      scf.if %cond3A_51 {
        %dma_wait3A = arith.constant 0 : i32
        %dma_wait3A_70 = arith.constant 0 : i32
        %dma_wait3A_71 = tpu.memref_slice %arg2[%dma_wait3A, %dma_wait3A_70] : memref<20016x128xf32, #tpu.memory_space<hbm>> -> memref<20016x128xf32, #tpu.memory_space<hbm>>
        tpu.wait_indirect_dma semaphore(%arg13 : memref<!tpu.dma_semaphore, #tpu.memory_space<semaphore_mem>>) src(%dma_wait3A_71 : memref<20016x128xf32, #tpu.memory_space<hbm>>) dst(%arg8 : memref<192x128xf32, #tpu.memory_space<vmem>>)
        "tpu.region"() ({
          %run_scoped3A = tpu.sem_alloc : memref<!tpu.dma_semaphore, #tpu.memory_space<semaphore_mem>>
          %dma_start3A = arith.constant 0 : i32
          %dma_start3A_72 = arith.constant 0 : i32
          %dma_start3A_73 = tpu.memref_slice %arg12[%dma_start3A, %dma_start3A_72] : memref<10016x128xf32, #tpu.memory_space<vmem_shared>> -> memref<10016x128xf32, #tpu.memory_space<vmem_shared>>
          tpu.enqueue_indirect_dma source(%arg8 : memref<192x128xf32, #tpu.memory_space<vmem>>) target(%dma_start3A_73 : memref<10016x128xf32, #tpu.memory_space<vmem_shared>>) offsets(%arg7 : memref<192xi32, #tpu.memory_space<vmem>>) semaphore(%run_scoped3A : memref<!tpu.dma_semaphore, #tpu.memory_space<semaphore_mem>>) {add = true}
          %dma_wait3A_74 = arith.constant 0 : i32
          %dma_wait3A_75 = arith.constant 0 : i32
          %dma_wait3A_76 = tpu.memref_slice %arg12[%dma_wait3A_74, %dma_wait3A_75] : memref<10016x128xf32, #tpu.memory_space<vmem_shared>> -> memref<10016x128xf32, #tpu.memory_space<vmem_shared>>
          tpu.wait_indirect_dma semaphore(%run_scoped3A : memref<!tpu.dma_semaphore, #tpu.memory_space<semaphore_mem>>) src(%arg8 : memref<192x128xf32, #tpu.memory_space<vmem>>) dst(%dma_wait3A_76 : memref<10016x128xf32, #tpu.memory_space<vmem_shared>>)
          tpu.yield
        }) : () -> ()
      } else {
      }
      %add3A_52 = arith.constant 1 : i32
      %add3A_53 = arith.addi %add3A_35, %add3A_52 : i32
      %mul3A_54 = arith.constant 16 : i32
      %mul3A_55 = arith.muli %add3A_53, %mul3A_54 : i32
      %add3A_56 = arith.addi %mul3A_55, %arg1 : i32
      %lt3A_57 = arith.constant 834 : i32
      %lt3A_58 = arith.cmpi slt, %add3A_56, %lt3A_57 : i32
      %convert_element_type3A_59 = arith.extui %lt3A_58 : i1 to i32
      %cond3A_60 = arith.constant 0 : i32
      %cond3A_61 = arith.cmpi ne, %convert_element_type3A_59, %cond3A_60 : i32
      scf.if %cond3A_61 {
        %mul3A_70 = arith.constant 16 : i32
        %mul3A_71 = arith.muli %add3A_53, %mul3A_70 : i32
        %add3A_72 = arith.addi %mul3A_71, %arg1 : i32
        %mul3A_73 = arith.constant 192 : i32
        %mul3A_74 = arith.muli %add3A_72, %mul3A_73 : i32
        %multiple_of3A = tpu.assume_multiple %mul3A_74, 192 : i32
        %mul3A_75 = arith.constant 163840 : i32
        %mul3A_76 = arith.muli %arg0, %mul3A_75 : i32
        %add3A_77 = arith.addi %mul3A_76, %multiple_of3A : i32
        "tpu.region"() ({
          %run_scoped3A = tpu.sem_alloc : memref<!tpu.dma_semaphore, #tpu.memory_space<semaphore_mem>>
          %dma_start3A_80 = tpu.memref_slice %arg3[%add3A_77] : memref<327680xi32, #tpu.memory_space<hbm>> -> memref<192xi32, #tpu.memory_space<hbm>>
          %dma_start3A_81 = tpu.memref_slice %arg3[%add3A_77] : memref<327680xi32, #tpu.memory_space<hbm>> -> memref<192xi32, #tpu.memory_space<hbm>>
          tpu.enqueue_dma source(%dma_start3A_81 : memref<192xi32, #tpu.memory_space<hbm>>) target(%arg6 : memref<192xi32, #tpu.memory_space<vmem>>) target_semaphore(%run_scoped3A : memref<!tpu.dma_semaphore, #tpu.memory_space<semaphore_mem>>)
          %dma_wait3A = tpu.memref_slice %arg3[%add3A_77] : memref<327680xi32, #tpu.memory_space<hbm>> -> memref<192xi32, #tpu.memory_space<hbm>>
          %dma_wait3A_82 = tpu.memref_slice %arg3[%add3A_77] : memref<327680xi32, #tpu.memory_space<hbm>> -> memref<192xi32, #tpu.memory_space<hbm>>
          tpu.wait_dma2 semaphore(%run_scoped3A : memref<!tpu.dma_semaphore, #tpu.memory_space<semaphore_mem>>) src(%dma_wait3A_82 : memref<192xi32, #tpu.memory_space<hbm>>) dst(%arg6 : memref<192xi32, #tpu.memory_space<vmem>>)
          tpu.yield
        }) : () -> ()
        "tpu.region"() ({
          %run_scoped3A = tpu.sem_alloc : memref<!tpu.dma_semaphore, #tpu.memory_space<semaphore_mem>>
          %dma_start3A_80 = tpu.memref_slice %arg4[%multiple_of3A] : memref<163840xi32, #tpu.memory_space<hbm>> -> memref<192xi32, #tpu.memory_space<hbm>>
          %dma_start3A_81 = tpu.memref_slice %arg4[%multiple_of3A] : memref<163840xi32, #tpu.memory_space<hbm>> -> memref<192xi32, #tpu.memory_space<hbm>>
          tpu.enqueue_dma source(%dma_start3A_81 : memref<192xi32, #tpu.memory_space<hbm>>) target(%arg7 : memref<192xi32, #tpu.memory_space<vmem>>) target_semaphore(%run_scoped3A : memref<!tpu.dma_semaphore, #tpu.memory_space<semaphore_mem>>)
          %dma_wait3A = tpu.memref_slice %arg4[%multiple_of3A] : memref<163840xi32, #tpu.memory_space<hbm>> -> memref<192xi32, #tpu.memory_space<hbm>>
          %dma_wait3A_82 = tpu.memref_slice %arg4[%multiple_of3A] : memref<163840xi32, #tpu.memory_space<hbm>> -> memref<192xi32, #tpu.memory_space<hbm>>
          tpu.wait_dma2 semaphore(%run_scoped3A : memref<!tpu.dma_semaphore, #tpu.memory_space<semaphore_mem>>) src(%dma_wait3A_82 : memref<192xi32, #tpu.memory_space<hbm>>) dst(%arg7 : memref<192xi32, #tpu.memory_space<vmem>>)
          tpu.yield
        }) : () -> ()
        %dma_start3A = arith.constant 0 : i32
        %dma_start3A_78 = arith.constant 0 : i32
        %dma_start3A_79 = tpu.memref_slice %arg2[%dma_start3A, %dma_start3A_78] : memref<20016x128xf32, #tpu.memory_space<hbm>> -> memref<20016x128xf32, #tpu.memory_space<hbm>>
        tpu.enqueue_indirect_dma source(%dma_start3A_79 : memref<20016x128xf32, #tpu.memory_space<hbm>>) target(%arg8 : memref<192x128xf32, #tpu.memory_space<vmem>>) offsets(%arg6 : memref<192xi32, #tpu.memory_space<vmem>>) semaphore(%arg13 : memref<!tpu.dma_semaphore, #tpu.memory_space<semaphore_mem>>)
      } else {
      }
      %mul3A_62 = arith.constant 16 : i32
      %mul3A_63 = arith.muli %add3A_35, %mul3A_62 : i32
      %add3A_64 = arith.addi %mul3A_63, %arg1 : i32
      %lt3A_65 = arith.constant 834 : i32
      %lt3A_66 = arith.cmpi slt, %add3A_64, %lt3A_65 : i32
      %convert_element_type3A_67 = arith.extui %lt3A_66 : i1 to i32
      %cond3A_68 = arith.constant 0 : i32
      %cond3A_69 = arith.cmpi ne, %convert_element_type3A_67, %cond3A_68 : i32
      scf.if %cond3A_69 {
        %dma_wait3A = arith.constant 0 : i32
        %dma_wait3A_70 = arith.constant 0 : i32
        %dma_wait3A_71 = tpu.memref_slice %arg2[%dma_wait3A, %dma_wait3A_70] : memref<20016x128xf32, #tpu.memory_space<hbm>> -> memref<20016x128xf32, #tpu.memory_space<hbm>>
        tpu.wait_indirect_dma semaphore(%arg14 : memref<!tpu.dma_semaphore, #tpu.memory_space<semaphore_mem>>) src(%dma_wait3A_71 : memref<20016x128xf32, #tpu.memory_space<hbm>>) dst(%arg11 : memref<192x128xf32, #tpu.memory_space<vmem>>)
        "tpu.region"() ({
          %run_scoped3A = tpu.sem_alloc : memref<!tpu.dma_semaphore, #tpu.memory_space<semaphore_mem>>
          %dma_start3A = arith.constant 0 : i32
          %dma_start3A_72 = arith.constant 0 : i32
          %dma_start3A_73 = tpu.memref_slice %arg12[%dma_start3A, %dma_start3A_72] : memref<10016x128xf32, #tpu.memory_space<vmem_shared>> -> memref<10016x128xf32, #tpu.memory_space<vmem_shared>>
          tpu.enqueue_indirect_dma source(%arg11 : memref<192x128xf32, #tpu.memory_space<vmem>>) target(%dma_start3A_73 : memref<10016x128xf32, #tpu.memory_space<vmem_shared>>) offsets(%arg10 : memref<192xi32, #tpu.memory_space<vmem>>) semaphore(%run_scoped3A : memref<!tpu.dma_semaphore, #tpu.memory_space<semaphore_mem>>) {add = true}
          %dma_wait3A_74 = arith.constant 0 : i32
          %dma_wait3A_75 = arith.constant 0 : i32
          %dma_wait3A_76 = tpu.memref_slice %arg12[%dma_wait3A_74, %dma_wait3A_75] : memref<10016x128xf32, #tpu.memory_space<vmem_shared>> -> memref<10016x128xf32, #tpu.memory_space<vmem_shared>>
          tpu.wait_indirect_dma semaphore(%run_scoped3A : memref<!tpu.dma_semaphore, #tpu.memory_space<semaphore_mem>>) src(%arg11 : memref<192x128xf32, #tpu.memory_space<vmem>>) dst(%dma_wait3A_76 : memref<10016x128xf32, #tpu.memory_space<vmem_shared>>)
          tpu.yield
        }) : () -> ()
      } else {
      }
    }
    %scan3A_17 = arith.constant 27 : i32
    %barrier3A_18 = arith.constant 0 : index
    tpu.barrier barrier_id(%barrier3A_18)
    %lt3A_19 = arith.constant 15 : i32
    %lt3A_20 = arith.cmpi slt, %arg1, %lt3A_19 : i32
    %convert_element_type3A_21 = arith.extui %lt3A_20 : i1 to i32
    %cond3A_22 = arith.constant 0 : i32
    %cond3A_23 = arith.cmpi ne, %convert_element_type3A_21, %cond3A_22 : i32
    scf.if %cond3A_23 {
      %mul3A_29 = arith.constant 10000 : i32
      %mul3A_30 = arith.muli %arg0, %mul3A_29 : i32
      %add3A_31 = arith.addi %mul3A_30, %mul3A_0 : i32
      "tpu.region"() ({
        %run_scoped3A = tpu.sem_alloc : memref<!tpu.dma_semaphore, #tpu.memory_space<semaphore_mem>>
        %dma_start3A = arith.constant 0 : i32
        %dma_start3A_32 = tpu.memref_slice %arg5[%add3A_31, %dma_start3A] : memref<20000x128xf32, #tpu.memory_space<hbm>> -> memref<624x128xf32, #tpu.memory_space<hbm>>
        %dma_start3A_33 = arith.constant 0 : i32
        %dma_start3A_34 = tpu.memref_slice %arg12[%mul3A_0, %dma_start3A_33] : memref<10016x128xf32, #tpu.memory_space<vmem_shared>> -> memref<624x128xf32, #tpu.memory_space<vmem_shared>>
        tpu.enqueue_dma source(%dma_start3A_34 : memref<624x128xf32, #tpu.memory_space<vmem_shared>>) target(%dma_start3A_32 : memref<624x128xf32, #tpu.memory_space<hbm>>) target_semaphore(%run_scoped3A : memref<!tpu.dma_semaphore, #tpu.memory_space<semaphore_mem>>)
        %dma_wait3A = arith.constant 0 : i32
        %dma_wait3A_35 = tpu.memref_slice %arg5[%add3A_31, %dma_wait3A] : memref<20000x128xf32, #tpu.memory_space<hbm>> -> memref<624x128xf32, #tpu.memory_space<hbm>>
        %dma_wait3A_36 = arith.constant 0 : i32
        %dma_wait3A_37 = tpu.memref_slice %arg12[%mul3A_0, %dma_wait3A_36] : memref<10016x128xf32, #tpu.memory_space<vmem_shared>> -> memref<624x128xf32, #tpu.memory_space<vmem_shared>>
        tpu.wait_dma2 semaphore(%run_scoped3A : memref<!tpu.dma_semaphore, #tpu.memory_space<semaphore_mem>>) src(%dma_wait3A_37 : memref<624x128xf32, #tpu.memory_space<vmem_shared>>) dst(%dma_wait3A_35 : memref<624x128xf32, #tpu.memory_space<hbm>>)
        tpu.yield
      }) : () -> ()
    } else {
    }
    %eq3A_24 = arith.constant 15 : i32
    %eq3A_25 = arith.cmpi eq, %arg1, %eq3A_24 : i32
    %convert_element_type3A_26 = arith.extui %eq3A_25 : i1 to i32
    %cond3A_27 = arith.constant 0 : i32
    %cond3A_28 = arith.cmpi ne, %convert_element_type3A_26, %cond3A_27 : i32
    scf.if %cond3A_28 {
      %mul3A_29 = arith.constant 10000 : i32
      %mul3A_30 = arith.muli %arg0, %mul3A_29 : i32
      %add3A_31 = arith.addi %mul3A_30, %mul3A_0 : i32
      "tpu.region"() ({
        %run_scoped3A = tpu.sem_alloc : memref<!tpu.dma_semaphore, #tpu.memory_space<semaphore_mem>>
        %dma_start3A = arith.constant 0 : i32
        %dma_start3A_32 = tpu.memref_slice %arg5[%add3A_31, %dma_start3A] : memref<20000x128xf32, #tpu.memory_space<hbm>> -> memref<640x128xf32, #tpu.memory_space<hbm>>
        %dma_start3A_33 = arith.constant 0 : i32
        %dma_start3A_34 = tpu.memref_slice %arg12[%mul3A_0, %dma_start3A_33] : memref<10016x128xf32, #tpu.memory_space<vmem_shared>> -> memref<640x128xf32, #tpu.memory_space<vmem_shared>>
        tpu.enqueue_dma source(%dma_start3A_34 : memref<640x128xf32, #tpu.memory_space<vmem_shared>>) target(%dma_start3A_32 : memref<640x128xf32, #tpu.memory_space<hbm>>) target_semaphore(%run_scoped3A : memref<!tpu.dma_semaphore, #tpu.memory_space<semaphore_mem>>)
        %dma_wait3A = arith.constant 0 : i32
        %dma_wait3A_35 = tpu.memref_slice %arg5[%add3A_31, %dma_wait3A] : memref<20000x128xf32, #tpu.memory_space<hbm>> -> memref<640x128xf32, #tpu.memory_space<hbm>>
        %dma_wait3A_36 = arith.constant 0 : i32
        %dma_wait3A_37 = tpu.memref_slice %arg12[%mul3A_0, %dma_wait3A_36] : memref<10016x128xf32, #tpu.memory_space<vmem_shared>> -> memref<640x128xf32, #tpu.memory_space<vmem_shared>>
        tpu.wait_dma2 semaphore(%run_scoped3A : memref<!tpu.dma_semaphore, #tpu.memory_space<semaphore_mem>>) src(%dma_wait3A_37 : memref<640x128xf32, #tpu.memory_space<vmem_shared>>) dst(%dma_wait3A_35 : memref<640x128xf32, #tpu.memory_space<hbm>>)
        tpu.yield
      }) : () -> ()
    } else {
    }
    return
  }
}

#map = affine_map<(d0, d1) -> (0, 0)>
#map1 = affine_map<(d0, d1) -> (0)>
module attributes {stable_mosaic.version = 14 : i64} {
  func.func @_sc_agg_body(%arg0: i32, %arg1: i32, %arg2: memref<20016x128xf32, #tpu.memory_space<hbm>>, %arg3: memref<327680xi32, #tpu.memory_space<hbm>>, %arg4: memref<163840xi32, #tpu.memory_space<hbm>>, %arg5: memref<20000x128xf32, #tpu.memory_space<hbm>>, %arg6: memref<192xi32, #tpu.memory_space<vmem>>, %arg7: memref<192xi32, #tpu.memory_space<vmem>>, %arg8: memref<192x128xf32, #tpu.memory_space<vmem>>, %arg9: memref<192xi32, #tpu.memory_space<vmem>>, %arg10: memref<192xi32, #tpu.memory_space<vmem>>, %arg11: memref<192x128xf32, #tpu.memory_space<vmem>>, %arg12: memref<10016x128xf32, #tpu.memory_space<vmem_shared>>, %arg13: memref<!tpu.dma_semaphore, #tpu.memory_space<semaphore_mem>>, %arg14: memref<!tpu.dma_semaphore, #tpu.memory_space<semaphore_mem>>) attributes {dimension_semantics = [#tpu.dimension_semantics<core_parallel>, #tpu.dimension_semantics<subcore_parallel>], iteration_bounds = array<i64: 2, 16>, scalar_prefetch = 0 : i64, scratch_operands = 9 : i64, tpu.core_type = #tpu.core_type<sc_vector_subcore>, window_params = [{transform_indices = #map}, {transform_indices = #map1}, {transform_indices = #map1}, {transform_indices = #map}]} {
    %mul3A = arith.constant 624 : i32
    %mul3A_0 = arith.muli %arg1, %mul3A : i32
    %lt3A = arith.constant 15 : i32
    %lt3A_1 = arith.cmpi slt, %arg1, %lt3A : i32
    %convert_element_type3A = arith.extui %lt3A_1 : i1 to i32
    %cond3A = arith.constant 0 : i32
    %cond3A_2 = arith.cmpi ne, %convert_element_type3A, %cond3A : i32
    scf.if %cond3A_2 {
      %mul3A_29 = arith.constant 10000 : i32
      %mul3A_30 = arith.muli %arg0, %mul3A_29 : i32
      %add3A_31 = arith.addi %mul3A_30, %mul3A_0 : i32
      "tpu.region"() ({
        %run_scoped3A = tpu.sem_alloc : memref<!tpu.dma_semaphore, #tpu.memory_space<semaphore_mem>>
        %dma_start3A = arith.constant 0 : i32
        %dma_start3A_32 = tpu.memref_slice %arg12[%mul3A_0, %dma_start3A] : memref<10016x128xf32, #tpu.memory_space<vmem_shared>> -> memref<624x128xf32, #tpu.memory_space<vmem_shared>>
        %dma_start3A_33 = arith.constant 0 : i32
        %dma_start3A_34 = tpu.memref_slice %arg2[%add3A_31, %dma_start3A_33] : memref<20016x128xf32, #tpu.memory_space<hbm>> -> memref<624x128xf32, #tpu.memory_space<hbm>>
        tpu.enqueue_dma source(%dma_start3A_34 : memref<624x128xf32, #tpu.memory_space<hbm>>) target(%dma_start3A_32 : memref<624x128xf32, #tpu.memory_space<vmem_shared>>) target_semaphore(%run_scoped3A : memref<!tpu.dma_semaphore, #tpu.memory_space<semaphore_mem>>)
        %dma_wait3A = arith.constant 0 : i32
        %dma_wait3A_35 = tpu.memref_slice %arg12[%mul3A_0, %dma_wait3A] : memref<10016x128xf32, #tpu.memory_space<vmem_shared>> -> memref<624x128xf32, #tpu.memory_space<vmem_shared>>
        %dma_wait3A_36 = arith.constant 0 : i32
        %dma_wait3A_37 = tpu.memref_slice %arg2[%add3A_31, %dma_wait3A_36] : memref<20016x128xf32, #tpu.memory_space<hbm>> -> memref<624x128xf32, #tpu.memory_space<hbm>>
        tpu.wait_dma2 semaphore(%run_scoped3A : memref<!tpu.dma_semaphore, #tpu.memory_space<semaphore_mem>>) src(%dma_wait3A_37 : memref<624x128xf32, #tpu.memory_space<hbm>>) dst(%dma_wait3A_35 : memref<624x128xf32, #tpu.memory_space<vmem_shared>>)
        tpu.yield
      }) : () -> ()
    } else {
    }
    %eq3A = arith.constant 15 : i32
    %eq3A_3 = arith.cmpi eq, %arg1, %eq3A : i32
    %convert_element_type3A_4 = arith.extui %eq3A_3 : i1 to i32
    %cond3A_5 = arith.constant 0 : i32
    %cond3A_6 = arith.cmpi ne, %convert_element_type3A_4, %cond3A_5 : i32
    scf.if %cond3A_6 {
      %mul3A_29 = arith.constant 10000 : i32
      %mul3A_30 = arith.muli %arg0, %mul3A_29 : i32
      %add3A_31 = arith.addi %mul3A_30, %mul3A_0 : i32
      "tpu.region"() ({
        %run_scoped3A = tpu.sem_alloc : memref<!tpu.dma_semaphore, #tpu.memory_space<semaphore_mem>>
        %dma_start3A = arith.constant 0 : i32
        %dma_start3A_32 = tpu.memref_slice %arg12[%mul3A_0, %dma_start3A] : memref<10016x128xf32, #tpu.memory_space<vmem_shared>> -> memref<640x128xf32, #tpu.memory_space<vmem_shared>>
        %dma_start3A_33 = arith.constant 0 : i32
        %dma_start3A_34 = tpu.memref_slice %arg2[%add3A_31, %dma_start3A_33] : memref<20016x128xf32, #tpu.memory_space<hbm>> -> memref<640x128xf32, #tpu.memory_space<hbm>>
        tpu.enqueue_dma source(%dma_start3A_34 : memref<640x128xf32, #tpu.memory_space<hbm>>) target(%dma_start3A_32 : memref<640x128xf32, #tpu.memory_space<vmem_shared>>) target_semaphore(%run_scoped3A : memref<!tpu.dma_semaphore, #tpu.memory_space<semaphore_mem>>)
        %dma_wait3A = arith.constant 0 : i32
        %dma_wait3A_35 = tpu.memref_slice %arg12[%mul3A_0, %dma_wait3A] : memref<10016x128xf32, #tpu.memory_space<vmem_shared>> -> memref<640x128xf32, #tpu.memory_space<vmem_shared>>
        %dma_wait3A_36 = arith.constant 0 : i32
        %dma_wait3A_37 = tpu.memref_slice %arg2[%add3A_31, %dma_wait3A_36] : memref<20016x128xf32, #tpu.memory_space<hbm>> -> memref<640x128xf32, #tpu.memory_space<hbm>>
        tpu.wait_dma2 semaphore(%run_scoped3A : memref<!tpu.dma_semaphore, #tpu.memory_space<semaphore_mem>>) src(%dma_wait3A_37 : memref<640x128xf32, #tpu.memory_space<hbm>>) dst(%dma_wait3A_35 : memref<640x128xf32, #tpu.memory_space<vmem_shared>>)
        tpu.yield
      }) : () -> ()
    } else {
    }
    %barrier3A = arith.constant 0 : index
    tpu.barrier barrier_id(%barrier3A)
    %add3A = arith.constant 0 : i32
    %add3A_7 = arith.addi %add3A, %arg1 : i32
    %lt3A_8 = arith.constant 834 : i32
    %lt3A_9 = arith.cmpi slt, %add3A_7, %lt3A_8 : i32
    %convert_element_type3A_10 = arith.extui %lt3A_9 : i1 to i32
    %cond3A_11 = arith.constant 0 : i32
    %cond3A_12 = arith.cmpi ne, %convert_element_type3A_10, %cond3A_11 : i32
    scf.if %cond3A_12 {
      %add3A_29 = arith.constant 0 : i32
      %add3A_30 = arith.addi %add3A_29, %arg1 : i32
      %mul3A_31 = arith.constant 192 : i32
      %mul3A_32 = arith.muli %add3A_30, %mul3A_31 : i32
      %multiple_of3A = tpu.assume_multiple %mul3A_32, 192 : i32
      %mul3A_33 = arith.constant 163840 : i32
      %mul3A_34 = arith.muli %arg0, %mul3A_33 : i32
      %add3A_35 = arith.addi %mul3A_34, %multiple_of3A : i32
      "tpu.region"() ({
        %run_scoped3A = tpu.sem_alloc : memref<!tpu.dma_semaphore, #tpu.memory_space<semaphore_mem>>
        %dma_start3A_38 = tpu.memref_slice %arg3[%add3A_35] : memref<327680xi32, #tpu.memory_space<hbm>> -> memref<192xi32, #tpu.memory_space<hbm>>
        %dma_start3A_39 = tpu.memref_slice %arg3[%add3A_35] : memref<327680xi32, #tpu.memory_space<hbm>> -> memref<192xi32, #tpu.memory_space<hbm>>
        tpu.enqueue_dma source(%dma_start3A_39 : memref<192xi32, #tpu.memory_space<hbm>>) target(%arg6 : memref<192xi32, #tpu.memory_space<vmem>>) target_semaphore(%run_scoped3A : memref<!tpu.dma_semaphore, #tpu.memory_space<semaphore_mem>>)
        %dma_wait3A = tpu.memref_slice %arg3[%add3A_35] : memref<327680xi32, #tpu.memory_space<hbm>> -> memref<192xi32, #tpu.memory_space<hbm>>
        %dma_wait3A_40 = tpu.memref_slice %arg3[%add3A_35] : memref<327680xi32, #tpu.memory_space<hbm>> -> memref<192xi32, #tpu.memory_space<hbm>>
        tpu.wait_dma2 semaphore(%run_scoped3A : memref<!tpu.dma_semaphore, #tpu.memory_space<semaphore_mem>>) src(%dma_wait3A_40 : memref<192xi32, #tpu.memory_space<hbm>>) dst(%arg6 : memref<192xi32, #tpu.memory_space<vmem>>)
        tpu.yield
      }) : () -> ()
      "tpu.region"() ({
        %run_scoped3A = tpu.sem_alloc : memref<!tpu.dma_semaphore, #tpu.memory_space<semaphore_mem>>
        %dma_start3A_38 = tpu.memref_slice %arg4[%multiple_of3A] : memref<163840xi32, #tpu.memory_space<hbm>> -> memref<192xi32, #tpu.memory_space<hbm>>
        %dma_start3A_39 = tpu.memref_slice %arg4[%multiple_of3A] : memref<163840xi32, #tpu.memory_space<hbm>> -> memref<192xi32, #tpu.memory_space<hbm>>
        tpu.enqueue_dma source(%dma_start3A_39 : memref<192xi32, #tpu.memory_space<hbm>>) target(%arg7 : memref<192xi32, #tpu.memory_space<vmem>>) target_semaphore(%run_scoped3A : memref<!tpu.dma_semaphore, #tpu.memory_space<semaphore_mem>>)
        %dma_wait3A = tpu.memref_slice %arg4[%multiple_of3A] : memref<163840xi32, #tpu.memory_space<hbm>> -> memref<192xi32, #tpu.memory_space<hbm>>
        %dma_wait3A_40 = tpu.memref_slice %arg4[%multiple_of3A] : memref<163840xi32, #tpu.memory_space<hbm>> -> memref<192xi32, #tpu.memory_space<hbm>>
        tpu.wait_dma2 semaphore(%run_scoped3A : memref<!tpu.dma_semaphore, #tpu.memory_space<semaphore_mem>>) src(%dma_wait3A_40 : memref<192xi32, #tpu.memory_space<hbm>>) dst(%arg7 : memref<192xi32, #tpu.memory_space<vmem>>)
        tpu.yield
      }) : () -> ()
      %dma_start3A = arith.constant 0 : i32
      %dma_start3A_36 = arith.constant 0 : i32
      %dma_start3A_37 = tpu.memref_slice %arg2[%dma_start3A, %dma_start3A_36] : memref<20016x128xf32, #tpu.memory_space<hbm>> -> memref<20016x128xf32, #tpu.memory_space<hbm>>
      tpu.enqueue_indirect_dma source(%dma_start3A_37 : memref<20016x128xf32, #tpu.memory_space<hbm>>) target(%arg8 : memref<192x128xf32, #tpu.memory_space<vmem>>) offsets(%arg6 : memref<192xi32, #tpu.memory_space<vmem>>) semaphore(%arg13 : memref<!tpu.dma_semaphore, #tpu.memory_space<semaphore_mem>>)
    } else {
    }
    %scan3A = arith.constant 0 : i32
    %scan3A_13 = arith.constant 0 : i32
    %scan3A_14 = arith.constant 27 : i32
    %scan3A_15 = arith.addi %scan3A_13, %scan3A_14 : i32
    %scan3A_16 = arith.constant 1 : i32
    scf.for %scan3A_29 = %scan3A_13 to %scan3A_15 step %scan3A_16  : i32 {
      %mul3A_30 = arith.constant 2 : i32
      %mul3A_31 = arith.muli %mul3A_30, %scan3A_29 : i32
      %mul3A_32 = arith.constant 2 : i32
      %mul3A_33 = arith.muli %mul3A_32, %scan3A_29 : i32
      %add3A_34 = arith.constant 1 : i32
      %add3A_35 = arith.addi %mul3A_33, %add3A_34 : i32
      %mul3A_36 = arith.constant 16 : i32
      %mul3A_37 = arith.muli %add3A_35, %mul3A_36 : i32
      %add3A_38 = arith.addi %mul3A_37, %arg1 : i32
      %lt3A_39 = arith.constant 834 : i32
      %lt3A_40 = arith.cmpi slt, %add3A_38, %lt3A_39 : i32
      %convert_element_type3A_41 = arith.extui %lt3A_40 : i1 to i32
      %cond3A_42 = arith.constant 0 : i32
      %cond3A_43 = arith.cmpi ne, %convert_element_type3A_41, %cond3A_42 : i32
      scf.if %cond3A_43 {
        %mul3A_70 = arith.constant 16 : i32
        %mul3A_71 = arith.muli %add3A_35, %mul3A_70 : i32
        %add3A_72 = arith.addi %mul3A_71, %arg1 : i32
        %mul3A_73 = arith.constant 192 : i32
        %mul3A_74 = arith.muli %add3A_72, %mul3A_73 : i32
        %multiple_of3A = tpu.assume_multiple %mul3A_74, 192 : i32
        %mul3A_75 = arith.constant 163840 : i32
        %mul3A_76 = arith.muli %arg0, %mul3A_75 : i32
        %add3A_77 = arith.addi %mul3A_76, %multiple_of3A : i32
        "tpu.region"() ({
          %run_scoped3A = tpu.sem_alloc : memref<!tpu.dma_semaphore, #tpu.memory_space<semaphore_mem>>
          %dma_start3A_80 = tpu.memref_slice %arg3[%add3A_77] : memref<327680xi32, #tpu.memory_space<hbm>> -> memref<192xi32, #tpu.memory_space<hbm>>
          %dma_start3A_81 = tpu.memref_slice %arg3[%add3A_77] : memref<327680xi32, #tpu.memory_space<hbm>> -> memref<192xi32, #tpu.memory_space<hbm>>
          tpu.enqueue_dma source(%dma_start3A_81 : memref<192xi32, #tpu.memory_space<hbm>>) target(%arg9 : memref<192xi32, #tpu.memory_space<vmem>>) target_semaphore(%run_scoped3A : memref<!tpu.dma_semaphore, #tpu.memory_space<semaphore_mem>>)
          %dma_wait3A = tpu.memref_slice %arg3[%add3A_77] : memref<327680xi32, #tpu.memory_space<hbm>> -> memref<192xi32, #tpu.memory_space<hbm>>
          %dma_wait3A_82 = tpu.memref_slice %arg3[%add3A_77] : memref<327680xi32, #tpu.memory_space<hbm>> -> memref<192xi32, #tpu.memory_space<hbm>>
          tpu.wait_dma2 semaphore(%run_scoped3A : memref<!tpu.dma_semaphore, #tpu.memory_space<semaphore_mem>>) src(%dma_wait3A_82 : memref<192xi32, #tpu.memory_space<hbm>>) dst(%arg9 : memref<192xi32, #tpu.memory_space<vmem>>)
          tpu.yield
        }) : () -> ()
        "tpu.region"() ({
          %run_scoped3A = tpu.sem_alloc : memref<!tpu.dma_semaphore, #tpu.memory_space<semaphore_mem>>
          %dma_start3A_80 = tpu.memref_slice %arg4[%multiple_of3A] : memref<163840xi32, #tpu.memory_space<hbm>> -> memref<192xi32, #tpu.memory_space<hbm>>
          %dma_start3A_81 = tpu.memref_slice %arg4[%multiple_of3A] : memref<163840xi32, #tpu.memory_space<hbm>> -> memref<192xi32, #tpu.memory_space<hbm>>
          tpu.enqueue_dma source(%dma_start3A_81 : memref<192xi32, #tpu.memory_space<hbm>>) target(%arg10 : memref<192xi32, #tpu.memory_space<vmem>>) target_semaphore(%run_scoped3A : memref<!tpu.dma_semaphore, #tpu.memory_space<semaphore_mem>>)
          %dma_wait3A = tpu.memref_slice %arg4[%multiple_of3A] : memref<163840xi32, #tpu.memory_space<hbm>> -> memref<192xi32, #tpu.memory_space<hbm>>
          %dma_wait3A_82 = tpu.memref_slice %arg4[%multiple_of3A] : memref<163840xi32, #tpu.memory_space<hbm>> -> memref<192xi32, #tpu.memory_space<hbm>>
          tpu.wait_dma2 semaphore(%run_scoped3A : memref<!tpu.dma_semaphore, #tpu.memory_space<semaphore_mem>>) src(%dma_wait3A_82 : memref<192xi32, #tpu.memory_space<hbm>>) dst(%arg10 : memref<192xi32, #tpu.memory_space<vmem>>)
          tpu.yield
        }) : () -> ()
        %dma_start3A = arith.constant 0 : i32
        %dma_start3A_78 = arith.constant 0 : i32
        %dma_start3A_79 = tpu.memref_slice %arg2[%dma_start3A, %dma_start3A_78] : memref<20016x128xf32, #tpu.memory_space<hbm>> -> memref<20016x128xf32, #tpu.memory_space<hbm>>
        tpu.enqueue_indirect_dma source(%dma_start3A_79 : memref<20016x128xf32, #tpu.memory_space<hbm>>) target(%arg11 : memref<192x128xf32, #tpu.memory_space<vmem>>) offsets(%arg9 : memref<192xi32, #tpu.memory_space<vmem>>) semaphore(%arg14 : memref<!tpu.dma_semaphore, #tpu.memory_space<semaphore_mem>>)
      } else {
      }
      %mul3A_44 = arith.constant 16 : i32
      %mul3A_45 = arith.muli %mul3A_31, %mul3A_44 : i32
      %add3A_46 = arith.addi %mul3A_45, %arg1 : i32
      %lt3A_47 = arith.constant 834 : i32
      %lt3A_48 = arith.cmpi slt, %add3A_46, %lt3A_47 : i32
      %convert_element_type3A_49 = arith.extui %lt3A_48 : i1 to i32
      %cond3A_50 = arith.constant 0 : i32
      %cond3A_51 = arith.cmpi ne, %convert_element_type3A_49, %cond3A_50 : i32
      scf.if %cond3A_51 {
        %dma_wait3A = arith.constant 0 : i32
        %dma_wait3A_70 = arith.constant 0 : i32
        %dma_wait3A_71 = tpu.memref_slice %arg2[%dma_wait3A, %dma_wait3A_70] : memref<20016x128xf32, #tpu.memory_space<hbm>> -> memref<20016x128xf32, #tpu.memory_space<hbm>>
        tpu.wait_indirect_dma semaphore(%arg13 : memref<!tpu.dma_semaphore, #tpu.memory_space<semaphore_mem>>) src(%dma_wait3A_71 : memref<20016x128xf32, #tpu.memory_space<hbm>>) dst(%arg8 : memref<192x128xf32, #tpu.memory_space<vmem>>)
        "tpu.region"() ({
          %run_scoped3A = tpu.sem_alloc : memref<!tpu.dma_semaphore, #tpu.memory_space<semaphore_mem>>
          %dma_start3A = arith.constant 0 : i32
          %dma_start3A_72 = arith.constant 0 : i32
          %dma_start3A_73 = tpu.memref_slice %arg12[%dma_start3A, %dma_start3A_72] : memref<10016x128xf32, #tpu.memory_space<vmem_shared>> -> memref<10016x128xf32, #tpu.memory_space<vmem_shared>>
          tpu.enqueue_indirect_dma source(%arg8 : memref<192x128xf32, #tpu.memory_space<vmem>>) target(%dma_start3A_73 : memref<10016x128xf32, #tpu.memory_space<vmem_shared>>) offsets(%arg7 : memref<192xi32, #tpu.memory_space<vmem>>) semaphore(%run_scoped3A : memref<!tpu.dma_semaphore, #tpu.memory_space<semaphore_mem>>) {add = true}
          %dma_wait3A_74 = arith.constant 0 : i32
          %dma_wait3A_75 = arith.constant 0 : i32
          %dma_wait3A_76 = tpu.memref_slice %arg12[%dma_wait3A_74, %dma_wait3A_75] : memref<10016x128xf32, #tpu.memory_space<vmem_shared>> -> memref<10016x128xf32, #tpu.memory_space<vmem_shared>>
          tpu.wait_indirect_dma semaphore(%run_scoped3A : memref<!tpu.dma_semaphore, #tpu.memory_space<semaphore_mem>>) src(%arg8 : memref<192x128xf32, #tpu.memory_space<vmem>>) dst(%dma_wait3A_76 : memref<10016x128xf32, #tpu.memory_space<vmem_shared>>)
          tpu.yield
        }) : () -> ()
      } else {
      }
      %add3A_52 = arith.constant 1 : i32
      %add3A_53 = arith.addi %add3A_35, %add3A_52 : i32
      %mul3A_54 = arith.constant 16 : i32
      %mul3A_55 = arith.muli %add3A_53, %mul3A_54 : i32
      %add3A_56 = arith.addi %mul3A_55, %arg1 : i32
      %lt3A_57 = arith.constant 834 : i32
      %lt3A_58 = arith.cmpi slt, %add3A_56, %lt3A_57 : i32
      %convert_element_type3A_59 = arith.extui %lt3A_58 : i1 to i32
      %cond3A_60 = arith.constant 0 : i32
      %cond3A_61 = arith.cmpi ne, %convert_element_type3A_59, %cond3A_60 : i32
      scf.if %cond3A_61 {
        %mul3A_70 = arith.constant 16 : i32
        %mul3A_71 = arith.muli %add3A_53, %mul3A_70 : i32
        %add3A_72 = arith.addi %mul3A_71, %arg1 : i32
        %mul3A_73 = arith.constant 192 : i32
        %mul3A_74 = arith.muli %add3A_72, %mul3A_73 : i32
        %multiple_of3A = tpu.assume_multiple %mul3A_74, 192 : i32
        %mul3A_75 = arith.constant 163840 : i32
        %mul3A_76 = arith.muli %arg0, %mul3A_75 : i32
        %add3A_77 = arith.addi %mul3A_76, %multiple_of3A : i32
        "tpu.region"() ({
          %run_scoped3A = tpu.sem_alloc : memref<!tpu.dma_semaphore, #tpu.memory_space<semaphore_mem>>
          %dma_start3A_80 = tpu.memref_slice %arg3[%add3A_77] : memref<327680xi32, #tpu.memory_space<hbm>> -> memref<192xi32, #tpu.memory_space<hbm>>
          %dma_start3A_81 = tpu.memref_slice %arg3[%add3A_77] : memref<327680xi32, #tpu.memory_space<hbm>> -> memref<192xi32, #tpu.memory_space<hbm>>
          tpu.enqueue_dma source(%dma_start3A_81 : memref<192xi32, #tpu.memory_space<hbm>>) target(%arg6 : memref<192xi32, #tpu.memory_space<vmem>>) target_semaphore(%run_scoped3A : memref<!tpu.dma_semaphore, #tpu.memory_space<semaphore_mem>>)
          %dma_wait3A = tpu.memref_slice %arg3[%add3A_77] : memref<327680xi32, #tpu.memory_space<hbm>> -> memref<192xi32, #tpu.memory_space<hbm>>
          %dma_wait3A_82 = tpu.memref_slice %arg3[%add3A_77] : memref<327680xi32, #tpu.memory_space<hbm>> -> memref<192xi32, #tpu.memory_space<hbm>>
          tpu.wait_dma2 semaphore(%run_scoped3A : memref<!tpu.dma_semaphore, #tpu.memory_space<semaphore_mem>>) src(%dma_wait3A_82 : memref<192xi32, #tpu.memory_space<hbm>>) dst(%arg6 : memref<192xi32, #tpu.memory_space<vmem>>)
          tpu.yield
        }) : () -> ()
        "tpu.region"() ({
          %run_scoped3A = tpu.sem_alloc : memref<!tpu.dma_semaphore, #tpu.memory_space<semaphore_mem>>
          %dma_start3A_80 = tpu.memref_slice %arg4[%multiple_of3A] : memref<163840xi32, #tpu.memory_space<hbm>> -> memref<192xi32, #tpu.memory_space<hbm>>
          %dma_start3A_81 = tpu.memref_slice %arg4[%multiple_of3A] : memref<163840xi32, #tpu.memory_space<hbm>> -> memref<192xi32, #tpu.memory_space<hbm>>
          tpu.enqueue_dma source(%dma_start3A_81 : memref<192xi32, #tpu.memory_space<hbm>>) target(%arg7 : memref<192xi32, #tpu.memory_space<vmem>>) target_semaphore(%run_scoped3A : memref<!tpu.dma_semaphore, #tpu.memory_space<semaphore_mem>>)
          %dma_wait3A = tpu.memref_slice %arg4[%multiple_of3A] : memref<163840xi32, #tpu.memory_space<hbm>> -> memref<192xi32, #tpu.memory_space<hbm>>
          %dma_wait3A_82 = tpu.memref_slice %arg4[%multiple_of3A] : memref<163840xi32, #tpu.memory_space<hbm>> -> memref<192xi32, #tpu.memory_space<hbm>>
          tpu.wait_dma2 semaphore(%run_scoped3A : memref<!tpu.dma_semaphore, #tpu.memory_space<semaphore_mem>>) src(%dma_wait3A_82 : memref<192xi32, #tpu.memory_space<hbm>>) dst(%arg7 : memref<192xi32, #tpu.memory_space<vmem>>)
          tpu.yield
        }) : () -> ()
        %dma_start3A = arith.constant 0 : i32
        %dma_start3A_78 = arith.constant 0 : i32
        %dma_start3A_79 = tpu.memref_slice %arg2[%dma_start3A, %dma_start3A_78] : memref<20016x128xf32, #tpu.memory_space<hbm>> -> memref<20016x128xf32, #tpu.memory_space<hbm>>
        tpu.enqueue_indirect_dma source(%dma_start3A_79 : memref<20016x128xf32, #tpu.memory_space<hbm>>) target(%arg8 : memref<192x128xf32, #tpu.memory_space<vmem>>) offsets(%arg6 : memref<192xi32, #tpu.memory_space<vmem>>) semaphore(%arg13 : memref<!tpu.dma_semaphore, #tpu.memory_space<semaphore_mem>>)
      } else {
      }
      %mul3A_62 = arith.constant 16 : i32
      %mul3A_63 = arith.muli %add3A_35, %mul3A_62 : i32
      %add3A_64 = arith.addi %mul3A_63, %arg1 : i32
      %lt3A_65 = arith.constant 834 : i32
      %lt3A_66 = arith.cmpi slt, %add3A_64, %lt3A_65 : i32
      %convert_element_type3A_67 = arith.extui %lt3A_66 : i1 to i32
      %cond3A_68 = arith.constant 0 : i32
      %cond3A_69 = arith.cmpi ne, %convert_element_type3A_67, %cond3A_68 : i32
      scf.if %cond3A_69 {
        %dma_wait3A = arith.constant 0 : i32
        %dma_wait3A_70 = arith.constant 0 : i32
        %dma_wait3A_71 = tpu.memref_slice %arg2[%dma_wait3A, %dma_wait3A_70] : memref<20016x128xf32, #tpu.memory_space<hbm>> -> memref<20016x128xf32, #tpu.memory_space<hbm>>
        tpu.wait_indirect_dma semaphore(%arg14 : memref<!tpu.dma_semaphore, #tpu.memory_space<semaphore_mem>>) src(%dma_wait3A_71 : memref<20016x128xf32, #tpu.memory_space<hbm>>) dst(%arg11 : memref<192x128xf32, #tpu.memory_space<vmem>>)
        "tpu.region"() ({
          %run_scoped3A = tpu.sem_alloc : memref<!tpu.dma_semaphore, #tpu.memory_space<semaphore_mem>>
          %dma_start3A = arith.constant 0 : i32
          %dma_start3A_72 = arith.constant 0 : i32
          %dma_start3A_73 = tpu.memref_slice %arg12[%dma_start3A, %dma_start3A_72] : memref<10016x128xf32, #tpu.memory_space<vmem_shared>> -> memref<10016x128xf32, #tpu.memory_space<vmem_shared>>
          tpu.enqueue_indirect_dma source(%arg11 : memref<192x128xf32, #tpu.memory_space<vmem>>) target(%dma_start3A_73 : memref<10016x128xf32, #tpu.memory_space<vmem_shared>>) offsets(%arg10 : memref<192xi32, #tpu.memory_space<vmem>>) semaphore(%run_scoped3A : memref<!tpu.dma_semaphore, #tpu.memory_space<semaphore_mem>>) {add = true}
          %dma_wait3A_74 = arith.constant 0 : i32
          %dma_wait3A_75 = arith.constant 0 : i32
          %dma_wait3A_76 = tpu.memref_slice %arg12[%dma_wait3A_74, %dma_wait3A_75] : memref<10016x128xf32, #tpu.memory_space<vmem_shared>> -> memref<10016x128xf32, #tpu.memory_space<vmem_shared>>
          tpu.wait_indirect_dma semaphore(%run_scoped3A : memref<!tpu.dma_semaphore, #tpu.memory_space<semaphore_mem>>) src(%arg11 : memref<192x128xf32, #tpu.memory_space<vmem>>) dst(%dma_wait3A_76 : memref<10016x128xf32, #tpu.memory_space<vmem_shared>>)
          tpu.yield
        }) : () -> ()
      } else {
      }
    }
    %scan3A_17 = arith.constant 27 : i32
    %barrier3A_18 = arith.constant 0 : index
    tpu.barrier barrier_id(%barrier3A_18)
    %lt3A_19 = arith.constant 15 : i32
    %lt3A_20 = arith.cmpi slt, %arg1, %lt3A_19 : i32
    %convert_element_type3A_21 = arith.extui %lt3A_20 : i1 to i32
    %cond3A_22 = arith.constant 0 : i32
    %cond3A_23 = arith.cmpi ne, %convert_element_type3A_21, %cond3A_22 : i32
    scf.if %cond3A_23 {
      %mul3A_29 = arith.constant 10000 : i32
      %mul3A_30 = arith.muli %arg0, %mul3A_29 : i32
      %add3A_31 = arith.addi %mul3A_30, %mul3A_0 : i32
      "tpu.region"() ({
        %run_scoped3A = tpu.sem_alloc : memref<!tpu.dma_semaphore, #tpu.memory_space<semaphore_mem>>
        %dma_start3A = arith.constant 0 : i32
        %dma_start3A_32 = tpu.memref_slice %arg5[%add3A_31, %dma_start3A] : memref<20000x128xf32, #tpu.memory_space<hbm>> -> memref<624x128xf32, #tpu.memory_space<hbm>>
        %dma_start3A_33 = arith.constant 0 : i32
        %dma_start3A_34 = tpu.memref_slice %arg12[%mul3A_0, %dma_start3A_33] : memref<10016x128xf32, #tpu.memory_space<vmem_shared>> -> memref<624x128xf32, #tpu.memory_space<vmem_shared>>
        tpu.enqueue_dma source(%dma_start3A_34 : memref<624x128xf32, #tpu.memory_space<vmem_shared>>) target(%dma_start3A_32 : memref<624x128xf32, #tpu.memory_space<hbm>>) target_semaphore(%run_scoped3A : memref<!tpu.dma_semaphore, #tpu.memory_space<semaphore_mem>>)
        %dma_wait3A = arith.constant 0 : i32
        %dma_wait3A_35 = tpu.memref_slice %arg5[%add3A_31, %dma_wait3A] : memref<20000x128xf32, #tpu.memory_space<hbm>> -> memref<624x128xf32, #tpu.memory_space<hbm>>
        %dma_wait3A_36 = arith.constant 0 : i32
        %dma_wait3A_37 = tpu.memref_slice %arg12[%mul3A_0, %dma_wait3A_36] : memref<10016x128xf32, #tpu.memory_space<vmem_shared>> -> memref<624x128xf32, #tpu.memory_space<vmem_shared>>
        tpu.wait_dma2 semaphore(%run_scoped3A : memref<!tpu.dma_semaphore, #tpu.memory_space<semaphore_mem>>) src(%dma_wait3A_37 : memref<624x128xf32, #tpu.memory_space<vmem_shared>>) dst(%dma_wait3A_35 : memref<624x128xf32, #tpu.memory_space<hbm>>)
        tpu.yield
      }) : () -> ()
    } else {
    }
    %eq3A_24 = arith.constant 15 : i32
    %eq3A_25 = arith.cmpi eq, %arg1, %eq3A_24 : i32
    %convert_element_type3A_26 = arith.extui %eq3A_25 : i1 to i32
    %cond3A_27 = arith.constant 0 : i32
    %cond3A_28 = arith.cmpi ne, %convert_element_type3A_26, %cond3A_27 : i32
    scf.if %cond3A_28 {
      %mul3A_29 = arith.constant 10000 : i32
      %mul3A_30 = arith.muli %arg0, %mul3A_29 : i32
      %add3A_31 = arith.addi %mul3A_30, %mul3A_0 : i32
      "tpu.region"() ({
        %run_scoped3A = tpu.sem_alloc : memref<!tpu.dma_semaphore, #tpu.memory_space<semaphore_mem>>
        %dma_start3A = arith.constant 0 : i32
        %dma_start3A_32 = tpu.memref_slice %arg5[%add3A_31, %dma_start3A] : memref<20000x128xf32, #tpu.memory_space<hbm>> -> memref<640x128xf32, #tpu.memory_space<hbm>>
        %dma_start3A_33 = arith.constant 0 : i32
        %dma_start3A_34 = tpu.memref_slice %arg12[%mul3A_0, %dma_start3A_33] : memref<10016x128xf32, #tpu.memory_space<vmem_shared>> -> memref<640x128xf32, #tpu.memory_space<vmem_shared>>
        tpu.enqueue_dma source(%dma_start3A_34 : memref<640x128xf32, #tpu.memory_space<vmem_shared>>) target(%dma_start3A_32 : memref<640x128xf32, #tpu.memory_space<hbm>>) target_semaphore(%run_scoped3A : memref<!tpu.dma_semaphore, #tpu.memory_space<semaphore_mem>>)
        %dma_wait3A = arith.constant 0 : i32
        %dma_wait3A_35 = tpu.memref_slice %arg5[%add3A_31, %dma_wait3A] : memref<20000x128xf32, #tpu.memory_space<hbm>> -> memref<640x128xf32, #tpu.memory_space<hbm>>
        %dma_wait3A_36 = arith.constant 0 : i32
        %dma_wait3A_37 = tpu.memref_slice %arg12[%mul3A_0, %dma_wait3A_36] : memref<10016x128xf32, #tpu.memory_space<vmem_shared>> -> memref<640x128xf32, #tpu.memory_space<vmem_shared>>
        tpu.wait_dma2 semaphore(%run_scoped3A : memref<!tpu.dma_semaphore, #tpu.memory_space<semaphore_mem>>) src(%dma_wait3A_37 : memref<640x128xf32, #tpu.memory_space<vmem_shared>>) dst(%dma_wait3A_35 : memref<640x128xf32, #tpu.memory_space<hbm>>)
        tpu.yield
      }) : () -> ()
    } else {
    }
    return
  }
}

module attributes {stable_mosaic.version = 14 : i64} {
  func.func @_tc_enc_body(%arg0: memref<10000x256xf32, #tpu.memory_space<vmem>>, %arg1: memref<256x256xf32, #tpu.memory_space<vmem>>, %arg2: memref<20000x128xf32, #tpu.memory_space<vmem>>, %arg3: memref<20016x128xf32, #tpu.memory_space<vmem>>, %arg4: memref<10000x1xf32, #tpu.memory_space<vmem>>) attributes {dimension_semantics = [], scalar_prefetch = 0 : i64, scratch_operands = 0 : i64, tpu.core_type = #tpu.core_type<tc>} {
    %get3A = arith.constant 0 : index
    %get3A_0 = arith.constant 0 : index
    %get3A_1 = vector.load %arg2[%get3A, %get3A_0] : memref<20000x128xf32, #tpu.memory_space<vmem>>, vector<10000x1xf32>
    %get3A_2 = arith.constant 10000 : index
    %get3A_3 = arith.constant 0 : index
    %get3A_4 = vector.load %arg2[%get3A_2, %get3A_3] : memref<20000x128xf32, #tpu.memory_space<vmem>>, vector<10000x1xf32>
    %add3A = arith.addf %get3A_1, %get3A_4 : vector<10000x1xf32>
    %add3A_5 = arith.constant 1.000000e+00 : f32
    %add3A_6 = vector.broadcast %add3A_5 : f32 to vector<10000x1xf32>
    %add3A_7 = arith.addf %add3A, %add3A_6 : vector<10000x1xf32>
    %rsqrt3A = math.rsqrt %add3A_7 : vector<10000x1xf32>
    %swap3A = arith.constant 0 : index
    %swap3A_8 = arith.constant 0 : index
    %swap3A_9 = vector.load %arg4[%swap3A, %swap3A_8] : memref<10000x1xf32, #tpu.memory_space<vmem>>, vector<10000x1xf32>
    tpu.vector_store %arg4[%swap3A, %swap3A_8], %rsqrt3A {strides = array<i32>} : memref<10000x1xf32, #tpu.memory_space<vmem>>, vector<10000x1xf32>,
    %get3A_10 = arith.constant 0 : index
    %get3A_11 = arith.constant 0 : index
    %get3A_12 = vector.load %arg0[%get3A_10, %get3A_11] : memref<10000x256xf32, #tpu.memory_space<vmem>>, vector<10000x256xf32>
    %get3A_13 = arith.constant 0 : index
    %get3A_14 = arith.constant 0 : index
    %get3A_15 = vector.load %arg1[%get3A_13, %get3A_14] : memref<256x256xf32, #tpu.memory_space<vmem>>, vector<256x256xf32>
    %dot_general3A = arith.constant dense<0.000000e+00> : vector<10000x256xf32>
    %dot_general3A_16 = tpu.matmul %get3A_12, %get3A_15, %dot_general3A {dimension_numbers = #tpu.dot_dimension_numbers<[1], [0], [0], [1], [0, 0, 1, 1], [], []>, transpose_lhs_hint = false} : vector<10000x256xf32>, vector<256x256xf32>, vector<10000x256xf32> -> vector<10000x256xf32>
    %mul3A = vector.broadcast %rsqrt3A : vector<10000x1xf32> to vector<10000x256xf32>
    %mul3A_17 = arith.mulf %dot_general3A_16, %mul3A : vector<10000x256xf32>
    %slice3A = vector.extract_strided_slice %mul3A_17 {offsets = [0, 0], sizes = [10000, 128], strides = [1, 1]} : vector<10000x256xf32> to vector<10000x128xf32>
    %swap3A_18 = arith.constant 0 : index
    %swap3A_19 = arith.constant 0 : index
    %swap3A_20 = vector.load %arg3[%swap3A_18, %swap3A_19] : memref<20016x128xf32, #tpu.memory_space<vmem>>, vector<10000x128xf32>
    tpu.vector_store %arg3[%swap3A_18, %swap3A_19], %slice3A {strides = array<i32>} : memref<20016x128xf32, #tpu.memory_space<vmem>>, vector<10000x128xf32>,
    %slice3A_21 = vector.extract_strided_slice %mul3A_17 {offsets = [0, 128], sizes = [10000, 128], strides = [1, 1]} : vector<10000x256xf32> to vector<10000x128xf32>
    %swap3A_22 = arith.constant 10000 : index
    %swap3A_23 = arith.constant 0 : index
    %swap3A_24 = vector.load %arg3[%swap3A_22, %swap3A_23] : memref<20016x128xf32, #tpu.memory_space<vmem>>, vector<10000x128xf32>
    tpu.vector_store %arg3[%swap3A_22, %swap3A_23], %slice3A_21 {strides = array<i32>} : memref<20016x128xf32, #tpu.memory_space<vmem>>, vector<10000x128xf32>,
    %broadcast_in_dim3A = arith.constant 0.000000e+00 : f32
    %broadcast_in_dim3A_25 = vector.broadcast %broadcast_in_dim3A : f32 to vector<16x128xf32>
    %swap3A_26 = arith.constant 20000 : index
    %swap3A_27 = arith.constant 0 : index
    %swap3A_28 = vector.load %arg3[%swap3A_26, %swap3A_27] : memref<20016x128xf32, #tpu.memory_space<vmem>>, vector<16x128xf32>
    tpu.vector_store %arg3[%swap3A_26, %swap3A_27], %broadcast_in_dim3A_25 {strides = array<i32>} : memref<20016x128xf32, #tpu.memory_space<vmem>>, vector<16x128xf32>,
    return
  }
}

module attributes {stable_mosaic.version = 14 : i64} {
  func.func @_tc_mid_body(%arg0: memref<20000x128xf32, #tpu.memory_space<vmem>>, %arg1: memref<10000x1xf32, #tpu.memory_space<vmem>>, %arg2: memref<1x256xf32, #tpu.memory_space<vmem>>, %arg3: memref<256x256xf32, #tpu.memory_space<vmem>>, %arg4: memref<1x256xf32, #tpu.memory_space<vmem>>, %arg5: memref<1x256xf32, #tpu.memory_space<vmem>>, %arg6: memref<20016x128xf32, #tpu.memory_space<vmem>>) attributes {dimension_semantics = [], scalar_prefetch = 0 : i64, scratch_operands = 0 : i64, tpu.core_type = #tpu.core_type<tc>} {
    %get3A = arith.constant 0 : index
    %get3A_0 = arith.constant 0 : index
    %get3A_1 = vector.load %arg1[%get3A, %get3A_0] : memref<10000x1xf32, #tpu.memory_space<vmem>>, vector<10000x1xf32>
    %get3A_2 = arith.constant 0 : index
    %get3A_3 = arith.constant 0 : index
    %get3A_4 = vector.load %arg0[%get3A_2, %get3A_3] : memref<20000x128xf32, #tpu.memory_space<vmem>>, vector<10000x128xf32>
    %get3A_5 = arith.constant 10000 : index
    %get3A_6 = arith.constant 0 : index
    %get3A_7 = vector.load %arg0[%get3A_5, %get3A_6] : memref<20000x128xf32, #tpu.memory_space<vmem>>, vector<10000x128xf32>
    %concatenate3A = tpu.concatenate %get3A_4, %get3A_7 in 1 : vector<10000x128xf32>, vector<10000x128xf32> -> vector<10000x256xf32>
    %mul3A = vector.broadcast %get3A_1 : vector<10000x1xf32> to vector<10000x256xf32>
    %mul3A_8 = arith.mulf %concatenate3A, %mul3A : vector<10000x256xf32>
    %get3A_9 = arith.constant 0 : index
    %get3A_10 = arith.constant 0 : index
    %get3A_11 = vector.load %arg2[%get3A_9, %get3A_10] : memref<1x256xf32, #tpu.memory_space<vmem>>, vector<1x256xf32>
    %add3A = vector.broadcast %get3A_11 : vector<1x256xf32> to vector<10000x256xf32>
    %add3A_12 = arith.addf %mul3A_8, %add3A : vector<10000x256xf32>
    %get3A_13 = arith.constant 0 : index
    %get3A_14 = arith.constant 0 : index
    %get3A_15 = vector.load %arg3[%get3A_13, %get3A_14] : memref<256x256xf32, #tpu.memory_space<vmem>>, vector<256x256xf32>
    %dot_general3A = arith.constant dense<0.000000e+00> : vector<10000x256xf32>
    %dot_general3A_16 = tpu.matmul %add3A_12, %get3A_15, %dot_general3A {dimension_numbers = #tpu.dot_dimension_numbers<[1], [0], [0], [1], [0, 0, 1, 1], [], []>, transpose_lhs_hint = false} : vector<10000x256xf32>, vector<256x256xf32>, vector<10000x256xf32> -> vector<10000x256xf32>
    %mul3A_17 = vector.broadcast %get3A_1 : vector<10000x1xf32> to vector<10000x256xf32>
    %mul3A_18 = arith.mulf %dot_general3A_16, %mul3A_17 : vector<10000x256xf32>
    %slice3A = vector.extract_strided_slice %mul3A_18 {offsets = [0, 0], sizes = [10000, 128], strides = [1, 1]} : vector<10000x256xf32> to vector<10000x128xf32>
    %swap3A = arith.constant 0 : index
    %swap3A_19 = arith.constant 0 : index
    %swap3A_20 = vector.load %arg6[%swap3A, %swap3A_19] : memref<20016x128xf32, #tpu.memory_space<vmem>>, vector<10000x128xf32>
    tpu.vector_store %arg6[%swap3A, %swap3A_19], %slice3A {strides = array<i32>} : memref<20016x128xf32, #tpu.memory_space<vmem>>, vector<10000x128xf32>,
    %slice3A_21 = vector.extract_strided_slice %mul3A_18 {offsets = [0, 128], sizes = [10000, 128], strides = [1, 1]} : vector<10000x256xf32> to vector<10000x128xf32>
    %swap3A_22 = arith.constant 10000 : index
    %swap3A_23 = arith.constant 0 : index
    %swap3A_24 = vector.load %arg6[%swap3A_22, %swap3A_23] : memref<20016x128xf32, #tpu.memory_space<vmem>>, vector<10000x128xf32>
    tpu.vector_store %arg6[%swap3A_22, %swap3A_23], %slice3A_21 {strides = array<i32>} : memref<20016x128xf32, #tpu.memory_space<vmem>>, vector<10000x128xf32>,
    %broadcast_in_dim3A = arith.constant 0.000000e+00 : f32
    %broadcast_in_dim3A_25 = vector.broadcast %broadcast_in_dim3A : f32 to vector<16x128xf32>
    %swap3A_26 = arith.constant 20000 : index
    %swap3A_27 = arith.constant 0 : index
    %swap3A_28 = vector.load %arg6[%swap3A_26, %swap3A_27] : memref<20016x128xf32, #tpu.memory_space<vmem>>, vector<16x128xf32>
    tpu.vector_store %arg6[%swap3A_26, %swap3A_27], %broadcast_in_dim3A_25 {strides = array<i32>} : memref<20016x128xf32, #tpu.memory_space<vmem>>, vector<16x128xf32>,
    return
  }
}

module attributes {stable_mosaic.version = 14 : i64} {
  func.func @_tc_mid_body(%arg0: memref<20000x128xf32, #tpu.memory_space<vmem>>, %arg1: memref<10000x1xf32, #tpu.memory_space<vmem>>, %arg2: memref<1x256xf32, #tpu.memory_space<vmem>>, %arg3: memref<256x256xf32, #tpu.memory_space<vmem>>, %arg4: memref<1x256xf32, #tpu.memory_space<vmem>>, %arg5: memref<1x256xf32, #tpu.memory_space<vmem>>, %arg6: memref<20016x128xf32, #tpu.memory_space<vmem>>) attributes {dimension_semantics = [], scalar_prefetch = 0 : i64, scratch_operands = 0 : i64, tpu.core_type = #tpu.core_type<tc>} {
    %get3A = arith.constant 0 : index
    %get3A_0 = arith.constant 0 : index
    %get3A_1 = vector.load %arg1[%get3A, %get3A_0] : memref<10000x1xf32, #tpu.memory_space<vmem>>, vector<10000x1xf32>
    %get3A_2 = arith.constant 0 : index
    %get3A_3 = arith.constant 0 : index
    %get3A_4 = vector.load %arg0[%get3A_2, %get3A_3] : memref<20000x128xf32, #tpu.memory_space<vmem>>, vector<10000x128xf32>
    %get3A_5 = arith.constant 10000 : index
    %get3A_6 = arith.constant 0 : index
    %get3A_7 = vector.load %arg0[%get3A_5, %get3A_6] : memref<20000x128xf32, #tpu.memory_space<vmem>>, vector<10000x128xf32>
    %concatenate3A = tpu.concatenate %get3A_4, %get3A_7 in 1 : vector<10000x128xf32>, vector<10000x128xf32> -> vector<10000x256xf32>
    %mul3A = vector.broadcast %get3A_1 : vector<10000x1xf32> to vector<10000x256xf32>
    %mul3A_8 = arith.mulf %concatenate3A, %mul3A : vector<10000x256xf32>
    %get3A_9 = arith.constant 0 : index
    %get3A_10 = arith.constant 0 : index
    %get3A_11 = vector.load %arg2[%get3A_9, %get3A_10] : memref<1x256xf32, #tpu.memory_space<vmem>>, vector<1x256xf32>
    %add3A = vector.broadcast %get3A_11 : vector<1x256xf32> to vector<10000x256xf32>
    %add3A_12 = arith.addf %mul3A_8, %add3A : vector<10000x256xf32>
    %reduce_sum3A = arith.constant dense<0.000000e+00> : vector<256xf32>
    %reduce_sum3A_13 = vector.multi_reduction <add>, %add3A_12, %reduce_sum3A [0] : vector<10000x256xf32> to vector<256xf32>
    %broadcast_in_dim3A = vector.shape_cast %reduce_sum3A_13 : vector<256xf32> to vector<1x256xf32>
    %div3A = arith.constant 1.000000e+04 : f32
    %div3A_14 = vector.broadcast %div3A : f32 to vector<1x256xf32>
    %div3A_15 = arith.divf %broadcast_in_dim3A, %div3A_14 : vector<1x256xf32>
    %sub3A = vector.broadcast %div3A_15 : vector<1x256xf32> to vector<10000x256xf32>
    %sub3A_16 = arith.subf %add3A_12, %sub3A : vector<10000x256xf32>
    %integer_pow3A = arith.mulf %sub3A_16, %sub3A_16 : vector<10000x256xf32>
    %reduce_sum3A_17 = arith.constant dense<0.000000e+00> : vector<256xf32>
    %reduce_sum3A_18 = vector.multi_reduction <add>, %integer_pow3A, %reduce_sum3A_17 [0] : vector<10000x256xf32> to vector<256xf32>
    %broadcast_in_dim3A_19 = vector.shape_cast %reduce_sum3A_18 : vector<256xf32> to vector<1x256xf32>
    %div3A_20 = arith.constant 1.000000e+04 : f32
    %div3A_21 = vector.broadcast %div3A_20 : f32 to vector<1x256xf32>
    %div3A_22 = arith.divf %broadcast_in_dim3A_19, %div3A_21 : vector<1x256xf32>
    %sub3A_23 = vector.broadcast %div3A_15 : vector<1x256xf32> to vector<10000x256xf32>
    %sub3A_24 = arith.subf %add3A_12, %sub3A_23 : vector<10000x256xf32>
    %add3A_25 = arith.constant 9.99999974E-6 : f32
    %add3A_26 = vector.broadcast %add3A_25 : f32 to vector<1x256xf32>
    %add3A_27 = arith.addf %div3A_22, %add3A_26 : vector<1x256xf32>
    %rsqrt3A = math.rsqrt %add3A_27 : vector<1x256xf32>
    %mul3A_28 = vector.broadcast %rsqrt3A : vector<1x256xf32> to vector<10000x256xf32>
    %mul3A_29 = arith.mulf %sub3A_24, %mul3A_28 : vector<10000x256xf32>
    %get3A_30 = arith.constant 0 : index
    %get3A_31 = arith.constant 0 : index
    %get3A_32 = vector.load %arg4[%get3A_30, %get3A_31] : memref<1x256xf32, #tpu.memory_space<vmem>>, vector<1x256xf32>
    %mul3A_33 = vector.broadcast %get3A_32 : vector<1x256xf32> to vector<10000x256xf32>
    %mul3A_34 = arith.mulf %mul3A_29, %mul3A_33 : vector<10000x256xf32>
    %get3A_35 = arith.constant 0 : index
    %get3A_36 = arith.constant 0 : index
    %get3A_37 = vector.load %arg5[%get3A_35, %get3A_36] : memref<1x256xf32, #tpu.memory_space<vmem>>, vector<1x256xf32>
    %add3A_38 = vector.broadcast %get3A_37 : vector<1x256xf32> to vector<10000x256xf32>
    %add3A_39 = arith.addf %mul3A_34, %add3A_38 : vector<10000x256xf32>
    %max3A = arith.constant 0.000000e+00 : f32
    %max3A_40 = vector.broadcast %max3A : f32 to vector<10000x256xf32>
    %max3A_41 = arith.maximumf %add3A_39, %max3A_40 : vector<10000x256xf32>
    %get3A_42 = arith.constant 0 : index
    %get3A_43 = arith.constant 0 : index
    %get3A_44 = vector.load %arg3[%get3A_42, %get3A_43] : memref<256x256xf32, #tpu.memory_space<vmem>>, vector<256x256xf32>
    %dot_general3A = arith.constant dense<0.000000e+00> : vector<10000x256xf32>
    %dot_general3A_45 = tpu.matmul %max3A_41, %get3A_44, %dot_general3A {dimension_numbers = #tpu.dot_dimension_numbers<[1], [0], [0], [1], [0, 0, 1, 1], [], []>, transpose_lhs_hint = false} : vector<10000x256xf32>, vector<256x256xf32>, vector<10000x256xf32> -> vector<10000x256xf32>
    %mul3A_46 = vector.broadcast %get3A_1 : vector<10000x1xf32> to vector<10000x256xf32>
    %mul3A_47 = arith.mulf %dot_general3A_45, %mul3A_46 : vector<10000x256xf32>
    %slice3A = vector.extract_strided_slice %mul3A_47 {offsets = [0, 0], sizes = [10000, 128], strides = [1, 1]} : vector<10000x256xf32> to vector<10000x128xf32>
    %swap3A = arith.constant 0 : index
    %swap3A_48 = arith.constant 0 : index
    %swap3A_49 = vector.load %arg6[%swap3A, %swap3A_48] : memref<20016x128xf32, #tpu.memory_space<vmem>>, vector<10000x128xf32>
    tpu.vector_store %arg6[%swap3A, %swap3A_48], %slice3A {strides = array<i32>} : memref<20016x128xf32, #tpu.memory_space<vmem>>, vector<10000x128xf32>,
    %slice3A_50 = vector.extract_strided_slice %mul3A_47 {offsets = [0, 128], sizes = [10000, 128], strides = [1, 1]} : vector<10000x256xf32> to vector<10000x128xf32>
    %swap3A_51 = arith.constant 10000 : index
    %swap3A_52 = arith.constant 0 : index
    %swap3A_53 = vector.load %arg6[%swap3A_51, %swap3A_52] : memref<20016x128xf32, #tpu.memory_space<vmem>>, vector<10000x128xf32>
    tpu.vector_store %arg6[%swap3A_51, %swap3A_52], %slice3A_50 {strides = array<i32>} : memref<20016x128xf32, #tpu.memory_space<vmem>>, vector<10000x128xf32>,
    %broadcast_in_dim3A_54 = arith.constant 0.000000e+00 : f32
    %broadcast_in_dim3A_55 = vector.broadcast %broadcast_in_dim3A_54 : f32 to vector<16x128xf32>
    %swap3A_56 = arith.constant 20000 : index
    %swap3A_57 = arith.constant 0 : index
    %swap3A_58 = vector.load %arg6[%swap3A_56, %swap3A_57] : memref<20016x128xf32, #tpu.memory_space<vmem>>, vector<16x128xf32>
    tpu.vector_store %arg6[%swap3A_56, %swap3A_57], %broadcast_in_dim3A_55 {strides = array<i32>} : memref<20016x128xf32, #tpu.memory_space<vmem>>, vector<16x128xf32>,
    return
  }
}

module attributes {stable_mosaic.version = 14 : i64} {
  func.func @_tc_fin_body(%arg0: memref<20000x128xf32, #tpu.memory_space<vmem>>, %arg1: memref<10000x1xf32, #tpu.memory_space<vmem>>, %arg2: memref<1x256xf32, #tpu.memory_space<vmem>>, %arg3: memref<10000x1xi32, #tpu.memory_space<vmem>>, %arg4: memref<256x64xf32, #tpu.memory_space<vmem>>, %arg5: memref<1x64xf32, #tpu.memory_space<vmem>>, %arg6: memref<16x64xf32, #tpu.memory_space<vmem>>) attributes {dimension_semantics = [], scalar_prefetch = 0 : i64, scratch_operands = 0 : i64, tpu.core_type = #tpu.core_type<tc>} {
    %get3A = arith.constant 0 : index
    %get3A_0 = arith.constant 0 : index
    %get3A_1 = vector.load %arg1[%get3A, %get3A_0] : memref<10000x1xf32, #tpu.memory_space<vmem>>, vector<10000x1xf32>
    %get3A_2 = arith.constant 0 : index
    %get3A_3 = arith.constant 0 : index
    %get3A_4 = vector.load %arg0[%get3A_2, %get3A_3] : memref<20000x128xf32, #tpu.memory_space<vmem>>, vector<10000x128xf32>
    %get3A_5 = arith.constant 10000 : index
    %get3A_6 = arith.constant 0 : index
    %get3A_7 = vector.load %arg0[%get3A_5, %get3A_6] : memref<20000x128xf32, #tpu.memory_space<vmem>>, vector<10000x128xf32>
    %concatenate3A = tpu.concatenate %get3A_4, %get3A_7 in 1 : vector<10000x128xf32>, vector<10000x128xf32> -> vector<10000x256xf32>
    %mul3A = vector.broadcast %get3A_1 : vector<10000x1xf32> to vector<10000x256xf32>
    %mul3A_8 = arith.mulf %concatenate3A, %mul3A : vector<10000x256xf32>
    %get3A_9 = arith.constant 0 : index
    %get3A_10 = arith.constant 0 : index
    %get3A_11 = vector.load %arg2[%get3A_9, %get3A_10] : memref<1x256xf32, #tpu.memory_space<vmem>>, vector<1x256xf32>
    %add3A = vector.broadcast %get3A_11 : vector<1x256xf32> to vector<10000x256xf32>
    %add3A_12 = arith.addf %mul3A_8, %add3A : vector<10000x256xf32>
    %get3A_13 = arith.constant 0 : index
    %get3A_14 = arith.constant 0 : index
    %get3A_15 = vector.load %arg3[%get3A_13, %get3A_14] : memref<10000x1xi32, #tpu.memory_space<vmem>>, vector<10000x1xi32>
    %iota3A = tpu.iota {dimensions = array<i32: 1>} : vector<10000x16xi32>
    %eq3A = vector.broadcast %get3A_15 : vector<10000x1xi32> to vector<10000x16xi32>
    %eq3A_16 = arith.cmpi eq, %eq3A, %iota3A : vector<10000x16xi32>
    %convert_element_type3A = arith.extui %eq3A_16 : vector<10000x16xi1> to vector<10000x16xi32>
    %convert_element_type3A_17 = arith.sitofp %convert_element_type3A : vector<10000x16xi32> to vector<10000x16xf32>
    %dot_general3A = arith.constant dense<0.000000e+00> : vector<16x256xf32>
    %dot_general3A_18 = tpu.matmul %convert_element_type3A_17, %add3A_12, %dot_general3A {dimension_numbers = #tpu.dot_dimension_numbers<[0], [0], [1], [1], [0, 1, 1, 1], [], []>, transpose_lhs_hint = false} : vector<10000x16xf32>, vector<10000x256xf32>, vector<16x256xf32> -> vector<16x256xf32>
    %reduce_sum3A = arith.constant dense<0.000000e+00> : vector<16xf32>
    %reduce_sum3A_19 = vector.multi_reduction <add>, %convert_element_type3A_17, %reduce_sum3A [0] : vector<10000x16xf32> to vector<16xf32>
    %broadcast_in_dim3A = vector.shape_cast %reduce_sum3A_19 : vector<16xf32> to vector<1x16xf32>
    %transpose3A = tpu.transpose %broadcast_in_dim3A, [1, 0] : vector<1x16xf32> -> vector<16x1xf32>
    %max3A = arith.constant 1.000000e+00 : f32
    %max3A_20 = vector.broadcast %max3A : f32 to vector<16x1xf32>
    %max3A_21 = arith.maximumf %transpose3A, %max3A_20 : vector<16x1xf32>
    %div3A = vector.broadcast %max3A_21 : vector<16x1xf32> to vector<16x256xf32>
    %div3A_22 = arith.divf %dot_general3A_18, %div3A : vector<16x256xf32>
    %get3A_23 = arith.constant 0 : index
    %get3A_24 = arith.constant 0 : index
    %get3A_25 = vector.load %arg4[%get3A_23, %get3A_24] : memref<256x64xf32, #tpu.memory_space<vmem>>, vector<256x64xf32>
    %dot_general3A_26 = arith.constant dense<0.000000e+00> : vector<16x64xf32>
    %dot_general3A_27 = tpu.matmul %div3A_22, %get3A_25, %dot_general3A_26 {dimension_numbers = #tpu.dot_dimension_numbers<[1], [0], [0], [1], [0, 0, 1, 1], [], []>, transpose_lhs_hint = false} : vector<16x256xf32>, vector<256x64xf32>, vector<16x64xf32> -> vector<16x64xf32>
    %get3A_28 = arith.constant 0 : index
    %get3A_29 = arith.constant 0 : index
    %get3A_30 = vector.load %arg5[%get3A_28, %get3A_29] : memref<1x64xf32, #tpu.memory_space<vmem>>, vector<1x64xf32>
    %add3A_31 = vector.broadcast %get3A_30 : vector<1x64xf32> to vector<16x64xf32>
    %add3A_32 = arith.addf %dot_general3A_27, %add3A_31 : vector<16x64xf32>
    %swap3A = arith.constant 0 : index
    %swap3A_33 = arith.constant 0 : index
    %swap3A_34 = vector.load %arg6[%swap3A, %swap3A_33] : memref<16x64xf32, #tpu.memory_space<vmem>>, vector<16x64xf32>
    tpu.vector_store %arg6[%swap3A, %swap3A_33], %add3A_32 {strides = array<i32>} : memref<16x64xf32, #tpu.memory_space<vmem>>, vector<16x64xf32>,
    return
  }
}

</mosaic_0001>

<sc_bundles>
// kernel: kernel.14.cloned.1.call-start
scs
__scs_entry_jumppad:
0x0: {  	(pc) =	sbr.rel $0x88, $3  }
0x1: {  	(tag) =	ssettag $0x0;
	lr =	simm.s32 $0x1  }
0x2: {  	[smem:$0x3F96] =	sst lr;
	_ =	strace $0xD0000000  }
0x3: {  	_ = 	snop  }
0x4: {  	_ = 	snop  }
0x5: {  	_ = 	snop  }
0x6: {  	_ = 	snop  }
0x7: {  	_ = 	snop  }
__scs_overlays_trampoline_lowered:
0x8: {  	[smem:$0x3FA5] =	sst s0  }
0x9: {  	[smem:$0x3FA6] =	sst s1  }
0xa: {  	[smem:$0x3FA7] =	sst s2  }
0xb: {  	[smem:$0x3FA8] =	sst s3  }
0xc: {  	[smem:$0x3FA9] =	sst s4  }
0xd: {  	[smem:$0x3FAA] =	sst s5  }
0xe: {  	[smem:$0x3FAB] =	sst s6  }
0xf: {  	[smem:$0x3FAC] =	sst s7  }
0x10: {  	[smem:$0x3FAD] =	sst s8  }
0x11: {  	[smem:$0x3FAE] =	sst s9;
	s0 =	simm.s32 @!p0 $0x0  }
0x12: {  	s1 =	sld [smem:$0x3F94];
	s0 =	simm.s32 @p0 $0x1  }
0x13: {  	[smem:$0x3FAF] =	sst s0;
	s0 =	simm.s32 @!p1 $0x0  }
0x14: {  	s2 =	sld [smem:$0x3F93];
	s0 =	simm.s32 @p1 $0x1  }
0x15: {  	[smem:$0x3FB0] =	sst s0;
	s0 =	simm.s32 @!p2 $0x0  }
0x16: {  	s3 =	sld [smem:$0x3FDB];
	s0 =	simm.s32 @p2 $0x1  }
0x17: {  	s4 =	simm.s32 $0x1BF5;
	[smem:$0x3FB2] =	sst s0  }
0x18: {  	s0 =	sld [smem:$0x3F95];
	_ =	swait.ge [sflag:s4], $0x0  }
0x19: {  	s7 =	sld [smem:$0x3F96]  }
0x1a: {  	s8 =	sadd.s32 $0xFFFFE003, lr  }
0x1b: {  	s9 =	sadd.s32 $0xFFFFFEF7, lr;
	s5 =	simm.s32 $0xFFFFFFFF;
	p2 =	slt.u32 s8, $0xFFFFF086  }
0x1c: {  	p1 =	slt.u32 s9, $0xF7A;
	s5 =	simm.s32 @!p2 $0x0  }
0x1d: {  	s5 =	simm.s32 @p1 $0x1;
	p0 =	seq.s32 s7, s2  }
0x1e: {  	s7 =	smul.u32 @!p0 $0xF7A, s2;
	p2 =	seq.s32 @!p0 s5, $0x0  }
0x1f: {  	s9 =	smul.u32 $0xF7A, s1;
	s8 =	simm.s32 @!p0 $0x1BF5;
	p2 =	por !p2, p0  }
0x20: {  	[sflag:s8] =	ssyncset.s32 @!p0 $0xFFFFF086;
	s6 =	sadd.s32 @!p0 s3, s7;
	s7 =	simm.s32 @!p0 $0x108  }
0x21: {  	s3 =	sadd.s32 s3, s9;
	s6 =	sadd.s32 @!p0 $0x88, s6;
	s7 =	simm.s32 @p2 $0x1082  }
0x22: {  	[simem:s7], [sflag:s8] =	dma.local @!p0 [hbm:s6], $0xF7A  }
0x23: {  	s9 =	sor.u32 $0xD0000000, s2;
	s6 =	simm.s32 $0x108;
	_ =	swait.ge @!p0 [sflag:s8], $0x0  }
0x24: {  	s3 =	sadd.s32 $0x88, s3;
	s6 =	simm.s32 @!p1 $0x1082;
	[sflag:s4] =	ssyncset.s32 $0xFFFFF086  }
0x25: {  	[simem:s6], [sflag:s4] =	dma.local [hbm:s3], $0xF7A  }
0x26: {  	[smem:$0x3F96] =	sst s1;
	(tag) =	ssettag s2;
	_ =	strace s9  }
0x27: {  	s1 =	sld [smem:$0x3FA6]  }
0x28: {  	s2 =	sld [smem:$0x3FA7]  }
0x29: {  	s4 =	sld [smem:$0x3FA9]  }
0x2a: {  	p0 =	seq.s32 s5, $0x0;
	s5 =	sld [smem:$0x3FAA]  }
0x2b: {  	s6 =	sld [smem:$0x3FAB]  }
0x2c: {  	s7 =	sld [smem:$0x3FAC]  }
0x2d: {  	s3 =	simm.s32 $0x108;
	s8 =	sld [smem:$0x3FAD]  }
0x2e: {  	s3 =	simm.s32 @!p0 $0x1082;
	s9 =	sld [smem:$0x3FAE]  }
0x2f: {  	lr =	sadd.s32 s0, s3;
	s0 =	sld [smem:$0x3FA5]  }
0x30: {  	s3 =	sld [smem:$0x3FA8]  }
0x31: {  	[smem:$0x3FB1] =	sst s10  }
0x32: {  	s10 =	sld [smem:$0x3FAF];
	_ =	sdelay $0x3  }
0x33: {  	p0 =	seq.s32 s10, $0x1;
	s10 =	sld [smem:$0x3FB1];
	_ =	sdelay $0x3  }
0x34: {  	[smem:$0x3FB1] =	sst s10  }
0x35: {  	s10 =	sld [smem:$0x3FB0];
	_ =	sdelay $0x3  }
0x36: {  	p1 =	seq.s32 s10, $0x1;
	s10 =	sld [smem:$0x3FB1];
	_ =	sdelay $0x3  }
0x37: {  	[smem:$0x3FB1] =	sst s10  }
0x38: {  	s10 =	sld [smem:$0x3FB2]  }
0x39: {  	_ = 	snop;
	(pc) =	sbr.ind lr, $3  }
0x3a: {  	_ = 	snop  }
0x3b: {  	_ = 	snop  }
0x3c: {  	p2 =	seq.s32 s10, $0x1;
	s10 =	sld [smem:$0x3FB1]  }
0x3d: {  	_ =	shalt  }
0x3e: {  	_ =	shalt  }
0x3f: {  	_ =	shalt  }
0x40: {  	_ =	shalt  }
0x41: {  	_ =	shalt  }
0x42: {  	_ =	shalt  }
0x43: {  	_ =	shalt  }
0x44: {  	_ =	shalt  }
0x45: {  	_ =	shalt  }
0x46: {  	_ =	shalt  }
0x47: {  	_ =	shalt  }
0x48: {  	_ =	shalt  }
0x49: {  	_ =	shalt  }
0x4a: {  	_ =	shalt  }
0x4b: {  	_ =	shalt  }
0x4c: {  	_ =	shalt  }
0x4d: {  	_ =	shalt  }
0x4e: {  	_ =	shalt  }
0x4f: {  	_ =	shalt  }
0x50: {  	_ =	shalt  }
0x51: {  	_ =	shalt  }
0x52: {  	_ =	shalt  }
0x53: {  	_ =	shalt  }
0x54: {  	_ =	shalt  }
0x55: {  	_ =	shalt  }
0x56: {  	_ =	shalt  }
0x57: {  	_ =	shalt  }
0x58: {  	_ =	shalt  }
0x59: {  	_ =	shalt  }
0x5a: {  	_ =	shalt  }
0x5b: {  	_ =	shalt  }
0x5c: {  	_ =	shalt  }
0x5d: {  	_ =	shalt  }
0x5e: {  	_ =	shalt  }
0x5f: {  	_ =	shalt  }
0x60: {  	_ =	shalt  }
0x61: {  	_ =	shalt  }
0x62: {  	_ =	shalt  }
0x63: {  	_ =	shalt  }
0x64: {  	_ =	shalt  }
0x65: {  	_ =	shalt  }
0x66: {  	_ =	shalt  }
0x67: {  	_ =	shalt  }
0x68: {  	_ =	shalt  }
0x69: {  	_ =	shalt  }
0x6a: {  	_ =	shalt  }
0x6b: {  	_ =	shalt  }
0x6c: {  	_ =	shalt  }
0x6d: {  	_ =	shalt  }
0x6e: {  	_ =	shalt  }
0x6f: {  	_ =	shalt  }
0x70: {  	_ =	shalt  }
0x71: {  	_ =	shalt  }
0x72: {  	_ =	shalt  }
0x73: {  	_ =	shalt  }
0x74: {  	_ =	shalt  }
0x75: {  	_ =	shalt  }
0x76: {  	_ =	shalt  }
0x77: {  	_ =	shalt  }
0x78: {  	_ =	shalt  }
0x79: {  	_ =	shalt  }
0x7a: {  	_ =	shalt  }
0x7b: {  	_ =	shalt  }
0x7c: {  	_ =	shalt  }
0x7d: {  	_ =	shalt  }
0x7e: {  	_ =	shalt  }
0x7f: {  	_ =	shalt  }
0x80: {  	_ =	shalt  }
0x81: {  	_ =	shalt  }
0x82: {  	_ =	shalt  }
0x83: {  	_ =	shalt  }
0x84: {  	_ =	shalt  }
0x85: {  	_ =	shalt  }
0x86: {  	_ =	shalt  }
0x87: {  	_ =	shalt  }
.Lfunc_end0:
.L_simem_size_0:
called_computation_lowered:
.L_overlay_start_0:
0x88: {  	s2 =	sld [smem:$0x3FD9]  }
0x89: {  	s3 =	sld [smem:$0x3FFE];
	_ =	sdelay $0x1  }
0x8a: {  	s1 =	srdreg.scid  }
0x8b: {  	s0 =	sand.u32 $0x1, s1  }
0x8c: {  	s16 =	sshll.u32 s0, $0xA;
	s2 =	sadd.s32 s3, s2  }
0x8d: {  	s2 =	sadd.s32 s2, s16  }
0x8e: {  	[smem:$0x3FBD] =	sst s2  }
0x8f: {  	_ = 	snop  }
0x90: {  	(tm) =	ssettm $0x1  }
0x91: {  	s17 =	sld [smem:$0x3FFB];
	_ =	sdelay $0x3  }
0x92: {  	_ =	strace s17  }
0x93: {  	s2 =	sld [smem:$0x3FFC];
	_ =	sdelay $0x3  }
0x94: {  	_ =	strace s2  }
0x95: {  	s2 =	sld [smem:$0x3FFD];
	_ =	sdelay $0x3  }
0x96: {  	_ =	strace s2  }
0x97: {  	_ =	strace $0x8FFFFFFF  }
0x98: {  	s18 =	sld [smem:$0x3FDB];
	_ =	sdelay $0x1  }
0x99: {  	s19 =	simm.s32 $_scs_section_size  }
0x9a: {  	s4 =	simm.s32 $_size__tile_overlayer_lowered;
	s5 =	simm.s32 $_tile_overlayer_lowered  }
0x9b: {  	s22 =	simm.s32 $0x1BFF;
	s21 =	sshll.u32 s5, $0x1;
	s2 =	sadd.s32 s19, s18  }
0x9c: {  	s6 =	simm.s32 $0x0;
	s20 =	sshll.u32 s4, $0x1;
	s4 =	sadd.s32 s21, s2  }
0x9d: {  	[timem:s6], [sflag:s22] =	dma.local [hbm:s4], s20  }
0x9e: {  	_ =	swait.ge [sflag:s22], s20  }
0x9f: {  	s3 =	ssub.s32 $0x0, s20;
	[sflag:s22] =	ssyncset.done $0x0  }
0xa0: {  	[sflag:s22] =	ssyncadd.s32 s3;
	_ =	sdelay $0x1  }
0xa1: {  	s23 =	simm.s32 $0x1B8B  }
0xa2: {  	_ =	swait.ge [sflag:s23], $0x1  }
0xa3: {  	[sflag:s23] =	ssyncset.done $0x0  }
0xa4: {  	s25 =	simm.s32 $0x1B8E;
	s24 =	sld [smem:$0x3FFE];
	[sflag:s23] =	ssyncadd.s32 $0xFFFFFFFF  }
0xa5: {  	s26 =	simm.s32 $execute0_lowered;
	[smem:$0x3FD2] =	sst s25  }
0xa6: {  	s4 =	sshll.u32 s26, $0x1;
	_ =	strace $0x80000046;
	[dreg:$0x1] =	wrdreg $0xFFFFFFFF  }
0xa7: {  	s28 =	simm.s32 $_size_execute0_lowered;
	s2 =	sadd.s32 s2, s4;
	[dreg:$0x0] =	wrdreg $0x0  }
0xa8: {  	s4 =	sshll.u32 s28, $0x1;
	[dreg:$0x2] =	wrdreg s2  }
0xa9: {  	[dreg:$0x3] =	wrdreg s4  }
0xaa: {  	[dreg:$0x4] =	wrdreg $0xC0  }
0xab: {  	_ =	task [dreg:s6], $0x5FFFF  }
0xac: {  	[dreg:$0x1] =	wrdreg $0xFFFFFFFF  }
0xad: {  	[dreg:$0x0] =	wrdreg $0x60  }
0xae: {  	[dreg:$0x2] =	wrdreg s24  }
0xaf: {  	[dreg:$0x3] =	wrdreg $0x61000  }
0xb0: {  	[dreg:$0x4] =	wrdreg $0x9  }
0xb1: {  	_ =	task.clear_ibuf [dreg:s6], $0x5FFFF;
	_ =	strace $0x90000046  }
0xb2: {  	s29 =	simm.s32 $0x9;
	_ =	strace $0x80000048  }
0xb3: {  	_ =	swait.ge [sflag:s29], $0x1  }
0xb4: {  	[sflag:s29] =	ssyncadd.s32 $0xFFFFFFFF  }
0xb5: {  	_ =	strace $0x90000048  }
0xb6: {  	_ =	sfence  }
0xb7: {  	s30 =	sld [smem:$0x0];
	_ =	sdelay $0x2  }
0xb8: {  	s31 =	sshll.u32 s1, $0xD;
	s1 =	sshrl.u32 s1, $0x2  }
0xb9: {  	s3 =	sand.u32 $0x4000, s31;
	s1 =	sadd.s32 s1, s30  }
0xba: {  	s0 =	sor.u32 s3, s0;
	s1 =	sshll.u32 s1, $0x11  }
0xbb: {  	s0 =	sor.u32 s1, s0  }
0xbc: {  	s0 =	sadd.s32 $0x8F2B, s0  }
0xbd: {  	[sflag:s0] =	ssyncadd.remote.s32 $0x1  }
0xbe: {  	_ =	sfence.sel $0xFFFF  }
0xbf: {  	[dreg:$0x0] =	wrdreg $0xFFFFFFFF;
	(pc) =	sbr.abs _section_cstart, $3  }
0xc0: {  	[dreg:$0x1] =	wrdreg $0xFFFFFFFF  }
0xc1: {  	_ =	task.clear_ibuf [dreg:s6], $0x2FFFF;
	_ =	strace $0x9FFFFFFF  }
0xc2: {  	(tm) =	ssettm $0x7FFFFFFF  }
0xc3: {  	_ =	shalt  }
tec
execute0_lowered:
.L_overlay_start_1:
0x0: {  	(tag) =	ssettag $0x1  }
0x1: {  	s6 =	rddreg [dreg:$0x0];
	s3 =	srdreg.scid  }
0x2: {  	s1 =	rddreg [dreg:$0x1];
	s7 =	sand.u32 $0x1, s3  }
0x3: {  	s3 =	stileid.u32;
	s4 =	smul.u32 $0x2718, s7  }
0x4: {  	s0 =	rddreg [dreg:$0x2];
	s8 =	smul.u32 $0x2700, s3  }
0x5: {  	s2 =	simm.s32 $0x0;
	s15 =	simm.s32 $0x0;
	s10 =	smul.u32 $0x4E000, s3  }
0x6: {  	[smem:$0x7FF] =	sst s2;
	s5 =	sadd.s32 $0x9000, s6;
	s12 =	smul.u32 $0x27100, s7  }
0x7: {  	s14 =	sadd.s32 $0xC400, s6;
	s11 =	ssub.s32 $0x2, s7;
	s7 =	smul.u32 $0x138800, s7  }
0x8: {  	_ =	strace $0x80000047;
	s31 =	smul.u32 $0x18, s3;
	p0 =	seq.s32 s3, $0xF  }
0x9: {  	s13 =	sshrl.u32 s11, $0x1;
	s9 =	sadd.s32 s4, s6;
	s4 =	sadd.s32 $0xB800, s6  }
0xa: {  	s10 =	sshrl.u32 s10, $0x2;
	s11 =	ssub.s32 s11, s13;
	s30 =	sadd.s32 s8, s12  }
0xb: {  	s7 =	sshrl.u32 s7, $0x3;
	s13 =	sadd.s32 s10, s1;
	s10 =	sadd.s32 $0x124800, s1  }
0xc: {  	s6 =	sadd.s32 s14, s30;
	s7 =	sadd.s32 s14, s7;
	s9 =	sadd.s32 s31, s9  }
0xd: {  	s8 =	smax.u32 s11, $0x1;
	s11 =	sshll.u32 @!p0 s3, $0x6;
	s14 =	simm.s32 $0x1  }
0xe: {  	s7 =	sadd.s32 $0x24900, s7;
	s9 =	sadd.s32 $0x4000, s9;
	s10 =	sshrl.u32 @p0 s10, $0x3  }
0xf: {  	s11 =	sor.u32 @!p0 $0x1C01, s11;
	s12 =	sshrl.u32 @!p0 s13, $0x3;
	s13 =	simm.s32 $0x100  }
.LBB2_1:
0x10: {  	s16 =	simm.s32 @p0 $0x1FC1  }
0x11: {  	[spmem:s10], [sflag:s16] =	dma.local @p0 [hbm:s5], $0x2800  }
0x12: {  	s16 =	simm.s32 @p0 $0x1  }
0x13: {  	_ =	swait.ge @p0 [sflag:s16], $0x2800  }
0x14: {  	[sflag:s16] =	ssyncset.done @p0 $0x0  }
0x15: {  	[sflag:s16] =	ssyncadd.s32 @p0 $0xFFFFD800;
	s16 =	simm.s32 @!p0 $0x1  }
0x16: {  	[spmem:s12], [sflag:s11] =	dma.local @!p0 [hbm:s5], $0x2700  }
0x17: {  	_ =	swait.ge @!p0 [sflag:s16], $0x2700  }
0x18: {  	[sflag:s16] =	ssyncset.done @!p0 $0x0  }
0x19: {  	[sflag:s16] =	ssyncadd.s32 @!p0 $0xFFFFD900  }
0x1a: {  	[tilespmem:s13], [sflag:$0x1] =	stream.linear.gather [hbm4b:s4+s2], $0x6000, $0x38;
	[tilespmem:$0x19A00] =	vst v63  }
0x1b: {  	s30 =	sadd.s32 $0x0, s3;
	_ =	swait.ge [sflag:s14], $0x6000  }
0x1c: {  	p1 =	sgt.u32 s30, $0x1A0;
	[sflag:s14] =	ssyncset.done $0x0  }
0x1d: {  	s17 =	simm.s32 @!p1 $0x2;
	[sflag:s14] =	ssyncadd.s32 $0xFFFFA000  }
0x1e: {  	s16 =	simm.s32 @!p1 $0x0;
	p1 =	por p1, p1;
	[bflag:$0x0] =	sbarrier.arrive $0xFFFF  }
0x1f: {  	[tilespmem:s16], [sflag:$0x2] =	stream.linear.gather @!p1 [hbm4b:s9+s16], $0xC0, $0x38;
	[tilespmem:$0x19A00] =	vst v63  }
0x20: {  	_ =	swait.ge @!p1 [sflag:s17], $0xC0  }
0x21: {  	s31 =	sadd.s32 $0x10, s3;
	s18 =	simm.s32 @!p1 $0x1;
	[sflag:s17] =	ssyncset.done @!p1 $0x0  }
0x22: {  	s19 =	simm.s32 @!p1 $0x100;
	[sflag:s17] =	ssyncadd.s32 @!p1 $0xFFFFFF40;
	s17 =	simm.s32 @!p1 $0xC0  }
0x23: {  	[spmem:s1] =	stream.indirect.scatter.add.f32 @!p1 [tilespmem:s19], [sflag:$0x1], $0x80, s16, s17, $0xb8;
	[tilespmem:$0x19A00] =	vst v63  }
0x24: {  	p2 =	sgt.u32 s31, $0x1A0;
	_ =	swait.ge @!p1 [sflag:s18], $0x6000  }
0x25: {  	s17 =	simm.s32 $0x20;
	s16 =	sadd.s32 $0x180, s9;
	[sflag:s18] =	ssyncset.done @!p1 $0x0  }
.LBB2_2:
0x26: {  	s19 =	simm.s32 @!p2 $0x0;
	s20 =	simm.s32 @!p2 $0x2;
	[sflag:s18] =	ssyncadd.s32 @!p1 $0xFFFFA000  }
0x27: {  	s21 =	smov.u32 s17;
	p1 =	por p2, p2;
	s17 =	sadd.s32 $0x10, s17  }
0x28: {  	[tilespmem:s19], [sflag:$0x2] =	stream.linear.gather @!p1 [hbm4b:s16+s19], $0xC0, $0x38;
	[tilespmem:$0x19A00] =	vst v63  }
0x29: {  	p3 =	sne.s32 s17, $0x1B0;
	_ =	swait.ge @!p1 [sflag:s20], $0xC0  }
.Ltmp0:
0x2a: {  	s18 =	simm.s32 @!p1 $0x1;
	[sflag:s20] =	ssyncset.done @!p1 $0x0;
	(pc) =	sbr.rel @p3 .LBB2_2-.Ltmp0, $4  }
0x2b: {  	s22 =	simm.s32 @!p1 $0x100;
	[sflag:s20] =	ssyncadd.s32 @!p1 $0xFFFFFF40;
	s20 =	simm.s32 @!p1 $0xC0  }
0x2c: {  	[spmem:s1] =	stream.indirect.scatter.add.f32 @!p1 [tilespmem:s22], [sflag:$0x1], $0x80, s19, s20, $0xb8;
	[tilespmem:$0x19A00] =	vst v63  }
0x2d: {  	s19 =	sadd.s32 s21, s3;
	_ =	swait.ge @!p1 [sflag:s18], $0x6000  }
0x2e: {  	s16 =	sadd.s32 $0x180, s16;
	p2 =	sgt.u32 s19, $0x1A0;
	[sflag:s18] =	ssyncset.done @!p1 $0x0  }
0x2f: {  	s17 =	simm.s32 @!p2 $0x0  }
0x30: {  	s19 =	simm.s32 @!p2 $0x2;
	[sflag:s18] =	ssyncadd.s32 @!p1 $0xFFFFA000;
	p1 =	por p2, p2  }
0x31: {  	[tilespmem:s17], [sflag:$0x2] =	stream.linear.gather @!p1 [hbm4b:s16+s17], $0xC0, $0x38;
	[tilespmem:$0x19A00] =	vst v63  }
0x32: {  	_ =	swait.ge @!p1 [sflag:s19], $0xC0  }
0x33: {  	s16 =	simm.s32 @!p1 $0x1;
	[sflag:s19] =	ssyncset.done @!p1 $0x0  }
0x34: {  	s18 =	simm.s32 @!p1 $0xC0;
	[sflag:s19] =	ssyncadd.s32 @!p1 $0xFFFFFF40;
	s19 =	simm.s32 @!p1 $0x100  }
0x35: {  	[spmem:s1] =	stream.indirect.scatter.add.f32 @!p1 [tilespmem:s19], [sflag:$0x1], $0x80, s17, s18, $0xb8;
	[tilespmem:$0x19A00] =	vst v63  }
0x36: {  	_ =	swait.ge @!p1 [sflag:s16], $0x6000  }
0x37: {  	[sflag:s16] =	ssyncset.done @!p1 $0x0  }
0x38: {  	[sflag:s16] =	ssyncadd.s32 @!p1 $0xFFFFA000  }
0x39: {  	s16 =	simm.s32 @p0 $0x1FC1;
	[bflag:$0x0] =	sbarrier.arrive $0xFFFF  }
0x3a: {  	[hbm:s7], [sflag:s16] =	dma.local @p0 [spmem:s10], $0x2800  }
0x3b: {  	s16 =	simm.s32 @p0 $0x1  }
0x3c: {  	s15 =	sadd.s32 $0x1, s15;
	_ =	swait.ge @p0 [sflag:s16], $0x2800  }
0x3d: {  	p1 =	sne.s32 s15, s8;
	[sflag:s16] =	ssyncset.done @p0 $0x0  }
.Ltmp1:
0x3e: {  	[sflag:s16] =	ssyncadd.s32 @p0 $0xFFFFD800;
	s16 =	simm.s32 @!p0 $0x1;
	(pc) =	sbr.rel @p1 .LBB2_1-.Ltmp1, $4  }
0x3f: {  	[hbm:s6], [sflag:s11] =	dma.local @!p0 [spmem:s12], $0x2700  }
0x40: {  	_ =	swait.ge @!p0 [sflag:s16], $0x2700  }
0x41: {  	[sflag:s16] =	ssyncset.done @!p0 $0x0  }
0x42: {  	[sflag:s16] =	ssyncadd.s32 @!p0 $0xFFFFD900  }
0x43: {  	_ =	sfence.sel $0x180000  }
0x44: {  	[bflag:$0x0] =	sbarrier.arrive $0xFFFF  }
0x45: {  	p0 =	sne.s32 s3, $0x0;
	_ =	strace $0x90000047  }
0x46: {  	s0 =	sadd.s32 @!p0 $0x100000, s0;
	[bflag:$0x2] =	sbarrier.arrive $0xFFFF  }
0x47: {  	[sflag:s0] =	ssyncadd.tile.s32 @!p0 $0x1;
	_ =	shalt  }
.Lfunc_end2:
_tile_overlayer_lowered:
.L_overlay_start_2:
0x48: {  	(tag) =	ssettag $0x2  }
0x49: {  	s0 =	rddreg [dreg:$0x0];
	s2 =	stileid.u32  }
0x4a: {  	s1 =	rddreg [dreg:$0x1];
	p0 =	sne.s32 s2, $0x0  }
0x4b: {  	s3 =	rddreg [dreg:$0x2];
	[bflag:$0x3] =	sbarrier.arrive $0xFFFF;
	s2 =	simm.s32 @!p0 $0x1C01  }
0x4c: {  	[timem:s3], [sflag:s2] =	dma.local @!p0 [hbm:s0], s1  }
0x4d: {  	s0 =	simm.s32 @!p0 $0x1  }
0x4e: {  	_ =	swait.ge @!p0 [sflag:s0], s1  }
0x4f: {  	s1 =	ssub.s32 @!p0 $0x0, s1;
	[sflag:s0] =	ssyncset.done @!p0 $0x0  }
0x50: {  	[sflag:s0] =	ssyncadd.s32 @!p0 s1  }
0x51: {  	[bflag:$0x3] =	sbarrier.arrive $0xFFFF  }
0x52: {  	_ =	shalt  }

// kernel: kernel.17.cloned.1.call-start
scs
__scs_entry_jumppad:
0x0: {  	(pc) =	sbr.rel $0x88, $3  }
0x1: {  	(tag) =	ssettag $0x0;
	lr =	simm.s32 $0x1  }
0x2: {  	[smem:$0x3F96] =	sst lr;
	_ =	strace $0xD0000000  }
0x3: {  	_ = 	snop  }
0x4: {  	_ = 	snop  }
0x5: {  	_ = 	snop  }
0x6: {  	_ = 	snop  }
0x7: {  	_ = 	snop  }
__scs_overlays_trampoline_lowered:
0x8: {  	[smem:$0x3FA5] =	sst s0  }
0x9: {  	[smem:$0x3FA6] =	sst s1  }
0xa: {  	[smem:$0x3FA7] =	sst s2  }
0xb: {  	[smem:$0x3FA8] =	sst s3  }
0xc: {  	[smem:$0x3FA9] =	sst s4  }
0xd: {  	[smem:$0x3FAA] =	sst s5  }
0xe: {  	[smem:$0x3FAB] =	sst s6  }
0xf: {  	[smem:$0x3FAC] =	sst s7  }
0x10: {  	[smem:$0x3FAD] =	sst s8  }
0x11: {  	[smem:$0x3FAE] =	sst s9;
	s0 =	simm.s32 @!p0 $0x0  }
0x12: {  	s1 =	sld [smem:$0x3F94];
	s0 =	simm.s32 @p0 $0x1  }
0x13: {  	[smem:$0x3FAF] =	sst s0;
	s0 =	simm.s32 @!p1 $0x0  }
0x14: {  	s2 =	sld [smem:$0x3F93];
	s0 =	simm.s32 @p1 $0x1  }
0x15: {  	[smem:$0x3FB0] =	sst s0;
	s0 =	simm.s32 @!p2 $0x0  }
0x16: {  	s3 =	sld [smem:$0x3FDB];
	s0 =	simm.s32 @p2 $0x1  }
0x17: {  	s4 =	simm.s32 $0x1BF5;
	[smem:$0x3FB2] =	sst s0  }
0x18: {  	s0 =	sld [smem:$0x3F95];
	_ =	swait.ge [sflag:s4], $0x0  }
0x19: {  	s7 =	sld [smem:$0x3F96]  }
0x1a: {  	s8 =	sadd.s32 $0xFFFFE003, lr  }
0x1b: {  	s9 =	sadd.s32 $0xFFFFFEF7, lr;
	s5 =	simm.s32 $0xFFFFFFFF;
	p2 =	slt.u32 s8, $0xFFFFF086  }
0x1c: {  	p1 =	slt.u32 s9, $0xF7A;
	s5 =	simm.s32 @!p2 $0x0  }
0x1d: {  	s5 =	simm.s32 @p1 $0x1;
	p0 =	seq.s32 s7, s2  }
0x1e: {  	s7 =	smul.u32 @!p0 $0xF7A, s2;
	p2 =	seq.s32 @!p0 s5, $0x0  }
0x1f: {  	s9 =	smul.u32 $0xF7A, s1;
	s8 =	simm.s32 @!p0 $0x1BF5;
	p2 =	por !p2, p0  }
0x20: {  	[sflag:s8] =	ssyncset.s32 @!p0 $0xFFFFF086;
	s6 =	sadd.s32 @!p0 s3, s7;
	s7 =	simm.s32 @!p0 $0x108  }
0x21: {  	s3 =	sadd.s32 s3, s9;
	s6 =	sadd.s32 @!p0 $0x88, s6;
	s7 =	simm.s32 @p2 $0x1082  }
0x22: {  	[simem:s7], [sflag:s8] =	dma.local @!p0 [hbm:s6], $0xF7A  }
0x23: {  	s9 =	sor.u32 $0xD0000000, s2;
	s6 =	simm.s32 $0x108;
	_ =	swait.ge @!p0 [sflag:s8], $0x0  }
0x24: {  	s3 =	sadd.s32 $0x88, s3;
	s6 =	simm.s32 @!p1 $0x1082;
	[sflag:s4] =	ssyncset.s32 $0xFFFFF086  }
0x25: {  	[simem:s6], [sflag:s4] =	dma.local [hbm:s3], $0xF7A  }
0x26: {  	[smem:$0x3F96] =	sst s1;
	(tag) =	ssettag s2;
	_ =	strace s9  }
0x27: {  	s1 =	sld [smem:$0x3FA6]  }
0x28: {  	s2 =	sld [smem:$0x3FA7]  }
0x29: {  	s4 =	sld [smem:$0x3FA9]  }
0x2a: {  	p0 =	seq.s32 s5, $0x0;
	s5 =	sld [smem:$0x3FAA]  }
0x2b: {  	s6 =	sld [smem:$0x3FAB]  }
0x2c: {  	s7 =	sld [smem:$0x3FAC]  }
0x2d: {  	s3 =	simm.s32 $0x108;
	s8 =	sld [smem:$0x3FAD]  }
0x2e: {  	s3 =	simm.s32 @!p0 $0x1082;
	s9 =	sld [smem:$0x3FAE]  }
0x2f: {  	lr =	sadd.s32 s0, s3;
	s0 =	sld [smem:$0x3FA5]  }
0x30: {  	s3 =	sld [smem:$0x3FA8]  }
0x31: {  	[smem:$0x3FB1] =	sst s10  }
0x32: {  	s10 =	sld [smem:$0x3FAF];
	_ =	sdelay $0x3  }
0x33: {  	p0 =	seq.s32 s10, $0x1;
	s10 =	sld [smem:$0x3FB1];
	_ =	sdelay $0x3  }
0x34: {  	[smem:$0x3FB1] =	sst s10  }
0x35: {  	s10 =	sld [smem:$0x3FB0];
	_ =	sdelay $0x3  }
0x36: {  	p1 =	seq.s32 s10, $0x1;
	s10 =	sld [smem:$0x3FB1];
	_ =	sdelay $0x3  }
0x37: {  	[smem:$0x3FB1] =	sst s10  }
0x38: {  	s10 =	sld [smem:$0x3FB2]  }
0x39: {  	_ = 	snop;
	(pc) =	sbr.ind lr, $3  }
0x3a: {  	_ = 	snop  }
0x3b: {  	_ = 	snop  }
0x3c: {  	p2 =	seq.s32 s10, $0x1;
	s10 =	sld [smem:$0x3FB1]  }
0x3d: {  	_ =	shalt  }
0x3e: {  	_ =	shalt  }
0x3f: {  	_ =	shalt  }
0x40: {  	_ =	shalt  }
0x41: {  	_ =	shalt  }
0x42: {  	_ =	shalt  }
0x43: {  	_ =	shalt  }
0x44: {  	_ =	shalt  }
0x45: {  	_ =	shalt  }
0x46: {  	_ =	shalt  }
0x47: {  	_ =	shalt  }
0x48: {  	_ =	shalt  }
0x49: {  	_ =	shalt  }
0x4a: {  	_ =	shalt  }
0x4b: {  	_ =	shalt  }
0x4c: {  	_ =	shalt  }
0x4d: {  	_ =	shalt  }
0x4e: {  	_ =	shalt  }
0x4f: {  	_ =	shalt  }
0x50: {  	_ =	shalt  }
0x51: {  	_ =	shalt  }
0x52: {  	_ =	shalt  }
0x53: {  	_ =	shalt  }
0x54: {  	_ =	shalt  }
0x55: {  	_ =	shalt  }
0x56: {  	_ =	shalt  }
0x57: {  	_ =	shalt  }
0x58: {  	_ =	shalt  }
0x59: {  	_ =	shalt  }
0x5a: {  	_ =	shalt  }
0x5b: {  	_ =	shalt  }
0x5c: {  	_ =	shalt  }
0x5d: {  	_ =	shalt  }
0x5e: {  	_ =	shalt  }
0x5f: {  	_ =	shalt  }
0x60: {  	_ =	shalt  }
0x61: {  	_ =	shalt  }
0x62: {  	_ =	shalt  }
0x63: {  	_ =	shalt  }
0x64: {  	_ =	shalt  }
0x65: {  	_ =	shalt  }
0x66: {  	_ =	shalt  }
0x67: {  	_ =	shalt  }
0x68: {  	_ =	shalt  }
0x69: {  	_ =	shalt  }
0x6a: {  	_ =	shalt  }
0x6b: {  	_ =	shalt  }
0x6c: {  	_ =	shalt  }
0x6d: {  	_ =	shalt  }
0x6e: {  	_ =	shalt  }
0x6f: {  	_ =	shalt  }
0x70: {  	_ =	shalt  }
0x71: {  	_ =	shalt  }
0x72: {  	_ =	shalt  }
0x73: {  	_ =	shalt  }
0x74: {  	_ =	shalt  }
0x75: {  	_ =	shalt  }
0x76: {  	_ =	shalt  }
0x77: {  	_ =	shalt  }
0x78: {  	_ =	shalt  }
0x79: {  	_ =	shalt  }
0x7a: {  	_ =	shalt  }
0x7b: {  	_ =	shalt  }
0x7c: {  	_ =	shalt  }
0x7d: {  	_ =	shalt  }
0x7e: {  	_ =	shalt  }
0x7f: {  	_ =	shalt  }
0x80: {  	_ =	shalt  }
0x81: {  	_ =	shalt  }
0x82: {  	_ =	shalt  }
0x83: {  	_ =	shalt  }
0x84: {  	_ =	shalt  }
0x85: {  	_ =	shalt  }
0x86: {  	_ =	shalt  }
0x87: {  	_ =	shalt  }
.Lfunc_end0:
.L_simem_size_0:
called_computation.1_lowered:
.L_overlay_start_0:
0x88: {  	s2 =	sld [smem:$0x3FD9]  }
0x89: {  	s3 =	sld [smem:$0x3FFE];
	_ =	sdelay $0x1  }
0x8a: {  	s1 =	srdreg.scid  }
0x8b: {  	s0 =	sand.u32 $0x1, s1  }
0x8c: {  	s16 =	sshll.u32 s0, $0xA;
	s2 =	sadd.s32 s3, s2  }
0x8d: {  	s2 =	sadd.s32 s2, s16  }
0x8e: {  	[smem:$0x3FBD] =	sst s2  }
0x8f: {  	_ = 	snop  }
0x90: {  	(tm) =	ssettm $0x1  }
0x91: {  	s17 =	sld [smem:$0x3FFB];
	_ =	sdelay $0x3  }
0x92: {  	_ =	strace s17  }
0x93: {  	s2 =	sld [smem:$0x3FFC];
	_ =	sdelay $0x3  }
0x94: {  	_ =	strace s2  }
0x95: {  	s2 =	sld [smem:$0x3FFD];
	_ =	sdelay $0x3  }
0x96: {  	_ =	strace s2  }
0x97: {  	_ =	strace $0x8FFFFFFF  }
0x98: {  	s18 =	sld [smem:$0x3FDB];
	_ =	sdelay $0x1  }
0x99: {  	s19 =	simm.s32 $_scs_section_size  }
0x9a: {  	s4 =	simm.s32 $_size__tile_overlayer_lowered;
	s5 =	simm.s32 $_tile_overlayer_lowered  }
0x9b: {  	s22 =	simm.s32 $0x1BFF;
	s21 =	sshll.u32 s5, $0x1;
	s2 =	sadd.s32 s19, s18  }
0x9c: {  	s6 =	simm.s32 $0x0;
	s20 =	sshll.u32 s4, $0x1;
	s4 =	sadd.s32 s21, s2  }
0x9d: {  	[timem:s6], [sflag:s22] =	dma.local [hbm:s4], s20  }
0x9e: {  	_ =	swait.ge [sflag:s22], s20  }
0x9f: {  	s3 =	ssub.s32 $0x0, s20;
	[sflag:s22] =	ssyncset.done $0x0  }
0xa0: {  	[sflag:s22] =	ssyncadd.s32 s3;
	_ =	sdelay $0x1  }
0xa1: {  	s23 =	simm.s32 $0x1B8B  }
0xa2: {  	_ =	swait.ge [sflag:s23], $0x1  }
0xa3: {  	[sflag:s23] =	ssyncset.done $0x0  }
0xa4: {  	s25 =	simm.s32 $0x1B8E;
	s24 =	sld [smem:$0x3FFE];
	[sflag:s23] =	ssyncadd.s32 $0xFFFFFFFF  }
0xa5: {  	s26 =	simm.s32 $execute0_lowered;
	[smem:$0x3FD2] =	sst s25  }
0xa6: {  	s4 =	sshll.u32 s26, $0x1;
	_ =	strace $0x80000049;
	[dreg:$0x1] =	wrdreg $0xFFFFFFFF  }
0xa7: {  	s28 =	simm.s32 $_size_execute0_lowered;
	s2 =	sadd.s32 s2, s4;
	[dreg:$0x0] =	wrdreg $0x0  }
0xa8: {  	s4 =	sshll.u32 s28, $0x1;
	[dreg:$0x2] =	wrdreg s2  }
0xa9: {  	[dreg:$0x3] =	wrdreg s4  }
0xaa: {  	[dreg:$0x4] =	wrdreg $0xC0  }
0xab: {  	_ =	task [dreg:s6], $0x5FFFF  }
0xac: {  	[dreg:$0x1] =	wrdreg $0xFFFFFFFF  }
0xad: {  	[dreg:$0x0] =	wrdreg $0x60  }
0xae: {  	[dreg:$0x2] =	wrdreg s24  }
0xaf: {  	[dreg:$0x3] =	wrdreg $0xC4000  }
0xb0: {  	[dreg:$0x4] =	wrdreg $0x9  }
0xb1: {  	_ =	task.clear_ibuf [dreg:s6], $0x5FFFF;
	_ =	strace $0x90000049  }
0xb2: {  	s29 =	simm.s32 $0x9;
	_ =	strace $0x8000004B  }
0xb3: {  	_ =	swait.ge [sflag:s29], $0x1  }
0xb4: {  	[sflag:s29] =	ssyncadd.s32 $0xFFFFFFFF  }
0xb5: {  	_ =	strace $0x9000004B  }
0xb6: {  	_ =	sfence  }
0xb7: {  	s30 =	sld [smem:$0x0];
	_ =	sdelay $0x2  }
0xb8: {  	s31 =	sshll.u32 s1, $0xD;
	s1 =	sshrl.u32 s1, $0x2  }
0xb9: {  	s3 =	sand.u32 $0x4000, s31;
	s1 =	sadd.s32 s1, s30  }
0xba: {  	s0 =	sor.u32 s3, s0;
	s1 =	sshll.u32 s1, $0x11  }
0xbb: {  	s0 =	sor.u32 s1, s0  }
0xbc: {  	s0 =	sadd.s32 $0x8F2B, s0  }
0xbd: {  	[sflag:s0] =	ssyncadd.remote.s32 $0x1  }
0xbe: {  	_ =	sfence.sel $0xFFFF  }
0xbf: {  	[dreg:$0x0] =	wrdreg $0xFFFFFFFF;
	(pc) =	sbr.abs _section_cstart, $3  }
0xc0: {  	[dreg:$0x1] =	wrdreg $0xFFFFFFFF  }
0xc1: {  	_ =	task.clear_ibuf [dreg:s6], $0x2FFFF;
	_ =	strace $0x9FFFFFFF  }
0xc2: {  	(tm) =	ssettm $0x7FFFFFFF  }
0xc3: {  	_ =	shalt  }
tec
execute0_lowered:
.L_overlay_start_1:
0x0: {  	(tag) =	ssettag $0x1  }
0x1: {  	s6 =	rddreg [dreg:$0x0]  }
0x2: {  	s2 =	rddreg [dreg:$0x1];
	s0 =	stileid.u32  }
0x3: {  	s3 =	simm.s32 $0x0;
	s5 =	srdreg.scid;
	s7 =	smul.u32 $0x270, s0  }
0x4: {  	s22 =	simm.s32 $0x200;
	s23 =	simm.s32 $0x0;
	s9 =	smul.u32 $0x4E000, s0  }
0x5: {  	[smem:$0x7FF] =	sst s3;
	s4 =	sadd.s32 $0x64600, s6;
	s25 =	smul.u32 $0xC0, s0  }
0x6: {  	s8 =	sand.u32 $0x1, s5;
	s5 =	sadd.s32 $0x5A600, s6;
	s19 =	smul.u32 $0x18, s0  }
0x7: {  	s13 =	sadd.s32 $0x4000, s6;
	s17 =	sadd.s32 $0x124800, s2;
	s11 =	smul.u32 $0x2710, s8  }
0x8: {  	s15 =	sadd.s32 $0x9000, s6;
	p0 =	seq.s32 s0, $0xF;
	s14 =	smul.u32 $0x138800, s8  }
0x9: {  	_ =	strace $0x8000004A;
	s10 =	ssub.s32 $0x2, s8;
	s8 =	smul.u32 $0x28000, s8  }
0xa: {  	s12 =	sshrl.u32 s10, $0x1;
	s26 =	sshrl.u32 s9, $0x2;
	s29 =	sshrl.u32 s25, $0x3  }
0xb: {  	s12 =	ssub.s32 s10, s12;
	s7 =	sadd.s32 s7, s11;
	s18 =	sadd.s32 s26, s2  }
0xc: {  	s28 =	sshrl.u32 s14, $0x3;
	s16 =	sor.u32 s25, s8;
	s9 =	sadd.s32 s13, s29  }
0xd: {  	s13 =	sadd.s32 s19, s13;
	s19 =	sshll.u32 @!p0 s0, $0x6;
	s11 =	sshll.u32 s7, $0x4  }
0xe: {  	s14 =	sadd.s32 $0x24900, s28;
	s8 =	sshrl.u32 s16, $0x3;
	s12 =	smax.u32 s12, $0x1  }
0xf: {  	s30 =	sadd.s32 $0xC00, s16;
	s18 =	sshrl.u32 @!p0 s18, $0x3;
	s6 =	sadd.s32 s4, s11  }
0x10: {  	s7 =	sadd.s32 s4, s14;
	s10 =	sadd.s32 s15, s11;
	s31 =	sshrl.u32 s30, $0x3  }
0x11: {  	s11 =	sadd.s32 s15, s14;
	s14 =	sadd.s32 $0x1800, s16;
	s16 =	sadd.s32 s31, s5  }
0x12: {  	s8 =	sadd.s32 s5, s8;
	s15 =	sor.u32 $0x20, s0;
	[dreg:$0x3] =	wrdreg s16  }
0x13: {  	s16 =	sshrl.u32 @p0 s17, $0x3;
	s17 =	sor.u32 @!p0 $0x1C03, s19;
	s19 =	simm.s32 $0x3  }
.LBB2_1:
0x14: {  	s24 =	simm.s32 @p0 $0x1FC3  }
0x15: {  	[spmem:s16], [sflag:s24] =	dma.local @p0 [hbm:s7], $0x2800  }
0x16: {  	s24 =	simm.s32 @p0 $0x3  }
0x17: {  	_ =	swait.ge @p0 [sflag:s24], $0x2800  }
0x18: {  	[sflag:s24] =	ssyncset.done @p0 $0x0  }
0x19: {  	[sflag:s24] =	ssyncadd.s32 @p0 $0xFFFFD800;
	s24 =	simm.s32 @!p0 $0x3  }
0x1a: {  	[spmem:s18], [sflag:s17] =	dma.local @!p0 [hbm:s6], $0x2700  }
0x1b: {  	_ =	swait.ge @!p0 [sflag:s24], $0x2700  }
0x1c: {  	[sflag:s24] =	ssyncset.done @!p0 $0x0  }
0x1d: {  	[sflag:s24] =	ssyncadd.s32 @!p0 $0xFFFFD900  }
0x1e: {  	[bflag:$0x0] =	sbarrier.arrive $0xFFFF  }
0x1f: {  	[tilespmem:s3], [sflag:$0x3] =	stream.linear.gather [hbm4b:s8+s3], $0xC0, $0x38;
	[tilespmem:$0x1FD00] =	vst v63  }
0x20: {  	_ =	swait.ge [sflag:s19], $0xC0  }
0x21: {  	[sflag:s19] =	ssyncset.done $0x0  }
0x22: {  	s0 =	simm.s32 $0x100;
	[sflag:s19] =	ssyncadd.s32 $0xFFFFFF40  }
0x23: {  	[tilespmem:s0], [sflag:$0x3] =	stream.linear.gather [hbm4b:s9+s3], $0xC0, $0x38;
	[tilespmem:$0x1FD00] =	vst v63  }
0x24: {  	s29 =	sadd.s32 $0xFFFFFFF0, s15;
	_ =	swait.ge [sflag:s19], $0xC0  }
0x25: {  	s28 =	simm.s32 $0xC0;
	p1 =	sgt.u32 s29, $0x341;
	[sflag:s19] =	ssyncset.done $0x0  }
0x26: {  	s26 =	simm.s32 @!p1 $0x6200;
	s25 =	rddreg [dreg:$0x3];
	[sflag:s19] =	ssyncadd.s32 $0xFFFFFF40  }
0x27: {  	[tilespmem:s22], [sflag:$0x1] =	stream.indirect.gather [hbm4b:s4+s28], $0x80, s3, s28, $0xb8;
	[tilespmem:$0x1FD00] =	vst v63  }
0x28: {  	s24 =	simm.s32 @!p1 $0x0;
	s25 =	sadd.s32 @!p1 $0x0, s25;
	s28 =	simm.s32 @!p1 $0x4  }
0x29: {  	[tilespmem:s26], [sflag:$0x4] =	stream.linear.gather @!p1 [hbm4b:s25+s24], $0xC0, $0x38;
	[tilespmem:$0x1FD00] =	vst v63  }
0x2a: {  	_ =	swait.ge @!p1 [sflag:s28], $0xC0  }
0x2b: {  	s25 =	sadd.s32 @!p1 $0x0, s13;
	[sflag:s28] =	ssyncset.done @!p1 $0x0  }
0x2c: {  	s29 =	simm.s32 @!p1 $0x6300;
	s25 =	sadd.s32 @!p1 $0x180, s25;
	[sflag:s28] =	ssyncadd.s32 @!p1 $0xFFFFFF40  }
0x2d: {  	[tilespmem:s29], [sflag:$0x4] =	stream.linear.gather @!p1 [hbm4b:s25+s24], $0xC0, $0x38;
	[tilespmem:$0x1FD00] =	vst v63  }
0x2e: {  	s31 =	sadd.s32 $0xFFFFFFE0, s15;
	_ =	swait.ge @!p1 [sflag:s28], $0xC0  }
0x2f: {  	p3 =	sgt.u32 s31, $0x341;
	s25 =	simm.s32 @!p1 $0x6400;
	[sflag:s28] =	ssyncset.done @!p1 $0x0  }
0x30: {  	s24 =	simm.s32 @!p3 $0x1;
	[sflag:s28] =	ssyncadd.s32 @!p1 $0xFFFFFF40;
	s28 =	simm.s32 @!p1 $0xC0  }
0x31: {  	[tilespmem:s25], [sflag:$0x2] =	stream.indirect.gather @!p1 [hbm4b:s4+s28], $0x80, s26, s28, $0xb8;
	[tilespmem:$0x1FD00] =	vst v63  }
0x32: {  	_ =	swait.ge @!p3 [sflag:s24], $0x6000  }
0x33: {  	s30 =	simm.s32 @!p3 $0xC0;
	s31 =	simm.s32 @!p3 $0x100;
	[sflag:s24] =	ssyncset.done @!p3 $0x0  }
0x34: {  	s26 =	simm.s32 @!p3 $0x200;
	[sflag:s24] =	ssyncadd.s32 @!p3 $0xFFFFA000;
	s24 =	simm.s32 @!p3 $0x4  }
0x35: {  	[spmem:s2] =	stream.indirect.scatter.add.f32 @!p3 [tilespmem:s26], [sflag:$0x4], $0x80, s31, s30, $0xb8;
	[tilespmem:$0x1FD00] =	vst v63  }
0x36: {  	p2 =	sgt.u32 s15, $0x341;
	_ =	swait.ge @!p3 [sflag:s24], $0x6000  }
0x37: {  	s26 =	sshrl.u32 @!p2 s14, $0x3;
	s30 =	simm.s32 @!p2 $0x0;
	[sflag:s24] =	ssyncset.done @!p3 $0x0  }
0x38: {  	s26 =	sadd.s32 @!p2 s5, s26;
	[sflag:s24] =	ssyncadd.s32 @!p3 $0xFFFFA000;
	s24 =	simm.s32 @!p2 $0x4  }
0x39: {  	[tilespmem:s30], [sflag:$0x4] =	stream.linear.gather @!p2 [hbm4b:s26+s30], $0xC0, $0x38;
	[tilespmem:$0x1FD00] =	vst v63  }
0x3a: {  	_ =	swait.ge @!p2 [sflag:s24], $0xC0  }
0x3b: {  	s26 =	sadd.s32 @!p2 $0x0, s13;
	[sflag:s24] =	ssyncset.done @!p2 $0x0  }
0x3c: {  	s31 =	simm.s32 @!p2 $0x100;
	s26 =	sadd.s32 @!p2 $0x300, s26;
	[sflag:s24] =	ssyncadd.s32 @!p2 $0xFFFFFF40  }
0x3d: {  	[tilespmem:s31], [sflag:$0x4] =	stream.linear.gather @!p2 [hbm4b:s26+s30], $0xC0, $0x38;
	[tilespmem:$0x1FD00] =	vst v63  }
0x3e: {  	_ =	swait.ge @!p2 [sflag:s24], $0xC0  }
0x3f: {  	s26 =	simm.s32 @!p2 $0xC0;
	[sflag:s24] =	ssyncset.done @!p2 $0x0  }
0x40: {  	s31 =	simm.s32 @!p2 $0x200;
	[sflag:s24] =	ssyncadd.s32 @!p2 $0xFFFFFF40;
	s24 =	simm.s32 @!p1 $0x2  }
0x41: {  	[tilespmem:s31], [sflag:$0x1] =	stream.indirect.gather @!p2 [hbm4b:s4+s26], $0x80, s30, s26, $0xb8;
	[tilespmem:$0x1FD00] =	vst v63  }
0x42: {  	_ =	swait.ge @!p1 [sflag:s24], $0x6000  }
0x43: {  	[sflag:s24] =	ssyncset.done @!p1 $0x0  }
0x44: {  	s30 =	simm.s32 @!p1 $0x3;
	[sflag:s24] =	ssyncadd.s32 @!p1 $0xFFFFA000  }
0x45: {  	[spmem:s2] =	stream.indirect.scatter.add.f32 @!p1 [tilespmem:s25], [sflag:$0x3], $0x80, s29, s28, $0xb8;
	[tilespmem:$0x1FD00] =	vst v63  }
0x46: {  	s26 =	smov.u32 s14;
	s24 =	simm.s32 $0x300;
	s25 =	smov.u32 s15  }
.LBB2_2:
0x47: {  	_ =	swait.ge @!p1 [sflag:s30], $0x6000;
	s25 =	sadd.s32 $0x20, s25  }
0x48: {  	s28 =	sadd.s32 $0xFFFFFFF0, s25;
	[sflag:s30] =	ssyncset.done @!p1 $0x0  }
0x49: {  	[sflag:s30] =	ssyncadd.s32 @!p1 $0xFFFFA000;
	p1 =	sgt.u32 s28, $0x341  }
0x4a: {  	s31 =	smov.u32 s24;
	s29 =	rddreg [dreg:$0x3];
	s30 =	simm.s32 @!p1 $0x0  }
0x4b: {  	s29 =	sadd.s32 @!p1 s31, s29;
	s0 =	simm.s32 @!p1 $0x6200;
	s1 =	simm.s32 @!p1 $0x4  }
0x4c: {  	[tilespmem:s0], [sflag:$0x4] =	stream.linear.gather @!p1 [hbm4b:s29+s30], $0xC0, $0x38;
	[tilespmem:$0x1FD00] =	vst v63  }
0x4d: {  	_ =	swait.ge @!p1 [sflag:s1], $0xC0  }
0x4e: {  	s28 =	sadd.s32 @!p1 s31, s13;
	[sflag:s1] =	ssyncset.done @!p1 $0x0  }
0x4f: {  	s29 =	sadd.s32 @!p1 $0x180, s28;
	s28 =	simm.s32 @!p1 $0x6300;
	[sflag:s1] =	ssyncadd.s32 @!p1 $0xFFFFFF40  }
0x50: {  	[tilespmem:s28], [sflag:$0x4] =	stream.linear.gather @!p1 [hbm4b:s29+s30], $0xC0, $0x38;
	[tilespmem:$0x1FD00] =	vst v63  }
0x51: {  	_ =	swait.ge @!p1 [sflag:s1], $0xC0  }
0x52: {  	s30 =	sadd.s32 $0xFFFFFFE0, s25;
	s29 =	simm.s32 @!p1 $0x6400;
	[sflag:s1] =	ssyncset.done @!p1 $0x0  }
0x53: {  	p4 =	sgt.u32 s30, $0x341;
	[sflag:s1] =	ssyncadd.s32 @!p1 $0xFFFFFF40;
	s1 =	simm.s32 @!p1 $0xC0  }
0x54: {  	[tilespmem:s29], [sflag:$0x2] =	stream.indirect.gather @!p1 [hbm4b:s4+s1], $0x80, s0, s1, $0xb8;
	[tilespmem:$0x1FD00] =	vst v63  }
0x55: {  	s0 =	simm.s32 @!p4 $0x1  }
0x56: {  	_ =	swait.ge @!p4 [sflag:s0], $0x6000  }
0x57: {  	s30 =	simm.s32 @!p4 $0x200;
	s20 =	simm.s32 @!p4 $0xC0;
	[sflag:s0] =	ssyncset.done @!p4 $0x0  }
0x58: {  	s21 =	simm.s32 @!p4 $0x100;
	[sflag:s0] =	ssyncadd.s32 @!p4 $0xFFFFA000;
	s0 =	simm.s32 @!p4 $0x4  }
0x59: {  	[spmem:s2] =	stream.indirect.scatter.add.f32 @!p4 [tilespmem:s30], [sflag:$0x4], $0x80, s21, s20, $0xb8;
	[tilespmem:$0x1FD00] =	vst v63  }
0x5a: {  	s26 =	sadd.s32 $0x1800, s26;
	p3 =	sgt.u32 s25, $0x341;
	_ =	swait.ge @!p4 [sflag:s0], $0x6000  }
0x5b: {  	s20 =	sshrl.u32 @!p3 s26, $0x3;
	s30 =	simm.s32 @!p3 $0x0;
	[sflag:s0] =	ssyncset.done @!p4 $0x0  }
0x5c: {  	s20 =	sadd.s32 @!p3 s5, s20;
	[sflag:s0] =	ssyncadd.s32 @!p4 $0xFFFFA000;
	s0 =	simm.s32 @!p3 $0x4  }
0x5d: {  	[tilespmem:s30], [sflag:$0x4] =	stream.linear.gather @!p3 [hbm4b:s20+s30], $0xC0, $0x38;
	[tilespmem:$0x1FD00] =	vst v63  }
0x5e: {  	_ =	swait.ge @!p3 [sflag:s0], $0xC0  }
0x5f: {  	s21 =	sadd.s32 @!p3 s31, s13;
	[sflag:s0] =	ssyncset.done @!p3 $0x0  }
0x60: {  	s21 =	sadd.s32 @!p3 $0x300, s21;
	s20 =	simm.s32 @!p3 $0x100;
	[sflag:s0] =	ssyncadd.s32 @!p3 $0xFFFFFF40  }
0x61: {  	[tilespmem:s20], [sflag:$0x4] =	stream.linear.gather @!p3 [hbm4b:s21+s30], $0xC0, $0x38;
	[tilespmem:$0x1FD00] =	vst v63  }
0x62: {  	s24 =	sadd.s32 $0x300, s24;
	_ =	swait.ge @!p3 [sflag:s0], $0xC0  }
0x63: {  	p2 =	sne.s32 s24, $0x5100;
	[sflag:s0] =	ssyncset.done @!p3 $0x0  }
0x64: {  	s20 =	simm.s32 @!p3 $0xC0;
	s21 =	simm.s32 @!p3 $0x200;
	[sflag:s0] =	ssyncadd.s32 @!p3 $0xFFFFFF40  }
0x65: {  	[tilespmem:s21], [sflag:$0x1] =	stream.indirect.gather @!p3 [hbm4b:s4+s20], $0x80, s30, s20, $0xb8;
	[tilespmem:$0x1FD00] =	vst v63  }
.Ltmp0:
0x66: {  	s0 =	simm.s32 @!p1 $0x2;
	(pc) =	sbr.rel @p2 .LBB2_2-.Ltmp0, $4  }
0x67: {  	_ =	swait.ge @!p1 [sflag:s0], $0x6000  }
0x68: {  	[sflag:s0] =	ssyncset.done @!p1 $0x0  }
0x69: {  	s30 =	simm.s32 @!p1 $0x3;
	[sflag:s0] =	ssyncadd.s32 @!p1 $0xFFFFA000  }
0x6a: {  	[spmem:s2] =	stream.indirect.scatter.add.f32 @!p1 [tilespmem:s29], [sflag:$0x3], $0x80, s28, s1, $0xb8;
	[tilespmem:$0x1FD00] =	vst v63  }
0x6b: {  	_ =	swait.ge @!p1 [sflag:s30], $0x6000  }
0x6c: {  	[sflag:s30] =	ssyncset.done @!p1 $0x0  }
0x6d: {  	[sflag:s30] =	ssyncadd.s32 @!p1 $0xFFFFA000  }
0x6e: {  	s0 =	simm.s32 @p0 $0x1FC3;
	[bflag:$0x0] =	sbarrier.arrive $0xFFFF  }
0x6f: {  	[hbm:s11], [sflag:s0] =	dma.local @p0 [spmem:s16], $0x2800  }
0x70: {  	s0 =	simm.s32 @p0 $0x3  }
0x71: {  	s23 =	sadd.s32 $0x1, s23;
	_ =	swait.ge @p0 [sflag:s0], $0x2800  }
0x72: {  	p1 =	sne.s32 s23, s12;
	[sflag:s0] =	ssyncset.done @p0 $0x0  }
.Ltmp1:
0x73: {  	[sflag:s0] =	ssyncadd.s32 @p0 $0xFFFFD800;
	s0 =	simm.s32 @!p0 $0x3;
	(pc) =	sbr.rel @p1 .LBB2_1-.Ltmp1, $4  }
0x74: {  	[hbm:s10], [sflag:s17] =	dma.local @!p0 [spmem:s18], $0x2700  }
0x75: {  	_ =	swait.ge @!p0 [sflag:s0], $0x2700  }
0x76: {  	[sflag:s0] =	ssyncset.done @!p0 $0x0  }
0x77: {  	[sflag:s0] =	ssyncadd.s32 @!p0 $0xFFFFD900  }
0x78: {  	_ =	sfence.sel $0x180000  }
0x79: {  	[bflag:$0x0] =	sbarrier.arrive $0xFFFF  }
0x7a: {  	_ =	strace $0x9000004A  }
0x7b: {  	s0 =	stileid.u32;
	[bflag:$0x2] =	sbarrier.arrive $0xFFFF  }
0x7c: {  	p0 =	sne.s32 s0, $0x0;
	s0 =	rddreg [dreg:$0x2]  }
0x7d: {  	s0 =	sadd.s32 @!p0 $0x100000, s0  }
0x7e: {  	[sflag:s0] =	ssyncadd.tile.s32 @!p0 $0x1;
	_ =	shalt  }
.Lfunc_end2:
_tile_overlayer_lowered:
.L_overlay_start_2:
0x7f: {  	(tag) =	ssettag $0x2  }
0x80: {  	s0 =	rddreg [dreg:$0x0];
	s2 =	stileid.u32  }
0x81: {  	s1 =	rddreg [dreg:$0x1];
	p0 =	sne.s32 s2, $0x0  }
0x82: {  	s3 =	rddreg [dreg:$0x2];
	[bflag:$0x3] =	sbarrier.arrive $0xFFFF;
	s2 =	simm.s32 @!p0 $0x1C03  }
0x83: {  	[timem:s3], [sflag:s2] =	dma.local @!p0 [hbm:s0], s1  }
0x84: {  	s0 =	simm.s32 @!p0 $0x3  }
0x85: {  	_ =	swait.ge @!p0 [sflag:s0], s1  }
0x86: {  	s1 =	ssub.s32 @!p0 $0x0, s1;
	[sflag:s0] =	ssyncset.done @!p0 $0x0  }
0x87: {  	[sflag:s0] =	ssyncadd.s32 @!p0 s1  }
0x88: {  	[bflag:$0x3] =	sbarrier.arrive $0xFFFF  }
0x89: {  	_ =	shalt  }

// kernel: kernel.20.cloned.1.call-start
scs
__scs_entry_jumppad:
0x0: {  	(pc) =	sbr.rel $0x88, $3  }
0x1: {  	(tag) =	ssettag $0x0;
	lr =	simm.s32 $0x1  }
0x2: {  	[smem:$0x3F96] =	sst lr;
	_ =	strace $0xD0000000  }
0x3: {  	_ = 	snop  }
0x4: {  	_ = 	snop  }
0x5: {  	_ = 	snop  }
0x6: {  	_ = 	snop  }
0x7: {  	_ = 	snop  }
__scs_overlays_trampoline_lowered:
0x8: {  	[smem:$0x3FA5] =	sst s0  }
0x9: {  	[smem:$0x3FA6] =	sst s1  }
0xa: {  	[smem:$0x3FA7] =	sst s2  }
0xb: {  	[smem:$0x3FA8] =	sst s3  }
0xc: {  	[smem:$0x3FA9] =	sst s4  }
0xd: {  	[smem:$0x3FAA] =	sst s5  }
0xe: {  	[smem:$0x3FAB] =	sst s6  }
0xf: {  	[smem:$0x3FAC] =	sst s7  }
0x10: {  	[smem:$0x3FAD] =	sst s8  }
0x11: {  	[smem:$0x3FAE] =	sst s9;
	s0 =	simm.s32 @!p0 $0x0  }
0x12: {  	s1 =	sld [smem:$0x3F94];
	s0 =	simm.s32 @p0 $0x1  }
0x13: {  	[smem:$0x3FAF] =	sst s0;
	s0 =	simm.s32 @!p1 $0x0  }
0x14: {  	s2 =	sld [smem:$0x3F93];
	s0 =	simm.s32 @p1 $0x1  }
0x15: {  	[smem:$0x3FB0] =	sst s0;
	s0 =	simm.s32 @!p2 $0x0  }
0x16: {  	s3 =	sld [smem:$0x3FDB];
	s0 =	simm.s32 @p2 $0x1  }
0x17: {  	s4 =	simm.s32 $0x1BF5;
	[smem:$0x3FB2] =	sst s0  }
0x18: {  	s0 =	sld [smem:$0x3F95];
	_ =	swait.ge [sflag:s4], $0x0  }
0x19: {  	s7 =	sld [smem:$0x3F96]  }
0x1a: {  	s8 =	sadd.s32 $0xFFFFE003, lr  }
0x1b: {  	s9 =	sadd.s32 $0xFFFFFEF7, lr;
	s5 =	simm.s32 $0xFFFFFFFF;
	p2 =	slt.u32 s8, $0xFFFFF086  }
0x1c: {  	p1 =	slt.u32 s9, $0xF7A;
	s5 =	simm.s32 @!p2 $0x0  }
0x1d: {  	s5 =	simm.s32 @p1 $0x1;
	p0 =	seq.s32 s7, s2  }
0x1e: {  	s7 =	smul.u32 @!p0 $0xF7A, s2;
	p2 =	seq.s32 @!p0 s5, $0x0  }
0x1f: {  	s9 =	smul.u32 $0xF7A, s1;
	s8 =	simm.s32 @!p0 $0x1BF5;
	p2 =	por !p2, p0  }
0x20: {  	[sflag:s8] =	ssyncset.s32 @!p0 $0xFFFFF086;
	s6 =	sadd.s32 @!p0 s3, s7;
	s7 =	simm.s32 @!p0 $0x108  }
0x21: {  	s3 =	sadd.s32 s3, s9;
	s6 =	sadd.s32 @!p0 $0x88, s6;
	s7 =	simm.s32 @p2 $0x1082  }
0x22: {  	[simem:s7], [sflag:s8] =	dma.local @!p0 [hbm:s6], $0xF7A  }
0x23: {  	s9 =	sor.u32 $0xD0000000, s2;
	s6 =	simm.s32 $0x108;
	_ =	swait.ge @!p0 [sflag:s8], $0x0  }
0x24: {  	s3 =	sadd.s32 $0x88, s3;
	s6 =	simm.s32 @!p1 $0x1082;
	[sflag:s4] =	ssyncset.s32 $0xFFFFF086  }
0x25: {  	[simem:s6], [sflag:s4] =	dma.local [hbm:s3], $0xF7A  }
0x26: {  	[smem:$0x3F96] =	sst s1;
	(tag) =	ssettag s2;
	_ =	strace s9  }
0x27: {  	s1 =	sld [smem:$0x3FA6]  }
0x28: {  	s2 =	sld [smem:$0x3FA7]  }
0x29: {  	s4 =	sld [smem:$0x3FA9]  }
0x2a: {  	p0 =	seq.s32 s5, $0x0;
	s5 =	sld [smem:$0x3FAA]  }
0x2b: {  	s6 =	sld [smem:$0x3FAB]  }
0x2c: {  	s7 =	sld [smem:$0x3FAC]  }
0x2d: {  	s3 =	simm.s32 $0x108;
	s8 =	sld [smem:$0x3FAD]  }
0x2e: {  	s3 =	simm.s32 @!p0 $0x1082;
	s9 =	sld [smem:$0x3FAE]  }
0x2f: {  	lr =	sadd.s32 s0, s3;
	s0 =	sld [smem:$0x3FA5]  }
0x30: {  	s3 =	sld [smem:$0x3FA8]  }
0x31: {  	[smem:$0x3FB1] =	sst s10  }
0x32: {  	s10 =	sld [smem:$0x3FAF];
	_ =	sdelay $0x3  }
0x33: {  	p0 =	seq.s32 s10, $0x1;
	s10 =	sld [smem:$0x3FB1];
	_ =	sdelay $0x3  }
0x34: {  	[smem:$0x3FB1] =	sst s10  }
0x35: {  	s10 =	sld [smem:$0x3FB0];
	_ =	sdelay $0x3  }
0x36: {  	p1 =	seq.s32 s10, $0x1;
	s10 =	sld [smem:$0x3FB1];
	_ =	sdelay $0x3  }
0x37: {  	[smem:$0x3FB1] =	sst s10  }
0x38: {  	s10 =	sld [smem:$0x3FB2]  }
0x39: {  	_ = 	snop;
	(pc) =	sbr.ind lr, $3  }
0x3a: {  	_ = 	snop  }
0x3b: {  	_ = 	snop  }
0x3c: {  	p2 =	seq.s32 s10, $0x1;
	s10 =	sld [smem:$0x3FB1]  }
0x3d: {  	_ =	shalt  }
0x3e: {  	_ =	shalt  }
0x3f: {  	_ =	shalt  }
0x40: {  	_ =	shalt  }
0x41: {  	_ =	shalt  }
0x42: {  	_ =	shalt  }
0x43: {  	_ =	shalt  }
0x44: {  	_ =	shalt  }
0x45: {  	_ =	shalt  }
0x46: {  	_ =	shalt  }
0x47: {  	_ =	shalt  }
0x48: {  	_ =	shalt  }
0x49: {  	_ =	shalt  }
0x4a: {  	_ =	shalt  }
0x4b: {  	_ =	shalt  }
0x4c: {  	_ =	shalt  }
0x4d: {  	_ =	shalt  }
0x4e: {  	_ =	shalt  }
0x4f: {  	_ =	shalt  }
0x50: {  	_ =	shalt  }
0x51: {  	_ =	shalt  }
0x52: {  	_ =	shalt  }
0x53: {  	_ =	shalt  }
0x54: {  	_ =	shalt  }
0x55: {  	_ =	shalt  }
0x56: {  	_ =	shalt  }
0x57: {  	_ =	shalt  }
0x58: {  	_ =	shalt  }
0x59: {  	_ =	shalt  }
0x5a: {  	_ =	shalt  }
0x5b: {  	_ =	shalt  }
0x5c: {  	_ =	shalt  }
0x5d: {  	_ =	shalt  }
0x5e: {  	_ =	shalt  }
0x5f: {  	_ =	shalt  }
0x60: {  	_ =	shalt  }
0x61: {  	_ =	shalt  }
0x62: {  	_ =	shalt  }
0x63: {  	_ =	shalt  }
0x64: {  	_ =	shalt  }
0x65: {  	_ =	shalt  }
0x66: {  	_ =	shalt  }
0x67: {  	_ =	shalt  }
0x68: {  	_ =	shalt  }
0x69: {  	_ =	shalt  }
0x6a: {  	_ =	shalt  }
0x6b: {  	_ =	shalt  }
0x6c: {  	_ =	shalt  }
0x6d: {  	_ =	shalt  }
0x6e: {  	_ =	shalt  }
0x6f: {  	_ =	shalt  }
0x70: {  	_ =	shalt  }
0x71: {  	_ =	shalt  }
0x72: {  	_ =	shalt  }
0x73: {  	_ =	shalt  }
0x74: {  	_ =	shalt  }
0x75: {  	_ =	shalt  }
0x76: {  	_ =	shalt  }
0x77: {  	_ =	shalt  }
0x78: {  	_ =	shalt  }
0x79: {  	_ =	shalt  }
0x7a: {  	_ =	shalt  }
0x7b: {  	_ =	shalt  }
0x7c: {  	_ =	shalt  }
0x7d: {  	_ =	shalt  }
0x7e: {  	_ =	shalt  }
0x7f: {  	_ =	shalt  }
0x80: {  	_ =	shalt  }
0x81: {  	_ =	shalt  }
0x82: {  	_ =	shalt  }
0x83: {  	_ =	shalt  }
0x84: {  	_ =	shalt  }
0x85: {  	_ =	shalt  }
0x86: {  	_ =	shalt  }
0x87: {  	_ =	shalt  }
.Lfunc_end0:
.L_simem_size_0:
called_computation.2_lowered:
.L_overlay_start_0:
0x88: {  	s2 =	sld [smem:$0x3FD9]  }
0x89: {  	s3 =	sld [smem:$0x3FFE];
	_ =	sdelay $0x1  }
0x8a: {  	s1 =	srdreg.scid  }
0x8b: {  	s0 =	sand.u32 $0x1, s1  }
0x8c: {  	s16 =	sshll.u32 s0, $0xA;
	s2 =	sadd.s32 s3, s2  }
0x8d: {  	s2 =	sadd.s32 s2, s16  }
0x8e: {  	[smem:$0x3FBD] =	sst s2  }
0x8f: {  	_ = 	snop  }
0x90: {  	(tm) =	ssettm $0x1  }
0x91: {  	s17 =	sld [smem:$0x3FFB];
	_ =	sdelay $0x3  }
0x92: {  	_ =	strace s17  }
0x93: {  	s2 =	sld [smem:$0x3FFC];
	_ =	sdelay $0x3  }
0x94: {  	_ =	strace s2  }
0x95: {  	s2 =	sld [smem:$0x3FFD];
	_ =	sdelay $0x3  }
0x96: {  	_ =	strace s2  }
0x97: {  	_ =	strace $0x8FFFFFFF  }
0x98: {  	s18 =	sld [smem:$0x3FDB];
	_ =	sdelay $0x1  }
0x99: {  	s19 =	simm.s32 $_scs_section_size  }
0x9a: {  	s4 =	simm.s32 $_size__tile_overlayer_lowered;
	s5 =	simm.s32 $_tile_overlayer_lowered  }
0x9b: {  	s22 =	simm.s32 $0x1BFF;
	s21 =	sshll.u32 s5, $0x1;
	s2 =	sadd.s32 s19, s18  }
0x9c: {  	s6 =	simm.s32 $0x0;
	s20 =	sshll.u32 s4, $0x1;
	s4 =	sadd.s32 s21, s2  }
0x9d: {  	[timem:s6], [sflag:s22] =	dma.local [hbm:s4], s20  }
0x9e: {  	_ =	swait.ge [sflag:s22], s20  }
0x9f: {  	s3 =	ssub.s32 $0x0, s20;
	[sflag:s22] =	ssyncset.done $0x0  }
0xa0: {  	[sflag:s22] =	ssyncadd.s32 s3;
	_ =	sdelay $0x1  }
0xa1: {  	s23 =	simm.s32 $0x1B8B  }
0xa2: {  	_ =	swait.ge [sflag:s23], $0x1  }
0xa3: {  	[sflag:s23] =	ssyncset.done $0x0  }
0xa4: {  	s25 =	simm.s32 $0x1B8E;
	s24 =	sld [smem:$0x3FFE];
	[sflag:s23] =	ssyncadd.s32 $0xFFFFFFFF  }
0xa5: {  	s26 =	simm.s32 $execute0_lowered;
	[smem:$0x3FD2] =	sst s25  }
0xa6: {  	s4 =	sshll.u32 s26, $0x1;
	_ =	strace $0x8000004C;
	[dreg:$0x1] =	wrdreg $0xFFFFFFFF  }
0xa7: {  	s28 =	simm.s32 $_size_execute0_lowered;
	s2 =	sadd.s32 s2, s4;
	[dreg:$0x0] =	wrdreg $0x0  }
0xa8: {  	s4 =	sshll.u32 s28, $0x1;
	[dreg:$0x2] =	wrdreg s2  }
0xa9: {  	[dreg:$0x3] =	wrdreg s4  }
0xaa: {  	[dreg:$0x4] =	wrdreg $0xC0  }
0xab: {  	_ =	task [dreg:s6], $0x5FFFF  }
0xac: {  	[dreg:$0x1] =	wrdreg $0xFFFFFFFF  }
0xad: {  	[dreg:$0x0] =	wrdreg $0x60  }
0xae: {  	[dreg:$0x2] =	wrdreg s24  }
0xaf: {  	[dreg:$0x3] =	wrdreg $0xC4000  }
0xb0: {  	[dreg:$0x4] =	wrdreg $0x9  }
0xb1: {  	_ =	task.clear_ibuf [dreg:s6], $0x5FFFF;
	_ =	strace $0x9000004C  }
0xb2: {  	s29 =	simm.s32 $0x9;
	_ =	strace $0x8000004E  }
0xb3: {  	_ =	swait.ge [sflag:s29], $0x1  }
0xb4: {  	[sflag:s29] =	ssyncadd.s32 $0xFFFFFFFF  }
0xb5: {  	_ =	strace $0x9000004E  }
0xb6: {  	_ =	sfence  }
0xb7: {  	s30 =	sld [smem:$0x0];
	_ =	sdelay $0x2  }
0xb8: {  	s31 =	sshll.u32 s1, $0xD;
	s1 =	sshrl.u32 s1, $0x2  }
0xb9: {  	s3 =	sand.u32 $0x4000, s31;
	s1 =	sadd.s32 s1, s30  }
0xba: {  	s0 =	sor.u32 s3, s0;
	s1 =	sshll.u32 s1, $0x11  }
0xbb: {  	s0 =	sor.u32 s1, s0  }
0xbc: {  	s0 =	sadd.s32 $0x8F2B, s0  }
0xbd: {  	[sflag:s0] =	ssyncadd.remote.s32 $0x1  }
0xbe: {  	_ =	sfence.sel $0xFFFF  }
0xbf: {  	[dreg:$0x0] =	wrdreg $0xFFFFFFFF;
	(pc) =	sbr.abs _section_cstart, $3  }
0xc0: {  	[dreg:$0x1] =	wrdreg $0xFFFFFFFF  }
0xc1: {  	_ =	task.clear_ibuf [dreg:s6], $0x2FFFF;
	_ =	strace $0x9FFFFFFF  }
0xc2: {  	(tm) =	ssettm $0x7FFFFFFF  }
0xc3: {  	_ =	shalt  }
tec
execute0_lowered:
.L_overlay_start_1:
0x0: {  	(tag) =	ssettag $0x1  }
0x1: {  	s6 =	rddreg [dreg:$0x0]  }
0x2: {  	s2 =	rddreg [dreg:$0x1];
	s0 =	stileid.u32  }
0x3: {  	s3 =	simm.s32 $0x0;
	s5 =	srdreg.scid;
	s7 =	smul.u32 $0x270, s0  }
0x4: {  	s22 =	simm.s32 $0x200;
	s23 =	simm.s32 $0x0;
	s9 =	smul.u32 $0x4E000, s0  }
0x5: {  	[smem:$0x7FF] =	sst s3;
	s4 =	sadd.s32 $0x9000, s6;
	s25 =	smul.u32 $0xC0, s0  }
0x6: {  	s8 =	sand.u32 $0x1, s5;
	s5 =	sadd.s32 $0x5A600, s6;
	s19 =	smul.u32 $0x18, s0  }
0x7: {  	s13 =	sadd.s32 $0x4000, s6;
	s17 =	sadd.s32 $0x124800, s2;
	s11 =	smul.u32 $0x2710, s8  }
0x8: {  	s15 =	sadd.s32 $0x64600, s6;
	p0 =	seq.s32 s0, $0xF;
	s14 =	smul.u32 $0x138800, s8  }
0x9: {  	_ =	strace $0x8000004D;
	s10 =	ssub.s32 $0x2, s8;
	s8 =	smul.u32 $0x28000, s8  }
0xa: {  	s12 =	sshrl.u32 s10, $0x1;
	s26 =	sshrl.u32 s9, $0x2;
	s29 =	sshrl.u32 s25, $0x3  }
0xb: {  	s12 =	ssub.s32 s10, s12;
	s7 =	sadd.s32 s7, s11;
	s18 =	sadd.s32 s26, s2  }
0xc: {  	s28 =	sshrl.u32 s14, $0x3;
	s16 =	sor.u32 s25, s8;
	s9 =	sadd.s32 s13, s29  }
0xd: {  	s13 =	sadd.s32 s19, s13;
	s19 =	sshll.u32 @!p0 s0, $0x6;
	s11 =	sshll.u32 s7, $0x4  }
0xe: {  	s14 =	sadd.s32 $0x24900, s28;
	s8 =	sshrl.u32 s16, $0x3;
	s12 =	smax.u32 s12, $0x1  }
0xf: {  	s30 =	sadd.s32 $0xC00, s16;
	s18 =	sshrl.u32 @!p0 s18, $0x3;
	s6 =	sadd.s32 s4, s11  }
0x10: {  	s7 =	sadd.s32 s4, s14;
	s10 =	sadd.s32 s15, s11;
	s31 =	sshrl.u32 s30, $0x3  }
0x11: {  	s11 =	sadd.s32 s15, s14;
	s14 =	sadd.s32 $0x1800, s16;
	s16 =	sadd.s32 s31, s5  }
0x12: {  	s8 =	sadd.s32 s5, s8;
	s15 =	sor.u32 $0x20, s0;
	[dreg:$0x3] =	wrdreg s16  }
0x13: {  	s16 =	sshrl.u32 @p0 s17, $0x3;
	s17 =	sor.u32 @!p0 $0x1C03, s19;
	s19 =	simm.s32 $0x3  }
.LBB2_1:
0x14: {  	s24 =	simm.s32 @p0 $0x1FC3  }
0x15: {  	[spmem:s16], [sflag:s24] =	dma.local @p0 [hbm:s7], $0x2800  }
0x16: {  	s24 =	simm.s32 @p0 $0x3  }
0x17: {  	_ =	swait.ge @p0 [sflag:s24], $0x2800  }
0x18: {  	[sflag:s24] =	ssyncset.done @p0 $0x0  }
0x19: {  	[sflag:s24] =	ssyncadd.s32 @p0 $0xFFFFD800;
	s24 =	simm.s32 @!p0 $0x3  }
0x1a: {  	[spmem:s18], [sflag:s17] =	dma.local @!p0 [hbm:s6], $0x2700  }
0x1b: {  	_ =	swait.ge @!p0 [sflag:s24], $0x2700  }
0x1c: {  	[sflag:s24] =	ssyncset.done @!p0 $0x0  }
0x1d: {  	[sflag:s24] =	ssyncadd.s32 @!p0 $0xFFFFD900  }
0x1e: {  	[bflag:$0x0] =	sbarrier.arrive $0xFFFF  }
0x1f: {  	[tilespmem:s3], [sflag:$0x3] =	stream.linear.gather [hbm4b:s8+s3], $0xC0, $0x38;
	[tilespmem:$0x1FD00] =	vst v63  }
0x20: {  	_ =	swait.ge [sflag:s19], $0xC0  }
0x21: {  	[sflag:s19] =	ssyncset.done $0x0  }
0x22: {  	s0 =	simm.s32 $0x100;
	[sflag:s19] =	ssyncadd.s32 $0xFFFFFF40  }
0x23: {  	[tilespmem:s0], [sflag:$0x3] =	stream.linear.gather [hbm4b:s9+s3], $0xC0, $0x38;
	[tilespmem:$0x1FD00] =	vst v63  }
0x24: {  	s29 =	sadd.s32 $0xFFFFFFF0, s15;
	_ =	swait.ge [sflag:s19], $0xC0  }
0x25: {  	s28 =	simm.s32 $0xC0;
	p1 =	sgt.u32 s29, $0x341;
	[sflag:s19] =	ssyncset.done $0x0  }
0x26: {  	s26 =	simm.s32 @!p1 $0x6200;
	s25 =	rddreg [dreg:$0x3];
	[sflag:s19] =	ssyncadd.s32 $0xFFFFFF40  }
0x27: {  	[tilespmem:s22], [sflag:$0x1] =	stream.indirect.gather [hbm4b:s4+s28], $0x80, s3, s28, $0xb8;
	[tilespmem:$0x1FD00] =	vst v63  }
0x28: {  	s24 =	simm.s32 @!p1 $0x0;
	s25 =	sadd.s32 @!p1 $0x0, s25;
	s28 =	simm.s32 @!p1 $0x4  }
0x29: {  	[tilespmem:s26], [sflag:$0x4] =	stream.linear.gather @!p1 [hbm4b:s25+s24], $0xC0, $0x38;
	[tilespmem:$0x1FD00] =	vst v63  }
0x2a: {  	_ =	swait.ge @!p1 [sflag:s28], $0xC0  }
0x2b: {  	s25 =	sadd.s32 @!p1 $0x0, s13;
	[sflag:s28] =	ssyncset.done @!p1 $0x0  }
0x2c: {  	s29 =	simm.s32 @!p1 $0x6300;
	s25 =	sadd.s32 @!p1 $0x180, s25;
	[sflag:s28] =	ssyncadd.s32 @!p1 $0xFFFFFF40  }
0x2d: {  	[tilespmem:s29], [sflag:$0x4] =	stream.linear.gather @!p1 [hbm4b:s25+s24], $0xC0, $0x38;
	[tilespmem:$0x1FD00] =	vst v63  }
0x2e: {  	s31 =	sadd.s32 $0xFFFFFFE0, s15;
	_ =	swait.ge @!p1 [sflag:s28], $0xC0  }
0x2f: {  	p3 =	sgt.u32 s31, $0x341;
	s25 =	simm.s32 @!p1 $0x6400;
	[sflag:s28] =	ssyncset.done @!p1 $0x0  }
0x30: {  	s24 =	simm.s32 @!p3 $0x1;
	[sflag:s28] =	ssyncadd.s32 @!p1 $0xFFFFFF40;
	s28 =	simm.s32 @!p1 $0xC0  }
0x31: {  	[tilespmem:s25], [sflag:$0x2] =	stream.indirect.gather @!p1 [hbm4b:s4+s28], $0x80, s26, s28, $0xb8;
	[tilespmem:$0x1FD00] =	vst v63  }
0x32: {  	_ =	swait.ge @!p3 [sflag:s24], $0x6000  }
0x33: {  	s30 =	simm.s32 @!p3 $0xC0;
	s31 =	simm.s32 @!p3 $0x100;
	[sflag:s24] =	ssyncset.done @!p3 $0x0  }
0x34: {  	s26 =	simm.s32 @!p3 $0x200;
	[sflag:s24] =	ssyncadd.s32 @!p3 $0xFFFFA000;
	s24 =	simm.s32 @!p3 $0x4  }
0x35: {  	[spmem:s2] =	stream.indirect.scatter.add.f32 @!p3 [tilespmem:s26], [sflag:$0x4], $0x80, s31, s30, $0xb8;
	[tilespmem:$0x1FD00] =	vst v63  }
0x36: {  	p2 =	sgt.u32 s15, $0x341;
	_ =	swait.ge @!p3 [sflag:s24], $0x6000  }
0x37: {  	s26 =	sshrl.u32 @!p2 s14, $0x3;
	s30 =	simm.s32 @!p2 $0x0;
	[sflag:s24] =	ssyncset.done @!p3 $0x0  }
0x38: {  	s26 =	sadd.s32 @!p2 s5, s26;
	[sflag:s24] =	ssyncadd.s32 @!p3 $0xFFFFA000;
	s24 =	simm.s32 @!p2 $0x4  }
0x39: {  	[tilespmem:s30], [sflag:$0x4] =	stream.linear.gather @!p2 [hbm4b:s26+s30], $0xC0, $0x38;
	[tilespmem:$0x1FD00] =	vst v63  }
0x3a: {  	_ =	swait.ge @!p2 [sflag:s24], $0xC0  }
0x3b: {  	s26 =	sadd.s32 @!p2 $0x0, s13;
	[sflag:s24] =	ssyncset.done @!p2 $0x0  }
0x3c: {  	s31 =	simm.s32 @!p2 $0x100;
	s26 =	sadd.s32 @!p2 $0x300, s26;
	[sflag:s24] =	ssyncadd.s32 @!p2 $0xFFFFFF40  }
0x3d: {  	[tilespmem:s31], [sflag:$0x4] =	stream.linear.gather @!p2 [hbm4b:s26+s30], $0xC0, $0x38;
	[tilespmem:$0x1FD00] =	vst v63  }
0x3e: {  	_ =	swait.ge @!p2 [sflag:s24], $0xC0  }
0x3f: {  	s26 =	simm.s32 @!p2 $0xC0;
	[sflag:s24] =	ssyncset.done @!p2 $0x0  }
0x40: {  	s31 =	simm.s32 @!p2 $0x200;
	[sflag:s24] =	ssyncadd.s32 @!p2 $0xFFFFFF40;
	s24 =	simm.s32 @!p1 $0x2  }
0x41: {  	[tilespmem:s31], [sflag:$0x1] =	stream.indirect.gather @!p2 [hbm4b:s4+s26], $0x80, s30, s26, $0xb8;
	[tilespmem:$0x1FD00] =	vst v63  }
0x42: {  	_ =	swait.ge @!p1 [sflag:s24], $0x6000  }
0x43: {  	[sflag:s24] =	ssyncset.done @!p1 $0x0  }
0x44: {  	s30 =	simm.s32 @!p1 $0x3;
	[sflag:s24] =	ssyncadd.s32 @!p1 $0xFFFFA000  }
0x45: {  	[spmem:s2] =	stream.indirect.scatter.add.f32 @!p1 [tilespmem:s25], [sflag:$0x3], $0x80, s29, s28, $0xb8;
	[tilespmem:$0x1FD00] =	vst v63  }
0x46: {  	s26 =	smov.u32 s14;
	s24 =	simm.s32 $0x300;
	s25 =	smov.u32 s15  }
.LBB2_2:
0x47: {  	_ =	swait.ge @!p1 [sflag:s30], $0x6000;
	s25 =	sadd.s32 $0x20, s25  }
0x48: {  	s28 =	sadd.s32 $0xFFFFFFF0, s25;
	[sflag:s30] =	ssyncset.done @!p1 $0x0  }
0x49: {  	[sflag:s30] =	ssyncadd.s32 @!p1 $0xFFFFA000;
	p1 =	sgt.u32 s28, $0x341  }
0x4a: {  	s31 =	smov.u32 s24;
	s29 =	rddreg [dreg:$0x3];
	s30 =	simm.s32 @!p1 $0x0  }
0x4b: {  	s29 =	sadd.s32 @!p1 s31, s29;
	s0 =	simm.s32 @!p1 $0x6200;
	s1 =	simm.s32 @!p1 $0x4  }
0x4c: {  	[tilespmem:s0], [sflag:$0x4] =	stream.linear.gather @!p1 [hbm4b:s29+s30], $0xC0, $0x38;
	[tilespmem:$0x1FD00] =	vst v63  }
0x4d: {  	_ =	swait.ge @!p1 [sflag:s1], $0xC0  }
0x4e: {  	s28 =	sadd.s32 @!p1 s31, s13;
	[sflag:s1] =	ssyncset.done @!p1 $0x0  }
0x4f: {  	s29 =	sadd.s32 @!p1 $0x180, s28;
	s28 =	simm.s32 @!p1 $0x6300;
	[sflag:s1] =	ssyncadd.s32 @!p1 $0xFFFFFF40  }
0x50: {  	[tilespmem:s28], [sflag:$0x4] =	stream.linear.gather @!p1 [hbm4b:s29+s30], $0xC0, $0x38;
	[tilespmem:$0x1FD00] =	vst v63  }
0x51: {  	_ =	swait.ge @!p1 [sflag:s1], $0xC0  }
0x52: {  	s30 =	sadd.s32 $0xFFFFFFE0, s25;
	s29 =	simm.s32 @!p1 $0x6400;
	[sflag:s1] =	ssyncset.done @!p1 $0x0  }
0x53: {  	p4 =	sgt.u32 s30, $0x341;
	[sflag:s1] =	ssyncadd.s32 @!p1 $0xFFFFFF40;
	s1 =	simm.s32 @!p1 $0xC0  }
0x54: {  	[tilespmem:s29], [sflag:$0x2] =	stream.indirect.gather @!p1 [hbm4b:s4+s1], $0x80, s0, s1, $0xb8;
	[tilespmem:$0x1FD00] =	vst v63  }
0x55: {  	s0 =	simm.s32 @!p4 $0x1  }
0x56: {  	_ =	swait.ge @!p4 [sflag:s0], $0x6000  }
0x57: {  	s30 =	simm.s32 @!p4 $0x200;
	s20 =	simm.s32 @!p4 $0xC0;
	[sflag:s0] =	ssyncset.done @!p4 $0x0  }
0x58: {  	s21 =	simm.s32 @!p4 $0x100;
	[sflag:s0] =	ssyncadd.s32 @!p4 $0xFFFFA000;
	s0 =	simm.s32 @!p4 $0x4  }
0x59: {  	[spmem:s2] =	stream.indirect.scatter.add.f32 @!p4 [tilespmem:s30], [sflag:$0x4], $0x80, s21, s20, $0xb8;
	[tilespmem:$0x1FD00] =	vst v63  }
0x5a: {  	s26 =	sadd.s32 $0x1800, s26;
	p3 =	sgt.u32 s25, $0x341;
	_ =	swait.ge @!p4 [sflag:s0], $0x6000  }
0x5b: {  	s20 =	sshrl.u32 @!p3 s26, $0x3;
	s30 =	simm.s32 @!p3 $0x0;
	[sflag:s0] =	ssyncset.done @!p4 $0x0  }
0x5c: {  	s20 =	sadd.s32 @!p3 s5, s20;
	[sflag:s0] =	ssyncadd.s32 @!p4 $0xFFFFA000;
	s0 =	simm.s32 @!p3 $0x4  }
0x5d: {  	[tilespmem:s30], [sflag:$0x4] =	stream.linear.gather @!p3 [hbm4b:s20+s30], $0xC0, $0x38;
	[tilespmem:$0x1FD00] =	vst v63  }
0x5e: {  	_ =	swait.ge @!p3 [sflag:s0], $0xC0  }
0x5f: {  	s21 =	sadd.s32 @!p3 s31, s13;
	[sflag:s0] =	ssyncset.done @!p3 $0x0  }
0x60: {  	s21 =	sadd.s32 @!p3 $0x300, s21;
	s20 =	simm.s32 @!p3 $0x100;
	[sflag:s0] =	ssyncadd.s32 @!p3 $0xFFFFFF40  }
0x61: {  	[tilespmem:s20], [sflag:$0x4] =	stream.linear.gather @!p3 [hbm4b:s21+s30], $0xC0, $0x38;
	[tilespmem:$0x1FD00] =	vst v63  }
0x62: {  	s24 =	sadd.s32 $0x300, s24;
	_ =	swait.ge @!p3 [sflag:s0], $0xC0  }
0x63: {  	p2 =	sne.s32 s24, $0x5100;
	[sflag:s0] =	ssyncset.done @!p3 $0x0  }
0x64: {  	s20 =	simm.s32 @!p3 $0xC0;
	s21 =	simm.s32 @!p3 $0x200;
	[sflag:s0] =	ssyncadd.s32 @!p3 $0xFFFFFF40  }
0x65: {  	[tilespmem:s21], [sflag:$0x1] =	stream.indirect.gather @!p3 [hbm4b:s4+s20], $0x80, s30, s20, $0xb8;
	[tilespmem:$0x1FD00] =	vst v63  }
.Ltmp0:
0x66: {  	s0 =	simm.s32 @!p1 $0x2;
	(pc) =	sbr.rel @p2 .LBB2_2-.Ltmp0, $4  }
0x67: {  	_ =	swait.ge @!p1 [sflag:s0], $0x6000  }
0x68: {  	[sflag:s0] =	ssyncset.done @!p1 $0x0  }
0x69: {  	s30 =	simm.s32 @!p1 $0x3;
	[sflag:s0] =	ssyncadd.s32 @!p1 $0xFFFFA000  }
0x6a: {  	[spmem:s2] =	stream.indirect.scatter.add.f32 @!p1 [tilespmem:s29], [sflag:$0x3], $0x80, s28, s1, $0xb8;
	[tilespmem:$0x1FD00] =	vst v63  }
0x6b: {  	_ =	swait.ge @!p1 [sflag:s30], $0x6000  }
0x6c: {  	[sflag:s30] =	ssyncset.done @!p1 $0x0  }
0x6d: {  	[sflag:s30] =	ssyncadd.s32 @!p1 $0xFFFFA000  }
0x6e: {  	s0 =	simm.s32 @p0 $0x1FC3;
	[bflag:$0x0] =	sbarrier.arrive $0xFFFF  }
0x6f: {  	[hbm:s11], [sflag:s0] =	dma.local @p0 [spmem:s16], $0x2800  }
0x70: {  	s0 =	simm.s32 @p0 $0x3  }
0x71: {  	s23 =	sadd.s32 $0x1, s23;
	_ =	swait.ge @p0 [sflag:s0], $0x2800  }
0x72: {  	p1 =	sne.s32 s23, s12;
	[sflag:s0] =	ssyncset.done @p0 $0x0  }
.Ltmp1:
0x73: {  	[sflag:s0] =	ssyncadd.s32 @p0 $0xFFFFD800;
	s0 =	simm.s32 @!p0 $0x3;
	(pc) =	sbr.rel @p1 .LBB2_1-.Ltmp1, $4  }
0x74: {  	[hbm:s10], [sflag:s17] =	dma.local @!p0 [spmem:s18], $0x2700  }
0x75: {  	_ =	swait.ge @!p0 [sflag:s0], $0x2700  }
0x76: {  	[sflag:s0] =	ssyncset.done @!p0 $0x0  }
0x77: {  	[sflag:s0] =	ssyncadd.s32 @!p0 $0xFFFFD900  }
0x78: {  	_ =	sfence.sel $0x180000  }
0x79: {  	[bflag:$0x0] =	sbarrier.arrive $0xFFFF  }
0x7a: {  	_ =	strace $0x9000004D  }
0x7b: {  	s0 =	stileid.u32;
	[bflag:$0x2] =	sbarrier.arrive $0xFFFF  }
0x7c: {  	p0 =	sne.s32 s0, $0x0;
	s0 =	rddreg [dreg:$0x2]  }
0x7d: {  	s0 =	sadd.s32 @!p0 $0x100000, s0  }
0x7e: {  	[sflag:s0] =	ssyncadd.tile.s32 @!p0 $0x1;
	_ =	shalt  }
.Lfunc_end2:
_tile_overlayer_lowered:
.L_overlay_start_2:
0x7f: {  	(tag) =	ssettag $0x2  }
0x80: {  	s0 =	rddreg [dreg:$0x0];
	s2 =	stileid.u32  }
0x81: {  	s1 =	rddreg [dreg:$0x1];
	p0 =	sne.s32 s2, $0x0  }
0x82: {  	s3 =	rddreg [dreg:$0x2];
	[bflag:$0x3] =	sbarrier.arrive $0xFFFF;
	s2 =	simm.s32 @!p0 $0x1C03  }
0x83: {  	[timem:s3], [sflag:s2] =	dma.local @!p0 [hbm:s0], s1  }
0x84: {  	s0 =	simm.s32 @!p0 $0x3  }
0x85: {  	_ =	swait.ge @!p0 [sflag:s0], s1  }
0x86: {  	s1 =	ssub.s32 @!p0 $0x0, s1;
	[sflag:s0] =	ssyncset.done @!p0 $0x0  }
0x87: {  	[sflag:s0] =	ssyncadd.s32 @!p0 s1  }
0x88: {  	[bflag:$0x3] =	sbarrier.arrive $0xFFFF  }
0x89: {  	_ =	shalt  }

// kernel: kernel.23.cloned.1.call-start
scs
__scs_entry_jumppad:
0x0: {  	(pc) =	sbr.rel $0x88, $3  }
0x1: {  	(tag) =	ssettag $0x0;
	lr =	simm.s32 $0x1  }
0x2: {  	[smem:$0x3F96] =	sst lr;
	_ =	strace $0xD0000000  }
0x3: {  	_ = 	snop  }
0x4: {  	_ = 	snop  }
0x5: {  	_ = 	snop  }
0x6: {  	_ = 	snop  }
0x7: {  	_ = 	snop  }
__scs_overlays_trampoline_lowered:
0x8: {  	[smem:$0x3FA5] =	sst s0  }
0x9: {  	[smem:$0x3FA6] =	sst s1  }
0xa: {  	[smem:$0x3FA7] =	sst s2  }
0xb: {  	[smem:$0x3FA8] =	sst s3  }
0xc: {  	[smem:$0x3FA9] =	sst s4  }
0xd: {  	[smem:$0x3FAA] =	sst s5  }
0xe: {  	[smem:$0x3FAB] =	sst s6  }
0xf: {  	[smem:$0x3FAC] =	sst s7  }
0x10: {  	[smem:$0x3FAD] =	sst s8  }
0x11: {  	[smem:$0x3FAE] =	sst s9;
	s0 =	simm.s32 @!p0 $0x0  }
0x12: {  	s1 =	sld [smem:$0x3F94];
	s0 =	simm.s32 @p0 $0x1  }
0x13: {  	[smem:$0x3FAF] =	sst s0;
	s0 =	simm.s32 @!p1 $0x0  }
0x14: {  	s2 =	sld [smem:$0x3F93];
	s0 =	simm.s32 @p1 $0x1  }
0x15: {  	[smem:$0x3FB0] =	sst s0;
	s0 =	simm.s32 @!p2 $0x0  }
0x16: {  	s3 =	sld [smem:$0x3FDB];
	s0 =	simm.s32 @p2 $0x1  }
0x17: {  	s4 =	simm.s32 $0x1BF5;
	[smem:$0x3FB2] =	sst s0  }
0x18: {  	s0 =	sld [smem:$0x3F95];
	_ =	swait.ge [sflag:s4], $0x0  }
0x19: {  	s7 =	sld [smem:$0x3F96]  }
0x1a: {  	s8 =	sadd.s32 $0xFFFFE003, lr  }
0x1b: {  	s9 =	sadd.s32 $0xFFFFFEF7, lr;
	s5 =	simm.s32 $0xFFFFFFFF;
	p2 =	slt.u32 s8, $0xFFFFF086  }
0x1c: {  	p1 =	slt.u32 s9, $0xF7A;
	s5 =	simm.s32 @!p2 $0x0  }
0x1d: {  	s5 =	simm.s32 @p1 $0x1;
	p0 =	seq.s32 s7, s2  }
0x1e: {  	s7 =	smul.u32 @!p0 $0xF7A, s2;
	p2 =	seq.s32 @!p0 s5, $0x0  }
0x1f: {  	s9 =	smul.u32 $0xF7A, s1;
	s8 =	simm.s32 @!p0 $0x1BF5;
	p2 =	por !p2, p0  }
0x20: {  	[sflag:s8] =	ssyncset.s32 @!p0 $0xFFFFF086;
	s6 =	sadd.s32 @!p0 s3, s7;
	s7 =	simm.s32 @!p0 $0x108  }
0x21: {  	s3 =	sadd.s32 s3, s9;
	s6 =	sadd.s32 @!p0 $0x88, s6;
	s7 =	simm.s32 @p2 $0x1082  }
0x22: {  	[simem:s7], [sflag:s8] =	dma.local @!p0 [hbm:s6], $0xF7A  }
0x23: {  	s9 =	sor.u32 $0xD0000000, s2;
	s6 =	simm.s32 $0x108;
	_ =	swait.ge @!p0 [sflag:s8], $0x0  }
0x24: {  	s3 =	sadd.s32 $0x88, s3;
	s6 =	simm.s32 @!p1 $0x1082;
	[sflag:s4] =	ssyncset.s32 $0xFFFFF086  }
0x25: {  	[simem:s6], [sflag:s4] =	dma.local [hbm:s3], $0xF7A  }
0x26: {  	[smem:$0x3F96] =	sst s1;
	(tag) =	ssettag s2;
	_ =	strace s9  }
0x27: {  	s1 =	sld [smem:$0x3FA6]  }
0x28: {  	s2 =	sld [smem:$0x3FA7]  }
0x29: {  	s4 =	sld [smem:$0x3FA9]  }
0x2a: {  	p0 =	seq.s32 s5, $0x0;
	s5 =	sld [smem:$0x3FAA]  }
0x2b: {  	s6 =	sld [smem:$0x3FAB]  }
0x2c: {  	s7 =	sld [smem:$0x3FAC]  }
0x2d: {  	s3 =	simm.s32 $0x108;
	s8 =	sld [smem:$0x3FAD]  }
0x2e: {  	s3 =	simm.s32 @!p0 $0x1082;
	s9 =	sld [smem:$0x3FAE]  }
0x2f: {  	lr =	sadd.s32 s0, s3;
	s0 =	sld [smem:$0x3FA5]  }
0x30: {  	s3 =	sld [smem:$0x3FA8]  }
0x31: {  	[smem:$0x3FB1] =	sst s10  }
0x32: {  	s10 =	sld [smem:$0x3FAF];
	_ =	sdelay $0x3  }
0x33: {  	p0 =	seq.s32 s10, $0x1;
	s10 =	sld [smem:$0x3FB1];
	_ =	sdelay $0x3  }
0x34: {  	[smem:$0x3FB1] =	sst s10  }
0x35: {  	s10 =	sld [smem:$0x3FB0];
	_ =	sdelay $0x3  }
0x36: {  	p1 =	seq.s32 s10, $0x1;
	s10 =	sld [smem:$0x3FB1];
	_ =	sdelay $0x3  }
0x37: {  	[smem:$0x3FB1] =	sst s10  }
0x38: {  	s10 =	sld [smem:$0x3FB2]  }
0x39: {  	_ = 	snop;
	(pc) =	sbr.ind lr, $3  }
0x3a: {  	_ = 	snop  }
0x3b: {  	_ = 	snop  }
0x3c: {  	p2 =	seq.s32 s10, $0x1;
	s10 =	sld [smem:$0x3FB1]  }
0x3d: {  	_ =	shalt  }
0x3e: {  	_ =	shalt  }
0x3f: {  	_ =	shalt  }
0x40: {  	_ =	shalt  }
0x41: {  	_ =	shalt  }
0x42: {  	_ =	shalt  }
0x43: {  	_ =	shalt  }
0x44: {  	_ =	shalt  }
0x45: {  	_ =	shalt  }
0x46: {  	_ =	shalt  }
0x47: {  	_ =	shalt  }
0x48: {  	_ =	shalt  }
0x49: {  	_ =	shalt  }
0x4a: {  	_ =	shalt  }
0x4b: {  	_ =	shalt  }
0x4c: {  	_ =	shalt  }
0x4d: {  	_ =	shalt  }
0x4e: {  	_ =	shalt  }
0x4f: {  	_ =	shalt  }
0x50: {  	_ =	shalt  }
0x51: {  	_ =	shalt  }
0x52: {  	_ =	shalt  }
0x53: {  	_ =	shalt  }
0x54: {  	_ =	shalt  }
0x55: {  	_ =	shalt  }
0x56: {  	_ =	shalt  }
0x57: {  	_ =	shalt  }
0x58: {  	_ =	shalt  }
0x59: {  	_ =	shalt  }
0x5a: {  	_ =	shalt  }
0x5b: {  	_ =	shalt  }
0x5c: {  	_ =	shalt  }
0x5d: {  	_ =	shalt  }
0x5e: {  	_ =	shalt  }
0x5f: {  	_ =	shalt  }
0x60: {  	_ =	shalt  }
0x61: {  	_ =	shalt  }
0x62: {  	_ =	shalt  }
0x63: {  	_ =	shalt  }
0x64: {  	_ =	shalt  }
0x65: {  	_ =	shalt  }
0x66: {  	_ =	shalt  }
0x67: {  	_ =	shalt  }
0x68: {  	_ =	shalt  }
0x69: {  	_ =	shalt  }
0x6a: {  	_ =	shalt  }
0x6b: {  	_ =	shalt  }
0x6c: {  	_ =	shalt  }
0x6d: {  	_ =	shalt  }
0x6e: {  	_ =	shalt  }
0x6f: {  	_ =	shalt  }
0x70: {  	_ =	shalt  }
0x71: {  	_ =	shalt  }
0x72: {  	_ =	shalt  }
0x73: {  	_ =	shalt  }
0x74: {  	_ =	shalt  }
0x75: {  	_ =	shalt  }
0x76: {  	_ =	shalt  }
0x77: {  	_ =	shalt  }
0x78: {  	_ =	shalt  }
0x79: {  	_ =	shalt  }
0x7a: {  	_ =	shalt  }
0x7b: {  	_ =	shalt  }
0x7c: {  	_ =	shalt  }
0x7d: {  	_ =	shalt  }
0x7e: {  	_ =	shalt  }
0x7f: {  	_ =	shalt  }
0x80: {  	_ =	shalt  }
0x81: {  	_ =	shalt  }
0x82: {  	_ =	shalt  }
0x83: {  	_ =	shalt  }
0x84: {  	_ =	shalt  }
0x85: {  	_ =	shalt  }
0x86: {  	_ =	shalt  }
0x87: {  	_ =	shalt  }
.Lfunc_end0:
.L_simem_size_0:
called_computation.3_lowered:
.L_overlay_start_0:
0x88: {  	s2 =	sld [smem:$0x3FD9]  }
0x89: {  	s3 =	sld [smem:$0x3FFE];
	_ =	sdelay $0x1  }
0x8a: {  	s1 =	srdreg.scid  }
0x8b: {  	s0 =	sand.u32 $0x1, s1  }
0x8c: {  	s16 =	sshll.u32 s0, $0xA;
	s2 =	sadd.s32 s3, s2  }
0x8d: {  	s2 =	sadd.s32 s2, s16  }
0x8e: {  	[smem:$0x3FBD] =	sst s2  }
0x8f: {  	_ = 	snop  }
0x90: {  	(tm) =	ssettm $0x1  }
0x91: {  	s17 =	sld [smem:$0x3FFB];
	_ =	sdelay $0x3  }
0x92: {  	_ =	strace s17  }
0x93: {  	s2 =	sld [smem:$0x3FFC];
	_ =	sdelay $0x3  }
0x94: {  	_ =	strace s2  }
0x95: {  	s2 =	sld [smem:$0x3FFD];
	_ =	sdelay $0x3  }
0x96: {  	_ =	strace s2  }
0x97: {  	_ =	strace $0x8FFFFFFF  }
0x98: {  	s18 =	sld [smem:$0x3FDB];
	_ =	sdelay $0x1  }
0x99: {  	s19 =	simm.s32 $_scs_section_size  }
0x9a: {  	s4 =	simm.s32 $_size__tile_overlayer_lowered;
	s5 =	simm.s32 $_tile_overlayer_lowered  }
0x9b: {  	s22 =	simm.s32 $0x1BFF;
	s21 =	sshll.u32 s5, $0x1;
	s2 =	sadd.s32 s19, s18  }
0x9c: {  	s6 =	simm.s32 $0x0;
	s20 =	sshll.u32 s4, $0x1;
	s4 =	sadd.s32 s21, s2  }
0x9d: {  	[timem:s6], [sflag:s22] =	dma.local [hbm:s4], s20  }
0x9e: {  	_ =	swait.ge [sflag:s22], s20  }
0x9f: {  	s3 =	ssub.s32 $0x0, s20;
	[sflag:s22] =	ssyncset.done $0x0  }
0xa0: {  	[sflag:s22] =	ssyncadd.s32 s3;
	_ =	sdelay $0x1  }
0xa1: {  	s23 =	simm.s32 $0x1B8B  }
0xa2: {  	_ =	swait.ge [sflag:s23], $0x1  }
0xa3: {  	[sflag:s23] =	ssyncset.done $0x0  }
0xa4: {  	s25 =	simm.s32 $0x1B8E;
	s24 =	sld [smem:$0x3FFE];
	[sflag:s23] =	ssyncadd.s32 $0xFFFFFFFF  }
0xa5: {  	s26 =	simm.s32 $execute0_lowered;
	[smem:$0x3FD2] =	sst s25  }
0xa6: {  	s4 =	sshll.u32 s26, $0x1;
	_ =	strace $0x8000004F;
	[dreg:$0x1] =	wrdreg $0xFFFFFFFF  }
0xa7: {  	s28 =	simm.s32 $_size_execute0_lowered;
	s2 =	sadd.s32 s2, s4;
	[dreg:$0x0] =	wrdreg $0x0  }
0xa8: {  	s4 =	sshll.u32 s28, $0x1;
	[dreg:$0x2] =	wrdreg s2  }
0xa9: {  	[dreg:$0x3] =	wrdreg s4  }
0xaa: {  	[dreg:$0x4] =	wrdreg $0xC0  }
0xab: {  	_ =	task [dreg:s6], $0x5FFFF  }
0xac: {  	[dreg:$0x1] =	wrdreg $0xFFFFFFFF  }
0xad: {  	[dreg:$0x0] =	wrdreg $0x60  }
0xae: {  	[dreg:$0x2] =	wrdreg s24  }
0xaf: {  	[dreg:$0x3] =	wrdreg $0xC4000  }
0xb0: {  	[dreg:$0x4] =	wrdreg $0x9  }
0xb1: {  	_ =	task.clear_ibuf [dreg:s6], $0x5FFFF;
	_ =	strace $0x9000004F  }
0xb2: {  	s29 =	simm.s32 $0x9;
	_ =	strace $0x80000051  }
0xb3: {  	_ =	swait.ge [sflag:s29], $0x1  }
0xb4: {  	[sflag:s29] =	ssyncadd.s32 $0xFFFFFFFF  }
0xb5: {  	_ =	strace $0x90000051  }
0xb6: {  	_ =	sfence  }
0xb7: {  	s30 =	sld [smem:$0x0];
	_ =	sdelay $0x2  }
0xb8: {  	s31 =	sshll.u32 s1, $0xD;
	s1 =	sshrl.u32 s1, $0x2  }
0xb9: {  	s3 =	sand.u32 $0x4000, s31;
	s1 =	sadd.s32 s1, s30  }
0xba: {  	s0 =	sor.u32 s3, s0;
	s1 =	sshll.u32 s1, $0x11  }
0xbb: {  	s0 =	sor.u32 s1, s0  }
0xbc: {  	s0 =	sadd.s32 $0x8F2B, s0  }
0xbd: {  	[sflag:s0] =	ssyncadd.remote.s32 $0x1  }
0xbe: {  	_ =	sfence.sel $0xFFFF  }
0xbf: {  	[dreg:$0x0] =	wrdreg $0xFFFFFFFF;
	(pc) =	sbr.abs _section_cstart, $3  }
0xc0: {  	[dreg:$0x1] =	wrdreg $0xFFFFFFFF  }
0xc1: {  	_ =	task.clear_ibuf [dreg:s6], $0x2FFFF;
	_ =	strace $0x9FFFFFFF  }
0xc2: {  	(tm) =	ssettm $0x7FFFFFFF  }
0xc3: {  	_ =	shalt  }
tec
execute0_lowered:
.L_overlay_start_1:
0x0: {  	(tag) =	ssettag $0x1  }
0x1: {  	s6 =	rddreg [dreg:$0x0]  }
0x2: {  	s2 =	rddreg [dreg:$0x1];
	s0 =	stileid.u32  }
0x3: {  	s3 =	simm.s32 $0x0;
	s5 =	srdreg.scid;
	s7 =	smul.u32 $0x270, s0  }
0x4: {  	s22 =	simm.s32 $0x200;
	s23 =	simm.s32 $0x0;
	s9 =	smul.u32 $0x4E000, s0  }
0x5: {  	[smem:$0x7FF] =	sst s3;
	s4 =	sadd.s32 $0x9000, s6;
	s25 =	smul.u32 $0xC0, s0  }
0x6: {  	s8 =	sand.u32 $0x1, s5;
	s5 =	sadd.s32 $0x5A600, s6;
	s19 =	smul.u32 $0x18, s0  }
0x7: {  	s13 =	sadd.s32 $0x4000, s6;
	s17 =	sadd.s32 $0x124800, s2;
	s11 =	smul.u32 $0x2710, s8  }
0x8: {  	s15 =	sadd.s32 $0x64600, s6;
	p0 =	seq.s32 s0, $0xF;
	s14 =	smul.u32 $0x138800, s8  }
0x9: {  	_ =	strace $0x80000050;
	s10 =	ssub.s32 $0x2, s8;
	s8 =	smul.u32 $0x28000, s8  }
0xa: {  	s12 =	sshrl.u32 s10, $0x1;
	s26 =	sshrl.u32 s9, $0x2;
	s29 =	sshrl.u32 s25, $0x3  }
0xb: {  	s12 =	ssub.s32 s10, s12;
	s7 =	sadd.s32 s7, s11;
	s18 =	sadd.s32 s26, s2  }
0xc: {  	s28 =	sshrl.u32 s14, $0x3;
	s16 =	sor.u32 s25, s8;
	s9 =	sadd.s32 s13, s29  }
0xd: {  	s13 =	sadd.s32 s19, s13;
	s19 =	sshll.u32 @!p0 s0, $0x6;
	s11 =	sshll.u32 s7, $0x4  }
0xe: {  	s14 =	sadd.s32 $0x24900, s28;
	s8 =	sshrl.u32 s16, $0x3;
	s12 =	smax.u32 s12, $0x1  }
0xf: {  	s30 =	sadd.s32 $0xC00, s16;
	s18 =	sshrl.u32 @!p0 s18, $0x3;
	s6 =	sadd.s32 s4, s11  }
0x10: {  	s7 =	sadd.s32 s4, s14;
	s10 =	sadd.s32 s15, s11;
	s31 =	sshrl.u32 s30, $0x3  }
0x11: {  	s11 =	sadd.s32 s15, s14;
	s14 =	sadd.s32 $0x1800, s16;
	s16 =	sadd.s32 s31, s5  }
0x12: {  	s8 =	sadd.s32 s5, s8;
	s15 =	sor.u32 $0x20, s0;
	[dreg:$0x3] =	wrdreg s16  }
0x13: {  	s16 =	sshrl.u32 @p0 s17, $0x3;
	s17 =	sor.u32 @!p0 $0x1C03, s19;
	s19 =	simm.s32 $0x3  }
.LBB2_1:
0x14: {  	s24 =	simm.s32 @p0 $0x1FC3  }
0x15: {  	[spmem:s16], [sflag:s24] =	dma.local @p0 [hbm:s7], $0x2800  }
0x16: {  	s24 =	simm.s32 @p0 $0x3  }
0x17: {  	_ =	swait.ge @p0 [sflag:s24], $0x2800  }
0x18: {  	[sflag:s24] =	ssyncset.done @p0 $0x0  }
0x19: {  	[sflag:s24] =	ssyncadd.s32 @p0 $0xFFFFD800;
	s24 =	simm.s32 @!p0 $0x3  }
0x1a: {  	[spmem:s18], [sflag:s17] =	dma.local @!p0 [hbm:s6], $0x2700  }
0x1b: {  	_ =	swait.ge @!p0 [sflag:s24], $0x2700  }
0x1c: {  	[sflag:s24] =	ssyncset.done @!p0 $0x0  }
0x1d: {  	[sflag:s24] =	ssyncadd.s32 @!p0 $0xFFFFD900  }
0x1e: {  	[bflag:$0x0] =	sbarrier.arrive $0xFFFF  }
0x1f: {  	[tilespmem:s3], [sflag:$0x3] =	stream.linear.gather [hbm4b:s8+s3], $0xC0, $0x38;
	[tilespmem:$0x1FD00] =	vst v63  }
0x20: {  	_ =	swait.ge [sflag:s19], $0xC0  }
0x21: {  	[sflag:s19] =	ssyncset.done $0x0  }
0x22: {  	s0 =	simm.s32 $0x100;
	[sflag:s19] =	ssyncadd.s32 $0xFFFFFF40  }
0x23: {  	[tilespmem:s0], [sflag:$0x3] =	stream.linear.gather [hbm4b:s9+s3], $0xC0, $0x38;
	[tilespmem:$0x1FD00] =	vst v63  }
0x24: {  	s29 =	sadd.s32 $0xFFFFFFF0, s15;
	_ =	swait.ge [sflag:s19], $0xC0  }
0x25: {  	s28 =	simm.s32 $0xC0;
	p1 =	sgt.u32 s29, $0x341;
	[sflag:s19] =	ssyncset.done $0x0  }
0x26: {  	s26 =	simm.s32 @!p1 $0x6200;
	s25 =	rddreg [dreg:$0x3];
	[sflag:s19] =	ssyncadd.s32 $0xFFFFFF40  }
0x27: {  	[tilespmem:s22], [sflag:$0x1] =	stream.indirect.gather [hbm4b:s4+s28], $0x80, s3, s28, $0xb8;
	[tilespmem:$0x1FD00] =	vst v63  }
0x28: {  	s24 =	simm.s32 @!p1 $0x0;
	s25 =	sadd.s32 @!p1 $0x0, s25;
	s28 =	simm.s32 @!p1 $0x4  }
0x29: {  	[tilespmem:s26], [sflag:$0x4] =	stream.linear.gather @!p1 [hbm4b:s25+s24], $0xC0, $0x38;
	[tilespmem:$0x1FD00] =	vst v63  }
0x2a: {  	_ =	swait.ge @!p1 [sflag:s28], $0xC0  }
0x2b: {  	s25 =	sadd.s32 @!p1 $0x0, s13;
	[sflag:s28] =	ssyncset.done @!p1 $0x0  }
0x2c: {  	s29 =	simm.s32 @!p1 $0x6300;
	s25 =	sadd.s32 @!p1 $0x180, s25;
	[sflag:s28] =	ssyncadd.s32 @!p1 $0xFFFFFF40  }
0x2d: {  	[tilespmem:s29], [sflag:$0x4] =	stream.linear.gather @!p1 [hbm4b:s25+s24], $0xC0, $0x38;
	[tilespmem:$0x1FD00] =	vst v63  }
0x2e: {  	s31 =	sadd.s32 $0xFFFFFFE0, s15;
	_ =	swait.ge @!p1 [sflag:s28], $0xC0  }
0x2f: {  	p3 =	sgt.u32 s31, $0x341;
	s25 =	simm.s32 @!p1 $0x6400;
	[sflag:s28] =	ssyncset.done @!p1 $0x0  }
0x30: {  	s24 =	simm.s32 @!p3 $0x1;
	[sflag:s28] =	ssyncadd.s32 @!p1 $0xFFFFFF40;
	s28 =	simm.s32 @!p1 $0xC0  }
0x31: {  	[tilespmem:s25], [sflag:$0x2] =	stream.indirect.gather @!p1 [hbm4b:s4+s28], $0x80, s26, s28, $0xb8;
	[tilespmem:$0x1FD00] =	vst v63  }
0x32: {  	_ =	swait.ge @!p3 [sflag:s24], $0x6000  }
0x33: {  	s30 =	simm.s32 @!p3 $0xC0;
	s31 =	simm.s32 @!p3 $0x100;
	[sflag:s24] =	ssyncset.done @!p3 $0x0  }
0x34: {  	s26 =	simm.s32 @!p3 $0x200;
	[sflag:s24] =	ssyncadd.s32 @!p3 $0xFFFFA000;
	s24 =	simm.s32 @!p3 $0x4  }
0x35: {  	[spmem:s2] =	stream.indirect.scatter.add.f32 @!p3 [tilespmem:s26], [sflag:$0x4], $0x80, s31, s30, $0xb8;
	[tilespmem:$0x1FD00] =	vst v63  }
0x36: {  	p2 =	sgt.u32 s15, $0x341;
	_ =	swait.ge @!p3 [sflag:s24], $0x6000  }
0x37: {  	s26 =	sshrl.u32 @!p2 s14, $0x3;
	s30 =	simm.s32 @!p2 $0x0;
	[sflag:s24] =	ssyncset.done @!p3 $0x0  }
0x38: {  	s26 =	sadd.s32 @!p2 s5, s26;
	[sflag:s24] =	ssyncadd.s32 @!p3 $0xFFFFA000;
	s24 =	simm.s32 @!p2 $0x4  }
0x39: {  	[tilespmem:s30], [sflag:$0x4] =	stream.linear.gather @!p2 [hbm4b:s26+s30], $0xC0, $0x38;
	[tilespmem:$0x1FD00] =	vst v63  }
0x3a: {  	_ =	swait.ge @!p2 [sflag:s24], $0xC0  }
0x3b: {  	s26 =	sadd.s32 @!p2 $0x0, s13;
	[sflag:s24] =	ssyncset.done @!p2 $0x0  }
0x3c: {  	s31 =	simm.s32 @!p2 $0x100;
	s26 =	sadd.s32 @!p2 $0x300, s26;
	[sflag:s24] =	ssyncadd.s32 @!p2 $0xFFFFFF40  }
0x3d: {  	[tilespmem:s31], [sflag:$0x4] =	stream.linear.gather @!p2 [hbm4b:s26+s30], $0xC0, $0x38;
	[tilespmem:$0x1FD00] =	vst v63  }
0x3e: {  	_ =	swait.ge @!p2 [sflag:s24], $0xC0  }
0x3f: {  	s26 =	simm.s32 @!p2 $0xC0;
	[sflag:s24] =	ssyncset.done @!p2 $0x0  }
0x40: {  	s31 =	simm.s32 @!p2 $0x200;
	[sflag:s24] =	ssyncadd.s32 @!p2 $0xFFFFFF40;
	s24 =	simm.s32 @!p1 $0x2  }
0x41: {  	[tilespmem:s31], [sflag:$0x1] =	stream.indirect.gather @!p2 [hbm4b:s4+s26], $0x80, s30, s26, $0xb8;
	[tilespmem:$0x1FD00] =	vst v63  }
0x42: {  	_ =	swait.ge @!p1 [sflag:s24], $0x6000  }
0x43: {  	[sflag:s24] =	ssyncset.done @!p1 $0x0  }
0x44: {  	s30 =	simm.s32 @!p1 $0x3;
	[sflag:s24] =	ssyncadd.s32 @!p1 $0xFFFFA000  }
0x45: {  	[spmem:s2] =	stream.indirect.scatter.add.f32 @!p1 [tilespmem:s25], [sflag:$0x3], $0x80, s29, s28, $0xb8;
	[tilespmem:$0x1FD00] =	vst v63  }
0x46: {  	s26 =	smov.u32 s14;
	s24 =	simm.s32 $0x300;
	s25 =	smov.u32 s15  }
.LBB2_2:
0x47: {  	_ =	swait.ge @!p1 [sflag:s30], $0x6000;
	s25 =	sadd.s32 $0x20, s25  }
0x48: {  	s28 =	sadd.s32 $0xFFFFFFF0, s25;
	[sflag:s30] =	ssyncset.done @!p1 $0x0  }
0x49: {  	[sflag:s30] =	ssyncadd.s32 @!p1 $0xFFFFA000;
	p1 =	sgt.u32 s28, $0x341  }
0x4a: {  	s31 =	smov.u32 s24;
	s29 =	rddreg [dreg:$0x3];
	s30 =	simm.s32 @!p1 $0x0  }
0x4b: {  	s29 =	sadd.s32 @!p1 s31, s29;
	s0 =	simm.s32 @!p1 $0x6200;
	s1 =	simm.s32 @!p1 $0x4  }
0x4c: {  	[tilespmem:s0], [sflag:$0x4] =	stream.linear.gather @!p1 [hbm4b:s29+s30], $0xC0, $0x38;
	[tilespmem:$0x1FD00] =	vst v63  }
0x4d: {  	_ =	swait.ge @!p1 [sflag:s1], $0xC0  }
0x4e: {  	s28 =	sadd.s32 @!p1 s31, s13;
	[sflag:s1] =	ssyncset.done @!p1 $0x0  }
0x4f: {  	s29 =	sadd.s32 @!p1 $0x180, s28;
	s28 =	simm.s32 @!p1 $0x6300;
	[sflag:s1] =	ssyncadd.s32 @!p1 $0xFFFFFF40  }
0x50: {  	[tilespmem:s28], [sflag:$0x4] =	stream.linear.gather @!p1 [hbm4b:s29+s30], $0xC0, $0x38;
	[tilespmem:$0x1FD00] =	vst v63  }
0x51: {  	_ =	swait.ge @!p1 [sflag:s1], $0xC0  }
0x52: {  	s30 =	sadd.s32 $0xFFFFFFE0, s25;
	s29 =	simm.s32 @!p1 $0x6400;
	[sflag:s1] =	ssyncset.done @!p1 $0x0  }
0x53: {  	p4 =	sgt.u32 s30, $0x341;
	[sflag:s1] =	ssyncadd.s32 @!p1 $0xFFFFFF40;
	s1 =	simm.s32 @!p1 $0xC0  }
0x54: {  	[tilespmem:s29], [sflag:$0x2] =	stream.indirect.gather @!p1 [hbm4b:s4+s1], $0x80, s0, s1, $0xb8;
	[tilespmem:$0x1FD00] =	vst v63  }
0x55: {  	s0 =	simm.s32 @!p4 $0x1  }
0x56: {  	_ =	swait.ge @!p4 [sflag:s0], $0x6000  }
0x57: {  	s30 =	simm.s32 @!p4 $0x200;
	s20 =	simm.s32 @!p4 $0xC0;
	[sflag:s0] =	ssyncset.done @!p4 $0x0  }
0x58: {  	s21 =	simm.s32 @!p4 $0x100;
	[sflag:s0] =	ssyncadd.s32 @!p4 $0xFFFFA000;
	s0 =	simm.s32 @!p4 $0x4  }
0x59: {  	[spmem:s2] =	stream.indirect.scatter.add.f32 @!p4 [tilespmem:s30], [sflag:$0x4], $0x80, s21, s20, $0xb8;
	[tilespmem:$0x1FD00] =	vst v63  }
0x5a: {  	s26 =	sadd.s32 $0x1800, s26;
	p3 =	sgt.u32 s25, $0x341;
	_ =	swait.ge @!p4 [sflag:s0], $0x6000  }
0x5b: {  	s20 =	sshrl.u32 @!p3 s26, $0x3;
	s30 =	simm.s32 @!p3 $0x0;
	[sflag:s0] =	ssyncset.done @!p4 $0x0  }
0x5c: {  	s20 =	sadd.s32 @!p3 s5, s20;
	[sflag:s0] =	ssyncadd.s32 @!p4 $0xFFFFA000;
	s0 =	simm.s32 @!p3 $0x4  }
0x5d: {  	[tilespmem:s30], [sflag:$0x4] =	stream.linear.gather @!p3 [hbm4b:s20+s30], $0xC0, $0x38;
	[tilespmem:$0x1FD00] =	vst v63  }
0x5e: {  	_ =	swait.ge @!p3 [sflag:s0], $0xC0  }
0x5f: {  	s21 =	sadd.s32 @!p3 s31, s13;
	[sflag:s0] =	ssyncset.done @!p3 $0x0  }
0x60: {  	s21 =	sadd.s32 @!p3 $0x300, s21;
	s20 =	simm.s32 @!p3 $0x100;
	[sflag:s0] =	ssyncadd.s32 @!p3 $0xFFFFFF40  }
0x61: {  	[tilespmem:s20], [sflag:$0x4] =	stream.linear.gather @!p3 [hbm4b:s21+s30], $0xC0, $0x38;
	[tilespmem:$0x1FD00] =	vst v63  }
0x62: {  	s24 =	sadd.s32 $0x300, s24;
	_ =	swait.ge @!p3 [sflag:s0], $0xC0  }
0x63: {  	p2 =	sne.s32 s24, $0x5100;
	[sflag:s0] =	ssyncset.done @!p3 $0x0  }
0x64: {  	s20 =	simm.s32 @!p3 $0xC0;
	s21 =	simm.s32 @!p3 $0x200;
	[sflag:s0] =	ssyncadd.s32 @!p3 $0xFFFFFF40  }
0x65: {  	[tilespmem:s21], [sflag:$0x1] =	stream.indirect.gather @!p3 [hbm4b:s4+s20], $0x80, s30, s20, $0xb8;
	[tilespmem:$0x1FD00] =	vst v63  }
.Ltmp0:
0x66: {  	s0 =	simm.s32 @!p1 $0x2;
	(pc) =	sbr.rel @p2 .LBB2_2-.Ltmp0, $4  }
0x67: {  	_ =	swait.ge @!p1 [sflag:s0], $0x6000  }
0x68: {  	[sflag:s0] =	ssyncset.done @!p1 $0x0  }
0x69: {  	s30 =	simm.s32 @!p1 $0x3;
	[sflag:s0] =	ssyncadd.s32 @!p1 $0xFFFFA000  }
0x6a: {  	[spmem:s2] =	stream.indirect.scatter.add.f32 @!p1 [tilespmem:s29], [sflag:$0x3], $0x80, s28, s1, $0xb8;
	[tilespmem:$0x1FD00] =	vst v63  }
0x6b: {  	_ =	swait.ge @!p1 [sflag:s30], $0x6000  }
0x6c: {  	[sflag:s30] =	ssyncset.done @!p1 $0x0  }
0x6d: {  	[sflag:s30] =	ssyncadd.s32 @!p1 $0xFFFFA000  }
0x6e: {  	s0 =	simm.s32 @p0 $0x1FC3;
	[bflag:$0x0] =	sbarrier.arrive $0xFFFF  }
0x6f: {  	[hbm:s11], [sflag:s0] =	dma.local @p0 [spmem:s16], $0x2800  }
0x70: {  	s0 =	simm.s32 @p0 $0x3  }
0x71: {  	s23 =	sadd.s32 $0x1, s23;
	_ =	swait.ge @p0 [sflag:s0], $0x2800  }
0x72: {  	p1 =	sne.s32 s23, s12;
	[sflag:s0] =	ssyncset.done @p0 $0x0  }
.Ltmp1:
0x73: {  	[sflag:s0] =	ssyncadd.s32 @p0 $0xFFFFD800;
	s0 =	simm.s32 @!p0 $0x3;
	(pc) =	sbr.rel @p1 .LBB2_1-.Ltmp1, $4  }
0x74: {  	[hbm:s10], [sflag:s17] =	dma.local @!p0 [spmem:s18], $0x2700  }
0x75: {  	_ =	swait.ge @!p0 [sflag:s0], $0x2700  }
0x76: {  	[sflag:s0] =	ssyncset.done @!p0 $0x0  }
0x77: {  	[sflag:s0] =	ssyncadd.s32 @!p0 $0xFFFFD900  }
0x78: {  	_ =	sfence.sel $0x180000  }
0x79: {  	[bflag:$0x0] =	sbarrier.arrive $0xFFFF  }
0x7a: {  	_ =	strace $0x90000050  }
0x7b: {  	s0 =	stileid.u32;
	[bflag:$0x2] =	sbarrier.arrive $0xFFFF  }
0x7c: {  	p0 =	sne.s32 s0, $0x0;
	s0 =	rddreg [dreg:$0x2]  }
0x7d: {  	s0 =	sadd.s32 @!p0 $0x100000, s0  }
0x7e: {  	[sflag:s0] =	ssyncadd.tile.s32 @!p0 $0x1;
	_ =	shalt  }
.Lfunc_end2:
_tile_overlayer_lowered:
.L_overlay_start_2:
0x7f: {  	(tag) =	ssettag $0x2  }
0x80: {  	s0 =	rddreg [dreg:$0x0];
	s2 =	stileid.u32  }
0x81: {  	s1 =	rddreg [dreg:$0x1];
	p0 =	sne.s32 s2, $0x0  }
0x82: {  	s3 =	rddreg [dreg:$0x2];
	[bflag:$0x3] =	sbarrier.arrive $0xFFFF;
	s2 =	simm.s32 @!p0 $0x1C03  }
0x83: {  	[timem:s3], [sflag:s2] =	dma.local @!p0 [hbm:s0], s1  }
0x84: {  	s0 =	simm.s32 @!p0 $0x3  }
0x85: {  	_ =	swait.ge @!p0 [sflag:s0], s1  }
0x86: {  	s1 =	ssub.s32 @!p0 $0x0, s1;
	[sflag:s0] =	ssyncset.done @!p0 $0x0  }
0x87: {  	[sflag:s0] =	ssyncadd.s32 @!p0 s1  }
0x88: {  	[bflag:$0x3] =	sbarrier.arrive $0xFFFF  }
0x89: {  	_ =	shalt  }

// kernel: kernel.26.cloned.1.call-start
scs
__scs_entry_jumppad:
0x0: {  	(pc) =	sbr.rel $0x88, $3  }
0x1: {  	(tag) =	ssettag $0x0;
	lr =	simm.s32 $0x1  }
0x2: {  	[smem:$0x3F96] =	sst lr;
	_ =	strace $0xD0000000  }
0x3: {  	_ = 	snop  }
0x4: {  	_ = 	snop  }
0x5: {  	_ = 	snop  }
0x6: {  	_ = 	snop  }
0x7: {  	_ = 	snop  }
__scs_overlays_trampoline_lowered:
0x8: {  	[smem:$0x3FA5] =	sst s0  }
0x9: {  	[smem:$0x3FA6] =	sst s1  }
0xa: {  	[smem:$0x3FA7] =	sst s2  }
0xb: {  	[smem:$0x3FA8] =	sst s3  }
0xc: {  	[smem:$0x3FA9] =	sst s4  }
0xd: {  	[smem:$0x3FAA] =	sst s5  }
0xe: {  	[smem:$0x3FAB] =	sst s6  }
0xf: {  	[smem:$0x3FAC] =	sst s7  }
0x10: {  	[smem:$0x3FAD] =	sst s8  }
0x11: {  	[smem:$0x3FAE] =	sst s9;
	s0 =	simm.s32 @!p0 $0x0  }
0x12: {  	s1 =	sld [smem:$0x3F94];
	s0 =	simm.s32 @p0 $0x1  }
0x13: {  	[smem:$0x3FAF] =	sst s0;
	s0 =	simm.s32 @!p1 $0x0  }
0x14: {  	s2 =	sld [smem:$0x3F93];
	s0 =	simm.s32 @p1 $0x1  }
0x15: {  	[smem:$0x3FB0] =	sst s0;
	s0 =	simm.s32 @!p2 $0x0  }
0x16: {  	s3 =	sld [smem:$0x3FDB];
	s0 =	simm.s32 @p2 $0x1  }
0x17: {  	s4 =	simm.s32 $0x1BF5;
	[smem:$0x3FB2] =	sst s0  }
0x18: {  	s0 =	sld [smem:$0x3F95];
	_ =	swait.ge [sflag:s4], $0x0  }
0x19: {  	s7 =	sld [smem:$0x3F96]  }
0x1a: {  	s8 =	sadd.s32 $0xFFFFE003, lr  }
0x1b: {  	s9 =	sadd.s32 $0xFFFFFEF7, lr;
	s5 =	simm.s32 $0xFFFFFFFF;
	p2 =	slt.u32 s8, $0xFFFFF086  }
0x1c: {  	p1 =	slt.u32 s9, $0xF7A;
	s5 =	simm.s32 @!p2 $0x0  }
0x1d: {  	s5 =	simm.s32 @p1 $0x1;
	p0 =	seq.s32 s7, s2  }
0x1e: {  	s7 =	smul.u32 @!p0 $0xF7A, s2;
	p2 =	seq.s32 @!p0 s5, $0x0  }
0x1f: {  	s9 =	smul.u32 $0xF7A, s1;
	s8 =	simm.s32 @!p0 $0x1BF5;
	p2 =	por !p2, p0  }
0x20: {  	[sflag:s8] =	ssyncset.s32 @!p0 $0xFFFFF086;
	s6 =	sadd.s32 @!p0 s3, s7;
	s7 =	simm.s32 @!p0 $0x108  }
0x21: {  	s3 =	sadd.s32 s3, s9;
	s6 =	sadd.s32 @!p0 $0x88, s6;
	s7 =	simm.s32 @p2 $0x1082  }
0x22: {  	[simem:s7], [sflag:s8] =	dma.local @!p0 [hbm:s6], $0xF7A  }
0x23: {  	s9 =	sor.u32 $0xD0000000, s2;
	s6 =	simm.s32 $0x108;
	_ =	swait.ge @!p0 [sflag:s8], $0x0  }
0x24: {  	s3 =	sadd.s32 $0x88, s3;
	s6 =	simm.s32 @!p1 $0x1082;
	[sflag:s4] =	ssyncset.s32 $0xFFFFF086  }
0x25: {  	[simem:s6], [sflag:s4] =	dma.local [hbm:s3], $0xF7A  }
0x26: {  	[smem:$0x3F96] =	sst s1;
	(tag) =	ssettag s2;
	_ =	strace s9  }
0x27: {  	s1 =	sld [smem:$0x3FA6]  }
0x28: {  	s2 =	sld [smem:$0x3FA7]  }
0x29: {  	s4 =	sld [smem:$0x3FA9]  }
0x2a: {  	p0 =	seq.s32 s5, $0x0;
	s5 =	sld [smem:$0x3FAA]  }
0x2b: {  	s6 =	sld [smem:$0x3FAB]  }
0x2c: {  	s7 =	sld [smem:$0x3FAC]  }
0x2d: {  	s3 =	simm.s32 $0x108;
	s8 =	sld [smem:$0x3FAD]  }
0x2e: {  	s3 =	simm.s32 @!p0 $0x1082;
	s9 =	sld [smem:$0x3FAE]  }
0x2f: {  	lr =	sadd.s32 s0, s3;
	s0 =	sld [smem:$0x3FA5]  }
0x30: {  	s3 =	sld [smem:$0x3FA8]  }
0x31: {  	[smem:$0x3FB1] =	sst s10  }
0x32: {  	s10 =	sld [smem:$0x3FAF];
	_ =	sdelay $0x3  }
0x33: {  	p0 =	seq.s32 s10, $0x1;
	s10 =	sld [smem:$0x3FB1];
	_ =	sdelay $0x3  }
0x34: {  	[smem:$0x3FB1] =	sst s10  }
0x35: {  	s10 =	sld [smem:$0x3FB0];
	_ =	sdelay $0x3  }
0x36: {  	p1 =	seq.s32 s10, $0x1;
	s10 =	sld [smem:$0x3FB1];
	_ =	sdelay $0x3  }
0x37: {  	[smem:$0x3FB1] =	sst s10  }
0x38: {  	s10 =	sld [smem:$0x3FB2]  }
0x39: {  	_ = 	snop;
	(pc) =	sbr.ind lr, $3  }
0x3a: {  	_ = 	snop  }
0x3b: {  	_ = 	snop  }
0x3c: {  	p2 =	seq.s32 s10, $0x1;
	s10 =	sld [smem:$0x3FB1]  }
0x3d: {  	_ =	shalt  }
0x3e: {  	_ =	shalt  }
0x3f: {  	_ =	shalt  }
0x40: {  	_ =	shalt  }
0x41: {  	_ =	shalt  }
0x42: {  	_ =	shalt  }
0x43: {  	_ =	shalt  }
0x44: {  	_ =	shalt  }
0x45: {  	_ =	shalt  }
0x46: {  	_ =	shalt  }
0x47: {  	_ =	shalt  }
0x48: {  	_ =	shalt  }
0x49: {  	_ =	shalt  }
0x4a: {  	_ =	shalt  }
0x4b: {  	_ =	shalt  }
0x4c: {  	_ =	shalt  }
0x4d: {  	_ =	shalt  }
0x4e: {  	_ =	shalt  }
0x4f: {  	_ =	shalt  }
0x50: {  	_ =	shalt  }
0x51: {  	_ =	shalt  }
0x52: {  	_ =	shalt  }
0x53: {  	_ =	shalt  }
0x54: {  	_ =	shalt  }
0x55: {  	_ =	shalt  }
0x56: {  	_ =	shalt  }
0x57: {  	_ =	shalt  }
0x58: {  	_ =	shalt  }
0x59: {  	_ =	shalt  }
0x5a: {  	_ =	shalt  }
0x5b: {  	_ =	shalt  }
0x5c: {  	_ =	shalt  }
0x5d: {  	_ =	shalt  }
0x5e: {  	_ =	shalt  }
0x5f: {  	_ =	shalt  }
0x60: {  	_ =	shalt  }
0x61: {  	_ =	shalt  }
0x62: {  	_ =	shalt  }
0x63: {  	_ =	shalt  }
0x64: {  	_ =	shalt  }
0x65: {  	_ =	shalt  }
0x66: {  	_ =	shalt  }
0x67: {  	_ =	shalt  }
0x68: {  	_ =	shalt  }
0x69: {  	_ =	shalt  }
0x6a: {  	_ =	shalt  }
0x6b: {  	_ =	shalt  }
0x6c: {  	_ =	shalt  }
0x6d: {  	_ =	shalt  }
0x6e: {  	_ =	shalt  }
0x6f: {  	_ =	shalt  }
0x70: {  	_ =	shalt  }
0x71: {  	_ =	shalt  }
0x72: {  	_ =	shalt  }
0x73: {  	_ =	shalt  }
0x74: {  	_ =	shalt  }
0x75: {  	_ =	shalt  }
0x76: {  	_ =	shalt  }
0x77: {  	_ =	shalt  }
0x78: {  	_ =	shalt  }
0x79: {  	_ =	shalt  }
0x7a: {  	_ =	shalt  }
0x7b: {  	_ =	shalt  }
0x7c: {  	_ =	shalt  }
0x7d: {  	_ =	shalt  }
0x7e: {  	_ =	shalt  }
0x7f: {  	_ =	shalt  }
0x80: {  	_ =	shalt  }
0x81: {  	_ =	shalt  }
0x82: {  	_ =	shalt  }
0x83: {  	_ =	shalt  }
0x84: {  	_ =	shalt  }
0x85: {  	_ =	shalt  }
0x86: {  	_ =	shalt  }
0x87: {  	_ =	shalt  }
.Lfunc_end0:
.L_simem_size_0:
called_computation.4_lowered:
.L_overlay_start_0:
0x88: {  	s2 =	sld [smem:$0x3FD9]  }
0x89: {  	s3 =	sld [smem:$0x3FFE];
	_ =	sdelay $0x1  }
0x8a: {  	s1 =	srdreg.scid  }
0x8b: {  	s0 =	sand.u32 $0x1, s1  }
0x8c: {  	s16 =	sshll.u32 s0, $0xA;
	s2 =	sadd.s32 s3, s2  }
0x8d: {  	s2 =	sadd.s32 s2, s16  }
0x8e: {  	[smem:$0x3FBD] =	sst s2  }
0x8f: {  	_ = 	snop  }
0x90: {  	(tm) =	ssettm $0x1  }
0x91: {  	s17 =	sld [smem:$0x3FFB];
	_ =	sdelay $0x3  }
0x92: {  	_ =	strace s17  }
0x93: {  	s2 =	sld [smem:$0x3FFC];
	_ =	sdelay $0x3  }
0x94: {  	_ =	strace s2  }
0x95: {  	s2 =	sld [smem:$0x3FFD];
	_ =	sdelay $0x3  }
0x96: {  	_ =	strace s2  }
0x97: {  	_ =	strace $0x8FFFFFFF  }
0x98: {  	s18 =	sld [smem:$0x3FDB];
	_ =	sdelay $0x1  }
0x99: {  	s19 =	simm.s32 $_scs_section_size  }
0x9a: {  	s4 =	simm.s32 $_size__tile_overlayer_lowered;
	s5 =	simm.s32 $_tile_overlayer_lowered  }
0x9b: {  	s22 =	simm.s32 $0x1BFF;
	s21 =	sshll.u32 s5, $0x1;
	s2 =	sadd.s32 s19, s18  }
0x9c: {  	s6 =	simm.s32 $0x0;
	s20 =	sshll.u32 s4, $0x1;
	s4 =	sadd.s32 s21, s2  }
0x9d: {  	[timem:s6], [sflag:s22] =	dma.local [hbm:s4], s20  }
0x9e: {  	_ =	swait.ge [sflag:s22], s20  }
0x9f: {  	s3 =	ssub.s32 $0x0, s20;
	[sflag:s22] =	ssyncset.done $0x0  }
0xa0: {  	[sflag:s22] =	ssyncadd.s32 s3;
	_ =	sdelay $0x1  }
0xa1: {  	s23 =	simm.s32 $0x1B8B  }
0xa2: {  	_ =	swait.ge [sflag:s23], $0x1  }
0xa3: {  	[sflag:s23] =	ssyncset.done $0x0  }
0xa4: {  	s25 =	simm.s32 $0x1B8E;
	s24 =	sld [smem:$0x3FFE];
	[sflag:s23] =	ssyncadd.s32 $0xFFFFFFFF  }
0xa5: {  	s26 =	simm.s32 $execute0_lowered;
	[smem:$0x3FD2] =	sst s25  }
0xa6: {  	s4 =	sshll.u32 s26, $0x1;
	_ =	strace $0x80000052;
	[dreg:$0x1] =	wrdreg $0xFFFFFFFF  }
0xa7: {  	s28 =	simm.s32 $_size_execute0_lowered;
	s2 =	sadd.s32 s2, s4;
	[dreg:$0x0] =	wrdreg $0x0  }
0xa8: {  	s4 =	sshll.u32 s28, $0x1;
	[dreg:$0x2] =	wrdreg s2  }
0xa9: {  	[dreg:$0x3] =	wrdreg s4  }
0xaa: {  	[dreg:$0x4] =	wrdreg $0xC0  }
0xab: {  	_ =	task [dreg:s6], $0x5FFFF  }
0xac: {  	[dreg:$0x1] =	wrdreg $0xFFFFFFFF  }
0xad: {  	[dreg:$0x0] =	wrdreg $0x60  }
0xae: {  	[dreg:$0x2] =	wrdreg s24  }
0xaf: {  	[dreg:$0x3] =	wrdreg $0xC4000  }
0xb0: {  	[dreg:$0x4] =	wrdreg $0x9  }
0xb1: {  	_ =	task.clear_ibuf [dreg:s6], $0x5FFFF;
	_ =	strace $0x90000052  }
0xb2: {  	s29 =	simm.s32 $0x9;
	_ =	strace $0x80000054  }
0xb3: {  	_ =	swait.ge [sflag:s29], $0x1  }
0xb4: {  	[sflag:s29] =	ssyncadd.s32 $0xFFFFFFFF  }
0xb5: {  	_ =	strace $0x90000054  }
0xb6: {  	_ =	sfence  }
0xb7: {  	s30 =	sld [smem:$0x0];
	_ =	sdelay $0x2  }
0xb8: {  	s31 =	sshll.u32 s1, $0xD;
	s1 =	sshrl.u32 s1, $0x2  }
0xb9: {  	s3 =	sand.u32 $0x4000, s31;
	s1 =	sadd.s32 s1, s30  }
0xba: {  	s0 =	sor.u32 s3, s0;
	s1 =	sshll.u32 s1, $0x11  }
0xbb: {  	s0 =	sor.u32 s1, s0  }
0xbc: {  	s0 =	sadd.s32 $0x8F2B, s0  }
0xbd: {  	[sflag:s0] =	ssyncadd.remote.s32 $0x1  }
0xbe: {  	_ =	sfence.sel $0xFFFF  }
0xbf: {  	[dreg:$0x0] =	wrdreg $0xFFFFFFFF;
	(pc) =	sbr.abs _section_cstart, $3  }
0xc0: {  	[dreg:$0x1] =	wrdreg $0xFFFFFFFF  }
0xc1: {  	_ =	task.clear_ibuf [dreg:s6], $0x2FFFF;
	_ =	strace $0x9FFFFFFF  }
0xc2: {  	(tm) =	ssettm $0x7FFFFFFF  }
0xc3: {  	_ =	shalt  }
tec
execute0_lowered:
.L_overlay_start_1:
0x0: {  	(tag) =	ssettag $0x1  }
0x1: {  	s6 =	rddreg [dreg:$0x0]  }
0x2: {  	s2 =	rddreg [dreg:$0x1];
	s0 =	stileid.u32  }
0x3: {  	s3 =	simm.s32 $0x0;
	s5 =	srdreg.scid;
	s7 =	smul.u32 $0x270, s0  }
0x4: {  	s22 =	simm.s32 $0x200;
	s23 =	simm.s32 $0x0;
	s9 =	smul.u32 $0x4E000, s0  }
0x5: {  	[smem:$0x7FF] =	sst s3;
	s4 =	sadd.s32 $0x9000, s6;
	s25 =	smul.u32 $0xC0, s0  }
0x6: {  	s8 =	sand.u32 $0x1, s5;
	s5 =	sadd.s32 $0x5A600, s6;
	s19 =	smul.u32 $0x18, s0  }
0x7: {  	s13 =	sadd.s32 $0x4000, s6;
	s17 =	sadd.s32 $0x124800, s2;
	s11 =	smul.u32 $0x2710, s8  }
0x8: {  	s15 =	sadd.s32 $0x64600, s6;
	p0 =	seq.s32 s0, $0xF;
	s14 =	smul.u32 $0x138800, s8  }
0x9: {  	_ =	strace $0x80000053;
	s10 =	ssub.s32 $0x2, s8;
	s8 =	smul.u32 $0x28000, s8  }
0xa: {  	s12 =	sshrl.u32 s10, $0x1;
	s26 =	sshrl.u32 s9, $0x2;
	s29 =	sshrl.u32 s25, $0x3  }
0xb: {  	s12 =	ssub.s32 s10, s12;
	s7 =	sadd.s32 s7, s11;
	s18 =	sadd.s32 s26, s2  }
0xc: {  	s28 =	sshrl.u32 s14, $0x3;
	s16 =	sor.u32 s25, s8;
	s9 =	sadd.s32 s13, s29  }
0xd: {  	s13 =	sadd.s32 s19, s13;
	s19 =	sshll.u32 @!p0 s0, $0x6;
	s11 =	sshll.u32 s7, $0x4  }
0xe: {  	s14 =	sadd.s32 $0x24900, s28;
	s8 =	sshrl.u32 s16, $0x3;
	s12 =	smax.u32 s12, $0x1  }
0xf: {  	s30 =	sadd.s32 $0xC00, s16;
	s18 =	sshrl.u32 @!p0 s18, $0x3;
	s6 =	sadd.s32 s4, s11  }
0x10: {  	s7 =	sadd.s32 s4, s14;
	s10 =	sadd.s32 s15, s11;
	s31 =	sshrl.u32 s30, $0x3  }
0x11: {  	s11 =	sadd.s32 s15, s14;
	s14 =	sadd.s32 $0x1800, s16;
	s16 =	sadd.s32 s31, s5  }
0x12: {  	s8 =	sadd.s32 s5, s8;
	s15 =	sor.u32 $0x20, s0;
	[dreg:$0x3] =	wrdreg s16  }
0x13: {  	s16 =	sshrl.u32 @p0 s17, $0x3;
	s17 =	sor.u32 @!p0 $0x1C03, s19;
	s19 =	simm.s32 $0x3  }
.LBB2_1:
0x14: {  	s24 =	simm.s32 @p0 $0x1FC3  }
0x15: {  	[spmem:s16], [sflag:s24] =	dma.local @p0 [hbm:s7], $0x2800  }
0x16: {  	s24 =	simm.s32 @p0 $0x3  }
0x17: {  	_ =	swait.ge @p0 [sflag:s24], $0x2800  }
0x18: {  	[sflag:s24] =	ssyncset.done @p0 $0x0  }
0x19: {  	[sflag:s24] =	ssyncadd.s32 @p0 $0xFFFFD800;
	s24 =	simm.s32 @!p0 $0x3  }
0x1a: {  	[spmem:s18], [sflag:s17] =	dma.local @!p0 [hbm:s6], $0x2700  }
0x1b: {  	_ =	swait.ge @!p0 [sflag:s24], $0x2700  }
0x1c: {  	[sflag:s24] =	ssyncset.done @!p0 $0x0  }
0x1d: {  	[sflag:s24] =	ssyncadd.s32 @!p0 $0xFFFFD900  }
0x1e: {  	[bflag:$0x0] =	sbarrier.arrive $0xFFFF  }
0x1f: {  	[tilespmem:s3], [sflag:$0x3] =	stream.linear.gather [hbm4b:s8+s3], $0xC0, $0x38;
	[tilespmem:$0x1FD00] =	vst v63  }
0x20: {  	_ =	swait.ge [sflag:s19], $0xC0  }
0x21: {  	[sflag:s19] =	ssyncset.done $0x0  }
0x22: {  	s0 =	simm.s32 $0x100;
	[sflag:s19] =	ssyncadd.s32 $0xFFFFFF40  }
0x23: {  	[tilespmem:s0], [sflag:$0x3] =	stream.linear.gather [hbm4b:s9+s3], $0xC0, $0x38;
	[tilespmem:$0x1FD00] =	vst v63  }
0x24: {  	s29 =	sadd.s32 $0xFFFFFFF0, s15;
	_ =	swait.ge [sflag:s19], $0xC0  }
0x25: {  	s28 =	simm.s32 $0xC0;
	p1 =	sgt.u32 s29, $0x341;
	[sflag:s19] =	ssyncset.done $0x0  }
0x26: {  	s26 =	simm.s32 @!p1 $0x6200;
	s25 =	rddreg [dreg:$0x3];
	[sflag:s19] =	ssyncadd.s32 $0xFFFFFF40  }
0x27: {  	[tilespmem:s22], [sflag:$0x1] =	stream.indirect.gather [hbm4b:s4+s28], $0x80, s3, s28, $0xb8;
	[tilespmem:$0x1FD00] =	vst v63  }
0x28: {  	s24 =	simm.s32 @!p1 $0x0;
	s25 =	sadd.s32 @!p1 $0x0, s25;
	s28 =	simm.s32 @!p1 $0x4  }
0x29: {  	[tilespmem:s26], [sflag:$0x4] =	stream.linear.gather @!p1 [hbm4b:s25+s24], $0xC0, $0x38;
	[tilespmem:$0x1FD00] =	vst v63  }
0x2a: {  	_ =	swait.ge @!p1 [sflag:s28], $0xC0  }
0x2b: {  	s25 =	sadd.s32 @!p1 $0x0, s13;
	[sflag:s28] =	ssyncset.done @!p1 $0x0  }
0x2c: {  	s29 =	simm.s32 @!p1 $0x6300;
	s25 =	sadd.s32 @!p1 $0x180, s25;
	[sflag:s28] =	ssyncadd.s32 @!p1 $0xFFFFFF40  }
0x2d: {  	[tilespmem:s29], [sflag:$0x4] =	stream.linear.gather @!p1 [hbm4b:s25+s24], $0xC0, $0x38;
	[tilespmem:$0x1FD00] =	vst v63  }
0x2e: {  	s31 =	sadd.s32 $0xFFFFFFE0, s15;
	_ =	swait.ge @!p1 [sflag:s28], $0xC0  }
0x2f: {  	p3 =	sgt.u32 s31, $0x341;
	s25 =	simm.s32 @!p1 $0x6400;
	[sflag:s28] =	ssyncset.done @!p1 $0x0  }
0x30: {  	s24 =	simm.s32 @!p3 $0x1;
	[sflag:s28] =	ssyncadd.s32 @!p1 $0xFFFFFF40;
	s28 =	simm.s32 @!p1 $0xC0  }
0x31: {  	[tilespmem:s25], [sflag:$0x2] =	stream.indirect.gather @!p1 [hbm4b:s4+s28], $0x80, s26, s28, $0xb8;
	[tilespmem:$0x1FD00] =	vst v63  }
0x32: {  	_ =	swait.ge @!p3 [sflag:s24], $0x6000  }
0x33: {  	s30 =	simm.s32 @!p3 $0xC0;
	s31 =	simm.s32 @!p3 $0x100;
	[sflag:s24] =	ssyncset.done @!p3 $0x0  }
0x34: {  	s26 =	simm.s32 @!p3 $0x200;
	[sflag:s24] =	ssyncadd.s32 @!p3 $0xFFFFA000;
	s24 =	simm.s32 @!p3 $0x4  }
0x35: {  	[spmem:s2] =	stream.indirect.scatter.add.f32 @!p3 [tilespmem:s26], [sflag:$0x4], $0x80, s31, s30, $0xb8;
	[tilespmem:$0x1FD00] =	vst v63  }
0x36: {  	p2 =	sgt.u32 s15, $0x341;
	_ =	swait.ge @!p3 [sflag:s24], $0x6000  }
0x37: {  	s26 =	sshrl.u32 @!p2 s14, $0x3;
	s30 =	simm.s32 @!p2 $0x0;
	[sflag:s24] =	ssyncset.done @!p3 $0x0  }
0x38: {  	s26 =	sadd.s32 @!p2 s5, s26;
	[sflag:s24] =	ssyncadd.s32 @!p3 $0xFFFFA000;
	s24 =	simm.s32 @!p2 $0x4  }
0x39: {  	[tilespmem:s30], [sflag:$0x4] =	stream.linear.gather @!p2 [hbm4b:s26+s30], $0xC0, $0x38;
	[tilespmem:$0x1FD00] =	vst v63  }
0x3a: {  	_ =	swait.ge @!p2 [sflag:s24], $0xC0  }
0x3b: {  	s26 =	sadd.s32 @!p2 $0x0, s13;
	[sflag:s24] =	ssyncset.done @!p2 $0x0  }
0x3c: {  	s31 =	simm.s32 @!p2 $0x100;
	s26 =	sadd.s32 @!p2 $0x300, s26;
	[sflag:s24] =	ssyncadd.s32 @!p2 $0xFFFFFF40  }
0x3d: {  	[tilespmem:s31], [sflag:$0x4] =	stream.linear.gather @!p2 [hbm4b:s26+s30], $0xC0, $0x38;
	[tilespmem:$0x1FD00] =	vst v63  }
0x3e: {  	_ =	swait.ge @!p2 [sflag:s24], $0xC0  }
0x3f: {  	s26 =	simm.s32 @!p2 $0xC0;
	[sflag:s24] =	ssyncset.done @!p2 $0x0  }
0x40: {  	s31 =	simm.s32 @!p2 $0x200;
	[sflag:s24] =	ssyncadd.s32 @!p2 $0xFFFFFF40;
	s24 =	simm.s32 @!p1 $0x2  }
0x41: {  	[tilespmem:s31], [sflag:$0x1] =	stream.indirect.gather @!p2 [hbm4b:s4+s26], $0x80, s30, s26, $0xb8;
	[tilespmem:$0x1FD00] =	vst v63  }
0x42: {  	_ =	swait.ge @!p1 [sflag:s24], $0x6000  }
0x43: {  	[sflag:s24] =	ssyncset.done @!p1 $0x0  }
0x44: {  	s30 =	simm.s32 @!p1 $0x3;
	[sflag:s24] =	ssyncadd.s32 @!p1 $0xFFFFA000  }
0x45: {  	[spmem:s2] =	stream.indirect.scatter.add.f32 @!p1 [tilespmem:s25], [sflag:$0x3], $0x80, s29, s28, $0xb8;
	[tilespmem:$0x1FD00] =	vst v63  }
0x46: {  	s26 =	smov.u32 s14;
	s24 =	simm.s32 $0x300;
	s25 =	smov.u32 s15  }
.LBB2_2:
0x47: {  	_ =	swait.ge @!p1 [sflag:s30], $0x6000;
	s25 =	sadd.s32 $0x20, s25  }
0x48: {  	s28 =	sadd.s32 $0xFFFFFFF0, s25;
	[sflag:s30] =	ssyncset.done @!p1 $0x0  }
0x49: {  	[sflag:s30] =	ssyncadd.s32 @!p1 $0xFFFFA000;
	p1 =	sgt.u32 s28, $0x341  }
0x4a: {  	s31 =	smov.u32 s24;
	s29 =	rddreg [dreg:$0x3];
	s30 =	simm.s32 @!p1 $0x0  }
0x4b: {  	s29 =	sadd.s32 @!p1 s31, s29;
	s0 =	simm.s32 @!p1 $0x6200;
	s1 =	simm.s32 @!p1 $0x4  }
0x4c: {  	[tilespmem:s0], [sflag:$0x4] =	stream.linear.gather @!p1 [hbm4b:s29+s30], $0xC0, $0x38;
	[tilespmem:$0x1FD00] =	vst v63  }
0x4d: {  	_ =	swait.ge @!p1 [sflag:s1], $0xC0  }
0x4e: {  	s28 =	sadd.s32 @!p1 s31, s13;
	[sflag:s1] =	ssyncset.done @!p1 $0x0  }
0x4f: {  	s29 =	sadd.s32 @!p1 $0x180, s28;
	s28 =	simm.s32 @!p1 $0x6300;
	[sflag:s1] =	ssyncadd.s32 @!p1 $0xFFFFFF40  }
0x50: {  	[tilespmem:s28], [sflag:$0x4] =	stream.linear.gather @!p1 [hbm4b:s29+s30], $0xC0, $0x38;
	[tilespmem:$0x1FD00] =	vst v63  }
0x51: {  	_ =	swait.ge @!p1 [sflag:s1], $0xC0  }
0x52: {  	s30 =	sadd.s32 $0xFFFFFFE0, s25;
	s29 =	simm.s32 @!p1 $0x6400;
	[sflag:s1] =	ssyncset.done @!p1 $0x0  }
0x53: {  	p4 =	sgt.u32 s30, $0x341;
	[sflag:s1] =	ssyncadd.s32 @!p1 $0xFFFFFF40;
	s1 =	simm.s32 @!p1 $0xC0  }
0x54: {  	[tilespmem:s29], [sflag:$0x2] =	stream.indirect.gather @!p1 [hbm4b:s4+s1], $0x80, s0, s1, $0xb8;
	[tilespmem:$0x1FD00] =	vst v63  }
0x55: {  	s0 =	simm.s32 @!p4 $0x1  }
0x56: {  	_ =	swait.ge @!p4 [sflag:s0], $0x6000  }
0x57: {  	s30 =	simm.s32 @!p4 $0x200;
	s20 =	simm.s32 @!p4 $0xC0;
	[sflag:s0] =	ssyncset.done @!p4 $0x0  }
0x58: {  	s21 =	simm.s32 @!p4 $0x100;
	[sflag:s0] =	ssyncadd.s32 @!p4 $0xFFFFA000;
	s0 =	simm.s32 @!p4 $0x4  }
0x59: {  	[spmem:s2] =	stream.indirect.scatter.add.f32 @!p4 [tilespmem:s30], [sflag:$0x4], $0x80, s21, s20, $0xb8;
	[tilespmem:$0x1FD00] =	vst v63  }
0x5a: {  	s26 =	sadd.s32 $0x1800, s26;
	p3 =	sgt.u32 s25, $0x341;
	_ =	swait.ge @!p4 [sflag:s0], $0x6000  }
0x5b: {  	s20 =	sshrl.u32 @!p3 s26, $0x3;
	s30 =	simm.s32 @!p3 $0x0;
	[sflag:s0] =	ssyncset.done @!p4 $0x0  }
0x5c: {  	s20 =	sadd.s32 @!p3 s5, s20;
	[sflag:s0] =	ssyncadd.s32 @!p4 $0xFFFFA000;
	s0 =	simm.s32 @!p3 $0x4  }
0x5d: {  	[tilespmem:s30], [sflag:$0x4] =	stream.linear.gather @!p3 [hbm4b:s20+s30], $0xC0, $0x38;
	[tilespmem:$0x1FD00] =	vst v63  }
0x5e: {  	_ =	swait.ge @!p3 [sflag:s0], $0xC0  }
0x5f: {  	s21 =	sadd.s32 @!p3 s31, s13;
	[sflag:s0] =	ssyncset.done @!p3 $0x0  }
0x60: {  	s21 =	sadd.s32 @!p3 $0x300, s21;
	s20 =	simm.s32 @!p3 $0x100;
	[sflag:s0] =	ssyncadd.s32 @!p3 $0xFFFFFF40  }
0x61: {  	[tilespmem:s20], [sflag:$0x4] =	stream.linear.gather @!p3 [hbm4b:s21+s30], $0xC0, $0x38;
	[tilespmem:$0x1FD00] =	vst v63  }
0x62: {  	s24 =	sadd.s32 $0x300, s24;
	_ =	swait.ge @!p3 [sflag:s0], $0xC0  }
0x63: {  	p2 =	sne.s32 s24, $0x5100;
	[sflag:s0] =	ssyncset.done @!p3 $0x0  }
0x64: {  	s20 =	simm.s32 @!p3 $0xC0;
	s21 =	simm.s32 @!p3 $0x200;
	[sflag:s0] =	ssyncadd.s32 @!p3 $0xFFFFFF40  }
0x65: {  	[tilespmem:s21], [sflag:$0x1] =	stream.indirect.gather @!p3 [hbm4b:s4+s20], $0x80, s30, s20, $0xb8;
	[tilespmem:$0x1FD00] =	vst v63  }
.Ltmp0:
0x66: {  	s0 =	simm.s32 @!p1 $0x2;
	(pc) =	sbr.rel @p2 .LBB2_2-.Ltmp0, $4  }
0x67: {  	_ =	swait.ge @!p1 [sflag:s0], $0x6000  }
0x68: {  	[sflag:s0] =	ssyncset.done @!p1 $0x0  }
0x69: {  	s30 =	simm.s32 @!p1 $0x3;
	[sflag:s0] =	ssyncadd.s32 @!p1 $0xFFFFA000  }
0x6a: {  	[spmem:s2] =	stream.indirect.scatter.add.f32 @!p1 [tilespmem:s29], [sflag:$0x3], $0x80, s28, s1, $0xb8;
	[tilespmem:$0x1FD00] =	vst v63  }
0x6b: {  	_ =	swait.ge @!p1 [sflag:s30], $0x6000  }
0x6c: {  	[sflag:s30] =	ssyncset.done @!p1 $0x0  }
0x6d: {  	[sflag:s30] =	ssyncadd.s32 @!p1 $0xFFFFA000  }
0x6e: {  	s0 =	simm.s32 @p0 $0x1FC3;
	[bflag:$0x0] =	sbarrier.arrive $0xFFFF  }
0x6f: {  	[hbm:s11], [sflag:s0] =	dma.local @p0 [spmem:s16], $0x2800  }
0x70: {  	s0 =	simm.s32 @p0 $0x3  }
0x71: {  	s23 =	sadd.s32 $0x1, s23;
	_ =	swait.ge @p0 [sflag:s0], $0x2800  }
0x72: {  	p1 =	sne.s32 s23, s12;
	[sflag:s0] =	ssyncset.done @p0 $0x0  }
.Ltmp1:
0x73: {  	[sflag:s0] =	ssyncadd.s32 @p0 $0xFFFFD800;
	s0 =	simm.s32 @!p0 $0x3;
	(pc) =	sbr.rel @p1 .LBB2_1-.Ltmp1, $4  }
0x74: {  	[hbm:s10], [sflag:s17] =	dma.local @!p0 [spmem:s18], $0x2700  }
0x75: {  	_ =	swait.ge @!p0 [sflag:s0], $0x2700  }
0x76: {  	[sflag:s0] =	ssyncset.done @!p0 $0x0  }
0x77: {  	[sflag:s0] =	ssyncadd.s32 @!p0 $0xFFFFD900  }
0x78: {  	_ =	sfence.sel $0x180000  }
0x79: {  	[bflag:$0x0] =	sbarrier.arrive $0xFFFF  }
0x7a: {  	_ =	strace $0x90000053  }
0x7b: {  	s0 =	stileid.u32;
	[bflag:$0x2] =	sbarrier.arrive $0xFFFF  }
0x7c: {  	p0 =	sne.s32 s0, $0x0;
	s0 =	rddreg [dreg:$0x2]  }
0x7d: {  	s0 =	sadd.s32 @!p0 $0x100000, s0  }
0x7e: {  	[sflag:s0] =	ssyncadd.tile.s32 @!p0 $0x1;
	_ =	shalt  }
.Lfunc_end2:
_tile_overlayer_lowered:
.L_overlay_start_2:
0x7f: {  	(tag) =	ssettag $0x2  }
0x80: {  	s0 =	rddreg [dreg:$0x0];
	s2 =	stileid.u32  }
0x81: {  	s1 =	rddreg [dreg:$0x1];
	p0 =	sne.s32 s2, $0x0  }
0x82: {  	s3 =	rddreg [dreg:$0x2];
	[bflag:$0x3] =	sbarrier.arrive $0xFFFF;
	s2 =	simm.s32 @!p0 $0x1C03  }
0x83: {  	[timem:s3], [sflag:s2] =	dma.local @!p0 [hbm:s0], s1  }
0x84: {  	s0 =	simm.s32 @!p0 $0x3  }
0x85: {  	_ =	swait.ge @!p0 [sflag:s0], s1  }
0x86: {  	s1 =	ssub.s32 @!p0 $0x0, s1;
	[sflag:s0] =	ssyncset.done @!p0 $0x0  }
0x87: {  	[sflag:s0] =	ssyncadd.s32 @!p0 s1  }
0x88: {  	[bflag:$0x3] =	sbarrier.arrive $0xFFFF  }
0x89: {  	_ =	shalt  }

// kernel: kernel.29.cloned.1.call-start
scs
__scs_entry_jumppad:
0x0: {  	(pc) =	sbr.rel $0x88, $3  }
0x1: {  	(tag) =	ssettag $0x0;
	lr =	simm.s32 $0x1  }
0x2: {  	[smem:$0x3F96] =	sst lr;
	_ =	strace $0xD0000000  }
0x3: {  	_ = 	snop  }
0x4: {  	_ = 	snop  }
0x5: {  	_ = 	snop  }
0x6: {  	_ = 	snop  }
0x7: {  	_ = 	snop  }
__scs_overlays_trampoline_lowered:
0x8: {  	[smem:$0x3FA5] =	sst s0  }
0x9: {  	[smem:$0x3FA6] =	sst s1  }
0xa: {  	[smem:$0x3FA7] =	sst s2  }
0xb: {  	[smem:$0x3FA8] =	sst s3  }
0xc: {  	[smem:$0x3FA9] =	sst s4  }
0xd: {  	[smem:$0x3FAA] =	sst s5  }
0xe: {  	[smem:$0x3FAB] =	sst s6  }
0xf: {  	[smem:$0x3FAC] =	sst s7  }
0x10: {  	[smem:$0x3FAD] =	sst s8  }
0x11: {  	[smem:$0x3FAE] =	sst s9;
	s0 =	simm.s32 @!p0 $0x0  }
0x12: {  	s1 =	sld [smem:$0x3F94];
	s0 =	simm.s32 @p0 $0x1  }
0x13: {  	[smem:$0x3FAF] =	sst s0;
	s0 =	simm.s32 @!p1 $0x0  }
0x14: {  	s2 =	sld [smem:$0x3F93];
	s0 =	simm.s32 @p1 $0x1  }
0x15: {  	[smem:$0x3FB0] =	sst s0;
	s0 =	simm.s32 @!p2 $0x0  }
0x16: {  	s3 =	sld [smem:$0x3FDB];
	s0 =	simm.s32 @p2 $0x1  }
0x17: {  	s4 =	simm.s32 $0x1BF5;
	[smem:$0x3FB2] =	sst s0  }
0x18: {  	s0 =	sld [smem:$0x3F95];
	_ =	swait.ge [sflag:s4], $0x0  }
0x19: {  	s7 =	sld [smem:$0x3F96]  }
0x1a: {  	s8 =	sadd.s32 $0xFFFFE003, lr  }
0x1b: {  	s9 =	sadd.s32 $0xFFFFFEF7, lr;
	s5 =	simm.s32 $0xFFFFFFFF;
	p2 =	slt.u32 s8, $0xFFFFF086  }
0x1c: {  	p1 =	slt.u32 s9, $0xF7A;
	s5 =	simm.s32 @!p2 $0x0  }
0x1d: {  	s5 =	simm.s32 @p1 $0x1;
	p0 =	seq.s32 s7, s2  }
0x1e: {  	s7 =	smul.u32 @!p0 $0xF7A, s2;
	p2 =	seq.s32 @!p0 s5, $0x0  }
0x1f: {  	s9 =	smul.u32 $0xF7A, s1;
	s8 =	simm.s32 @!p0 $0x1BF5;
	p2 =	por !p2, p0  }
0x20: {  	[sflag:s8] =	ssyncset.s32 @!p0 $0xFFFFF086;
	s6 =	sadd.s32 @!p0 s3, s7;
	s7 =	simm.s32 @!p0 $0x108  }
0x21: {  	s3 =	sadd.s32 s3, s9;
	s6 =	sadd.s32 @!p0 $0x88, s6;
	s7 =	simm.s32 @p2 $0x1082  }
0x22: {  	[simem:s7], [sflag:s8] =	dma.local @!p0 [hbm:s6], $0xF7A  }
0x23: {  	s9 =	sor.u32 $0xD0000000, s2;
	s6 =	simm.s32 $0x108;
	_ =	swait.ge @!p0 [sflag:s8], $0x0  }
0x24: {  	s3 =	sadd.s32 $0x88, s3;
	s6 =	simm.s32 @!p1 $0x1082;
	[sflag:s4] =	ssyncset.s32 $0xFFFFF086  }
0x25: {  	[simem:s6], [sflag:s4] =	dma.local [hbm:s3], $0xF7A  }
0x26: {  	[smem:$0x3F96] =	sst s1;
	(tag) =	ssettag s2;
	_ =	strace s9  }
0x27: {  	s1 =	sld [smem:$0x3FA6]  }
0x28: {  	s2 =	sld [smem:$0x3FA7]  }
0x29: {  	s4 =	sld [smem:$0x3FA9]  }
0x2a: {  	p0 =	seq.s32 s5, $0x0;
	s5 =	sld [smem:$0x3FAA]  }
0x2b: {  	s6 =	sld [smem:$0x3FAB]  }
0x2c: {  	s7 =	sld [smem:$0x3FAC]  }
0x2d: {  	s3 =	simm.s32 $0x108;
	s8 =	sld [smem:$0x3FAD]  }
0x2e: {  	s3 =	simm.s32 @!p0 $0x1082;
	s9 =	sld [smem:$0x3FAE]  }
0x2f: {  	lr =	sadd.s32 s0, s3;
	s0 =	sld [smem:$0x3FA5]  }
0x30: {  	s3 =	sld [smem:$0x3FA8]  }
0x31: {  	[smem:$0x3FB1] =	sst s10  }
0x32: {  	s10 =	sld [smem:$0x3FAF];
	_ =	sdelay $0x3  }
0x33: {  	p0 =	seq.s32 s10, $0x1;
	s10 =	sld [smem:$0x3FB1];
	_ =	sdelay $0x3  }
0x34: {  	[smem:$0x3FB1] =	sst s10  }
0x35: {  	s10 =	sld [smem:$0x3FB0];
	_ =	sdelay $0x3  }
0x36: {  	p1 =	seq.s32 s10, $0x1;
	s10 =	sld [smem:$0x3FB1];
	_ =	sdelay $0x3  }
0x37: {  	[smem:$0x3FB1] =	sst s10  }
0x38: {  	s10 =	sld [smem:$0x3FB2]  }
0x39: {  	_ = 	snop;
	(pc) =	sbr.ind lr, $3  }
0x3a: {  	_ = 	snop  }
0x3b: {  	_ = 	snop  }
0x3c: {  	p2 =	seq.s32 s10, $0x1;
	s10 =	sld [smem:$0x3FB1]  }
0x3d: {  	_ =	shalt  }
0x3e: {  	_ =	shalt  }
0x3f: {  	_ =	shalt  }
0x40: {  	_ =	shalt  }
0x41: {  	_ =	shalt  }
0x42: {  	_ =	shalt  }
0x43: {  	_ =	shalt  }
0x44: {  	_ =	shalt  }
0x45: {  	_ =	shalt  }
0x46: {  	_ =	shalt  }
0x47: {  	_ =	shalt  }
0x48: {  	_ =	shalt  }
0x49: {  	_ =	shalt  }
0x4a: {  	_ =	shalt  }
0x4b: {  	_ =	shalt  }
0x4c: {  	_ =	shalt  }
0x4d: {  	_ =	shalt  }
0x4e: {  	_ =	shalt  }
0x4f: {  	_ =	shalt  }
0x50: {  	_ =	shalt  }
0x51: {  	_ =	shalt  }
0x52: {  	_ =	shalt  }
0x53: {  	_ =	shalt  }
0x54: {  	_ =	shalt  }
0x55: {  	_ =	shalt  }
0x56: {  	_ =	shalt  }
0x57: {  	_ =	shalt  }
0x58: {  	_ =	shalt  }
0x59: {  	_ =	shalt  }
0x5a: {  	_ =	shalt  }
0x5b: {  	_ =	shalt  }
0x5c: {  	_ =	shalt  }
0x5d: {  	_ =	shalt  }
0x5e: {  	_ =	shalt  }
0x5f: {  	_ =	shalt  }
0x60: {  	_ =	shalt  }
0x61: {  	_ =	shalt  }
0x62: {  	_ =	shalt  }
0x63: {  	_ =	shalt  }
0x64: {  	_ =	shalt  }
0x65: {  	_ =	shalt  }
0x66: {  	_ =	shalt  }
0x67: {  	_ =	shalt  }
0x68: {  	_ =	shalt  }
0x69: {  	_ =	shalt  }
0x6a: {  	_ =	shalt  }
0x6b: {  	_ =	shalt  }
0x6c: {  	_ =	shalt  }
0x6d: {  	_ =	shalt  }
0x6e: {  	_ =	shalt  }
0x6f: {  	_ =	shalt  }
0x70: {  	_ =	shalt  }
0x71: {  	_ =	shalt  }
0x72: {  	_ =	shalt  }
0x73: {  	_ =	shalt  }
0x74: {  	_ =	shalt  }
0x75: {  	_ =	shalt  }
0x76: {  	_ =	shalt  }
0x77: {  	_ =	shalt  }
0x78: {  	_ =	shalt  }
0x79: {  	_ =	shalt  }
0x7a: {  	_ =	shalt  }
0x7b: {  	_ =	shalt  }
0x7c: {  	_ =	shalt  }
0x7d: {  	_ =	shalt  }
0x7e: {  	_ =	shalt  }
0x7f: {  	_ =	shalt  }
0x80: {  	_ =	shalt  }
0x81: {  	_ =	shalt  }
0x82: {  	_ =	shalt  }
0x83: {  	_ =	shalt  }
0x84: {  	_ =	shalt  }
0x85: {  	_ =	shalt  }
0x86: {  	_ =	shalt  }
0x87: {  	_ =	shalt  }
.Lfunc_end0:
.L_simem_size_0:
called_computation.5_lowered:
.L_overlay_start_0:
0x88: {  	s2 =	sld [smem:$0x3FD9]  }
0x89: {  	s3 =	sld [smem:$0x3FFE];
	_ =	sdelay $0x1  }
0x8a: {  	s1 =	srdreg.scid  }
0x8b: {  	s0 =	sand.u32 $0x1, s1  }
0x8c: {  	s16 =	sshll.u32 s0, $0xA;
	s2 =	sadd.s32 s3, s2  }
0x8d: {  	s2 =	sadd.s32 s2, s16  }
0x8e: {  	[smem:$0x3FBD] =	sst s2  }
0x8f: {  	_ = 	snop  }
0x90: {  	(tm) =	ssettm $0x1  }
0x91: {  	s17 =	sld [smem:$0x3FFB];
	_ =	sdelay $0x3  }
0x92: {  	_ =	strace s17  }
0x93: {  	s2 =	sld [smem:$0x3FFC];
	_ =	sdelay $0x3  }
0x94: {  	_ =	strace s2  }
0x95: {  	s2 =	sld [smem:$0x3FFD];
	_ =	sdelay $0x3  }
0x96: {  	_ =	strace s2  }
0x97: {  	_ =	strace $0x8FFFFFFF  }
0x98: {  	s18 =	sld [smem:$0x3FDB];
	_ =	sdelay $0x1  }
0x99: {  	s19 =	simm.s32 $_scs_section_size  }
0x9a: {  	s4 =	simm.s32 $_size__tile_overlayer_lowered;
	s5 =	simm.s32 $_tile_overlayer_lowered  }
0x9b: {  	s22 =	simm.s32 $0x1BFF;
	s21 =	sshll.u32 s5, $0x1;
	s2 =	sadd.s32 s19, s18  }
0x9c: {  	s6 =	simm.s32 $0x0;
	s20 =	sshll.u32 s4, $0x1;
	s4 =	sadd.s32 s21, s2  }
0x9d: {  	[timem:s6], [sflag:s22] =	dma.local [hbm:s4], s20  }
0x9e: {  	_ =	swait.ge [sflag:s22], s20  }
0x9f: {  	s3 =	ssub.s32 $0x0, s20;
	[sflag:s22] =	ssyncset.done $0x0  }
0xa0: {  	[sflag:s22] =	ssyncadd.s32 s3;
	_ =	sdelay $0x1  }
0xa1: {  	s23 =	simm.s32 $0x1B8B  }
0xa2: {  	_ =	swait.ge [sflag:s23], $0x1  }
0xa3: {  	[sflag:s23] =	ssyncset.done $0x0  }
0xa4: {  	s25 =	simm.s32 $0x1B8E;
	s24 =	sld [smem:$0x3FFE];
	[sflag:s23] =	ssyncadd.s32 $0xFFFFFFFF  }
0xa5: {  	s26 =	simm.s32 $execute0_lowered;
	[smem:$0x3FD2] =	sst s25  }
0xa6: {  	s4 =	sshll.u32 s26, $0x1;
	_ =	strace $0x80000055;
	[dreg:$0x1] =	wrdreg $0xFFFFFFFF  }
0xa7: {  	s28 =	simm.s32 $_size_execute0_lowered;
	s2 =	sadd.s32 s2, s4;
	[dreg:$0x0] =	wrdreg $0x0  }
0xa8: {  	s4 =	sshll.u32 s28, $0x1;
	[dreg:$0x2] =	wrdreg s2  }
0xa9: {  	[dreg:$0x3] =	wrdreg s4  }
0xaa: {  	[dreg:$0x4] =	wrdreg $0xC0  }
0xab: {  	_ =	task [dreg:s6], $0x5FFFF  }
0xac: {  	[dreg:$0x1] =	wrdreg $0xFFFFFFFF  }
0xad: {  	[dreg:$0x0] =	wrdreg $0x60  }
0xae: {  	[dreg:$0x2] =	wrdreg s24  }
0xaf: {  	[dreg:$0x3] =	wrdreg $0xC4000  }
0xb0: {  	[dreg:$0x4] =	wrdreg $0x9  }
0xb1: {  	_ =	task.clear_ibuf [dreg:s6], $0x5FFFF;
	_ =	strace $0x90000055  }
0xb2: {  	s29 =	simm.s32 $0x9;
	_ =	strace $0x80000057  }
0xb3: {  	_ =	swait.ge [sflag:s29], $0x1  }
0xb4: {  	[sflag:s29] =	ssyncadd.s32 $0xFFFFFFFF  }
0xb5: {  	_ =	strace $0x90000057  }
0xb6: {  	_ =	sfence  }
0xb7: {  	s30 =	sld [smem:$0x0];
	_ =	sdelay $0x2  }
0xb8: {  	s31 =	sshll.u32 s1, $0xD;
	s1 =	sshrl.u32 s1, $0x2  }
0xb9: {  	s3 =	sand.u32 $0x4000, s31;
	s1 =	sadd.s32 s1, s30  }
0xba: {  	s0 =	sor.u32 s3, s0;
	s1 =	sshll.u32 s1, $0x11  }
0xbb: {  	s0 =	sor.u32 s1, s0  }
0xbc: {  	s0 =	sadd.s32 $0x8F2B, s0  }
0xbd: {  	[sflag:s0] =	ssyncadd.remote.s32 $0x1  }
0xbe: {  	_ =	sfence.sel $0xFFFF  }
0xbf: {  	[dreg:$0x0] =	wrdreg $0xFFFFFFFF;
	(pc) =	sbr.abs _section_cstart, $3  }
0xc0: {  	[dreg:$0x1] =	wrdreg $0xFFFFFFFF  }
0xc1: {  	_ =	task.clear_ibuf [dreg:s6], $0x2FFFF;
	_ =	strace $0x9FFFFFFF  }
0xc2: {  	(tm) =	ssettm $0x7FFFFFFF  }
0xc3: {  	_ =	shalt  }
tec
execute0_lowered:
.L_overlay_start_1:
0x0: {  	(tag) =	ssettag $0x1  }
0x1: {  	s6 =	rddreg [dreg:$0x0]  }
0x2: {  	s2 =	rddreg [dreg:$0x1];
	s0 =	stileid.u32  }
0x3: {  	s3 =	simm.s32 $0x0;
	s5 =	srdreg.scid;
	s7 =	smul.u32 $0x270, s0  }
0x4: {  	s22 =	simm.s32 $0x200;
	s23 =	simm.s32 $0x0;
	s9 =	smul.u32 $0x4E000, s0  }
0x5: {  	[smem:$0x7FF] =	sst s3;
	s4 =	sadd.s32 $0x9000, s6;
	s25 =	smul.u32 $0xC0, s0  }
0x6: {  	s8 =	sand.u32 $0x1, s5;
	s5 =	sadd.s32 $0x5A600, s6;
	s19 =	smul.u32 $0x18, s0  }
0x7: {  	s13 =	sadd.s32 $0x4000, s6;
	s17 =	sadd.s32 $0x124800, s2;
	s11 =	smul.u32 $0x2710, s8  }
0x8: {  	s15 =	sadd.s32 $0x64600, s6;
	p0 =	seq.s32 s0, $0xF;
	s14 =	smul.u32 $0x138800, s8  }
0x9: {  	_ =	strace $0x80000056;
	s10 =	ssub.s32 $0x2, s8;
	s8 =	smul.u32 $0x28000, s8  }
0xa: {  	s12 =	sshrl.u32 s10, $0x1;
	s26 =	sshrl.u32 s9, $0x2;
	s29 =	sshrl.u32 s25, $0x3  }
0xb: {  	s12 =	ssub.s32 s10, s12;
	s7 =	sadd.s32 s7, s11;
	s18 =	sadd.s32 s26, s2  }
0xc: {  	s28 =	sshrl.u32 s14, $0x3;
	s16 =	sor.u32 s25, s8;
	s9 =	sadd.s32 s13, s29  }
0xd: {  	s13 =	sadd.s32 s19, s13;
	s19 =	sshll.u32 @!p0 s0, $0x6;
	s11 =	sshll.u32 s7, $0x4  }
0xe: {  	s14 =	sadd.s32 $0x24900, s28;
	s8 =	sshrl.u32 s16, $0x3;
	s12 =	smax.u32 s12, $0x1  }
0xf: {  	s30 =	sadd.s32 $0xC00, s16;
	s18 =	sshrl.u32 @!p0 s18, $0x3;
	s6 =	sadd.s32 s4, s11  }
0x10: {  	s7 =	sadd.s32 s4, s14;
	s10 =	sadd.s32 s15, s11;
	s31 =	sshrl.u32 s30, $0x3  }
0x11: {  	s11 =	sadd.s32 s15, s14;
	s14 =	sadd.s32 $0x1800, s16;
	s16 =	sadd.s32 s31, s5  }
0x12: {  	s8 =	sadd.s32 s5, s8;
	s15 =	sor.u32 $0x20, s0;
	[dreg:$0x3] =	wrdreg s16  }
0x13: {  	s16 =	sshrl.u32 @p0 s17, $0x3;
	s17 =	sor.u32 @!p0 $0x1C03, s19;
	s19 =	simm.s32 $0x3  }
.LBB2_1:
0x14: {  	s24 =	simm.s32 @p0 $0x1FC3  }
0x15: {  	[spmem:s16], [sflag:s24] =	dma.local @p0 [hbm:s7], $0x2800  }
0x16: {  	s24 =	simm.s32 @p0 $0x3  }
0x17: {  	_ =	swait.ge @p0 [sflag:s24], $0x2800  }
0x18: {  	[sflag:s24] =	ssyncset.done @p0 $0x0  }
0x19: {  	[sflag:s24] =	ssyncadd.s32 @p0 $0xFFFFD800;
	s24 =	simm.s32 @!p0 $0x3  }
0x1a: {  	[spmem:s18], [sflag:s17] =	dma.local @!p0 [hbm:s6], $0x2700  }
0x1b: {  	_ =	swait.ge @!p0 [sflag:s24], $0x2700  }
0x1c: {  	[sflag:s24] =	ssyncset.done @!p0 $0x0  }
0x1d: {  	[sflag:s24] =	ssyncadd.s32 @!p0 $0xFFFFD900  }
0x1e: {  	[bflag:$0x0] =	sbarrier.arrive $0xFFFF  }
0x1f: {  	[tilespmem:s3], [sflag:$0x3] =	stream.linear.gather [hbm4b:s8+s3], $0xC0, $0x38;
	[tilespmem:$0x1FD00] =	vst v63  }
0x20: {  	_ =	swait.ge [sflag:s19], $0xC0  }
0x21: {  	[sflag:s19] =	ssyncset.done $0x0  }
0x22: {  	s0 =	simm.s32 $0x100;
	[sflag:s19] =	ssyncadd.s32 $0xFFFFFF40  }
0x23: {  	[tilespmem:s0], [sflag:$0x3] =	stream.linear.gather [hbm4b:s9+s3], $0xC0, $0x38;
	[tilespmem:$0x1FD00] =	vst v63  }
0x24: {  	s29 =	sadd.s32 $0xFFFFFFF0, s15;
	_ =	swait.ge [sflag:s19], $0xC0  }
0x25: {  	s28 =	simm.s32 $0xC0;
	p1 =	sgt.u32 s29, $0x341;
	[sflag:s19] =	ssyncset.done $0x0  }
0x26: {  	s26 =	simm.s32 @!p1 $0x6200;
	s25 =	rddreg [dreg:$0x3];
	[sflag:s19] =	ssyncadd.s32 $0xFFFFFF40  }
0x27: {  	[tilespmem:s22], [sflag:$0x1] =	stream.indirect.gather [hbm4b:s4+s28], $0x80, s3, s28, $0xb8;
	[tilespmem:$0x1FD00] =	vst v63  }
0x28: {  	s24 =	simm.s32 @!p1 $0x0;
	s25 =	sadd.s32 @!p1 $0x0, s25;
	s28 =	simm.s32 @!p1 $0x4  }
0x29: {  	[tilespmem:s26], [sflag:$0x4] =	stream.linear.gather @!p1 [hbm4b:s25+s24], $0xC0, $0x38;
	[tilespmem:$0x1FD00] =	vst v63  }
0x2a: {  	_ =	swait.ge @!p1 [sflag:s28], $0xC0  }
0x2b: {  	s25 =	sadd.s32 @!p1 $0x0, s13;
	[sflag:s28] =	ssyncset.done @!p1 $0x0  }
0x2c: {  	s29 =	simm.s32 @!p1 $0x6300;
	s25 =	sadd.s32 @!p1 $0x180, s25;
	[sflag:s28] =	ssyncadd.s32 @!p1 $0xFFFFFF40  }
0x2d: {  	[tilespmem:s29], [sflag:$0x4] =	stream.linear.gather @!p1 [hbm4b:s25+s24], $0xC0, $0x38;
	[tilespmem:$0x1FD00] =	vst v63  }
0x2e: {  	s31 =	sadd.s32 $0xFFFFFFE0, s15;
	_ =	swait.ge @!p1 [sflag:s28], $0xC0  }
0x2f: {  	p3 =	sgt.u32 s31, $0x341;
	s25 =	simm.s32 @!p1 $0x6400;
	[sflag:s28] =	ssyncset.done @!p1 $0x0  }
0x30: {  	s24 =	simm.s32 @!p3 $0x1;
	[sflag:s28] =	ssyncadd.s32 @!p1 $0xFFFFFF40;
	s28 =	simm.s32 @!p1 $0xC0  }
0x31: {  	[tilespmem:s25], [sflag:$0x2] =	stream.indirect.gather @!p1 [hbm4b:s4+s28], $0x80, s26, s28, $0xb8;
	[tilespmem:$0x1FD00] =	vst v63  }
0x32: {  	_ =	swait.ge @!p3 [sflag:s24], $0x6000  }
0x33: {  	s30 =	simm.s32 @!p3 $0xC0;
	s31 =	simm.s32 @!p3 $0x100;
	[sflag:s24] =	ssyncset.done @!p3 $0x0  }
0x34: {  	s26 =	simm.s32 @!p3 $0x200;
	[sflag:s24] =	ssyncadd.s32 @!p3 $0xFFFFA000;
	s24 =	simm.s32 @!p3 $0x4  }
0x35: {  	[spmem:s2] =	stream.indirect.scatter.add.f32 @!p3 [tilespmem:s26], [sflag:$0x4], $0x80, s31, s30, $0xb8;
	[tilespmem:$0x1FD00] =	vst v63  }
0x36: {  	p2 =	sgt.u32 s15, $0x341;
	_ =	swait.ge @!p3 [sflag:s24], $0x6000  }
0x37: {  	s26 =	sshrl.u32 @!p2 s14, $0x3;
	s30 =	simm.s32 @!p2 $0x0;
	[sflag:s24] =	ssyncset.done @!p3 $0x0  }
0x38: {  	s26 =	sadd.s32 @!p2 s5, s26;
	[sflag:s24] =	ssyncadd.s32 @!p3 $0xFFFFA000;
	s24 =	simm.s32 @!p2 $0x4  }
0x39: {  	[tilespmem:s30], [sflag:$0x4] =	stream.linear.gather @!p2 [hbm4b:s26+s30], $0xC0, $0x38;
	[tilespmem:$0x1FD00] =	vst v63  }
0x3a: {  	_ =	swait.ge @!p2 [sflag:s24], $0xC0  }
0x3b: {  	s26 =	sadd.s32 @!p2 $0x0, s13;
	[sflag:s24] =	ssyncset.done @!p2 $0x0  }
0x3c: {  	s31 =	simm.s32 @!p2 $0x100;
	s26 =	sadd.s32 @!p2 $0x300, s26;
	[sflag:s24] =	ssyncadd.s32 @!p2 $0xFFFFFF40  }
0x3d: {  	[tilespmem:s31], [sflag:$0x4] =	stream.linear.gather @!p2 [hbm4b:s26+s30], $0xC0, $0x38;
	[tilespmem:$0x1FD00] =	vst v63  }
0x3e: {  	_ =	swait.ge @!p2 [sflag:s24], $0xC0  }
0x3f: {  	s26 =	simm.s32 @!p2 $0xC0;
	[sflag:s24] =	ssyncset.done @!p2 $0x0  }
0x40: {  	s31 =	simm.s32 @!p2 $0x200;
	[sflag:s24] =	ssyncadd.s32 @!p2 $0xFFFFFF40;
	s24 =	simm.s32 @!p1 $0x2  }
0x41: {  	[tilespmem:s31], [sflag:$0x1] =	stream.indirect.gather @!p2 [hbm4b:s4+s26], $0x80, s30, s26, $0xb8;
	[tilespmem:$0x1FD00] =	vst v63  }
0x42: {  	_ =	swait.ge @!p1 [sflag:s24], $0x6000  }
0x43: {  	[sflag:s24] =	ssyncset.done @!p1 $0x0  }
0x44: {  	s30 =	simm.s32 @!p1 $0x3;
	[sflag:s24] =	ssyncadd.s32 @!p1 $0xFFFFA000  }
0x45: {  	[spmem:s2] =	stream.indirect.scatter.add.f32 @!p1 [tilespmem:s25], [sflag:$0x3], $0x80, s29, s28, $0xb8;
	[tilespmem:$0x1FD00] =	vst v63  }
0x46: {  	s26 =	smov.u32 s14;
	s24 =	simm.s32 $0x300;
	s25 =	smov.u32 s15  }
.LBB2_2:
0x47: {  	_ =	swait.ge @!p1 [sflag:s30], $0x6000;
	s25 =	sadd.s32 $0x20, s25  }
0x48: {  	s28 =	sadd.s32 $0xFFFFFFF0, s25;
	[sflag:s30] =	ssyncset.done @!p1 $0x0  }
0x49: {  	[sflag:s30] =	ssyncadd.s32 @!p1 $0xFFFFA000;
	p1 =	sgt.u32 s28, $0x341  }
0x4a: {  	s31 =	smov.u32 s24;
	s29 =	rddreg [dreg:$0x3];
	s30 =	simm.s32 @!p1 $0x0  }
0x4b: {  	s29 =	sadd.s32 @!p1 s31, s29;
	s0 =	simm.s32 @!p1 $0x6200;
	s1 =	simm.s32 @!p1 $0x4  }
0x4c: {  	[tilespmem:s0], [sflag:$0x4] =	stream.linear.gather @!p1 [hbm4b:s29+s30], $0xC0, $0x38;
	[tilespmem:$0x1FD00] =	vst v63  }
0x4d: {  	_ =	swait.ge @!p1 [sflag:s1], $0xC0  }
0x4e: {  	s28 =	sadd.s32 @!p1 s31, s13;
	[sflag:s1] =	ssyncset.done @!p1 $0x0  }
0x4f: {  	s29 =	sadd.s32 @!p1 $0x180, s28;
	s28 =	simm.s32 @!p1 $0x6300;
	[sflag:s1] =	ssyncadd.s32 @!p1 $0xFFFFFF40  }
0x50: {  	[tilespmem:s28], [sflag:$0x4] =	stream.linear.gather @!p1 [hbm4b:s29+s30], $0xC0, $0x38;
	[tilespmem:$0x1FD00] =	vst v63  }
0x51: {  	_ =	swait.ge @!p1 [sflag:s1], $0xC0  }
0x52: {  	s30 =	sadd.s32 $0xFFFFFFE0, s25;
	s29 =	simm.s32 @!p1 $0x6400;
	[sflag:s1] =	ssyncset.done @!p1 $0x0  }
0x53: {  	p4 =	sgt.u32 s30, $0x341;
	[sflag:s1] =	ssyncadd.s32 @!p1 $0xFFFFFF40;
	s1 =	simm.s32 @!p1 $0xC0  }
0x54: {  	[tilespmem:s29], [sflag:$0x2] =	stream.indirect.gather @!p1 [hbm4b:s4+s1], $0x80, s0, s1, $0xb8;
	[tilespmem:$0x1FD00] =	vst v63  }
0x55: {  	s0 =	simm.s32 @!p4 $0x1  }
0x56: {  	_ =	swait.ge @!p4 [sflag:s0], $0x6000  }
0x57: {  	s30 =	simm.s32 @!p4 $0x200;
	s20 =	simm.s32 @!p4 $0xC0;
	[sflag:s0] =	ssyncset.done @!p4 $0x0  }
0x58: {  	s21 =	simm.s32 @!p4 $0x100;
	[sflag:s0] =	ssyncadd.s32 @!p4 $0xFFFFA000;
	s0 =	simm.s32 @!p4 $0x4  }
0x59: {  	[spmem:s2] =	stream.indirect.scatter.add.f32 @!p4 [tilespmem:s30], [sflag:$0x4], $0x80, s21, s20, $0xb8;
	[tilespmem:$0x1FD00] =	vst v63  }
0x5a: {  	s26 =	sadd.s32 $0x1800, s26;
	p3 =	sgt.u32 s25, $0x341;
	_ =	swait.ge @!p4 [sflag:s0], $0x6000  }
0x5b: {  	s20 =	sshrl.u32 @!p3 s26, $0x3;
	s30 =	simm.s32 @!p3 $0x0;
	[sflag:s0] =	ssyncset.done @!p4 $0x0  }
0x5c: {  	s20 =	sadd.s32 @!p3 s5, s20;
	[sflag:s0] =	ssyncadd.s32 @!p4 $0xFFFFA000;
	s0 =	simm.s32 @!p3 $0x4  }
0x5d: {  	[tilespmem:s30], [sflag:$0x4] =	stream.linear.gather @!p3 [hbm4b:s20+s30], $0xC0, $0x38;
	[tilespmem:$0x1FD00] =	vst v63  }
0x5e: {  	_ =	swait.ge @!p3 [sflag:s0], $0xC0  }
0x5f: {  	s21 =	sadd.s32 @!p3 s31, s13;
	[sflag:s0] =	ssyncset.done @!p3 $0x0  }
0x60: {  	s21 =	sadd.s32 @!p3 $0x300, s21;
	s20 =	simm.s32 @!p3 $0x100;
	[sflag:s0] =	ssyncadd.s32 @!p3 $0xFFFFFF40  }
0x61: {  	[tilespmem:s20], [sflag:$0x4] =	stream.linear.gather @!p3 [hbm4b:s21+s30], $0xC0, $0x38;
	[tilespmem:$0x1FD00] =	vst v63  }
0x62: {  	s24 =	sadd.s32 $0x300, s24;
	_ =	swait.ge @!p3 [sflag:s0], $0xC0  }
0x63: {  	p2 =	sne.s32 s24, $0x5100;
	[sflag:s0] =	ssyncset.done @!p3 $0x0  }
0x64: {  	s20 =	simm.s32 @!p3 $0xC0;
	s21 =	simm.s32 @!p3 $0x200;
	[sflag:s0] =	ssyncadd.s32 @!p3 $0xFFFFFF40  }
0x65: {  	[tilespmem:s21], [sflag:$0x1] =	stream.indirect.gather @!p3 [hbm4b:s4+s20], $0x80, s30, s20, $0xb8;
	[tilespmem:$0x1FD00] =	vst v63  }
.Ltmp0:
0x66: {  	s0 =	simm.s32 @!p1 $0x2;
	(pc) =	sbr.rel @p2 .LBB2_2-.Ltmp0, $4  }
0x67: {  	_ =	swait.ge @!p1 [sflag:s0], $0x6000  }
0x68: {  	[sflag:s0] =	ssyncset.done @!p1 $0x0  }
0x69: {  	s30 =	simm.s32 @!p1 $0x3;
	[sflag:s0] =	ssyncadd.s32 @!p1 $0xFFFFA000  }
0x6a: {  	[spmem:s2] =	stream.indirect.scatter.add.f32 @!p1 [tilespmem:s29], [sflag:$0x3], $0x80, s28, s1, $0xb8;
	[tilespmem:$0x1FD00] =	vst v63  }
0x6b: {  	_ =	swait.ge @!p1 [sflag:s30], $0x6000  }
0x6c: {  	[sflag:s30] =	ssyncset.done @!p1 $0x0  }
0x6d: {  	[sflag:s30] =	ssyncadd.s32 @!p1 $0xFFFFA000  }
0x6e: {  	s0 =	simm.s32 @p0 $0x1FC3;
	[bflag:$0x0] =	sbarrier.arrive $0xFFFF  }
0x6f: {  	[hbm:s11], [sflag:s0] =	dma.local @p0 [spmem:s16], $0x2800  }
0x70: {  	s0 =	simm.s32 @p0 $0x3  }
0x71: {  	s23 =	sadd.s32 $0x1, s23;
	_ =	swait.ge @p0 [sflag:s0], $0x2800  }
0x72: {  	p1 =	sne.s32 s23, s12;
	[sflag:s0] =	ssyncset.done @p0 $0x0  }
.Ltmp1:
0x73: {  	[sflag:s0] =	ssyncadd.s32 @p0 $0xFFFFD800;
	s0 =	simm.s32 @!p0 $0x3;
	(pc) =	sbr.rel @p1 .LBB2_1-.Ltmp1, $4  }
0x74: {  	[hbm:s10], [sflag:s17] =	dma.local @!p0 [spmem:s18], $0x2700  }
0x75: {  	_ =	swait.ge @!p0 [sflag:s0], $0x2700  }
0x76: {  	[sflag:s0] =	ssyncset.done @!p0 $0x0  }
0x77: {  	[sflag:s0] =	ssyncadd.s32 @!p0 $0xFFFFD900  }
0x78: {  	_ =	sfence.sel $0x180000  }
0x79: {  	[bflag:$0x0] =	sbarrier.arrive $0xFFFF  }
0x7a: {  	_ =	strace $0x90000056  }
0x7b: {  	s0 =	stileid.u32;
	[bflag:$0x2] =	sbarrier.arrive $0xFFFF  }
0x7c: {  	p0 =	sne.s32 s0, $0x0;
	s0 =	rddreg [dreg:$0x2]  }
0x7d: {  	s0 =	sadd.s32 @!p0 $0x100000, s0  }
0x7e: {  	[sflag:s0] =	ssyncadd.tile.s32 @!p0 $0x1;
	_ =	shalt  }
.Lfunc_end2:
_tile_overlayer_lowered:
.L_overlay_start_2:
0x7f: {  	(tag) =	ssettag $0x2  }
0x80: {  	s0 =	rddreg [dreg:$0x0];
	s2 =	stileid.u32  }
0x81: {  	s1 =	rddreg [dreg:$0x1];
	p0 =	sne.s32 s2, $0x0  }
0x82: {  	s3 =	rddreg [dreg:$0x2];
	[bflag:$0x3] =	sbarrier.arrive $0xFFFF;
	s2 =	simm.s32 @!p0 $0x1C03  }
0x83: {  	[timem:s3], [sflag:s2] =	dma.local @!p0 [hbm:s0], s1  }
0x84: {  	s0 =	simm.s32 @!p0 $0x3  }
0x85: {  	_ =	swait.ge @!p0 [sflag:s0], s1  }
0x86: {  	s1 =	ssub.s32 @!p0 $0x0, s1;
	[sflag:s0] =	ssyncset.done @!p0 $0x0  }
0x87: {  	[sflag:s0] =	ssyncadd.s32 @!p0 s1  }
0x88: {  	[bflag:$0x3] =	sbarrier.arrive $0xFFFF  }
0x89: {  	_ =	shalt  }

</sc_bundles>
